<compile_context>
chip_gen: v7x
topology: tpu7x:2x2x1
jax: 0.10.2.dev20260603
libtpu: 0.0.44.dev20260713+nightly
codegen_flags: <defaults>
</compile_context>

<pallas_src>
import functools
import math

import jax
import jax.numpy as jnp
from jax.experimental import pallas as pl
from jax.experimental.pallas import tpu as pltpu
from jax.experimental.pallas import tpu_sc as plsc

EMB_DIM = 32
SCALE = math.sqrt(float(EMB_DIM))
LANES = 16
N_L = 200
N_B = 4096
W = 512


def _build_gather():
    mesh = plsc.VectorSubcoreMesh(core_axis_name="c", subcore_axis_name="s")
    cp = pltpu.CompilerParams(
        needs_layout_passes=False, use_tc_tiling_on_sc=False
    )
    n = N_L * N_B

    @functools.partial(
        pl.kernel,
        out_type=jax.ShapeDtypeStruct((n, EMB_DIM), jnp.float32),
        mesh=mesh,
        compiler_params=cp,
        scratch_types=[pltpu.VMEM((W,), jnp.int32)],
    )
    def gather_kernel(table_hbm, idx_hbm, out_hbm, i4_scr):
        iota16 = jax.lax.iota(jnp.int32, LANES)

        def body(i_vmem, o_vmem):
            for k in range(W // LANES):
                q = iota16 + LANES * k
                src = 128 * (q % 4) + q // 4
                t16 = plsc.load_gather(
                    i_vmem, [jnp.zeros((LANES,), jnp.int32), src]
                )
                i4_scr[pl.ds(LANES * k, LANES)] = t16 * 4

            pltpu.sync_copy(table_hbm.at[i4_scr], o_vmem)

        pltpu.emit_pipeline(
            body,
            grid=(n // W,),
            in_specs=[pl.BlockSpec((1, W), lambda i: (0, i))],
            out_specs=[pl.BlockSpec((W, EMB_DIM), lambda i: (i, 0))],
            core_axis_name=("c", "s"),
            dimension_semantics=(pltpu.PARALLEL,),
        )(idx_hbm, out_hbm)

    return gather_kernel


def _finish_body(g_ref, tok_ref, o_ref):
    for w in range(8):
        x = g_ref[0, w]
        y = x.T
        tok = tok_ref[0, w]
        scale = jnp.where(tok == 1, 0.0, SCALE).astype(jnp.float32)
        for jj in range(4):
            blk = y[32 * jj : 32 * (jj + 1), :] * scale[jj][None, :]
            o_ref[0, :, 4 * w + jj, :, :] = blk.reshape(4, 8, 128)


def _build_finish():
    return pl.pallas_call(
        _finish_body,
        grid=(N_L,),
        in_specs=[
            pl.BlockSpec((1, 8, 128, 128), lambda l: (l, 0, 0, 0)),
            pl.BlockSpec((1, 8, 4, 128), lambda l: (l, 0, 0, 0)),
        ],
        out_specs=pl.BlockSpec(
            (1, 4, 32, 8, 128), lambda l: (l, 0, 0, 0, 0)
        ),
        out_shape=jax.ShapeDtypeStruct((N_L, 4, 32, 8, 128), jnp.float32),
        compiler_params=pltpu.CompilerParams(
            dimension_semantics=("parallel",)
        ),
    )


def kernel(tokens, table):
    n = N_L * N_B
    tokT = tokens.T.astype(jnp.int32)
    idx = tokT.reshape(1, n)
    tok4 = tokT.reshape(N_L, 8, 4, 128)
    table_pad = jnp.pad(table, ((0, 0), (0, 96))).reshape(4 * 1000000, EMB_DIM)
    g = _build_gather()(table_pad, idx)
    g4 = g.reshape(N_L, 8, 128, 128)
    out5 = _build_finish()(g4, tok4)
    return out5.transpose(2, 4, 0, 1, 3).reshape(N_B, N_L, EMB_DIM)

# --- scband reference (transcript-rebuilt; emitter-appended) ---
"""Pipeline reference for scband-embeddings-46308337386144 (READ-ONLY COPY).

The authoritative reference and input builder live on the scoring server;
editing this copy changes nothing except your own understanding.
"""

import jax, jax.numpy as jnp
import numpy as np
import math

VOCAB = 1000000
EMB = 32
B = 4096
L = 200

def setup_inputs(seed: int = 0) -> dict:
    key = jax.random.key(seed)
    k1, k2 = jax.random.split(key)
    tokens = jax.random.randint(k1, (B, L), 0, VOCAB, dtype=jnp.int64 if jax.config.jax_enable_x64 else jnp.int32)
    table = jax.random.normal(k2, (VOCAB, EMB), dtype=jnp.float32)
    return {"tokens": tokens, "table": table}

def reference(tokens, table):
    # nn.Embedding(vocab, emb, padding_idx=1): row 1 acts as padding (zero vector,
    # no gradient). Zero it in-graph so semantics match torch.
    table = table.at[1].set(0.0)
    emb = jnp.take(table, tokens, axis=0)
    return emb * math.sqrt(EMB)

if __name__ == "__main__":
    import jax
    _d = setup_inputs()
    print(jax.jit(kernel)(*tuple(_d.values())))

</pallas_src>

<mosaic_0001>
#map = affine_map<(d0, d1) -> (0, 0)>
module attributes {stable_mosaic.version = 14 : i64} {
  func.func @gather_kernel(%arg0: i32, %arg1: i32, %arg2: memref<4000000x32xf32, #tpu.memory_space<hbm>>, %arg3: memref<1x819200xi32, #tpu.memory_space<hbm>>, %arg4: memref<819200x32xf32, #tpu.memory_space<hbm>>, %arg5: memref<512xi32, #tpu.memory_space<vmem>>) attributes {dimension_semantics = [#tpu.dimension_semantics<core_parallel>, #tpu.dimension_semantics<subcore_parallel>], iteration_bounds = array<i64: 2, 16>, scalar_prefetch = 0 : i64, scratch_operands = 1 : i64, tpu.core_type = #tpu.core_type<sc_vector_subcore>, window_params = [{transform_indices = #map}, {transform_indices = #map}, {transform_indices = #map}]} {
    %iota3A = tpu.iota {dimensions = array<i32: 0>} : vector<16xi32>
    %mul3A = arith.constant 1 : i32
    %mul3A_0 = arith.muli %arg1, %mul3A : i32
    %add3A = arith.constant 0 : i32
    %add3A_1 = arith.addi %add3A, %mul3A_0 : i32
    %mul3A_2 = arith.constant 16 : i32
    %mul3A_3 = arith.muli %arg0, %mul3A_2 : i32
    %add3A_4 = arith.addi %add3A_1, %mul3A_3 : i32
    %mul3A_5 = arith.constant 50 : i32
    %mul3A_6 = arith.muli %add3A_4, %mul3A_5 : i32
    "tpu.region"() ({
      %run_scoped3A = memref.alloca() : memref<2x1x512xi32, #tpu.memory_space<vmem>>
      %run_scoped3A_7 = tpu.sem_alloc : memref<2x!tpu.dma_semaphore, #tpu.memory_space<semaphore_mem>>
      %run_scoped3A_8 = memref.alloca() : memref<2x512x32xf32, #tpu.memory_space<vmem>>
      %run_scoped3A_9 = tpu.sem_alloc : memref<2x!tpu.dma_semaphore, #tpu.memory_space<semaphore_mem>>
      %add3A_10 = arith.constant 0 : i32
      %add3A_11 = arith.addi %add3A_10, %mul3A_6 : i32
      %select_n3A = arith.constant true
      %select_n3A_12 = arith.constant 0 : i32
      %select_n3A_13 = arith.constant -1 : i32
      %select_n3A_14 = arith.select %select_n3A, %select_n3A_13, %select_n3A_12 : i32
      %eq3A = arith.constant -1 : i32
      %eq3A_15 = arith.cmpi eq, %select_n3A_14, %eq3A : i32
      %select_n3A_16 = arith.constant 49 : i32
      %select_n3A_17 = arith.select %eq3A_15, %select_n3A_16, %select_n3A_14 : i32
      %add3A_18 = arith.addi %select_n3A_17, %mul3A_6 : i32
      %select_n3A_19 = arith.constant true
      %select_n3A_20 = arith.constant 0 : i32
      %select_n3A_21 = arith.constant 1 : i32
      %select_n3A_22 = arith.select %select_n3A_19, %select_n3A_21, %select_n3A_20 : i32
      %eq3A_23 = arith.constant 50 : i32
      %eq3A_24 = arith.cmpi eq, %select_n3A_22, %eq3A_23 : i32
      %select_n3A_25 = arith.constant 0 : i32
      %select_n3A_26 = arith.select %eq3A_24, %select_n3A_25, %select_n3A_22 : i32
      %add3A_27 = arith.addi %select_n3A_26, %mul3A_6 : i32
      %add3A_28 = arith.constant 1 : i32
      %add3A_29 = arith.addi %select_n3A_26, %add3A_28 : i32
      %select_n3A_30 = arith.constant true
      %select_n3A_31 = arith.select %select_n3A_30, %add3A_29, %select_n3A_26 : i32
      %eq3A_32 = arith.constant 50 : i32
      %eq3A_33 = arith.cmpi eq, %select_n3A_31, %eq3A_32 : i32
      %select_n3A_34 = arith.constant 0 : i32
      %select_n3A_35 = arith.select %eq3A_33, %select_n3A_34, %select_n3A_31 : i32
      %add3A_36 = arith.addi %select_n3A_35, %mul3A_6 : i32
      "tpu.trace_start"() <{level = 10 : i32, message = "ep_initialize_0"}> : () -> ()
      %rem3A = arith.constant 0 : i32
      %rem3A_37 = arith.constant 2 : i32
      %rem3A_38 = arith.remui %rem3A, %rem3A_37 : i32
      %mul3A_39 = arith.constant 512 : i32
      %mul3A_40 = arith.muli %mul3A_39, %add3A_11 : i32
      %dma_start3A = arith.constant 0 : i32
      %dma_start3A_41 = arith.constant 0 : i32
      %dma_start3A_42 = tpu.memref_slice %run_scoped3A[%rem3A_38, %dma_start3A, %dma_start3A_41] : memref<2x1x512xi32, #tpu.memory_space<vmem>> -> memref<1x1x512xi32, #tpu.memory_space<vmem>>
      %dma_start3A_43 = tpu.memref_squeeze %dma_start3A_42 : memref<1x1x512xi32, #tpu.memory_space<vmem>> -> memref<1x512xi32, #tpu.memory_space<vmem>>
      %dma_start3A_44 = arith.constant 0 : i32
      %dma_start3A_45 = tpu.memref_slice %arg3[%dma_start3A_44, %mul3A_40] : memref<1x819200xi32, #tpu.memory_space<hbm>> -> memref<1x512xi32, #tpu.memory_space<hbm>>
      %dma_start3A_46 = tpu.memref_slice %run_scoped3A_7[%rem3A_38] : memref<2x!tpu.dma_semaphore, #tpu.memory_space<semaphore_mem>> -> memref<1x!tpu.dma_semaphore, #tpu.memory_space<semaphore_mem>>
      %dma_start3A_47 = tpu.memref_squeeze %dma_start3A_46 : memref<1x!tpu.dma_semaphore, #tpu.memory_space<semaphore_mem>> -> memref<!tpu.dma_semaphore, #tpu.memory_space<semaphore_mem>>
      %dma_start3A_48 = arith.constant 0 : i32
      %dma_start3A_49 = arith.constant 0 : i32
      %dma_start3A_50 = tpu.memref_slice %run_scoped3A[%rem3A_38, %dma_start3A_48, %dma_start3A_49] : memref<2x1x512xi32, #tpu.memory_space<vmem>> -> memref<1x1x512xi32, #tpu.memory_space<vmem>>
      %dma_start3A_51 = tpu.memref_squeeze %dma_start3A_50 : memref<1x1x512xi32, #tpu.memory_space<vmem>> -> memref<1x512xi32, #tpu.memory_space<vmem>>
      %dma_start3A_52 = arith.constant 0 : i32
      %dma_start3A_53 = tpu.memref_slice %arg3[%dma_start3A_52, %mul3A_40] : memref<1x819200xi32, #tpu.memory_space<hbm>> -> memref<1x512xi32, #tpu.memory_space<hbm>>
      tpu.enqueue_dma source(%dma_start3A_53 : memref<1x512xi32, #tpu.memory_space<hbm>>) target(%dma_start3A_51 : memref<1x512xi32, #tpu.memory_space<vmem>>) target_semaphore(%dma_start3A_47 : memref<!tpu.dma_semaphore, #tpu.memory_space<semaphore_mem>>)
      %add3A_54 = arith.constant 0 : i32
      %add3A_55 = arith.constant 1 : i32
      %add3A_56 = arith.addi %add3A_54, %add3A_55 : i32
      %select_n3A_57 = arith.constant true
      %select_n3A_58 = arith.constant 0 : i32
      %select_n3A_59 = arith.select %select_n3A_57, %add3A_56, %select_n3A_58 : i32
      "tpu.trace_stop"() : () -> ()
      %scan3A = arith.constant 0 : i32
      %scan3A_60 = arith.constant 0 : i32
      %scan3A_61 = arith.constant 0 : i32
      %scan3A_62 = arith.constant 0 : i32
      %scan3A_63 = arith.constant 0 : i32
      %scan3A_64 = arith.constant 50 : i32
      %scan3A_65 = arith.addi %scan3A_63, %scan3A_64 : i32
      %scan3A_66 = arith.constant 1 : i32
      %scan3A_67:5 = scf.for %scan3A_121 = %scan3A_63 to %scan3A_65 step %scan3A_66 iter_args(%scan3A_122 = %select_n3A_59, %scan3A_123 = %scan3A, %scan3A_124 = %scan3A_60, %scan3A_125 = %scan3A_61, %scan3A_126 = %scan3A_62) -> (i32, i32, i32, i32, i32)  : i32 {
        %eq3A_127 = arith.constant 0 : i32
        %eq3A_128 = arith.cmpi eq, %scan3A_121, %eq3A_127 : i32
        %eq3A_129 = arith.constant 49 : i32
        %eq3A_130 = arith.cmpi eq, %scan3A_121, %eq3A_129 : i32
        %add3A_131 = arith.addi %scan3A_126, %mul3A_6 : i32
        %sub3A_132 = arith.constant 1 : i32
        %sub3A_133 = arith.subi %scan3A_126, %sub3A_132 : i32
        %select_n3A_134 = arith.constant true
        %select_n3A_135 = arith.select %select_n3A_134, %sub3A_133, %scan3A_126 : i32
        %eq3A_136 = arith.constant -1 : i32
        %eq3A_137 = arith.cmpi eq, %select_n3A_135, %eq3A_136 : i32
        %select_n3A_138 = arith.constant 49 : i32
        %select_n3A_139 = arith.select %eq3A_137, %select_n3A_138, %select_n3A_135 : i32
        %add3A_140 = arith.addi %select_n3A_139, %mul3A_6 : i32
        %add3A_141 = arith.constant 1 : i32
        %add3A_142 = arith.addi %scan3A_126, %add3A_141 : i32
        %select_n3A_143 = arith.constant true
        %select_n3A_144 = arith.select %select_n3A_143, %add3A_142, %scan3A_126 : i32
        %eq3A_145 = arith.constant 50 : i32
        %eq3A_146 = arith.cmpi eq, %select_n3A_144, %eq3A_145 : i32
        %select_n3A_147 = arith.constant 0 : i32
        %select_n3A_148 = arith.select %eq3A_146, %select_n3A_147, %select_n3A_144 : i32
        %add3A_149 = arith.addi %select_n3A_148, %mul3A_6 : i32
        %add3A_150 = arith.constant 1 : i32
        %add3A_151 = arith.addi %select_n3A_148, %add3A_150 : i32
        %select_n3A_152 = arith.constant true
        %select_n3A_153 = arith.select %select_n3A_152, %add3A_151, %select_n3A_148 : i32
        %eq3A_154 = arith.constant 50 : i32
        %eq3A_155 = arith.cmpi eq, %select_n3A_153, %eq3A_154 : i32
        %select_n3A_156 = arith.constant 0 : i32
        %select_n3A_157 = arith.select %eq3A_155, %select_n3A_156, %select_n3A_153 : i32
        %add3A_158 = arith.addi %select_n3A_157, %mul3A_6 : i32
        %ne3A = arith.cmpi ne, %add3A_131, %add3A_149 : i32
        %or3A = arith.constant false
        %or3A_159 = arith.ori %or3A, %ne3A : i1
        %ge3A = arith.constant 49 : i32
        %ge3A_160 = arith.cmpi sge, %scan3A_121, %ge3A : i32
        %not3A = arith.constant true
        %not3A_161 = arith.xori %ge3A_160, %not3A : i1
        %and3A = arith.andi %or3A_159, %not3A_161 : i1
        %convert_element_type3A = arith.extui %and3A : i1 to i32
        %cond3A = arith.constant 0 : i32
        %cond3A_162 = arith.cmpi ne, %convert_element_type3A, %cond3A : i32
        scf.if %cond3A_162 {
          "tpu.trace_start"() <{level = 10 : i32, message = "ep_copy_in"}> : () -> ()
          %rem3A_2560 = arith.constant 2 : i32
          %rem3A_2561 = arith.remui %scan3A_122, %rem3A_2560 : i32
          %mul3A_2562 = arith.constant 512 : i32
          %mul3A_2563 = arith.muli %mul3A_2562, %add3A_149 : i32
          %dma_start3A_2564 = arith.constant 0 : i32
          %dma_start3A_2565 = arith.constant 0 : i32
          %dma_start3A_2566 = tpu.memref_slice %run_scoped3A[%rem3A_2561, %dma_start3A_2564, %dma_start3A_2565] : memref<2x1x512xi32, #tpu.memory_space<vmem>> -> memref<1x1x512xi32, #tpu.memory_space<vmem>>
          %dma_start3A_2567 = tpu.memref_squeeze %dma_start3A_2566 : memref<1x1x512xi32, #tpu.memory_space<vmem>> -> memref<1x512xi32, #tpu.memory_space<vmem>>
          %dma_start3A_2568 = arith.constant 0 : i32
          %dma_start3A_2569 = tpu.memref_slice %arg3[%dma_start3A_2568, %mul3A_2563] : memref<1x819200xi32, #tpu.memory_space<hbm>> -> memref<1x512xi32, #tpu.memory_space<hbm>>
          %dma_start3A_2570 = tpu.memref_slice %run_scoped3A_7[%rem3A_2561] : memref<2x!tpu.dma_semaphore, #tpu.memory_space<semaphore_mem>> -> memref<1x!tpu.dma_semaphore, #tpu.memory_space<semaphore_mem>>
          %dma_start3A_2571 = tpu.memref_squeeze %dma_start3A_2570 : memref<1x!tpu.dma_semaphore, #tpu.memory_space<semaphore_mem>> -> memref<!tpu.dma_semaphore, #tpu.memory_space<semaphore_mem>>
          %dma_start3A_2572 = arith.constant 0 : i32
          %dma_start3A_2573 = arith.constant 0 : i32
          %dma_start3A_2574 = tpu.memref_slice %run_scoped3A[%rem3A_2561, %dma_start3A_2572, %dma_start3A_2573] : memref<2x1x512xi32, #tpu.memory_space<vmem>> -> memref<1x1x512xi32, #tpu.memory_space<vmem>>
          %dma_start3A_2575 = tpu.memref_squeeze %dma_start3A_2574 : memref<1x1x512xi32, #tpu.memory_space<vmem>> -> memref<1x512xi32, #tpu.memory_space<vmem>>
          %dma_start3A_2576 = arith.constant 0 : i32
          %dma_start3A_2577 = tpu.memref_slice %arg3[%dma_start3A_2576, %mul3A_2563] : memref<1x819200xi32, #tpu.memory_space<hbm>> -> memref<1x512xi32, #tpu.memory_space<hbm>>
          tpu.enqueue_dma source(%dma_start3A_2577 : memref<1x512xi32, #tpu.memory_space<hbm>>) target(%dma_start3A_2575 : memref<1x512xi32, #tpu.memory_space<vmem>>) target_semaphore(%dma_start3A_2571 : memref<!tpu.dma_semaphore, #tpu.memory_space<semaphore_mem>>)
          "tpu.trace_stop"() : () -> ()
        } else {
        }
        %and3A_163 = arith.constant true
        %and3A_164 = arith.andi %and3A, %and3A_163 : i1
        %add3A_165 = arith.constant 1 : i32
        %add3A_166 = arith.addi %scan3A_122, %add3A_165 : i32
        %select_n3A_167 = arith.select %and3A_164, %add3A_166, %scan3A_122 : i32
        %ne3A_168 = arith.cmpi ne, %add3A_131, %add3A_149 : i32
        %or3A_169 = arith.constant false
        %or3A_170 = arith.ori %or3A_169, %ne3A_168 : i1
        %or3A_171 = arith.constant false
        %or3A_172 = arith.ori %or3A_170, %or3A_171 : i1
        %ge3A_173 = arith.constant 49 : i32
        %ge3A_174 = arith.cmpi sge, %scan3A_121, %ge3A_173 : i32
        %not3A_175 = arith.constant true
        %not3A_176 = arith.xori %ge3A_174, %not3A_175 : i1
        %and3A_177 = arith.andi %or3A_172, %not3A_176 : i1
        %ne3A_178 = arith.cmpi ne, %add3A_131, %add3A_140 : i32
        %or3A_179 = arith.constant false
        %or3A_180 = arith.ori %or3A_179, %ne3A_178 : i1
        %or3A_181 = arith.ori %or3A_180, %eq3A_128 : i1
        %convert_element_type3A_182 = arith.extui %or3A_181 : i1 to i32
        %cond3A_183 = arith.constant 0 : i32
        %cond3A_184 = arith.cmpi ne, %convert_element_type3A_182, %cond3A_183 : i32
        scf.if %cond3A_184 {
          "tpu.trace_start"() <{level = 10 : i32, message = "ep_wait_in"}> : () -> ()
          %mul3A_2560 = arith.constant 512 : i32
          %mul3A_2561 = arith.muli %mul3A_2560, %add3A_131 : i32
          %rem3A_2562 = arith.constant 2 : i32
          %rem3A_2563 = arith.remui %scan3A_123, %rem3A_2562 : i32
          %dma_wait3A_2564 = arith.constant 0 : i32
          %dma_wait3A_2565 = arith.constant 0 : i32
          %dma_wait3A_2566 = tpu.memref_slice %run_scoped3A[%rem3A_2563, %dma_wait3A_2564, %dma_wait3A_2565] : memref<2x1x512xi32, #tpu.memory_space<vmem>> -> memref<1x1x512xi32, #tpu.memory_space<vmem>>
          %dma_wait3A_2567 = tpu.memref_squeeze %dma_wait3A_2566 : memref<1x1x512xi32, #tpu.memory_space<vmem>> -> memref<1x512xi32, #tpu.memory_space<vmem>>
          %dma_wait3A_2568 = arith.constant 0 : i32
          %dma_wait3A_2569 = tpu.memref_slice %arg3[%dma_wait3A_2568, %mul3A_2561] : memref<1x819200xi32, #tpu.memory_space<hbm>> -> memref<1x512xi32, #tpu.memory_space<hbm>>
          %dma_wait3A_2570 = tpu.memref_slice %run_scoped3A_7[%rem3A_2563] : memref<2x!tpu.dma_semaphore, #tpu.memory_space<semaphore_mem>> -> memref<1x!tpu.dma_semaphore, #tpu.memory_space<semaphore_mem>>
          %dma_wait3A_2571 = tpu.memref_squeeze %dma_wait3A_2570 : memref<1x!tpu.dma_semaphore, #tpu.memory_space<semaphore_mem>> -> memref<!tpu.dma_semaphore, #tpu.memory_space<semaphore_mem>>
          %dma_wait3A_2572 = arith.constant 0 : i32
          %dma_wait3A_2573 = arith.constant 0 : i32
          %dma_wait3A_2574 = tpu.memref_slice %run_scoped3A[%rem3A_2563, %dma_wait3A_2572, %dma_wait3A_2573] : memref<2x1x512xi32, #tpu.memory_space<vmem>> -> memref<1x1x512xi32, #tpu.memory_space<vmem>>
          %dma_wait3A_2575 = tpu.memref_squeeze %dma_wait3A_2574 : memref<1x1x512xi32, #tpu.memory_space<vmem>> -> memref<1x512xi32, #tpu.memory_space<vmem>>
          %dma_wait3A_2576 = arith.constant 0 : i32
          %dma_wait3A_2577 = tpu.memref_slice %arg3[%dma_wait3A_2576, %mul3A_2561] : memref<1x819200xi32, #tpu.memory_space<hbm>> -> memref<1x512xi32, #tpu.memory_space<hbm>>
          tpu.wait_dma2 semaphore(%dma_wait3A_2571 : memref<!tpu.dma_semaphore, #tpu.memory_space<semaphore_mem>>) src(%dma_wait3A_2577 : memref<1x512xi32, #tpu.memory_space<hbm>>) dst(%dma_wait3A_2575 : memref<1x512xi32, #tpu.memory_space<vmem>>)
          "tpu.trace_stop"() : () -> ()
        } else {
        }
        %ne3A_185 = arith.cmpi ne, %add3A_131, %add3A_140 : i32
        %or3A_186 = arith.constant false
        %or3A_187 = arith.ori %or3A_186, %ne3A_185 : i1
        %or3A_188 = arith.constant false
        %or3A_189 = arith.ori %or3A_187, %or3A_188 : i1
        %or3A_190 = arith.ori %or3A_189, %eq3A_128 : i1
        %convert_element_type3A_191 = arith.extui %or3A_190 : i1 to i32
        %cond3A_192 = arith.constant 0 : i32
        %cond3A_193 = arith.cmpi ne, %convert_element_type3A_191, %cond3A_192 : i32
        scf.if %cond3A_193 {
        } else {
        }
        %rem3A_194 = arith.constant 2 : i32
        %rem3A_195 = arith.remui %scan3A_123, %rem3A_194 : i32
        %rem3A_196 = arith.constant 2 : i32
        %rem3A_197 = arith.remui %scan3A_124, %rem3A_196 : i32
        "tpu.trace_start"() <{level = 10 : i32, message = "ep_run_kernel"}> : () -> ()
        %add3A_198 = arith.constant 0 : i32
        %add3A_199 = vector.broadcast %add3A_198 : i32 to vector<16xi32>
        %add3A_200 = arith.addi %iota3A, %add3A_199 : vector<16xi32>
        %jit3A = arith.constant 4 : i32
        %eq3A_201 = arith.constant 0 : i32
        %eq3A_202 = arith.cmpi eq, %jit3A, %eq3A_201 : i32
        %jit3A_203 = arith.constant 1 : i32
        %select_n3A_204 = arith.select %eq3A_202, %jit3A_203, %jit3A : i32
        %rem3A_205 = vector.broadcast %select_n3A_204 : i32 to vector<16xi32>
        %rem3A_206 = arith.remsi %add3A_200, %rem3A_205 : vector<16xi32>
        %ne3A_207 = arith.constant 0 : i32
        %ne3A_208 = vector.broadcast %ne3A_207 : i32 to vector<16xi32>
        %ne3A_209 = arith.cmpi ne, %rem3A_206, %ne3A_208 : vector<16xi32>
        %lt3A = arith.constant 0 : i32
        %lt3A_210 = vector.broadcast %lt3A : i32 to vector<16xi32>
        %lt3A_211 = arith.cmpi slt, %rem3A_206, %lt3A_210 : vector<16xi32>
        %lt3A_212 = arith.constant 0 : i32
        %lt3A_213 = arith.cmpi slt, %select_n3A_204, %lt3A_212 : i32
        %ne3A_214 = vector.broadcast %lt3A_213 : i1 to vector<16xi1>
        %ne3A_215 = vector.broadcast %ne3A_214 : vector<16xi1> to vector<16xi1>
        %ne3A_216 = arith.xori %lt3A_211, %ne3A_215 : vector<16xi1>
        %and3A_217 = arith.andi %ne3A_216, %ne3A_209 : vector<16xi1>
        %add3A_218 = vector.broadcast %select_n3A_204 : i32 to vector<16xi32>
        %add3A_219 = arith.addi %rem3A_206, %add3A_218 : vector<16xi32>
        %select_n3A_220 = arith.select %and3A_217, %add3A_219, %rem3A_206 : vector<16xi1>, vector<16xi32>
        %mul3A_221 = arith.constant 128 : i32
        %mul3A_222 = vector.broadcast %mul3A_221 : i32 to vector<16xi32>
        %mul3A_223 = arith.muli %mul3A_222, %select_n3A_220 : vector<16xi32>
        %jit3A_224 = arith.constant 4 : i32
        %div3A = vector.broadcast %jit3A_224 : i32 to vector<16xi32>
        %div3A_225 = arith.divsi %add3A_200, %div3A : vector<16xi32>
        %sign3A = arith.constant 0 : i32
        %sign3A_226 = vector.broadcast %sign3A : i32 to vector<16xi32>
        %sign3A_227 = arith.cmpi sgt, %add3A_200, %sign3A_226 : vector<16xi32>
        %sign3A_228 = arith.extui %sign3A_227 : vector<16xi1> to vector<16xi32>
        %sign3A_229 = arith.constant 0 : i32
        %sign3A_230 = vector.broadcast %sign3A_229 : i32 to vector<16xi32>
        %sign3A_231 = arith.cmpi slt, %add3A_200, %sign3A_230 : vector<16xi32>
        %sign3A_232 = arith.extui %sign3A_231 : vector<16xi1> to vector<16xi32>
        %sign3A_233 = arith.subi %sign3A_228, %sign3A_232 : vector<16xi32>
        %sign3A_234 = arith.constant 0 : i32
        %sign3A_235 = arith.cmpi sgt, %jit3A_224, %sign3A_234 : i32
        %sign3A_236 = arith.extui %sign3A_235 : i1 to i32
        %sign3A_237 = arith.constant 0 : i32
        %sign3A_238 = arith.cmpi slt, %jit3A_224, %sign3A_237 : i32
        %sign3A_239 = arith.extui %sign3A_238 : i1 to i32
        %sign3A_240 = arith.subi %sign3A_236, %sign3A_239 : i32
        %ne3A_241 = vector.broadcast %sign3A_240 : i32 to vector<16xi32>
        %ne3A_242 = arith.cmpi ne, %sign3A_233, %ne3A_241 : vector<16xi32>
        %rem3A_243 = vector.broadcast %jit3A_224 : i32 to vector<16xi32>
        %rem3A_244 = arith.remsi %add3A_200, %rem3A_243 : vector<16xi32>
        %ne3A_245 = arith.constant 0 : i32
        %ne3A_246 = vector.broadcast %ne3A_245 : i32 to vector<16xi32>
        %ne3A_247 = arith.cmpi ne, %rem3A_244, %ne3A_246 : vector<16xi32>
        %and3A_248 = arith.andi %ne3A_242, %ne3A_247 : vector<16xi1>
        %sub3A_249 = arith.constant 1 : i32
        %sub3A_250 = vector.broadcast %sub3A_249 : i32 to vector<16xi32>
        %sub3A_251 = arith.subi %div3A_225, %sub3A_250 : vector<16xi32>
        %select_n3A_252 = arith.select %and3A_248, %sub3A_251, %div3A_225 : vector<16xi1>, vector<16xi32>
        %add3A_253 = arith.addi %mul3A_223, %select_n3A_252 : vector<16xi32>
        %broadcast_in_dim3A = arith.constant 0 : i32
        %broadcast_in_dim3A_254 = vector.broadcast %broadcast_in_dim3A : i32 to vector<16xi32>
        %gather3A = arith.constant 0 : i32
        %gather3A_255 = arith.constant 0 : i32
        %gather3A_256 = tpu.memref_slice %run_scoped3A[%rem3A_195, %gather3A, %gather3A_255] : memref<2x1x512xi32, #tpu.memory_space<vmem>> -> memref<1x1x512xi32, #tpu.memory_space<vmem>>
        %gather3A_257 = tpu.memref_squeeze %gather3A_256 : memref<1x1x512xi32, #tpu.memory_space<vmem>> -> memref<1x512xi32, #tpu.memory_space<vmem>>
        %gather3A_258 = tpu.vector_load_idx %gather3A_257[%broadcast_in_dim3A_254, %add3A_253] : memref<1x512xi32, #tpu.memory_space<vmem>>[vector<16xi32>, vector<16xi32>], vector<16xi32>,
        %mul3A_259 = arith.constant 4 : i32
        %mul3A_260 = vector.broadcast %mul3A_259 : i32 to vector<16xi32>
        %mul3A_261 = arith.muli %gather3A_258, %mul3A_260 : vector<16xi32>
        %swap3A = arith.constant 0 : index
        %swap3A_262 = tpu.vector_load %arg5[%swap3A] {strides = array<i32>} : memref<512xi32, #tpu.memory_space<vmem>>, vector<16xi32>,
        tpu.vector_store %arg5[%swap3A], %mul3A_261 {strides = array<i32>} : memref<512xi32, #tpu.memory_space<vmem>>, vector<16xi32>,
        %add3A_263 = arith.constant 16 : i32
        %add3A_264 = vector.broadcast %add3A_263 : i32 to vector<16xi32>
        %add3A_265 = arith.addi %iota3A, %add3A_264 : vector<16xi32>
        %jit3A_266 = arith.constant 4 : i32
        %eq3A_267 = arith.constant 0 : i32
        %eq3A_268 = arith.cmpi eq, %jit3A_266, %eq3A_267 : i32
        %jit3A_269 = arith.constant 1 : i32
        %select_n3A_270 = arith.select %eq3A_268, %jit3A_269, %jit3A_266 : i32
        %rem3A_271 = vector.broadcast %select_n3A_270 : i32 to vector<16xi32>
        %rem3A_272 = arith.remsi %add3A_265, %rem3A_271 : vector<16xi32>
        %ne3A_273 = arith.constant 0 : i32
        %ne3A_274 = vector.broadcast %ne3A_273 : i32 to vector<16xi32>
        %ne3A_275 = arith.cmpi ne, %rem3A_272, %ne3A_274 : vector<16xi32>
        %lt3A_276 = arith.constant 0 : i32
        %lt3A_277 = vector.broadcast %lt3A_276 : i32 to vector<16xi32>
        %lt3A_278 = arith.cmpi slt, %rem3A_272, %lt3A_277 : vector<16xi32>
        %lt3A_279 = arith.constant 0 : i32
        %lt3A_280 = arith.cmpi slt, %select_n3A_270, %lt3A_279 : i32
        %ne3A_281 = vector.broadcast %lt3A_280 : i1 to vector<16xi1>
        %ne3A_282 = vector.broadcast %ne3A_281 : vector<16xi1> to vector<16xi1>
        %ne3A_283 = arith.xori %lt3A_278, %ne3A_282 : vector<16xi1>
        %and3A_284 = arith.andi %ne3A_283, %ne3A_275 : vector<16xi1>
        %add3A_285 = vector.broadcast %select_n3A_270 : i32 to vector<16xi32>
        %add3A_286 = arith.addi %rem3A_272, %add3A_285 : vector<16xi32>
        %select_n3A_287 = arith.select %and3A_284, %add3A_286, %rem3A_272 : vector<16xi1>, vector<16xi32>
        %mul3A_288 = arith.constant 128 : i32
        %mul3A_289 = vector.broadcast %mul3A_288 : i32 to vector<16xi32>
        %mul3A_290 = arith.muli %mul3A_289, %select_n3A_287 : vector<16xi32>
        %jit3A_291 = arith.constant 4 : i32
        %div3A_292 = vector.broadcast %jit3A_291 : i32 to vector<16xi32>
        %div3A_293 = arith.divsi %add3A_265, %div3A_292 : vector<16xi32>
        %sign3A_294 = arith.constant 0 : i32
        %sign3A_295 = vector.broadcast %sign3A_294 : i32 to vector<16xi32>
        %sign3A_296 = arith.cmpi sgt, %add3A_265, %sign3A_295 : vector<16xi32>
        %sign3A_297 = arith.extui %sign3A_296 : vector<16xi1> to vector<16xi32>
        %sign3A_298 = arith.constant 0 : i32
        %sign3A_299 = vector.broadcast %sign3A_298 : i32 to vector<16xi32>
        %sign3A_300 = arith.cmpi slt, %add3A_265, %sign3A_299 : vector<16xi32>
        %sign3A_301 = arith.extui %sign3A_300 : vector<16xi1> to vector<16xi32>
        %sign3A_302 = arith.subi %sign3A_297, %sign3A_301 : vector<16xi32>
        %sign3A_303 = arith.constant 0 : i32
        %sign3A_304 = arith.cmpi sgt, %jit3A_291, %sign3A_303 : i32
        %sign3A_305 = arith.extui %sign3A_304 : i1 to i32
        %sign3A_306 = arith.constant 0 : i32
        %sign3A_307 = arith.cmpi slt, %jit3A_291, %sign3A_306 : i32
        %sign3A_308 = arith.extui %sign3A_307 : i1 to i32
        %sign3A_309 = arith.subi %sign3A_305, %sign3A_308 : i32
        %ne3A_310 = vector.broadcast %sign3A_309 : i32 to vector<16xi32>
        %ne3A_311 = arith.cmpi ne, %sign3A_302, %ne3A_310 : vector<16xi32>
        %rem3A_312 = vector.broadcast %jit3A_291 : i32 to vector<16xi32>
        %rem3A_313 = arith.remsi %add3A_265, %rem3A_312 : vector<16xi32>
        %ne3A_314 = arith.constant 0 : i32
        %ne3A_315 = vector.broadcast %ne3A_314 : i32 to vector<16xi32>
        %ne3A_316 = arith.cmpi ne, %rem3A_313, %ne3A_315 : vector<16xi32>
        %and3A_317 = arith.andi %ne3A_311, %ne3A_316 : vector<16xi1>
        %sub3A_318 = arith.constant 1 : i32
        %sub3A_319 = vector.broadcast %sub3A_318 : i32 to vector<16xi32>
        %sub3A_320 = arith.subi %div3A_293, %sub3A_319 : vector<16xi32>
        %select_n3A_321 = arith.select %and3A_317, %sub3A_320, %div3A_293 : vector<16xi1>, vector<16xi32>
        %add3A_322 = arith.addi %mul3A_290, %select_n3A_321 : vector<16xi32>
        %broadcast_in_dim3A_323 = arith.constant 0 : i32
        %broadcast_in_dim3A_324 = vector.broadcast %broadcast_in_dim3A_323 : i32 to vector<16xi32>
        %gather3A_325 = arith.constant 0 : i32
        %gather3A_326 = arith.constant 0 : i32
        %gather3A_327 = tpu.memref_slice %run_scoped3A[%rem3A_195, %gather3A_325, %gather3A_326] : memref<2x1x512xi32, #tpu.memory_space<vmem>> -> memref<1x1x512xi32, #tpu.memory_space<vmem>>
        %gather3A_328 = tpu.memref_squeeze %gather3A_327 : memref<1x1x512xi32, #tpu.memory_space<vmem>> -> memref<1x512xi32, #tpu.memory_space<vmem>>
        %gather3A_329 = tpu.vector_load_idx %gather3A_328[%broadcast_in_dim3A_324, %add3A_322] : memref<1x512xi32, #tpu.memory_space<vmem>>[vector<16xi32>, vector<16xi32>], vector<16xi32>,
        %mul3A_330 = arith.constant 4 : i32
        %mul3A_331 = vector.broadcast %mul3A_330 : i32 to vector<16xi32>
        %mul3A_332 = arith.muli %gather3A_329, %mul3A_331 : vector<16xi32>
        %swap3A_333 = arith.constant 16 : index
        %swap3A_334 = tpu.vector_load %arg5[%swap3A_333] {strides = array<i32>} : memref<512xi32, #tpu.memory_space<vmem>>, vector<16xi32>,
        tpu.vector_store %arg5[%swap3A_333], %mul3A_332 {strides = array<i32>} : memref<512xi32, #tpu.memory_space<vmem>>, vector<16xi32>,
        %add3A_335 = arith.constant 32 : i32
        %add3A_336 = vector.broadcast %add3A_335 : i32 to vector<16xi32>
        %add3A_337 = arith.addi %iota3A, %add3A_336 : vector<16xi32>
        %jit3A_338 = arith.constant 4 : i32
        %eq3A_339 = arith.constant 0 : i32
        %eq3A_340 = arith.cmpi eq, %jit3A_338, %eq3A_339 : i32
        %jit3A_341 = arith.constant 1 : i32
        %select_n3A_342 = arith.select %eq3A_340, %jit3A_341, %jit3A_338 : i32
        %rem3A_343 = vector.broadcast %select_n3A_342 : i32 to vector<16xi32>
        %rem3A_344 = arith.remsi %add3A_337, %rem3A_343 : vector<16xi32>
        %ne3A_345 = arith.constant 0 : i32
        %ne3A_346 = vector.broadcast %ne3A_345 : i32 to vector<16xi32>
        %ne3A_347 = arith.cmpi ne, %rem3A_344, %ne3A_346 : vector<16xi32>
        %lt3A_348 = arith.constant 0 : i32
        %lt3A_349 = vector.broadcast %lt3A_348 : i32 to vector<16xi32>
        %lt3A_350 = arith.cmpi slt, %rem3A_344, %lt3A_349 : vector<16xi32>
        %lt3A_351 = arith.constant 0 : i32
        %lt3A_352 = arith.cmpi slt, %select_n3A_342, %lt3A_351 : i32
        %ne3A_353 = vector.broadcast %lt3A_352 : i1 to vector<16xi1>
        %ne3A_354 = vector.broadcast %ne3A_353 : vector<16xi1> to vector<16xi1>
        %ne3A_355 = arith.xori %lt3A_350, %ne3A_354 : vector<16xi1>
        %and3A_356 = arith.andi %ne3A_355, %ne3A_347 : vector<16xi1>
        %add3A_357 = vector.broadcast %select_n3A_342 : i32 to vector<16xi32>
        %add3A_358 = arith.addi %rem3A_344, %add3A_357 : vector<16xi32>
        %select_n3A_359 = arith.select %and3A_356, %add3A_358, %rem3A_344 : vector<16xi1>, vector<16xi32>
        %mul3A_360 = arith.constant 128 : i32
        %mul3A_361 = vector.broadcast %mul3A_360 : i32 to vector<16xi32>
        %mul3A_362 = arith.muli %mul3A_361, %select_n3A_359 : vector<16xi32>
        %jit3A_363 = arith.constant 4 : i32
        %div3A_364 = vector.broadcast %jit3A_363 : i32 to vector<16xi32>
        %div3A_365 = arith.divsi %add3A_337, %div3A_364 : vector<16xi32>
        %sign3A_366 = arith.constant 0 : i32
        %sign3A_367 = vector.broadcast %sign3A_366 : i32 to vector<16xi32>
        %sign3A_368 = arith.cmpi sgt, %add3A_337, %sign3A_367 : vector<16xi32>
        %sign3A_369 = arith.extui %sign3A_368 : vector<16xi1> to vector<16xi32>
        %sign3A_370 = arith.constant 0 : i32
        %sign3A_371 = vector.broadcast %sign3A_370 : i32 to vector<16xi32>
        %sign3A_372 = arith.cmpi slt, %add3A_337, %sign3A_371 : vector<16xi32>
        %sign3A_373 = arith.extui %sign3A_372 : vector<16xi1> to vector<16xi32>
        %sign3A_374 = arith.subi %sign3A_369, %sign3A_373 : vector<16xi32>
        %sign3A_375 = arith.constant 0 : i32
        %sign3A_376 = arith.cmpi sgt, %jit3A_363, %sign3A_375 : i32
        %sign3A_377 = arith.extui %sign3A_376 : i1 to i32
        %sign3A_378 = arith.constant 0 : i32
        %sign3A_379 = arith.cmpi slt, %jit3A_363, %sign3A_378 : i32
        %sign3A_380 = arith.extui %sign3A_379 : i1 to i32
        %sign3A_381 = arith.subi %sign3A_377, %sign3A_380 : i32
        %ne3A_382 = vector.broadcast %sign3A_381 : i32 to vector<16xi32>
        %ne3A_383 = arith.cmpi ne, %sign3A_374, %ne3A_382 : vector<16xi32>
        %rem3A_384 = vector.broadcast %jit3A_363 : i32 to vector<16xi32>
        %rem3A_385 = arith.remsi %add3A_337, %rem3A_384 : vector<16xi32>
        %ne3A_386 = arith.constant 0 : i32
        %ne3A_387 = vector.broadcast %ne3A_386 : i32 to vector<16xi32>
        %ne3A_388 = arith.cmpi ne, %rem3A_385, %ne3A_387 : vector<16xi32>
        %and3A_389 = arith.andi %ne3A_383, %ne3A_388 : vector<16xi1>
        %sub3A_390 = arith.constant 1 : i32
        %sub3A_391 = vector.broadcast %sub3A_390 : i32 to vector<16xi32>
        %sub3A_392 = arith.subi %div3A_365, %sub3A_391 : vector<16xi32>
        %select_n3A_393 = arith.select %and3A_389, %sub3A_392, %div3A_365 : vector<16xi1>, vector<16xi32>
        %add3A_394 = arith.addi %mul3A_362, %select_n3A_393 : vector<16xi32>
        %broadcast_in_dim3A_395 = arith.constant 0 : i32
        %broadcast_in_dim3A_396 = vector.broadcast %broadcast_in_dim3A_395 : i32 to vector<16xi32>
        %gather3A_397 = arith.constant 0 : i32
        %gather3A_398 = arith.constant 0 : i32
        %gather3A_399 = tpu.memref_slice %run_scoped3A[%rem3A_195, %gather3A_397, %gather3A_398] : memref<2x1x512xi32, #tpu.memory_space<vmem>> -> memref<1x1x512xi32, #tpu.memory_space<vmem>>
        %gather3A_400 = tpu.memref_squeeze %gather3A_399 : memref<1x1x512xi32, #tpu.memory_space<vmem>> -> memref<1x512xi32, #tpu.memory_space<vmem>>
        %gather3A_401 = tpu.vector_load_idx %gather3A_400[%broadcast_in_dim3A_396, %add3A_394] : memref<1x512xi32, #tpu.memory_space<vmem>>[vector<16xi32>, vector<16xi32>], vector<16xi32>,
        %mul3A_402 = arith.constant 4 : i32
        %mul3A_403 = vector.broadcast %mul3A_402 : i32 to vector<16xi32>
        %mul3A_404 = arith.muli %gather3A_401, %mul3A_403 : vector<16xi32>
        %swap3A_405 = arith.constant 32 : index
        %swap3A_406 = tpu.vector_load %arg5[%swap3A_405] {strides = array<i32>} : memref<512xi32, #tpu.memory_space<vmem>>, vector<16xi32>,
        tpu.vector_store %arg5[%swap3A_405], %mul3A_404 {strides = array<i32>} : memref<512xi32, #tpu.memory_space<vmem>>, vector<16xi32>,
        %add3A_407 = arith.constant 48 : i32
        %add3A_408 = vector.broadcast %add3A_407 : i32 to vector<16xi32>
        %add3A_409 = arith.addi %iota3A, %add3A_408 : vector<16xi32>
        %jit3A_410 = arith.constant 4 : i32
        %eq3A_411 = arith.constant 0 : i32
        %eq3A_412 = arith.cmpi eq, %jit3A_410, %eq3A_411 : i32
        %jit3A_413 = arith.constant 1 : i32
        %select_n3A_414 = arith.select %eq3A_412, %jit3A_413, %jit3A_410 : i32
        %rem3A_415 = vector.broadcast %select_n3A_414 : i32 to vector<16xi32>
        %rem3A_416 = arith.remsi %add3A_409, %rem3A_415 : vector<16xi32>
        %ne3A_417 = arith.constant 0 : i32
        %ne3A_418 = vector.broadcast %ne3A_417 : i32 to vector<16xi32>
        %ne3A_419 = arith.cmpi ne, %rem3A_416, %ne3A_418 : vector<16xi32>
        %lt3A_420 = arith.constant 0 : i32
        %lt3A_421 = vector.broadcast %lt3A_420 : i32 to vector<16xi32>
        %lt3A_422 = arith.cmpi slt, %rem3A_416, %lt3A_421 : vector<16xi32>
        %lt3A_423 = arith.constant 0 : i32
        %lt3A_424 = arith.cmpi slt, %select_n3A_414, %lt3A_423 : i32
        %ne3A_425 = vector.broadcast %lt3A_424 : i1 to vector<16xi1>
        %ne3A_426 = vector.broadcast %ne3A_425 : vector<16xi1> to vector<16xi1>
        %ne3A_427 = arith.xori %lt3A_422, %ne3A_426 : vector<16xi1>
        %and3A_428 = arith.andi %ne3A_427, %ne3A_419 : vector<16xi1>
        %add3A_429 = vector.broadcast %select_n3A_414 : i32 to vector<16xi32>
        %add3A_430 = arith.addi %rem3A_416, %add3A_429 : vector<16xi32>
        %select_n3A_431 = arith.select %and3A_428, %add3A_430, %rem3A_416 : vector<16xi1>, vector<16xi32>
        %mul3A_432 = arith.constant 128 : i32
        %mul3A_433 = vector.broadcast %mul3A_432 : i32 to vector<16xi32>
        %mul3A_434 = arith.muli %mul3A_433, %select_n3A_431 : vector<16xi32>
        %jit3A_435 = arith.constant 4 : i32
        %div3A_436 = vector.broadcast %jit3A_435 : i32 to vector<16xi32>
        %div3A_437 = arith.divsi %add3A_409, %div3A_436 : vector<16xi32>
        %sign3A_438 = arith.constant 0 : i32
        %sign3A_439 = vector.broadcast %sign3A_438 : i32 to vector<16xi32>
        %sign3A_440 = arith.cmpi sgt, %add3A_409, %sign3A_439 : vector<16xi32>
        %sign3A_441 = arith.extui %sign3A_440 : vector<16xi1> to vector<16xi32>
        %sign3A_442 = arith.constant 0 : i32
        %sign3A_443 = vector.broadcast %sign3A_442 : i32 to vector<16xi32>
        %sign3A_444 = arith.cmpi slt, %add3A_409, %sign3A_443 : vector<16xi32>
        %sign3A_445 = arith.extui %sign3A_444 : vector<16xi1> to vector<16xi32>
        %sign3A_446 = arith.subi %sign3A_441, %sign3A_445 : vector<16xi32>
        %sign3A_447 = arith.constant 0 : i32
        %sign3A_448 = arith.cmpi sgt, %jit3A_435, %sign3A_447 : i32
        %sign3A_449 = arith.extui %sign3A_448 : i1 to i32
        %sign3A_450 = arith.constant 0 : i32
        %sign3A_451 = arith.cmpi slt, %jit3A_435, %sign3A_450 : i32
        %sign3A_452 = arith.extui %sign3A_451 : i1 to i32
        %sign3A_453 = arith.subi %sign3A_449, %sign3A_452 : i32
        %ne3A_454 = vector.broadcast %sign3A_453 : i32 to vector<16xi32>
        %ne3A_455 = arith.cmpi ne, %sign3A_446, %ne3A_454 : vector<16xi32>
        %rem3A_456 = vector.broadcast %jit3A_435 : i32 to vector<16xi32>
        %rem3A_457 = arith.remsi %add3A_409, %rem3A_456 : vector<16xi32>
        %ne3A_458 = arith.constant 0 : i32
        %ne3A_459 = vector.broadcast %ne3A_458 : i32 to vector<16xi32>
        %ne3A_460 = arith.cmpi ne, %rem3A_457, %ne3A_459 : vector<16xi32>
        %and3A_461 = arith.andi %ne3A_455, %ne3A_460 : vector<16xi1>
        %sub3A_462 = arith.constant 1 : i32
        %sub3A_463 = vector.broadcast %sub3A_462 : i32 to vector<16xi32>
        %sub3A_464 = arith.subi %div3A_437, %sub3A_463 : vector<16xi32>
        %select_n3A_465 = arith.select %and3A_461, %sub3A_464, %div3A_437 : vector<16xi1>, vector<16xi32>
        %add3A_466 = arith.addi %mul3A_434, %select_n3A_465 : vector<16xi32>
        %broadcast_in_dim3A_467 = arith.constant 0 : i32
        %broadcast_in_dim3A_468 = vector.broadcast %broadcast_in_dim3A_467 : i32 to vector<16xi32>
        %gather3A_469 = arith.constant 0 : i32
        %gather3A_470 = arith.constant 0 : i32
        %gather3A_471 = tpu.memref_slice %run_scoped3A[%rem3A_195, %gather3A_469, %gather3A_470] : memref<2x1x512xi32, #tpu.memory_space<vmem>> -> memref<1x1x512xi32, #tpu.memory_space<vmem>>
        %gather3A_472 = tpu.memref_squeeze %gather3A_471 : memref<1x1x512xi32, #tpu.memory_space<vmem>> -> memref<1x512xi32, #tpu.memory_space<vmem>>
        %gather3A_473 = tpu.vector_load_idx %gather3A_472[%broadcast_in_dim3A_468, %add3A_466] : memref<1x512xi32, #tpu.memory_space<vmem>>[vector<16xi32>, vector<16xi32>], vector<16xi32>,
        %mul3A_474 = arith.constant 4 : i32
        %mul3A_475 = vector.broadcast %mul3A_474 : i32 to vector<16xi32>
        %mul3A_476 = arith.muli %gather3A_473, %mul3A_475 : vector<16xi32>
        %swap3A_477 = arith.constant 48 : index
        %swap3A_478 = tpu.vector_load %arg5[%swap3A_477] {strides = array<i32>} : memref<512xi32, #tpu.memory_space<vmem>>, vector<16xi32>,
        tpu.vector_store %arg5[%swap3A_477], %mul3A_476 {strides = array<i32>} : memref<512xi32, #tpu.memory_space<vmem>>, vector<16xi32>,
        %add3A_479 = arith.constant 64 : i32
        %add3A_480 = vector.broadcast %add3A_479 : i32 to vector<16xi32>
        %add3A_481 = arith.addi %iota3A, %add3A_480 : vector<16xi32>
        %jit3A_482 = arith.constant 4 : i32
        %eq3A_483 = arith.constant 0 : i32
        %eq3A_484 = arith.cmpi eq, %jit3A_482, %eq3A_483 : i32
        %jit3A_485 = arith.constant 1 : i32
        %select_n3A_486 = arith.select %eq3A_484, %jit3A_485, %jit3A_482 : i32
        %rem3A_487 = vector.broadcast %select_n3A_486 : i32 to vector<16xi32>
        %rem3A_488 = arith.remsi %add3A_481, %rem3A_487 : vector<16xi32>
        %ne3A_489 = arith.constant 0 : i32
        %ne3A_490 = vector.broadcast %ne3A_489 : i32 to vector<16xi32>
        %ne3A_491 = arith.cmpi ne, %rem3A_488, %ne3A_490 : vector<16xi32>
        %lt3A_492 = arith.constant 0 : i32
        %lt3A_493 = vector.broadcast %lt3A_492 : i32 to vector<16xi32>
        %lt3A_494 = arith.cmpi slt, %rem3A_488, %lt3A_493 : vector<16xi32>
        %lt3A_495 = arith.constant 0 : i32
        %lt3A_496 = arith.cmpi slt, %select_n3A_486, %lt3A_495 : i32
        %ne3A_497 = vector.broadcast %lt3A_496 : i1 to vector<16xi1>
        %ne3A_498 = vector.broadcast %ne3A_497 : vector<16xi1> to vector<16xi1>
        %ne3A_499 = arith.xori %lt3A_494, %ne3A_498 : vector<16xi1>
        %and3A_500 = arith.andi %ne3A_499, %ne3A_491 : vector<16xi1>
        %add3A_501 = vector.broadcast %select_n3A_486 : i32 to vector<16xi32>
        %add3A_502 = arith.addi %rem3A_488, %add3A_501 : vector<16xi32>
        %select_n3A_503 = arith.select %and3A_500, %add3A_502, %rem3A_488 : vector<16xi1>, vector<16xi32>
        %mul3A_504 = arith.constant 128 : i32
        %mul3A_505 = vector.broadcast %mul3A_504 : i32 to vector<16xi32>
        %mul3A_506 = arith.muli %mul3A_505, %select_n3A_503 : vector<16xi32>
        %jit3A_507 = arith.constant 4 : i32
        %div3A_508 = vector.broadcast %jit3A_507 : i32 to vector<16xi32>
        %div3A_509 = arith.divsi %add3A_481, %div3A_508 : vector<16xi32>
        %sign3A_510 = arith.constant 0 : i32
        %sign3A_511 = vector.broadcast %sign3A_510 : i32 to vector<16xi32>
        %sign3A_512 = arith.cmpi sgt, %add3A_481, %sign3A_511 : vector<16xi32>
        %sign3A_513 = arith.extui %sign3A_512 : vector<16xi1> to vector<16xi32>
        %sign3A_514 = arith.constant 0 : i32
        %sign3A_515 = vector.broadcast %sign3A_514 : i32 to vector<16xi32>
        %sign3A_516 = arith.cmpi slt, %add3A_481, %sign3A_515 : vector<16xi32>
        %sign3A_517 = arith.extui %sign3A_516 : vector<16xi1> to vector<16xi32>
        %sign3A_518 = arith.subi %sign3A_513, %sign3A_517 : vector<16xi32>
        %sign3A_519 = arith.constant 0 : i32
        %sign3A_520 = arith.cmpi sgt, %jit3A_507, %sign3A_519 : i32
        %sign3A_521 = arith.extui %sign3A_520 : i1 to i32
        %sign3A_522 = arith.constant 0 : i32
        %sign3A_523 = arith.cmpi slt, %jit3A_507, %sign3A_522 : i32
        %sign3A_524 = arith.extui %sign3A_523 : i1 to i32
        %sign3A_525 = arith.subi %sign3A_521, %sign3A_524 : i32
        %ne3A_526 = vector.broadcast %sign3A_525 : i32 to vector<16xi32>
        %ne3A_527 = arith.cmpi ne, %sign3A_518, %ne3A_526 : vector<16xi32>
        %rem3A_528 = vector.broadcast %jit3A_507 : i32 to vector<16xi32>
        %rem3A_529 = arith.remsi %add3A_481, %rem3A_528 : vector<16xi32>
        %ne3A_530 = arith.constant 0 : i32
        %ne3A_531 = vector.broadcast %ne3A_530 : i32 to vector<16xi32>
        %ne3A_532 = arith.cmpi ne, %rem3A_529, %ne3A_531 : vector<16xi32>
        %and3A_533 = arith.andi %ne3A_527, %ne3A_532 : vector<16xi1>
        %sub3A_534 = arith.constant 1 : i32
        %sub3A_535 = vector.broadcast %sub3A_534 : i32 to vector<16xi32>
        %sub3A_536 = arith.subi %div3A_509, %sub3A_535 : vector<16xi32>
        %select_n3A_537 = arith.select %and3A_533, %sub3A_536, %div3A_509 : vector<16xi1>, vector<16xi32>
        %add3A_538 = arith.addi %mul3A_506, %select_n3A_537 : vector<16xi32>
        %broadcast_in_dim3A_539 = arith.constant 0 : i32
        %broadcast_in_dim3A_540 = vector.broadcast %broadcast_in_dim3A_539 : i32 to vector<16xi32>
        %gather3A_541 = arith.constant 0 : i32
        %gather3A_542 = arith.constant 0 : i32
        %gather3A_543 = tpu.memref_slice %run_scoped3A[%rem3A_195, %gather3A_541, %gather3A_542] : memref<2x1x512xi32, #tpu.memory_space<vmem>> -> memref<1x1x512xi32, #tpu.memory_space<vmem>>
        %gather3A_544 = tpu.memref_squeeze %gather3A_543 : memref<1x1x512xi32, #tpu.memory_space<vmem>> -> memref<1x512xi32, #tpu.memory_space<vmem>>
        %gather3A_545 = tpu.vector_load_idx %gather3A_544[%broadcast_in_dim3A_540, %add3A_538] : memref<1x512xi32, #tpu.memory_space<vmem>>[vector<16xi32>, vector<16xi32>], vector<16xi32>,
        %mul3A_546 = arith.constant 4 : i32
        %mul3A_547 = vector.broadcast %mul3A_546 : i32 to vector<16xi32>
        %mul3A_548 = arith.muli %gather3A_545, %mul3A_547 : vector<16xi32>
        %swap3A_549 = arith.constant 64 : index
        %swap3A_550 = tpu.vector_load %arg5[%swap3A_549] {strides = array<i32>} : memref<512xi32, #tpu.memory_space<vmem>>, vector<16xi32>,
        tpu.vector_store %arg5[%swap3A_549], %mul3A_548 {strides = array<i32>} : memref<512xi32, #tpu.memory_space<vmem>>, vector<16xi32>,
        %add3A_551 = arith.constant 80 : i32
        %add3A_552 = vector.broadcast %add3A_551 : i32 to vector<16xi32>
        %add3A_553 = arith.addi %iota3A, %add3A_552 : vector<16xi32>
        %jit3A_554 = arith.constant 4 : i32
        %eq3A_555 = arith.constant 0 : i32
        %eq3A_556 = arith.cmpi eq, %jit3A_554, %eq3A_555 : i32
        %jit3A_557 = arith.constant 1 : i32
        %select_n3A_558 = arith.select %eq3A_556, %jit3A_557, %jit3A_554 : i32
        %rem3A_559 = vector.broadcast %select_n3A_558 : i32 to vector<16xi32>
        %rem3A_560 = arith.remsi %add3A_553, %rem3A_559 : vector<16xi32>
        %ne3A_561 = arith.constant 0 : i32
        %ne3A_562 = vector.broadcast %ne3A_561 : i32 to vector<16xi32>
        %ne3A_563 = arith.cmpi ne, %rem3A_560, %ne3A_562 : vector<16xi32>
        %lt3A_564 = arith.constant 0 : i32
        %lt3A_565 = vector.broadcast %lt3A_564 : i32 to vector<16xi32>
        %lt3A_566 = arith.cmpi slt, %rem3A_560, %lt3A_565 : vector<16xi32>
        %lt3A_567 = arith.constant 0 : i32
        %lt3A_568 = arith.cmpi slt, %select_n3A_558, %lt3A_567 : i32
        %ne3A_569 = vector.broadcast %lt3A_568 : i1 to vector<16xi1>
        %ne3A_570 = vector.broadcast %ne3A_569 : vector<16xi1> to vector<16xi1>
        %ne3A_571 = arith.xori %lt3A_566, %ne3A_570 : vector<16xi1>
        %and3A_572 = arith.andi %ne3A_571, %ne3A_563 : vector<16xi1>
        %add3A_573 = vector.broadcast %select_n3A_558 : i32 to vector<16xi32>
        %add3A_574 = arith.addi %rem3A_560, %add3A_573 : vector<16xi32>
        %select_n3A_575 = arith.select %and3A_572, %add3A_574, %rem3A_560 : vector<16xi1>, vector<16xi32>
        %mul3A_576 = arith.constant 128 : i32
        %mul3A_577 = vector.broadcast %mul3A_576 : i32 to vector<16xi32>
        %mul3A_578 = arith.muli %mul3A_577, %select_n3A_575 : vector<16xi32>
        %jit3A_579 = arith.constant 4 : i32
        %div3A_580 = vector.broadcast %jit3A_579 : i32 to vector<16xi32>
        %div3A_581 = arith.divsi %add3A_553, %div3A_580 : vector<16xi32>
        %sign3A_582 = arith.constant 0 : i32
        %sign3A_583 = vector.broadcast %sign3A_582 : i32 to vector<16xi32>
        %sign3A_584 = arith.cmpi sgt, %add3A_553, %sign3A_583 : vector<16xi32>
        %sign3A_585 = arith.extui %sign3A_584 : vector<16xi1> to vector<16xi32>
        %sign3A_586 = arith.constant 0 : i32
        %sign3A_587 = vector.broadcast %sign3A_586 : i32 to vector<16xi32>
        %sign3A_588 = arith.cmpi slt, %add3A_553, %sign3A_587 : vector<16xi32>
        %sign3A_589 = arith.extui %sign3A_588 : vector<16xi1> to vector<16xi32>
        %sign3A_590 = arith.subi %sign3A_585, %sign3A_589 : vector<16xi32>
        %sign3A_591 = arith.constant 0 : i32
        %sign3A_592 = arith.cmpi sgt, %jit3A_579, %sign3A_591 : i32
        %sign3A_593 = arith.extui %sign3A_592 : i1 to i32
        %sign3A_594 = arith.constant 0 : i32
        %sign3A_595 = arith.cmpi slt, %jit3A_579, %sign3A_594 : i32
        %sign3A_596 = arith.extui %sign3A_595 : i1 to i32
        %sign3A_597 = arith.subi %sign3A_593, %sign3A_596 : i32
        %ne3A_598 = vector.broadcast %sign3A_597 : i32 to vector<16xi32>
        %ne3A_599 = arith.cmpi ne, %sign3A_590, %ne3A_598 : vector<16xi32>
        %rem3A_600 = vector.broadcast %jit3A_579 : i32 to vector<16xi32>
        %rem3A_601 = arith.remsi %add3A_553, %rem3A_600 : vector<16xi32>
        %ne3A_602 = arith.constant 0 : i32
        %ne3A_603 = vector.broadcast %ne3A_602 : i32 to vector<16xi32>
        %ne3A_604 = arith.cmpi ne, %rem3A_601, %ne3A_603 : vector<16xi32>
        %and3A_605 = arith.andi %ne3A_599, %ne3A_604 : vector<16xi1>
        %sub3A_606 = arith.constant 1 : i32
        %sub3A_607 = vector.broadcast %sub3A_606 : i32 to vector<16xi32>
        %sub3A_608 = arith.subi %div3A_581, %sub3A_607 : vector<16xi32>
        %select_n3A_609 = arith.select %and3A_605, %sub3A_608, %div3A_581 : vector<16xi1>, vector<16xi32>
        %add3A_610 = arith.addi %mul3A_578, %select_n3A_609 : vector<16xi32>
        %broadcast_in_dim3A_611 = arith.constant 0 : i32
        %broadcast_in_dim3A_612 = vector.broadcast %broadcast_in_dim3A_611 : i32 to vector<16xi32>
        %gather3A_613 = arith.constant 0 : i32
        %gather3A_614 = arith.constant 0 : i32
        %gather3A_615 = tpu.memref_slice %run_scoped3A[%rem3A_195, %gather3A_613, %gather3A_614] : memref<2x1x512xi32, #tpu.memory_space<vmem>> -> memref<1x1x512xi32, #tpu.memory_space<vmem>>
        %gather3A_616 = tpu.memref_squeeze %gather3A_615 : memref<1x1x512xi32, #tpu.memory_space<vmem>> -> memref<1x512xi32, #tpu.memory_space<vmem>>
        %gather3A_617 = tpu.vector_load_idx %gather3A_616[%broadcast_in_dim3A_612, %add3A_610] : memref<1x512xi32, #tpu.memory_space<vmem>>[vector<16xi32>, vector<16xi32>], vector<16xi32>,
        %mul3A_618 = arith.constant 4 : i32
        %mul3A_619 = vector.broadcast %mul3A_618 : i32 to vector<16xi32>
        %mul3A_620 = arith.muli %gather3A_617, %mul3A_619 : vector<16xi32>
        %swap3A_621 = arith.constant 80 : index
        %swap3A_622 = tpu.vector_load %arg5[%swap3A_621] {strides = array<i32>} : memref<512xi32, #tpu.memory_space<vmem>>, vector<16xi32>,
        tpu.vector_store %arg5[%swap3A_621], %mul3A_620 {strides = array<i32>} : memref<512xi32, #tpu.memory_space<vmem>>, vector<16xi32>,
        %add3A_623 = arith.constant 96 : i32
        %add3A_624 = vector.broadcast %add3A_623 : i32 to vector<16xi32>
        %add3A_625 = arith.addi %iota3A, %add3A_624 : vector<16xi32>
        %jit3A_626 = arith.constant 4 : i32
        %eq3A_627 = arith.constant 0 : i32
        %eq3A_628 = arith.cmpi eq, %jit3A_626, %eq3A_627 : i32
        %jit3A_629 = arith.constant 1 : i32
        %select_n3A_630 = arith.select %eq3A_628, %jit3A_629, %jit3A_626 : i32
        %rem3A_631 = vector.broadcast %select_n3A_630 : i32 to vector<16xi32>
        %rem3A_632 = arith.remsi %add3A_625, %rem3A_631 : vector<16xi32>
        %ne3A_633 = arith.constant 0 : i32
        %ne3A_634 = vector.broadcast %ne3A_633 : i32 to vector<16xi32>
        %ne3A_635 = arith.cmpi ne, %rem3A_632, %ne3A_634 : vector<16xi32>
        %lt3A_636 = arith.constant 0 : i32
        %lt3A_637 = vector.broadcast %lt3A_636 : i32 to vector<16xi32>
        %lt3A_638 = arith.cmpi slt, %rem3A_632, %lt3A_637 : vector<16xi32>
        %lt3A_639 = arith.constant 0 : i32
        %lt3A_640 = arith.cmpi slt, %select_n3A_630, %lt3A_639 : i32
        %ne3A_641 = vector.broadcast %lt3A_640 : i1 to vector<16xi1>
        %ne3A_642 = vector.broadcast %ne3A_641 : vector<16xi1> to vector<16xi1>
        %ne3A_643 = arith.xori %lt3A_638, %ne3A_642 : vector<16xi1>
        %and3A_644 = arith.andi %ne3A_643, %ne3A_635 : vector<16xi1>
        %add3A_645 = vector.broadcast %select_n3A_630 : i32 to vector<16xi32>
        %add3A_646 = arith.addi %rem3A_632, %add3A_645 : vector<16xi32>
        %select_n3A_647 = arith.select %and3A_644, %add3A_646, %rem3A_632 : vector<16xi1>, vector<16xi32>
        %mul3A_648 = arith.constant 128 : i32
        %mul3A_649 = vector.broadcast %mul3A_648 : i32 to vector<16xi32>
        %mul3A_650 = arith.muli %mul3A_649, %select_n3A_647 : vector<16xi32>
        %jit3A_651 = arith.constant 4 : i32
        %div3A_652 = vector.broadcast %jit3A_651 : i32 to vector<16xi32>
        %div3A_653 = arith.divsi %add3A_625, %div3A_652 : vector<16xi32>
        %sign3A_654 = arith.constant 0 : i32
        %sign3A_655 = vector.broadcast %sign3A_654 : i32 to vector<16xi32>
        %sign3A_656 = arith.cmpi sgt, %add3A_625, %sign3A_655 : vector<16xi32>
        %sign3A_657 = arith.extui %sign3A_656 : vector<16xi1> to vector<16xi32>
        %sign3A_658 = arith.constant 0 : i32
        %sign3A_659 = vector.broadcast %sign3A_658 : i32 to vector<16xi32>
        %sign3A_660 = arith.cmpi slt, %add3A_625, %sign3A_659 : vector<16xi32>
        %sign3A_661 = arith.extui %sign3A_660 : vector<16xi1> to vector<16xi32>
        %sign3A_662 = arith.subi %sign3A_657, %sign3A_661 : vector<16xi32>
        %sign3A_663 = arith.constant 0 : i32
        %sign3A_664 = arith.cmpi sgt, %jit3A_651, %sign3A_663 : i32
        %sign3A_665 = arith.extui %sign3A_664 : i1 to i32
        %sign3A_666 = arith.constant 0 : i32
        %sign3A_667 = arith.cmpi slt, %jit3A_651, %sign3A_666 : i32
        %sign3A_668 = arith.extui %sign3A_667 : i1 to i32
        %sign3A_669 = arith.subi %sign3A_665, %sign3A_668 : i32
        %ne3A_670 = vector.broadcast %sign3A_669 : i32 to vector<16xi32>
        %ne3A_671 = arith.cmpi ne, %sign3A_662, %ne3A_670 : vector<16xi32>
        %rem3A_672 = vector.broadcast %jit3A_651 : i32 to vector<16xi32>
        %rem3A_673 = arith.remsi %add3A_625, %rem3A_672 : vector<16xi32>
        %ne3A_674 = arith.constant 0 : i32
        %ne3A_675 = vector.broadcast %ne3A_674 : i32 to vector<16xi32>
        %ne3A_676 = arith.cmpi ne, %rem3A_673, %ne3A_675 : vector<16xi32>
        %and3A_677 = arith.andi %ne3A_671, %ne3A_676 : vector<16xi1>
        %sub3A_678 = arith.constant 1 : i32
        %sub3A_679 = vector.broadcast %sub3A_678 : i32 to vector<16xi32>
        %sub3A_680 = arith.subi %div3A_653, %sub3A_679 : vector<16xi32>
        %select_n3A_681 = arith.select %and3A_677, %sub3A_680, %div3A_653 : vector<16xi1>, vector<16xi32>
        %add3A_682 = arith.addi %mul3A_650, %select_n3A_681 : vector<16xi32>
        %broadcast_in_dim3A_683 = arith.constant 0 : i32
        %broadcast_in_dim3A_684 = vector.broadcast %broadcast_in_dim3A_683 : i32 to vector<16xi32>
        %gather3A_685 = arith.constant 0 : i32
        %gather3A_686 = arith.constant 0 : i32
        %gather3A_687 = tpu.memref_slice %run_scoped3A[%rem3A_195, %gather3A_685, %gather3A_686] : memref<2x1x512xi32, #tpu.memory_space<vmem>> -> memref<1x1x512xi32, #tpu.memory_space<vmem>>
        %gather3A_688 = tpu.memref_squeeze %gather3A_687 : memref<1x1x512xi32, #tpu.memory_space<vmem>> -> memref<1x512xi32, #tpu.memory_space<vmem>>
        %gather3A_689 = tpu.vector_load_idx %gather3A_688[%broadcast_in_dim3A_684, %add3A_682] : memref<1x512xi32, #tpu.memory_space<vmem>>[vector<16xi32>, vector<16xi32>], vector<16xi32>,
        %mul3A_690 = arith.constant 4 : i32
        %mul3A_691 = vector.broadcast %mul3A_690 : i32 to vector<16xi32>
        %mul3A_692 = arith.muli %gather3A_689, %mul3A_691 : vector<16xi32>
        %swap3A_693 = arith.constant 96 : index
        %swap3A_694 = tpu.vector_load %arg5[%swap3A_693] {strides = array<i32>} : memref<512xi32, #tpu.memory_space<vmem>>, vector<16xi32>,
        tpu.vector_store %arg5[%swap3A_693], %mul3A_692 {strides = array<i32>} : memref<512xi32, #tpu.memory_space<vmem>>, vector<16xi32>,
        %add3A_695 = arith.constant 112 : i32
        %add3A_696 = vector.broadcast %add3A_695 : i32 to vector<16xi32>
        %add3A_697 = arith.addi %iota3A, %add3A_696 : vector<16xi32>
        %jit3A_698 = arith.constant 4 : i32
        %eq3A_699 = arith.constant 0 : i32
        %eq3A_700 = arith.cmpi eq, %jit3A_698, %eq3A_699 : i32
        %jit3A_701 = arith.constant 1 : i32
        %select_n3A_702 = arith.select %eq3A_700, %jit3A_701, %jit3A_698 : i32
        %rem3A_703 = vector.broadcast %select_n3A_702 : i32 to vector<16xi32>
        %rem3A_704 = arith.remsi %add3A_697, %rem3A_703 : vector<16xi32>
        %ne3A_705 = arith.constant 0 : i32
        %ne3A_706 = vector.broadcast %ne3A_705 : i32 to vector<16xi32>
        %ne3A_707 = arith.cmpi ne, %rem3A_704, %ne3A_706 : vector<16xi32>
        %lt3A_708 = arith.constant 0 : i32
        %lt3A_709 = vector.broadcast %lt3A_708 : i32 to vector<16xi32>
        %lt3A_710 = arith.cmpi slt, %rem3A_704, %lt3A_709 : vector<16xi32>
        %lt3A_711 = arith.constant 0 : i32
        %lt3A_712 = arith.cmpi slt, %select_n3A_702, %lt3A_711 : i32
        %ne3A_713 = vector.broadcast %lt3A_712 : i1 to vector<16xi1>
        %ne3A_714 = vector.broadcast %ne3A_713 : vector<16xi1> to vector<16xi1>
        %ne3A_715 = arith.xori %lt3A_710, %ne3A_714 : vector<16xi1>
        %and3A_716 = arith.andi %ne3A_715, %ne3A_707 : vector<16xi1>
        %add3A_717 = vector.broadcast %select_n3A_702 : i32 to vector<16xi32>
        %add3A_718 = arith.addi %rem3A_704, %add3A_717 : vector<16xi32>
        %select_n3A_719 = arith.select %and3A_716, %add3A_718, %rem3A_704 : vector<16xi1>, vector<16xi32>
        %mul3A_720 = arith.constant 128 : i32
        %mul3A_721 = vector.broadcast %mul3A_720 : i32 to vector<16xi32>
        %mul3A_722 = arith.muli %mul3A_721, %select_n3A_719 : vector<16xi32>
        %jit3A_723 = arith.constant 4 : i32
        %div3A_724 = vector.broadcast %jit3A_723 : i32 to vector<16xi32>
        %div3A_725 = arith.divsi %add3A_697, %div3A_724 : vector<16xi32>
        %sign3A_726 = arith.constant 0 : i32
        %sign3A_727 = vector.broadcast %sign3A_726 : i32 to vector<16xi32>
        %sign3A_728 = arith.cmpi sgt, %add3A_697, %sign3A_727 : vector<16xi32>
        %sign3A_729 = arith.extui %sign3A_728 : vector<16xi1> to vector<16xi32>
        %sign3A_730 = arith.constant 0 : i32
        %sign3A_731 = vector.broadcast %sign3A_730 : i32 to vector<16xi32>
        %sign3A_732 = arith.cmpi slt, %add3A_697, %sign3A_731 : vector<16xi32>
        %sign3A_733 = arith.extui %sign3A_732 : vector<16xi1> to vector<16xi32>
        %sign3A_734 = arith.subi %sign3A_729, %sign3A_733 : vector<16xi32>
        %sign3A_735 = arith.constant 0 : i32
        %sign3A_736 = arith.cmpi sgt, %jit3A_723, %sign3A_735 : i32
        %sign3A_737 = arith.extui %sign3A_736 : i1 to i32
        %sign3A_738 = arith.constant 0 : i32
        %sign3A_739 = arith.cmpi slt, %jit3A_723, %sign3A_738 : i32
        %sign3A_740 = arith.extui %sign3A_739 : i1 to i32
        %sign3A_741 = arith.subi %sign3A_737, %sign3A_740 : i32
        %ne3A_742 = vector.broadcast %sign3A_741 : i32 to vector<16xi32>
        %ne3A_743 = arith.cmpi ne, %sign3A_734, %ne3A_742 : vector<16xi32>
        %rem3A_744 = vector.broadcast %jit3A_723 : i32 to vector<16xi32>
        %rem3A_745 = arith.remsi %add3A_697, %rem3A_744 : vector<16xi32>
        %ne3A_746 = arith.constant 0 : i32
        %ne3A_747 = vector.broadcast %ne3A_746 : i32 to vector<16xi32>
        %ne3A_748 = arith.cmpi ne, %rem3A_745, %ne3A_747 : vector<16xi32>
        %and3A_749 = arith.andi %ne3A_743, %ne3A_748 : vector<16xi1>
        %sub3A_750 = arith.constant 1 : i32
        %sub3A_751 = vector.broadcast %sub3A_750 : i32 to vector<16xi32>
        %sub3A_752 = arith.subi %div3A_725, %sub3A_751 : vector<16xi32>
        %select_n3A_753 = arith.select %and3A_749, %sub3A_752, %div3A_725 : vector<16xi1>, vector<16xi32>
        %add3A_754 = arith.addi %mul3A_722, %select_n3A_753 : vector<16xi32>
        %broadcast_in_dim3A_755 = arith.constant 0 : i32
        %broadcast_in_dim3A_756 = vector.broadcast %broadcast_in_dim3A_755 : i32 to vector<16xi32>
        %gather3A_757 = arith.constant 0 : i32
        %gather3A_758 = arith.constant 0 : i32
        %gather3A_759 = tpu.memref_slice %run_scoped3A[%rem3A_195, %gather3A_757, %gather3A_758] : memref<2x1x512xi32, #tpu.memory_space<vmem>> -> memref<1x1x512xi32, #tpu.memory_space<vmem>>
        %gather3A_760 = tpu.memref_squeeze %gather3A_759 : memref<1x1x512xi32, #tpu.memory_space<vmem>> -> memref<1x512xi32, #tpu.memory_space<vmem>>
        %gather3A_761 = tpu.vector_load_idx %gather3A_760[%broadcast_in_dim3A_756, %add3A_754] : memref<1x512xi32, #tpu.memory_space<vmem>>[vector<16xi32>, vector<16xi32>], vector<16xi32>,
        %mul3A_762 = arith.constant 4 : i32
        %mul3A_763 = vector.broadcast %mul3A_762 : i32 to vector<16xi32>
        %mul3A_764 = arith.muli %gather3A_761, %mul3A_763 : vector<16xi32>
        %swap3A_765 = arith.constant 112 : index
        %swap3A_766 = tpu.vector_load %arg5[%swap3A_765] {strides = array<i32>} : memref<512xi32, #tpu.memory_space<vmem>>, vector<16xi32>,
        tpu.vector_store %arg5[%swap3A_765], %mul3A_764 {strides = array<i32>} : memref<512xi32, #tpu.memory_space<vmem>>, vector<16xi32>,
        %add3A_767 = arith.constant 128 : i32
        %add3A_768 = vector.broadcast %add3A_767 : i32 to vector<16xi32>
        %add3A_769 = arith.addi %iota3A, %add3A_768 : vector<16xi32>
        %jit3A_770 = arith.constant 4 : i32
        %eq3A_771 = arith.constant 0 : i32
        %eq3A_772 = arith.cmpi eq, %jit3A_770, %eq3A_771 : i32
        %jit3A_773 = arith.constant 1 : i32
        %select_n3A_774 = arith.select %eq3A_772, %jit3A_773, %jit3A_770 : i32
        %rem3A_775 = vector.broadcast %select_n3A_774 : i32 to vector<16xi32>
        %rem3A_776 = arith.remsi %add3A_769, %rem3A_775 : vector<16xi32>
        %ne3A_777 = arith.constant 0 : i32
        %ne3A_778 = vector.broadcast %ne3A_777 : i32 to vector<16xi32>
        %ne3A_779 = arith.cmpi ne, %rem3A_776, %ne3A_778 : vector<16xi32>
        %lt3A_780 = arith.constant 0 : i32
        %lt3A_781 = vector.broadcast %lt3A_780 : i32 to vector<16xi32>
        %lt3A_782 = arith.cmpi slt, %rem3A_776, %lt3A_781 : vector<16xi32>
        %lt3A_783 = arith.constant 0 : i32
        %lt3A_784 = arith.cmpi slt, %select_n3A_774, %lt3A_783 : i32
        %ne3A_785 = vector.broadcast %lt3A_784 : i1 to vector<16xi1>
        %ne3A_786 = vector.broadcast %ne3A_785 : vector<16xi1> to vector<16xi1>
        %ne3A_787 = arith.xori %lt3A_782, %ne3A_786 : vector<16xi1>
        %and3A_788 = arith.andi %ne3A_787, %ne3A_779 : vector<16xi1>
        %add3A_789 = vector.broadcast %select_n3A_774 : i32 to vector<16xi32>
        %add3A_790 = arith.addi %rem3A_776, %add3A_789 : vector<16xi32>
        %select_n3A_791 = arith.select %and3A_788, %add3A_790, %rem3A_776 : vector<16xi1>, vector<16xi32>
        %mul3A_792 = arith.constant 128 : i32
        %mul3A_793 = vector.broadcast %mul3A_792 : i32 to vector<16xi32>
        %mul3A_794 = arith.muli %mul3A_793, %select_n3A_791 : vector<16xi32>
        %jit3A_795 = arith.constant 4 : i32
        %div3A_796 = vector.broadcast %jit3A_795 : i32 to vector<16xi32>
        %div3A_797 = arith.divsi %add3A_769, %div3A_796 : vector<16xi32>
        %sign3A_798 = arith.constant 0 : i32
        %sign3A_799 = vector.broadcast %sign3A_798 : i32 to vector<16xi32>
        %sign3A_800 = arith.cmpi sgt, %add3A_769, %sign3A_799 : vector<16xi32>
        %sign3A_801 = arith.extui %sign3A_800 : vector<16xi1> to vector<16xi32>
        %sign3A_802 = arith.constant 0 : i32
        %sign3A_803 = vector.broadcast %sign3A_802 : i32 to vector<16xi32>
        %sign3A_804 = arith.cmpi slt, %add3A_769, %sign3A_803 : vector<16xi32>
        %sign3A_805 = arith.extui %sign3A_804 : vector<16xi1> to vector<16xi32>
        %sign3A_806 = arith.subi %sign3A_801, %sign3A_805 : vector<16xi32>
        %sign3A_807 = arith.constant 0 : i32
        %sign3A_808 = arith.cmpi sgt, %jit3A_795, %sign3A_807 : i32
        %sign3A_809 = arith.extui %sign3A_808 : i1 to i32
        %sign3A_810 = arith.constant 0 : i32
        %sign3A_811 = arith.cmpi slt, %jit3A_795, %sign3A_810 : i32
        %sign3A_812 = arith.extui %sign3A_811 : i1 to i32
        %sign3A_813 = arith.subi %sign3A_809, %sign3A_812 : i32
        %ne3A_814 = vector.broadcast %sign3A_813 : i32 to vector<16xi32>
        %ne3A_815 = arith.cmpi ne, %sign3A_806, %ne3A_814 : vector<16xi32>
        %rem3A_816 = vector.broadcast %jit3A_795 : i32 to vector<16xi32>
        %rem3A_817 = arith.remsi %add3A_769, %rem3A_816 : vector<16xi32>
        %ne3A_818 = arith.constant 0 : i32
        %ne3A_819 = vector.broadcast %ne3A_818 : i32 to vector<16xi32>
        %ne3A_820 = arith.cmpi ne, %rem3A_817, %ne3A_819 : vector<16xi32>
        %and3A_821 = arith.andi %ne3A_815, %ne3A_820 : vector<16xi1>
        %sub3A_822 = arith.constant 1 : i32
        %sub3A_823 = vector.broadcast %sub3A_822 : i32 to vector<16xi32>
        %sub3A_824 = arith.subi %div3A_797, %sub3A_823 : vector<16xi32>
        %select_n3A_825 = arith.select %and3A_821, %sub3A_824, %div3A_797 : vector<16xi1>, vector<16xi32>
        %add3A_826 = arith.addi %mul3A_794, %select_n3A_825 : vector<16xi32>
        %broadcast_in_dim3A_827 = arith.constant 0 : i32
        %broadcast_in_dim3A_828 = vector.broadcast %broadcast_in_dim3A_827 : i32 to vector<16xi32>
        %gather3A_829 = arith.constant 0 : i32
        %gather3A_830 = arith.constant 0 : i32
        %gather3A_831 = tpu.memref_slice %run_scoped3A[%rem3A_195, %gather3A_829, %gather3A_830] : memref<2x1x512xi32, #tpu.memory_space<vmem>> -> memref<1x1x512xi32, #tpu.memory_space<vmem>>
        %gather3A_832 = tpu.memref_squeeze %gather3A_831 : memref<1x1x512xi32, #tpu.memory_space<vmem>> -> memref<1x512xi32, #tpu.memory_space<vmem>>
        %gather3A_833 = tpu.vector_load_idx %gather3A_832[%broadcast_in_dim3A_828, %add3A_826] : memref<1x512xi32, #tpu.memory_space<vmem>>[vector<16xi32>, vector<16xi32>], vector<16xi32>,
        %mul3A_834 = arith.constant 4 : i32
        %mul3A_835 = vector.broadcast %mul3A_834 : i32 to vector<16xi32>
        %mul3A_836 = arith.muli %gather3A_833, %mul3A_835 : vector<16xi32>
        %swap3A_837 = arith.constant 128 : index
        %swap3A_838 = tpu.vector_load %arg5[%swap3A_837] {strides = array<i32>} : memref<512xi32, #tpu.memory_space<vmem>>, vector<16xi32>,
        tpu.vector_store %arg5[%swap3A_837], %mul3A_836 {strides = array<i32>} : memref<512xi32, #tpu.memory_space<vmem>>, vector<16xi32>,
        %add3A_839 = arith.constant 144 : i32
        %add3A_840 = vector.broadcast %add3A_839 : i32 to vector<16xi32>
        %add3A_841 = arith.addi %iota3A, %add3A_840 : vector<16xi32>
        %jit3A_842 = arith.constant 4 : i32
        %eq3A_843 = arith.constant 0 : i32
        %eq3A_844 = arith.cmpi eq, %jit3A_842, %eq3A_843 : i32
        %jit3A_845 = arith.constant 1 : i32
        %select_n3A_846 = arith.select %eq3A_844, %jit3A_845, %jit3A_842 : i32
        %rem3A_847 = vector.broadcast %select_n3A_846 : i32 to vector<16xi32>
        %rem3A_848 = arith.remsi %add3A_841, %rem3A_847 : vector<16xi32>
        %ne3A_849 = arith.constant 0 : i32
        %ne3A_850 = vector.broadcast %ne3A_849 : i32 to vector<16xi32>
        %ne3A_851 = arith.cmpi ne, %rem3A_848, %ne3A_850 : vector<16xi32>
        %lt3A_852 = arith.constant 0 : i32
        %lt3A_853 = vector.broadcast %lt3A_852 : i32 to vector<16xi32>
        %lt3A_854 = arith.cmpi slt, %rem3A_848, %lt3A_853 : vector<16xi32>
        %lt3A_855 = arith.constant 0 : i32
        %lt3A_856 = arith.cmpi slt, %select_n3A_846, %lt3A_855 : i32
        %ne3A_857 = vector.broadcast %lt3A_856 : i1 to vector<16xi1>
        %ne3A_858 = vector.broadcast %ne3A_857 : vector<16xi1> to vector<16xi1>
        %ne3A_859 = arith.xori %lt3A_854, %ne3A_858 : vector<16xi1>
        %and3A_860 = arith.andi %ne3A_859, %ne3A_851 : vector<16xi1>
        %add3A_861 = vector.broadcast %select_n3A_846 : i32 to vector<16xi32>
        %add3A_862 = arith.addi %rem3A_848, %add3A_861 : vector<16xi32>
        %select_n3A_863 = arith.select %and3A_860, %add3A_862, %rem3A_848 : vector<16xi1>, vector<16xi32>
        %mul3A_864 = arith.constant 128 : i32
        %mul3A_865 = vector.broadcast %mul3A_864 : i32 to vector<16xi32>
        %mul3A_866 = arith.muli %mul3A_865, %select_n3A_863 : vector<16xi32>
        %jit3A_867 = arith.constant 4 : i32
        %div3A_868 = vector.broadcast %jit3A_867 : i32 to vector<16xi32>
        %div3A_869 = arith.divsi %add3A_841, %div3A_868 : vector<16xi32>
        %sign3A_870 = arith.constant 0 : i32
        %sign3A_871 = vector.broadcast %sign3A_870 : i32 to vector<16xi32>
        %sign3A_872 = arith.cmpi sgt, %add3A_841, %sign3A_871 : vector<16xi32>
        %sign3A_873 = arith.extui %sign3A_872 : vector<16xi1> to vector<16xi32>
        %sign3A_874 = arith.constant 0 : i32
        %sign3A_875 = vector.broadcast %sign3A_874 : i32 to vector<16xi32>
        %sign3A_876 = arith.cmpi slt, %add3A_841, %sign3A_875 : vector<16xi32>
        %sign3A_877 = arith.extui %sign3A_876 : vector<16xi1> to vector<16xi32>
        %sign3A_878 = arith.subi %sign3A_873, %sign3A_877 : vector<16xi32>
        %sign3A_879 = arith.constant 0 : i32
        %sign3A_880 = arith.cmpi sgt, %jit3A_867, %sign3A_879 : i32
        %sign3A_881 = arith.extui %sign3A_880 : i1 to i32
        %sign3A_882 = arith.constant 0 : i32
        %sign3A_883 = arith.cmpi slt, %jit3A_867, %sign3A_882 : i32
        %sign3A_884 = arith.extui %sign3A_883 : i1 to i32
        %sign3A_885 = arith.subi %sign3A_881, %sign3A_884 : i32
        %ne3A_886 = vector.broadcast %sign3A_885 : i32 to vector<16xi32>
        %ne3A_887 = arith.cmpi ne, %sign3A_878, %ne3A_886 : vector<16xi32>
        %rem3A_888 = vector.broadcast %jit3A_867 : i32 to vector<16xi32>
        %rem3A_889 = arith.remsi %add3A_841, %rem3A_888 : vector<16xi32>
        %ne3A_890 = arith.constant 0 : i32
        %ne3A_891 = vector.broadcast %ne3A_890 : i32 to vector<16xi32>
        %ne3A_892 = arith.cmpi ne, %rem3A_889, %ne3A_891 : vector<16xi32>
        %and3A_893 = arith.andi %ne3A_887, %ne3A_892 : vector<16xi1>
        %sub3A_894 = arith.constant 1 : i32
        %sub3A_895 = vector.broadcast %sub3A_894 : i32 to vector<16xi32>
        %sub3A_896 = arith.subi %div3A_869, %sub3A_895 : vector<16xi32>
        %select_n3A_897 = arith.select %and3A_893, %sub3A_896, %div3A_869 : vector<16xi1>, vector<16xi32>
        %add3A_898 = arith.addi %mul3A_866, %select_n3A_897 : vector<16xi32>
        %broadcast_in_dim3A_899 = arith.constant 0 : i32
        %broadcast_in_dim3A_900 = vector.broadcast %broadcast_in_dim3A_899 : i32 to vector<16xi32>
        %gather3A_901 = arith.constant 0 : i32
        %gather3A_902 = arith.constant 0 : i32
        %gather3A_903 = tpu.memref_slice %run_scoped3A[%rem3A_195, %gather3A_901, %gather3A_902] : memref<2x1x512xi32, #tpu.memory_space<vmem>> -> memref<1x1x512xi32, #tpu.memory_space<vmem>>
        %gather3A_904 = tpu.memref_squeeze %gather3A_903 : memref<1x1x512xi32, #tpu.memory_space<vmem>> -> memref<1x512xi32, #tpu.memory_space<vmem>>
        %gather3A_905 = tpu.vector_load_idx %gather3A_904[%broadcast_in_dim3A_900, %add3A_898] : memref<1x512xi32, #tpu.memory_space<vmem>>[vector<16xi32>, vector<16xi32>], vector<16xi32>,
        %mul3A_906 = arith.constant 4 : i32
        %mul3A_907 = vector.broadcast %mul3A_906 : i32 to vector<16xi32>
        %mul3A_908 = arith.muli %gather3A_905, %mul3A_907 : vector<16xi32>
        %swap3A_909 = arith.constant 144 : index
        %swap3A_910 = tpu.vector_load %arg5[%swap3A_909] {strides = array<i32>} : memref<512xi32, #tpu.memory_space<vmem>>, vector<16xi32>,
        tpu.vector_store %arg5[%swap3A_909], %mul3A_908 {strides = array<i32>} : memref<512xi32, #tpu.memory_space<vmem>>, vector<16xi32>,
        %add3A_911 = arith.constant 160 : i32
        %add3A_912 = vector.broadcast %add3A_911 : i32 to vector<16xi32>
        %add3A_913 = arith.addi %iota3A, %add3A_912 : vector<16xi32>
        %jit3A_914 = arith.constant 4 : i32
        %eq3A_915 = arith.constant 0 : i32
        %eq3A_916 = arith.cmpi eq, %jit3A_914, %eq3A_915 : i32
        %jit3A_917 = arith.constant 1 : i32
        %select_n3A_918 = arith.select %eq3A_916, %jit3A_917, %jit3A_914 : i32
        %rem3A_919 = vector.broadcast %select_n3A_918 : i32 to vector<16xi32>
        %rem3A_920 = arith.remsi %add3A_913, %rem3A_919 : vector<16xi32>
        %ne3A_921 = arith.constant 0 : i32
        %ne3A_922 = vector.broadcast %ne3A_921 : i32 to vector<16xi32>
        %ne3A_923 = arith.cmpi ne, %rem3A_920, %ne3A_922 : vector<16xi32>
        %lt3A_924 = arith.constant 0 : i32
        %lt3A_925 = vector.broadcast %lt3A_924 : i32 to vector<16xi32>
        %lt3A_926 = arith.cmpi slt, %rem3A_920, %lt3A_925 : vector<16xi32>
        %lt3A_927 = arith.constant 0 : i32
        %lt3A_928 = arith.cmpi slt, %select_n3A_918, %lt3A_927 : i32
        %ne3A_929 = vector.broadcast %lt3A_928 : i1 to vector<16xi1>
        %ne3A_930 = vector.broadcast %ne3A_929 : vector<16xi1> to vector<16xi1>
        %ne3A_931 = arith.xori %lt3A_926, %ne3A_930 : vector<16xi1>
        %and3A_932 = arith.andi %ne3A_931, %ne3A_923 : vector<16xi1>
        %add3A_933 = vector.broadcast %select_n3A_918 : i32 to vector<16xi32>
        %add3A_934 = arith.addi %rem3A_920, %add3A_933 : vector<16xi32>
        %select_n3A_935 = arith.select %and3A_932, %add3A_934, %rem3A_920 : vector<16xi1>, vector<16xi32>
        %mul3A_936 = arith.constant 128 : i32
        %mul3A_937 = vector.broadcast %mul3A_936 : i32 to vector<16xi32>
        %mul3A_938 = arith.muli %mul3A_937, %select_n3A_935 : vector<16xi32>
        %jit3A_939 = arith.constant 4 : i32
        %div3A_940 = vector.broadcast %jit3A_939 : i32 to vector<16xi32>
        %div3A_941 = arith.divsi %add3A_913, %div3A_940 : vector<16xi32>
        %sign3A_942 = arith.constant 0 : i32
        %sign3A_943 = vector.broadcast %sign3A_942 : i32 to vector<16xi32>
        %sign3A_944 = arith.cmpi sgt, %add3A_913, %sign3A_943 : vector<16xi32>
        %sign3A_945 = arith.extui %sign3A_944 : vector<16xi1> to vector<16xi32>
        %sign3A_946 = arith.constant 0 : i32
        %sign3A_947 = vector.broadcast %sign3A_946 : i32 to vector<16xi32>
        %sign3A_948 = arith.cmpi slt, %add3A_913, %sign3A_947 : vector<16xi32>
        %sign3A_949 = arith.extui %sign3A_948 : vector<16xi1> to vector<16xi32>
        %sign3A_950 = arith.subi %sign3A_945, %sign3A_949 : vector<16xi32>
        %sign3A_951 = arith.constant 0 : i32
        %sign3A_952 = arith.cmpi sgt, %jit3A_939, %sign3A_951 : i32
        %sign3A_953 = arith.extui %sign3A_952 : i1 to i32
        %sign3A_954 = arith.constant 0 : i32
        %sign3A_955 = arith.cmpi slt, %jit3A_939, %sign3A_954 : i32
        %sign3A_956 = arith.extui %sign3A_955 : i1 to i32
        %sign3A_957 = arith.subi %sign3A_953, %sign3A_956 : i32
        %ne3A_958 = vector.broadcast %sign3A_957 : i32 to vector<16xi32>
        %ne3A_959 = arith.cmpi ne, %sign3A_950, %ne3A_958 : vector<16xi32>
        %rem3A_960 = vector.broadcast %jit3A_939 : i32 to vector<16xi32>
        %rem3A_961 = arith.remsi %add3A_913, %rem3A_960 : vector<16xi32>
        %ne3A_962 = arith.constant 0 : i32
        %ne3A_963 = vector.broadcast %ne3A_962 : i32 to vector<16xi32>
        %ne3A_964 = arith.cmpi ne, %rem3A_961, %ne3A_963 : vector<16xi32>
        %and3A_965 = arith.andi %ne3A_959, %ne3A_964 : vector<16xi1>
        %sub3A_966 = arith.constant 1 : i32
        %sub3A_967 = vector.broadcast %sub3A_966 : i32 to vector<16xi32>
        %sub3A_968 = arith.subi %div3A_941, %sub3A_967 : vector<16xi32>
        %select_n3A_969 = arith.select %and3A_965, %sub3A_968, %div3A_941 : vector<16xi1>, vector<16xi32>
        %add3A_970 = arith.addi %mul3A_938, %select_n3A_969 : vector<16xi32>
        %broadcast_in_dim3A_971 = arith.constant 0 : i32
        %broadcast_in_dim3A_972 = vector.broadcast %broadcast_in_dim3A_971 : i32 to vector<16xi32>
        %gather3A_973 = arith.constant 0 : i32
        %gather3A_974 = arith.constant 0 : i32
        %gather3A_975 = tpu.memref_slice %run_scoped3A[%rem3A_195, %gather3A_973, %gather3A_974] : memref<2x1x512xi32, #tpu.memory_space<vmem>> -> memref<1x1x512xi32, #tpu.memory_space<vmem>>
        %gather3A_976 = tpu.memref_squeeze %gather3A_975 : memref<1x1x512xi32, #tpu.memory_space<vmem>> -> memref<1x512xi32, #tpu.memory_space<vmem>>
        %gather3A_977 = tpu.vector_load_idx %gather3A_976[%broadcast_in_dim3A_972, %add3A_970] : memref<1x512xi32, #tpu.memory_space<vmem>>[vector<16xi32>, vector<16xi32>], vector<16xi32>,
        %mul3A_978 = arith.constant 4 : i32
        %mul3A_979 = vector.broadcast %mul3A_978 : i32 to vector<16xi32>
        %mul3A_980 = arith.muli %gather3A_977, %mul3A_979 : vector<16xi32>
        %swap3A_981 = arith.constant 160 : index
        %swap3A_982 = tpu.vector_load %arg5[%swap3A_981] {strides = array<i32>} : memref<512xi32, #tpu.memory_space<vmem>>, vector<16xi32>,
        tpu.vector_store %arg5[%swap3A_981], %mul3A_980 {strides = array<i32>} : memref<512xi32, #tpu.memory_space<vmem>>, vector<16xi32>,
        %add3A_983 = arith.constant 176 : i32
        %add3A_984 = vector.broadcast %add3A_983 : i32 to vector<16xi32>
        %add3A_985 = arith.addi %iota3A, %add3A_984 : vector<16xi32>
        %jit3A_986 = arith.constant 4 : i32
        %eq3A_987 = arith.constant 0 : i32
        %eq3A_988 = arith.cmpi eq, %jit3A_986, %eq3A_987 : i32
        %jit3A_989 = arith.constant 1 : i32
        %select_n3A_990 = arith.select %eq3A_988, %jit3A_989, %jit3A_986 : i32
        %rem3A_991 = vector.broadcast %select_n3A_990 : i32 to vector<16xi32>
        %rem3A_992 = arith.remsi %add3A_985, %rem3A_991 : vector<16xi32>
        %ne3A_993 = arith.constant 0 : i32
        %ne3A_994 = vector.broadcast %ne3A_993 : i32 to vector<16xi32>
        %ne3A_995 = arith.cmpi ne, %rem3A_992, %ne3A_994 : vector<16xi32>
        %lt3A_996 = arith.constant 0 : i32
        %lt3A_997 = vector.broadcast %lt3A_996 : i32 to vector<16xi32>
        %lt3A_998 = arith.cmpi slt, %rem3A_992, %lt3A_997 : vector<16xi32>
        %lt3A_999 = arith.constant 0 : i32
        %lt3A_1000 = arith.cmpi slt, %select_n3A_990, %lt3A_999 : i32
        %ne3A_1001 = vector.broadcast %lt3A_1000 : i1 to vector<16xi1>
        %ne3A_1002 = vector.broadcast %ne3A_1001 : vector<16xi1> to vector<16xi1>
        %ne3A_1003 = arith.xori %lt3A_998, %ne3A_1002 : vector<16xi1>
        %and3A_1004 = arith.andi %ne3A_1003, %ne3A_995 : vector<16xi1>
        %add3A_1005 = vector.broadcast %select_n3A_990 : i32 to vector<16xi32>
        %add3A_1006 = arith.addi %rem3A_992, %add3A_1005 : vector<16xi32>
        %select_n3A_1007 = arith.select %and3A_1004, %add3A_1006, %rem3A_992 : vector<16xi1>, vector<16xi32>
        %mul3A_1008 = arith.constant 128 : i32
        %mul3A_1009 = vector.broadcast %mul3A_1008 : i32 to vector<16xi32>
        %mul3A_1010 = arith.muli %mul3A_1009, %select_n3A_1007 : vector<16xi32>
        %jit3A_1011 = arith.constant 4 : i32
        %div3A_1012 = vector.broadcast %jit3A_1011 : i32 to vector<16xi32>
        %div3A_1013 = arith.divsi %add3A_985, %div3A_1012 : vector<16xi32>
        %sign3A_1014 = arith.constant 0 : i32
        %sign3A_1015 = vector.broadcast %sign3A_1014 : i32 to vector<16xi32>
        %sign3A_1016 = arith.cmpi sgt, %add3A_985, %sign3A_1015 : vector<16xi32>
        %sign3A_1017 = arith.extui %sign3A_1016 : vector<16xi1> to vector<16xi32>
        %sign3A_1018 = arith.constant 0 : i32
        %sign3A_1019 = vector.broadcast %sign3A_1018 : i32 to vector<16xi32>
        %sign3A_1020 = arith.cmpi slt, %add3A_985, %sign3A_1019 : vector<16xi32>
        %sign3A_1021 = arith.extui %sign3A_1020 : vector<16xi1> to vector<16xi32>
        %sign3A_1022 = arith.subi %sign3A_1017, %sign3A_1021 : vector<16xi32>
        %sign3A_1023 = arith.constant 0 : i32
        %sign3A_1024 = arith.cmpi sgt, %jit3A_1011, %sign3A_1023 : i32
        %sign3A_1025 = arith.extui %sign3A_1024 : i1 to i32
        %sign3A_1026 = arith.constant 0 : i32
        %sign3A_1027 = arith.cmpi slt, %jit3A_1011, %sign3A_1026 : i32
        %sign3A_1028 = arith.extui %sign3A_1027 : i1 to i32
        %sign3A_1029 = arith.subi %sign3A_1025, %sign3A_1028 : i32
        %ne3A_1030 = vector.broadcast %sign3A_1029 : i32 to vector<16xi32>
        %ne3A_1031 = arith.cmpi ne, %sign3A_1022, %ne3A_1030 : vector<16xi32>
        %rem3A_1032 = vector.broadcast %jit3A_1011 : i32 to vector<16xi32>
        %rem3A_1033 = arith.remsi %add3A_985, %rem3A_1032 : vector<16xi32>
        %ne3A_1034 = arith.constant 0 : i32
        %ne3A_1035 = vector.broadcast %ne3A_1034 : i32 to vector<16xi32>
        %ne3A_1036 = arith.cmpi ne, %rem3A_1033, %ne3A_1035 : vector<16xi32>
        %and3A_1037 = arith.andi %ne3A_1031, %ne3A_1036 : vector<16xi1>
        %sub3A_1038 = arith.constant 1 : i32
        %sub3A_1039 = vector.broadcast %sub3A_1038 : i32 to vector<16xi32>
        %sub3A_1040 = arith.subi %div3A_1013, %sub3A_1039 : vector<16xi32>
        %select_n3A_1041 = arith.select %and3A_1037, %sub3A_1040, %div3A_1013 : vector<16xi1>, vector<16xi32>
        %add3A_1042 = arith.addi %mul3A_1010, %select_n3A_1041 : vector<16xi32>
        %broadcast_in_dim3A_1043 = arith.constant 0 : i32
        %broadcast_in_dim3A_1044 = vector.broadcast %broadcast_in_dim3A_1043 : i32 to vector<16xi32>
        %gather3A_1045 = arith.constant 0 : i32
        %gather3A_1046 = arith.constant 0 : i32
        %gather3A_1047 = tpu.memref_slice %run_scoped3A[%rem3A_195, %gather3A_1045, %gather3A_1046] : memref<2x1x512xi32, #tpu.memory_space<vmem>> -> memref<1x1x512xi32, #tpu.memory_space<vmem>>
        %gather3A_1048 = tpu.memref_squeeze %gather3A_1047 : memref<1x1x512xi32, #tpu.memory_space<vmem>> -> memref<1x512xi32, #tpu.memory_space<vmem>>
        %gather3A_1049 = tpu.vector_load_idx %gather3A_1048[%broadcast_in_dim3A_1044, %add3A_1042] : memref<1x512xi32, #tpu.memory_space<vmem>>[vector<16xi32>, vector<16xi32>], vector<16xi32>,
        %mul3A_1050 = arith.constant 4 : i32
        %mul3A_1051 = vector.broadcast %mul3A_1050 : i32 to vector<16xi32>
        %mul3A_1052 = arith.muli %gather3A_1049, %mul3A_1051 : vector<16xi32>
        %swap3A_1053 = arith.constant 176 : index
        %swap3A_1054 = tpu.vector_load %arg5[%swap3A_1053] {strides = array<i32>} : memref<512xi32, #tpu.memory_space<vmem>>, vector<16xi32>,
        tpu.vector_store %arg5[%swap3A_1053], %mul3A_1052 {strides = array<i32>} : memref<512xi32, #tpu.memory_space<vmem>>, vector<16xi32>,
        %add3A_1055 = arith.constant 192 : i32
        %add3A_1056 = vector.broadcast %add3A_1055 : i32 to vector<16xi32>
        %add3A_1057 = arith.addi %iota3A, %add3A_1056 : vector<16xi32>
        %jit3A_1058 = arith.constant 4 : i32
        %eq3A_1059 = arith.constant 0 : i32
        %eq3A_1060 = arith.cmpi eq, %jit3A_1058, %eq3A_1059 : i32
        %jit3A_1061 = arith.constant 1 : i32
        %select_n3A_1062 = arith.select %eq3A_1060, %jit3A_1061, %jit3A_1058 : i32
        %rem3A_1063 = vector.broadcast %select_n3A_1062 : i32 to vector<16xi32>
        %rem3A_1064 = arith.remsi %add3A_1057, %rem3A_1063 : vector<16xi32>
        %ne3A_1065 = arith.constant 0 : i32
        %ne3A_1066 = vector.broadcast %ne3A_1065 : i32 to vector<16xi32>
        %ne3A_1067 = arith.cmpi ne, %rem3A_1064, %ne3A_1066 : vector<16xi32>
        %lt3A_1068 = arith.constant 0 : i32
        %lt3A_1069 = vector.broadcast %lt3A_1068 : i32 to vector<16xi32>
        %lt3A_1070 = arith.cmpi slt, %rem3A_1064, %lt3A_1069 : vector<16xi32>
        %lt3A_1071 = arith.constant 0 : i32
        %lt3A_1072 = arith.cmpi slt, %select_n3A_1062, %lt3A_1071 : i32
        %ne3A_1073 = vector.broadcast %lt3A_1072 : i1 to vector<16xi1>
        %ne3A_1074 = vector.broadcast %ne3A_1073 : vector<16xi1> to vector<16xi1>
        %ne3A_1075 = arith.xori %lt3A_1070, %ne3A_1074 : vector<16xi1>
        %and3A_1076 = arith.andi %ne3A_1075, %ne3A_1067 : vector<16xi1>
        %add3A_1077 = vector.broadcast %select_n3A_1062 : i32 to vector<16xi32>
        %add3A_1078 = arith.addi %rem3A_1064, %add3A_1077 : vector<16xi32>
        %select_n3A_1079 = arith.select %and3A_1076, %add3A_1078, %rem3A_1064 : vector<16xi1>, vector<16xi32>
        %mul3A_1080 = arith.constant 128 : i32
        %mul3A_1081 = vector.broadcast %mul3A_1080 : i32 to vector<16xi32>
        %mul3A_1082 = arith.muli %mul3A_1081, %select_n3A_1079 : vector<16xi32>
        %jit3A_1083 = arith.constant 4 : i32
        %div3A_1084 = vector.broadcast %jit3A_1083 : i32 to vector<16xi32>
        %div3A_1085 = arith.divsi %add3A_1057, %div3A_1084 : vector<16xi32>
        %sign3A_1086 = arith.constant 0 : i32
        %sign3A_1087 = vector.broadcast %sign3A_1086 : i32 to vector<16xi32>
        %sign3A_1088 = arith.cmpi sgt, %add3A_1057, %sign3A_1087 : vector<16xi32>
        %sign3A_1089 = arith.extui %sign3A_1088 : vector<16xi1> to vector<16xi32>
        %sign3A_1090 = arith.constant 0 : i32
        %sign3A_1091 = vector.broadcast %sign3A_1090 : i32 to vector<16xi32>
        %sign3A_1092 = arith.cmpi slt, %add3A_1057, %sign3A_1091 : vector<16xi32>
        %sign3A_1093 = arith.extui %sign3A_1092 : vector<16xi1> to vector<16xi32>
        %sign3A_1094 = arith.subi %sign3A_1089, %sign3A_1093 : vector<16xi32>
        %sign3A_1095 = arith.constant 0 : i32
        %sign3A_1096 = arith.cmpi sgt, %jit3A_1083, %sign3A_1095 : i32
        %sign3A_1097 = arith.extui %sign3A_1096 : i1 to i32
        %sign3A_1098 = arith.constant 0 : i32
        %sign3A_1099 = arith.cmpi slt, %jit3A_1083, %sign3A_1098 : i32
        %sign3A_1100 = arith.extui %sign3A_1099 : i1 to i32
        %sign3A_1101 = arith.subi %sign3A_1097, %sign3A_1100 : i32
        %ne3A_1102 = vector.broadcast %sign3A_1101 : i32 to vector<16xi32>
        %ne3A_1103 = arith.cmpi ne, %sign3A_1094, %ne3A_1102 : vector<16xi32>
        %rem3A_1104 = vector.broadcast %jit3A_1083 : i32 to vector<16xi32>
        %rem3A_1105 = arith.remsi %add3A_1057, %rem3A_1104 : vector<16xi32>
        %ne3A_1106 = arith.constant 0 : i32
        %ne3A_1107 = vector.broadcast %ne3A_1106 : i32 to vector<16xi32>
        %ne3A_1108 = arith.cmpi ne, %rem3A_1105, %ne3A_1107 : vector<16xi32>
        %and3A_1109 = arith.andi %ne3A_1103, %ne3A_1108 : vector<16xi1>
        %sub3A_1110 = arith.constant 1 : i32
        %sub3A_1111 = vector.broadcast %sub3A_1110 : i32 to vector<16xi32>
        %sub3A_1112 = arith.subi %div3A_1085, %sub3A_1111 : vector<16xi32>
        %select_n3A_1113 = arith.select %and3A_1109, %sub3A_1112, %div3A_1085 : vector<16xi1>, vector<16xi32>
        %add3A_1114 = arith.addi %mul3A_1082, %select_n3A_1113 : vector<16xi32>
        %broadcast_in_dim3A_1115 = arith.constant 0 : i32
        %broadcast_in_dim3A_1116 = vector.broadcast %broadcast_in_dim3A_1115 : i32 to vector<16xi32>
        %gather3A_1117 = arith.constant 0 : i32
        %gather3A_1118 = arith.constant 0 : i32
        %gather3A_1119 = tpu.memref_slice %run_scoped3A[%rem3A_195, %gather3A_1117, %gather3A_1118] : memref<2x1x512xi32, #tpu.memory_space<vmem>> -> memref<1x1x512xi32, #tpu.memory_space<vmem>>
        %gather3A_1120 = tpu.memref_squeeze %gather3A_1119 : memref<1x1x512xi32, #tpu.memory_space<vmem>> -> memref<1x512xi32, #tpu.memory_space<vmem>>
        %gather3A_1121 = tpu.vector_load_idx %gather3A_1120[%broadcast_in_dim3A_1116, %add3A_1114] : memref<1x512xi32, #tpu.memory_space<vmem>>[vector<16xi32>, vector<16xi32>], vector<16xi32>,
        %mul3A_1122 = arith.constant 4 : i32
        %mul3A_1123 = vector.broadcast %mul3A_1122 : i32 to vector<16xi32>
        %mul3A_1124 = arith.muli %gather3A_1121, %mul3A_1123 : vector<16xi32>
        %swap3A_1125 = arith.constant 192 : index
        %swap3A_1126 = tpu.vector_load %arg5[%swap3A_1125] {strides = array<i32>} : memref<512xi32, #tpu.memory_space<vmem>>, vector<16xi32>,
        tpu.vector_store %arg5[%swap3A_1125], %mul3A_1124 {strides = array<i32>} : memref<512xi32, #tpu.memory_space<vmem>>, vector<16xi32>,
        %add3A_1127 = arith.constant 208 : i32
        %add3A_1128 = vector.broadcast %add3A_1127 : i32 to vector<16xi32>
        %add3A_1129 = arith.addi %iota3A, %add3A_1128 : vector<16xi32>
        %jit3A_1130 = arith.constant 4 : i32
        %eq3A_1131 = arith.constant 0 : i32
        %eq3A_1132 = arith.cmpi eq, %jit3A_1130, %eq3A_1131 : i32
        %jit3A_1133 = arith.constant 1 : i32
        %select_n3A_1134 = arith.select %eq3A_1132, %jit3A_1133, %jit3A_1130 : i32
        %rem3A_1135 = vector.broadcast %select_n3A_1134 : i32 to vector<16xi32>
        %rem3A_1136 = arith.remsi %add3A_1129, %rem3A_1135 : vector<16xi32>
        %ne3A_1137 = arith.constant 0 : i32
        %ne3A_1138 = vector.broadcast %ne3A_1137 : i32 to vector<16xi32>
        %ne3A_1139 = arith.cmpi ne, %rem3A_1136, %ne3A_1138 : vector<16xi32>
        %lt3A_1140 = arith.constant 0 : i32
        %lt3A_1141 = vector.broadcast %lt3A_1140 : i32 to vector<16xi32>
        %lt3A_1142 = arith.cmpi slt, %rem3A_1136, %lt3A_1141 : vector<16xi32>
        %lt3A_1143 = arith.constant 0 : i32
        %lt3A_1144 = arith.cmpi slt, %select_n3A_1134, %lt3A_1143 : i32
        %ne3A_1145 = vector.broadcast %lt3A_1144 : i1 to vector<16xi1>
        %ne3A_1146 = vector.broadcast %ne3A_1145 : vector<16xi1> to vector<16xi1>
        %ne3A_1147 = arith.xori %lt3A_1142, %ne3A_1146 : vector<16xi1>
        %and3A_1148 = arith.andi %ne3A_1147, %ne3A_1139 : vector<16xi1>
        %add3A_1149 = vector.broadcast %select_n3A_1134 : i32 to vector<16xi32>
        %add3A_1150 = arith.addi %rem3A_1136, %add3A_1149 : vector<16xi32>
        %select_n3A_1151 = arith.select %and3A_1148, %add3A_1150, %rem3A_1136 : vector<16xi1>, vector<16xi32>
        %mul3A_1152 = arith.constant 128 : i32
        %mul3A_1153 = vector.broadcast %mul3A_1152 : i32 to vector<16xi32>
        %mul3A_1154 = arith.muli %mul3A_1153, %select_n3A_1151 : vector<16xi32>
        %jit3A_1155 = arith.constant 4 : i32
        %div3A_1156 = vector.broadcast %jit3A_1155 : i32 to vector<16xi32>
        %div3A_1157 = arith.divsi %add3A_1129, %div3A_1156 : vector<16xi32>
        %sign3A_1158 = arith.constant 0 : i32
        %sign3A_1159 = vector.broadcast %sign3A_1158 : i32 to vector<16xi32>
        %sign3A_1160 = arith.cmpi sgt, %add3A_1129, %sign3A_1159 : vector<16xi32>
        %sign3A_1161 = arith.extui %sign3A_1160 : vector<16xi1> to vector<16xi32>
        %sign3A_1162 = arith.constant 0 : i32
        %sign3A_1163 = vector.broadcast %sign3A_1162 : i32 to vector<16xi32>
        %sign3A_1164 = arith.cmpi slt, %add3A_1129, %sign3A_1163 : vector<16xi32>
        %sign3A_1165 = arith.extui %sign3A_1164 : vector<16xi1> to vector<16xi32>
        %sign3A_1166 = arith.subi %sign3A_1161, %sign3A_1165 : vector<16xi32>
        %sign3A_1167 = arith.constant 0 : i32
        %sign3A_1168 = arith.cmpi sgt, %jit3A_1155, %sign3A_1167 : i32
        %sign3A_1169 = arith.extui %sign3A_1168 : i1 to i32
        %sign3A_1170 = arith.constant 0 : i32
        %sign3A_1171 = arith.cmpi slt, %jit3A_1155, %sign3A_1170 : i32
        %sign3A_1172 = arith.extui %sign3A_1171 : i1 to i32
        %sign3A_1173 = arith.subi %sign3A_1169, %sign3A_1172 : i32
        %ne3A_1174 = vector.broadcast %sign3A_1173 : i32 to vector<16xi32>
        %ne3A_1175 = arith.cmpi ne, %sign3A_1166, %ne3A_1174 : vector<16xi32>
        %rem3A_1176 = vector.broadcast %jit3A_1155 : i32 to vector<16xi32>
        %rem3A_1177 = arith.remsi %add3A_1129, %rem3A_1176 : vector<16xi32>
        %ne3A_1178 = arith.constant 0 : i32
        %ne3A_1179 = vector.broadcast %ne3A_1178 : i32 to vector<16xi32>
        %ne3A_1180 = arith.cmpi ne, %rem3A_1177, %ne3A_1179 : vector<16xi32>
        %and3A_1181 = arith.andi %ne3A_1175, %ne3A_1180 : vector<16xi1>
        %sub3A_1182 = arith.constant 1 : i32
        %sub3A_1183 = vector.broadcast %sub3A_1182 : i32 to vector<16xi32>
        %sub3A_1184 = arith.subi %div3A_1157, %sub3A_1183 : vector<16xi32>
        %select_n3A_1185 = arith.select %and3A_1181, %sub3A_1184, %div3A_1157 : vector<16xi1>, vector<16xi32>
        %add3A_1186 = arith.addi %mul3A_1154, %select_n3A_1185 : vector<16xi32>
        %broadcast_in_dim3A_1187 = arith.constant 0 : i32
        %broadcast_in_dim3A_1188 = vector.broadcast %broadcast_in_dim3A_1187 : i32 to vector<16xi32>
        %gather3A_1189 = arith.constant 0 : i32
        %gather3A_1190 = arith.constant 0 : i32
        %gather3A_1191 = tpu.memref_slice %run_scoped3A[%rem3A_195, %gather3A_1189, %gather3A_1190] : memref<2x1x512xi32, #tpu.memory_space<vmem>> -> memref<1x1x512xi32, #tpu.memory_space<vmem>>
        %gather3A_1192 = tpu.memref_squeeze %gather3A_1191 : memref<1x1x512xi32, #tpu.memory_space<vmem>> -> memref<1x512xi32, #tpu.memory_space<vmem>>
        %gather3A_1193 = tpu.vector_load_idx %gather3A_1192[%broadcast_in_dim3A_1188, %add3A_1186] : memref<1x512xi32, #tpu.memory_space<vmem>>[vector<16xi32>, vector<16xi32>], vector<16xi32>,
        %mul3A_1194 = arith.constant 4 : i32
        %mul3A_1195 = vector.broadcast %mul3A_1194 : i32 to vector<16xi32>
        %mul3A_1196 = arith.muli %gather3A_1193, %mul3A_1195 : vector<16xi32>
        %swap3A_1197 = arith.constant 208 : index
        %swap3A_1198 = tpu.vector_load %arg5[%swap3A_1197] {strides = array<i32>} : memref<512xi32, #tpu.memory_space<vmem>>, vector<16xi32>,
        tpu.vector_store %arg5[%swap3A_1197], %mul3A_1196 {strides = array<i32>} : memref<512xi32, #tpu.memory_space<vmem>>, vector<16xi32>,
        %add3A_1199 = arith.constant 224 : i32
        %add3A_1200 = vector.broadcast %add3A_1199 : i32 to vector<16xi32>
        %add3A_1201 = arith.addi %iota3A, %add3A_1200 : vector<16xi32>
        %jit3A_1202 = arith.constant 4 : i32
        %eq3A_1203 = arith.constant 0 : i32
        %eq3A_1204 = arith.cmpi eq, %jit3A_1202, %eq3A_1203 : i32
        %jit3A_1205 = arith.constant 1 : i32
        %select_n3A_1206 = arith.select %eq3A_1204, %jit3A_1205, %jit3A_1202 : i32
        %rem3A_1207 = vector.broadcast %select_n3A_1206 : i32 to vector<16xi32>
        %rem3A_1208 = arith.remsi %add3A_1201, %rem3A_1207 : vector<16xi32>
        %ne3A_1209 = arith.constant 0 : i32
        %ne3A_1210 = vector.broadcast %ne3A_1209 : i32 to vector<16xi32>
        %ne3A_1211 = arith.cmpi ne, %rem3A_1208, %ne3A_1210 : vector<16xi32>
        %lt3A_1212 = arith.constant 0 : i32
        %lt3A_1213 = vector.broadcast %lt3A_1212 : i32 to vector<16xi32>
        %lt3A_1214 = arith.cmpi slt, %rem3A_1208, %lt3A_1213 : vector<16xi32>
        %lt3A_1215 = arith.constant 0 : i32
        %lt3A_1216 = arith.cmpi slt, %select_n3A_1206, %lt3A_1215 : i32
        %ne3A_1217 = vector.broadcast %lt3A_1216 : i1 to vector<16xi1>
        %ne3A_1218 = vector.broadcast %ne3A_1217 : vector<16xi1> to vector<16xi1>
        %ne3A_1219 = arith.xori %lt3A_1214, %ne3A_1218 : vector<16xi1>
        %and3A_1220 = arith.andi %ne3A_1219, %ne3A_1211 : vector<16xi1>
        %add3A_1221 = vector.broadcast %select_n3A_1206 : i32 to vector<16xi32>
        %add3A_1222 = arith.addi %rem3A_1208, %add3A_1221 : vector<16xi32>
        %select_n3A_1223 = arith.select %and3A_1220, %add3A_1222, %rem3A_1208 : vector<16xi1>, vector<16xi32>
        %mul3A_1224 = arith.constant 128 : i32
        %mul3A_1225 = vector.broadcast %mul3A_1224 : i32 to vector<16xi32>
        %mul3A_1226 = arith.muli %mul3A_1225, %select_n3A_1223 : vector<16xi32>
        %jit3A_1227 = arith.constant 4 : i32
        %div3A_1228 = vector.broadcast %jit3A_1227 : i32 to vector<16xi32>
        %div3A_1229 = arith.divsi %add3A_1201, %div3A_1228 : vector<16xi32>
        %sign3A_1230 = arith.constant 0 : i32
        %sign3A_1231 = vector.broadcast %sign3A_1230 : i32 to vector<16xi32>
        %sign3A_1232 = arith.cmpi sgt, %add3A_1201, %sign3A_1231 : vector<16xi32>
        %sign3A_1233 = arith.extui %sign3A_1232 : vector<16xi1> to vector<16xi32>
        %sign3A_1234 = arith.constant 0 : i32
        %sign3A_1235 = vector.broadcast %sign3A_1234 : i32 to vector<16xi32>
        %sign3A_1236 = arith.cmpi slt, %add3A_1201, %sign3A_1235 : vector<16xi32>
        %sign3A_1237 = arith.extui %sign3A_1236 : vector<16xi1> to vector<16xi32>
        %sign3A_1238 = arith.subi %sign3A_1233, %sign3A_1237 : vector<16xi32>
        %sign3A_1239 = arith.constant 0 : i32
        %sign3A_1240 = arith.cmpi sgt, %jit3A_1227, %sign3A_1239 : i32
        %sign3A_1241 = arith.extui %sign3A_1240 : i1 to i32
        %sign3A_1242 = arith.constant 0 : i32
        %sign3A_1243 = arith.cmpi slt, %jit3A_1227, %sign3A_1242 : i32
        %sign3A_1244 = arith.extui %sign3A_1243 : i1 to i32
        %sign3A_1245 = arith.subi %sign3A_1241, %sign3A_1244 : i32
        %ne3A_1246 = vector.broadcast %sign3A_1245 : i32 to vector<16xi32>
        %ne3A_1247 = arith.cmpi ne, %sign3A_1238, %ne3A_1246 : vector<16xi32>
        %rem3A_1248 = vector.broadcast %jit3A_1227 : i32 to vector<16xi32>
        %rem3A_1249 = arith.remsi %add3A_1201, %rem3A_1248 : vector<16xi32>
        %ne3A_1250 = arith.constant 0 : i32
        %ne3A_1251 = vector.broadcast %ne3A_1250 : i32 to vector<16xi32>
        %ne3A_1252 = arith.cmpi ne, %rem3A_1249, %ne3A_1251 : vector<16xi32>
        %and3A_1253 = arith.andi %ne3A_1247, %ne3A_1252 : vector<16xi1>
        %sub3A_1254 = arith.constant 1 : i32
        %sub3A_1255 = vector.broadcast %sub3A_1254 : i32 to vector<16xi32>
        %sub3A_1256 = arith.subi %div3A_1229, %sub3A_1255 : vector<16xi32>
        %select_n3A_1257 = arith.select %and3A_1253, %sub3A_1256, %div3A_1229 : vector<16xi1>, vector<16xi32>
        %add3A_1258 = arith.addi %mul3A_1226, %select_n3A_1257 : vector<16xi32>
        %broadcast_in_dim3A_1259 = arith.constant 0 : i32
        %broadcast_in_dim3A_1260 = vector.broadcast %broadcast_in_dim3A_1259 : i32 to vector<16xi32>
        %gather3A_1261 = arith.constant 0 : i32
        %gather3A_1262 = arith.constant 0 : i32
        %gather3A_1263 = tpu.memref_slice %run_scoped3A[%rem3A_195, %gather3A_1261, %gather3A_1262] : memref<2x1x512xi32, #tpu.memory_space<vmem>> -> memref<1x1x512xi32, #tpu.memory_space<vmem>>
        %gather3A_1264 = tpu.memref_squeeze %gather3A_1263 : memref<1x1x512xi32, #tpu.memory_space<vmem>> -> memref<1x512xi32, #tpu.memory_space<vmem>>
        %gather3A_1265 = tpu.vector_load_idx %gather3A_1264[%broadcast_in_dim3A_1260, %add3A_1258] : memref<1x512xi32, #tpu.memory_space<vmem>>[vector<16xi32>, vector<16xi32>], vector<16xi32>,
        %mul3A_1266 = arith.constant 4 : i32
        %mul3A_1267 = vector.broadcast %mul3A_1266 : i32 to vector<16xi32>
        %mul3A_1268 = arith.muli %gather3A_1265, %mul3A_1267 : vector<16xi32>
        %swap3A_1269 = arith.constant 224 : index
        %swap3A_1270 = tpu.vector_load %arg5[%swap3A_1269] {strides = array<i32>} : memref<512xi32, #tpu.memory_space<vmem>>, vector<16xi32>,
        tpu.vector_store %arg5[%swap3A_1269], %mul3A_1268 {strides = array<i32>} : memref<512xi32, #tpu.memory_space<vmem>>, vector<16xi32>,
        %add3A_1271 = arith.constant 240 : i32
        %add3A_1272 = vector.broadcast %add3A_1271 : i32 to vector<16xi32>
        %add3A_1273 = arith.addi %iota3A, %add3A_1272 : vector<16xi32>
        %jit3A_1274 = arith.constant 4 : i32
        %eq3A_1275 = arith.constant 0 : i32
        %eq3A_1276 = arith.cmpi eq, %jit3A_1274, %eq3A_1275 : i32
        %jit3A_1277 = arith.constant 1 : i32
        %select_n3A_1278 = arith.select %eq3A_1276, %jit3A_1277, %jit3A_1274 : i32
        %rem3A_1279 = vector.broadcast %select_n3A_1278 : i32 to vector<16xi32>
        %rem3A_1280 = arith.remsi %add3A_1273, %rem3A_1279 : vector<16xi32>
        %ne3A_1281 = arith.constant 0 : i32
        %ne3A_1282 = vector.broadcast %ne3A_1281 : i32 to vector<16xi32>
        %ne3A_1283 = arith.cmpi ne, %rem3A_1280, %ne3A_1282 : vector<16xi32>
        %lt3A_1284 = arith.constant 0 : i32
        %lt3A_1285 = vector.broadcast %lt3A_1284 : i32 to vector<16xi32>
        %lt3A_1286 = arith.cmpi slt, %rem3A_1280, %lt3A_1285 : vector<16xi32>
        %lt3A_1287 = arith.constant 0 : i32
        %lt3A_1288 = arith.cmpi slt, %select_n3A_1278, %lt3A_1287 : i32
        %ne3A_1289 = vector.broadcast %lt3A_1288 : i1 to vector<16xi1>
        %ne3A_1290 = vector.broadcast %ne3A_1289 : vector<16xi1> to vector<16xi1>
        %ne3A_1291 = arith.xori %lt3A_1286, %ne3A_1290 : vector<16xi1>
        %and3A_1292 = arith.andi %ne3A_1291, %ne3A_1283 : vector<16xi1>
        %add3A_1293 = vector.broadcast %select_n3A_1278 : i32 to vector<16xi32>
        %add3A_1294 = arith.addi %rem3A_1280, %add3A_1293 : vector<16xi32>
        %select_n3A_1295 = arith.select %and3A_1292, %add3A_1294, %rem3A_1280 : vector<16xi1>, vector<16xi32>
        %mul3A_1296 = arith.constant 128 : i32
        %mul3A_1297 = vector.broadcast %mul3A_1296 : i32 to vector<16xi32>
        %mul3A_1298 = arith.muli %mul3A_1297, %select_n3A_1295 : vector<16xi32>
        %jit3A_1299 = arith.constant 4 : i32
        %div3A_1300 = vector.broadcast %jit3A_1299 : i32 to vector<16xi32>
        %div3A_1301 = arith.divsi %add3A_1273, %div3A_1300 : vector<16xi32>
        %sign3A_1302 = arith.constant 0 : i32
        %sign3A_1303 = vector.broadcast %sign3A_1302 : i32 to vector<16xi32>
        %sign3A_1304 = arith.cmpi sgt, %add3A_1273, %sign3A_1303 : vector<16xi32>
        %sign3A_1305 = arith.extui %sign3A_1304 : vector<16xi1> to vector<16xi32>
        %sign3A_1306 = arith.constant 0 : i32
        %sign3A_1307 = vector.broadcast %sign3A_1306 : i32 to vector<16xi32>
        %sign3A_1308 = arith.cmpi slt, %add3A_1273, %sign3A_1307 : vector<16xi32>
        %sign3A_1309 = arith.extui %sign3A_1308 : vector<16xi1> to vector<16xi32>
        %sign3A_1310 = arith.subi %sign3A_1305, %sign3A_1309 : vector<16xi32>
        %sign3A_1311 = arith.constant 0 : i32
        %sign3A_1312 = arith.cmpi sgt, %jit3A_1299, %sign3A_1311 : i32
        %sign3A_1313 = arith.extui %sign3A_1312 : i1 to i32
        %sign3A_1314 = arith.constant 0 : i32
        %sign3A_1315 = arith.cmpi slt, %jit3A_1299, %sign3A_1314 : i32
        %sign3A_1316 = arith.extui %sign3A_1315 : i1 to i32
        %sign3A_1317 = arith.subi %sign3A_1313, %sign3A_1316 : i32
        %ne3A_1318 = vector.broadcast %sign3A_1317 : i32 to vector<16xi32>
        %ne3A_1319 = arith.cmpi ne, %sign3A_1310, %ne3A_1318 : vector<16xi32>
        %rem3A_1320 = vector.broadcast %jit3A_1299 : i32 to vector<16xi32>
        %rem3A_1321 = arith.remsi %add3A_1273, %rem3A_1320 : vector<16xi32>
        %ne3A_1322 = arith.constant 0 : i32
        %ne3A_1323 = vector.broadcast %ne3A_1322 : i32 to vector<16xi32>
        %ne3A_1324 = arith.cmpi ne, %rem3A_1321, %ne3A_1323 : vector<16xi32>
        %and3A_1325 = arith.andi %ne3A_1319, %ne3A_1324 : vector<16xi1>
        %sub3A_1326 = arith.constant 1 : i32
        %sub3A_1327 = vector.broadcast %sub3A_1326 : i32 to vector<16xi32>
        %sub3A_1328 = arith.subi %div3A_1301, %sub3A_1327 : vector<16xi32>
        %select_n3A_1329 = arith.select %and3A_1325, %sub3A_1328, %div3A_1301 : vector<16xi1>, vector<16xi32>
        %add3A_1330 = arith.addi %mul3A_1298, %select_n3A_1329 : vector<16xi32>
        %broadcast_in_dim3A_1331 = arith.constant 0 : i32
        %broadcast_in_dim3A_1332 = vector.broadcast %broadcast_in_dim3A_1331 : i32 to vector<16xi32>
        %gather3A_1333 = arith.constant 0 : i32
        %gather3A_1334 = arith.constant 0 : i32
        %gather3A_1335 = tpu.memref_slice %run_scoped3A[%rem3A_195, %gather3A_1333, %gather3A_1334] : memref<2x1x512xi32, #tpu.memory_space<vmem>> -> memref<1x1x512xi32, #tpu.memory_space<vmem>>
        %gather3A_1336 = tpu.memref_squeeze %gather3A_1335 : memref<1x1x512xi32, #tpu.memory_space<vmem>> -> memref<1x512xi32, #tpu.memory_space<vmem>>
        %gather3A_1337 = tpu.vector_load_idx %gather3A_1336[%broadcast_in_dim3A_1332, %add3A_1330] : memref<1x512xi32, #tpu.memory_space<vmem>>[vector<16xi32>, vector<16xi32>], vector<16xi32>,
        %mul3A_1338 = arith.constant 4 : i32
        %mul3A_1339 = vector.broadcast %mul3A_1338 : i32 to vector<16xi32>
        %mul3A_1340 = arith.muli %gather3A_1337, %mul3A_1339 : vector<16xi32>
        %swap3A_1341 = arith.constant 240 : index
        %swap3A_1342 = tpu.vector_load %arg5[%swap3A_1341] {strides = array<i32>} : memref<512xi32, #tpu.memory_space<vmem>>, vector<16xi32>,
        tpu.vector_store %arg5[%swap3A_1341], %mul3A_1340 {strides = array<i32>} : memref<512xi32, #tpu.memory_space<vmem>>, vector<16xi32>,
        %add3A_1343 = arith.constant 256 : i32
        %add3A_1344 = vector.broadcast %add3A_1343 : i32 to vector<16xi32>
        %add3A_1345 = arith.addi %iota3A, %add3A_1344 : vector<16xi32>
        %jit3A_1346 = arith.constant 4 : i32
        %eq3A_1347 = arith.constant 0 : i32
        %eq3A_1348 = arith.cmpi eq, %jit3A_1346, %eq3A_1347 : i32
        %jit3A_1349 = arith.constant 1 : i32
        %select_n3A_1350 = arith.select %eq3A_1348, %jit3A_1349, %jit3A_1346 : i32
        %rem3A_1351 = vector.broadcast %select_n3A_1350 : i32 to vector<16xi32>
        %rem3A_1352 = arith.remsi %add3A_1345, %rem3A_1351 : vector<16xi32>
        %ne3A_1353 = arith.constant 0 : i32
        %ne3A_1354 = vector.broadcast %ne3A_1353 : i32 to vector<16xi32>
        %ne3A_1355 = arith.cmpi ne, %rem3A_1352, %ne3A_1354 : vector<16xi32>
        %lt3A_1356 = arith.constant 0 : i32
        %lt3A_1357 = vector.broadcast %lt3A_1356 : i32 to vector<16xi32>
        %lt3A_1358 = arith.cmpi slt, %rem3A_1352, %lt3A_1357 : vector<16xi32>
        %lt3A_1359 = arith.constant 0 : i32
        %lt3A_1360 = arith.cmpi slt, %select_n3A_1350, %lt3A_1359 : i32
        %ne3A_1361 = vector.broadcast %lt3A_1360 : i1 to vector<16xi1>
        %ne3A_1362 = vector.broadcast %ne3A_1361 : vector<16xi1> to vector<16xi1>
        %ne3A_1363 = arith.xori %lt3A_1358, %ne3A_1362 : vector<16xi1>
        %and3A_1364 = arith.andi %ne3A_1363, %ne3A_1355 : vector<16xi1>
        %add3A_1365 = vector.broadcast %select_n3A_1350 : i32 to vector<16xi32>
        %add3A_1366 = arith.addi %rem3A_1352, %add3A_1365 : vector<16xi32>
        %select_n3A_1367 = arith.select %and3A_1364, %add3A_1366, %rem3A_1352 : vector<16xi1>, vector<16xi32>
        %mul3A_1368 = arith.constant 128 : i32
        %mul3A_1369 = vector.broadcast %mul3A_1368 : i32 to vector<16xi32>
        %mul3A_1370 = arith.muli %mul3A_1369, %select_n3A_1367 : vector<16xi32>
        %jit3A_1371 = arith.constant 4 : i32
        %div3A_1372 = vector.broadcast %jit3A_1371 : i32 to vector<16xi32>
        %div3A_1373 = arith.divsi %add3A_1345, %div3A_1372 : vector<16xi32>
        %sign3A_1374 = arith.constant 0 : i32
        %sign3A_1375 = vector.broadcast %sign3A_1374 : i32 to vector<16xi32>
        %sign3A_1376 = arith.cmpi sgt, %add3A_1345, %sign3A_1375 : vector<16xi32>
        %sign3A_1377 = arith.extui %sign3A_1376 : vector<16xi1> to vector<16xi32>
        %sign3A_1378 = arith.constant 0 : i32
        %sign3A_1379 = vector.broadcast %sign3A_1378 : i32 to vector<16xi32>
        %sign3A_1380 = arith.cmpi slt, %add3A_1345, %sign3A_1379 : vector<16xi32>
        %sign3A_1381 = arith.extui %sign3A_1380 : vector<16xi1> to vector<16xi32>
        %sign3A_1382 = arith.subi %sign3A_1377, %sign3A_1381 : vector<16xi32>
        %sign3A_1383 = arith.constant 0 : i32
        %sign3A_1384 = arith.cmpi sgt, %jit3A_1371, %sign3A_1383 : i32
        %sign3A_1385 = arith.extui %sign3A_1384 : i1 to i32
        %sign3A_1386 = arith.constant 0 : i32
        %sign3A_1387 = arith.cmpi slt, %jit3A_1371, %sign3A_1386 : i32
        %sign3A_1388 = arith.extui %sign3A_1387 : i1 to i32
        %sign3A_1389 = arith.subi %sign3A_1385, %sign3A_1388 : i32
        %ne3A_1390 = vector.broadcast %sign3A_1389 : i32 to vector<16xi32>
        %ne3A_1391 = arith.cmpi ne, %sign3A_1382, %ne3A_1390 : vector<16xi32>
        %rem3A_1392 = vector.broadcast %jit3A_1371 : i32 to vector<16xi32>
        %rem3A_1393 = arith.remsi %add3A_1345, %rem3A_1392 : vector<16xi32>
        %ne3A_1394 = arith.constant 0 : i32
        %ne3A_1395 = vector.broadcast %ne3A_1394 : i32 to vector<16xi32>
        %ne3A_1396 = arith.cmpi ne, %rem3A_1393, %ne3A_1395 : vector<16xi32>
        %and3A_1397 = arith.andi %ne3A_1391, %ne3A_1396 : vector<16xi1>
        %sub3A_1398 = arith.constant 1 : i32
        %sub3A_1399 = vector.broadcast %sub3A_1398 : i32 to vector<16xi32>
        %sub3A_1400 = arith.subi %div3A_1373, %sub3A_1399 : vector<16xi32>
        %select_n3A_1401 = arith.select %and3A_1397, %sub3A_1400, %div3A_1373 : vector<16xi1>, vector<16xi32>
        %add3A_1402 = arith.addi %mul3A_1370, %select_n3A_1401 : vector<16xi32>
        %broadcast_in_dim3A_1403 = arith.constant 0 : i32
        %broadcast_in_dim3A_1404 = vector.broadcast %broadcast_in_dim3A_1403 : i32 to vector<16xi32>
        %gather3A_1405 = arith.constant 0 : i32
        %gather3A_1406 = arith.constant 0 : i32
        %gather3A_1407 = tpu.memref_slice %run_scoped3A[%rem3A_195, %gather3A_1405, %gather3A_1406] : memref<2x1x512xi32, #tpu.memory_space<vmem>> -> memref<1x1x512xi32, #tpu.memory_space<vmem>>
        %gather3A_1408 = tpu.memref_squeeze %gather3A_1407 : memref<1x1x512xi32, #tpu.memory_space<vmem>> -> memref<1x512xi32, #tpu.memory_space<vmem>>
        %gather3A_1409 = tpu.vector_load_idx %gather3A_1408[%broadcast_in_dim3A_1404, %add3A_1402] : memref<1x512xi32, #tpu.memory_space<vmem>>[vector<16xi32>, vector<16xi32>], vector<16xi32>,
        %mul3A_1410 = arith.constant 4 : i32
        %mul3A_1411 = vector.broadcast %mul3A_1410 : i32 to vector<16xi32>
        %mul3A_1412 = arith.muli %gather3A_1409, %mul3A_1411 : vector<16xi32>
        %swap3A_1413 = arith.constant 256 : index
        %swap3A_1414 = tpu.vector_load %arg5[%swap3A_1413] {strides = array<i32>} : memref<512xi32, #tpu.memory_space<vmem>>, vector<16xi32>,
        tpu.vector_store %arg5[%swap3A_1413], %mul3A_1412 {strides = array<i32>} : memref<512xi32, #tpu.memory_space<vmem>>, vector<16xi32>,
        %add3A_1415 = arith.constant 272 : i32
        %add3A_1416 = vector.broadcast %add3A_1415 : i32 to vector<16xi32>
        %add3A_1417 = arith.addi %iota3A, %add3A_1416 : vector<16xi32>
        %jit3A_1418 = arith.constant 4 : i32
        %eq3A_1419 = arith.constant 0 : i32
        %eq3A_1420 = arith.cmpi eq, %jit3A_1418, %eq3A_1419 : i32
        %jit3A_1421 = arith.constant 1 : i32
        %select_n3A_1422 = arith.select %eq3A_1420, %jit3A_1421, %jit3A_1418 : i32
        %rem3A_1423 = vector.broadcast %select_n3A_1422 : i32 to vector<16xi32>
        %rem3A_1424 = arith.remsi %add3A_1417, %rem3A_1423 : vector<16xi32>
        %ne3A_1425 = arith.constant 0 : i32
        %ne3A_1426 = vector.broadcast %ne3A_1425 : i32 to vector<16xi32>
        %ne3A_1427 = arith.cmpi ne, %rem3A_1424, %ne3A_1426 : vector<16xi32>
        %lt3A_1428 = arith.constant 0 : i32
        %lt3A_1429 = vector.broadcast %lt3A_1428 : i32 to vector<16xi32>
        %lt3A_1430 = arith.cmpi slt, %rem3A_1424, %lt3A_1429 : vector<16xi32>
        %lt3A_1431 = arith.constant 0 : i32
        %lt3A_1432 = arith.cmpi slt, %select_n3A_1422, %lt3A_1431 : i32
        %ne3A_1433 = vector.broadcast %lt3A_1432 : i1 to vector<16xi1>
        %ne3A_1434 = vector.broadcast %ne3A_1433 : vector<16xi1> to vector<16xi1>
        %ne3A_1435 = arith.xori %lt3A_1430, %ne3A_1434 : vector<16xi1>
        %and3A_1436 = arith.andi %ne3A_1435, %ne3A_1427 : vector<16xi1>
        %add3A_1437 = vector.broadcast %select_n3A_1422 : i32 to vector<16xi32>
        %add3A_1438 = arith.addi %rem3A_1424, %add3A_1437 : vector<16xi32>
        %select_n3A_1439 = arith.select %and3A_1436, %add3A_1438, %rem3A_1424 : vector<16xi1>, vector<16xi32>
        %mul3A_1440 = arith.constant 128 : i32
        %mul3A_1441 = vector.broadcast %mul3A_1440 : i32 to vector<16xi32>
        %mul3A_1442 = arith.muli %mul3A_1441, %select_n3A_1439 : vector<16xi32>
        %jit3A_1443 = arith.constant 4 : i32
        %div3A_1444 = vector.broadcast %jit3A_1443 : i32 to vector<16xi32>
        %div3A_1445 = arith.divsi %add3A_1417, %div3A_1444 : vector<16xi32>
        %sign3A_1446 = arith.constant 0 : i32
        %sign3A_1447 = vector.broadcast %sign3A_1446 : i32 to vector<16xi32>
        %sign3A_1448 = arith.cmpi sgt, %add3A_1417, %sign3A_1447 : vector<16xi32>
        %sign3A_1449 = arith.extui %sign3A_1448 : vector<16xi1> to vector<16xi32>
        %sign3A_1450 = arith.constant 0 : i32
        %sign3A_1451 = vector.broadcast %sign3A_1450 : i32 to vector<16xi32>
        %sign3A_1452 = arith.cmpi slt, %add3A_1417, %sign3A_1451 : vector<16xi32>
        %sign3A_1453 = arith.extui %sign3A_1452 : vector<16xi1> to vector<16xi32>
        %sign3A_1454 = arith.subi %sign3A_1449, %sign3A_1453 : vector<16xi32>
        %sign3A_1455 = arith.constant 0 : i32
        %sign3A_1456 = arith.cmpi sgt, %jit3A_1443, %sign3A_1455 : i32
        %sign3A_1457 = arith.extui %sign3A_1456 : i1 to i32
        %sign3A_1458 = arith.constant 0 : i32
        %sign3A_1459 = arith.cmpi slt, %jit3A_1443, %sign3A_1458 : i32
        %sign3A_1460 = arith.extui %sign3A_1459 : i1 to i32
        %sign3A_1461 = arith.subi %sign3A_1457, %sign3A_1460 : i32
        %ne3A_1462 = vector.broadcast %sign3A_1461 : i32 to vector<16xi32>
        %ne3A_1463 = arith.cmpi ne, %sign3A_1454, %ne3A_1462 : vector<16xi32>
        %rem3A_1464 = vector.broadcast %jit3A_1443 : i32 to vector<16xi32>
        %rem3A_1465 = arith.remsi %add3A_1417, %rem3A_1464 : vector<16xi32>
        %ne3A_1466 = arith.constant 0 : i32
        %ne3A_1467 = vector.broadcast %ne3A_1466 : i32 to vector<16xi32>
        %ne3A_1468 = arith.cmpi ne, %rem3A_1465, %ne3A_1467 : vector<16xi32>
        %and3A_1469 = arith.andi %ne3A_1463, %ne3A_1468 : vector<16xi1>
        %sub3A_1470 = arith.constant 1 : i32
        %sub3A_1471 = vector.broadcast %sub3A_1470 : i32 to vector<16xi32>
        %sub3A_1472 = arith.subi %div3A_1445, %sub3A_1471 : vector<16xi32>
        %select_n3A_1473 = arith.select %and3A_1469, %sub3A_1472, %div3A_1445 : vector<16xi1>, vector<16xi32>
        %add3A_1474 = arith.addi %mul3A_1442, %select_n3A_1473 : vector<16xi32>
        %broadcast_in_dim3A_1475 = arith.constant 0 : i32
        %broadcast_in_dim3A_1476 = vector.broadcast %broadcast_in_dim3A_1475 : i32 to vector<16xi32>
        %gather3A_1477 = arith.constant 0 : i32
        %gather3A_1478 = arith.constant 0 : i32
        %gather3A_1479 = tpu.memref_slice %run_scoped3A[%rem3A_195, %gather3A_1477, %gather3A_1478] : memref<2x1x512xi32, #tpu.memory_space<vmem>> -> memref<1x1x512xi32, #tpu.memory_space<vmem>>
        %gather3A_1480 = tpu.memref_squeeze %gather3A_1479 : memref<1x1x512xi32, #tpu.memory_space<vmem>> -> memref<1x512xi32, #tpu.memory_space<vmem>>
        %gather3A_1481 = tpu.vector_load_idx %gather3A_1480[%broadcast_in_dim3A_1476, %add3A_1474] : memref<1x512xi32, #tpu.memory_space<vmem>>[vector<16xi32>, vector<16xi32>], vector<16xi32>,
        %mul3A_1482 = arith.constant 4 : i32
        %mul3A_1483 = vector.broadcast %mul3A_1482 : i32 to vector<16xi32>
        %mul3A_1484 = arith.muli %gather3A_1481, %mul3A_1483 : vector<16xi32>
        %swap3A_1485 = arith.constant 272 : index
        %swap3A_1486 = tpu.vector_load %arg5[%swap3A_1485] {strides = array<i32>} : memref<512xi32, #tpu.memory_space<vmem>>, vector<16xi32>,
        tpu.vector_store %arg5[%swap3A_1485], %mul3A_1484 {strides = array<i32>} : memref<512xi32, #tpu.memory_space<vmem>>, vector<16xi32>,
        %add3A_1487 = arith.constant 288 : i32
        %add3A_1488 = vector.broadcast %add3A_1487 : i32 to vector<16xi32>
        %add3A_1489 = arith.addi %iota3A, %add3A_1488 : vector<16xi32>
        %jit3A_1490 = arith.constant 4 : i32
        %eq3A_1491 = arith.constant 0 : i32
        %eq3A_1492 = arith.cmpi eq, %jit3A_1490, %eq3A_1491 : i32
        %jit3A_1493 = arith.constant 1 : i32
        %select_n3A_1494 = arith.select %eq3A_1492, %jit3A_1493, %jit3A_1490 : i32
        %rem3A_1495 = vector.broadcast %select_n3A_1494 : i32 to vector<16xi32>
        %rem3A_1496 = arith.remsi %add3A_1489, %rem3A_1495 : vector<16xi32>
        %ne3A_1497 = arith.constant 0 : i32
        %ne3A_1498 = vector.broadcast %ne3A_1497 : i32 to vector<16xi32>
        %ne3A_1499 = arith.cmpi ne, %rem3A_1496, %ne3A_1498 : vector<16xi32>
        %lt3A_1500 = arith.constant 0 : i32
        %lt3A_1501 = vector.broadcast %lt3A_1500 : i32 to vector<16xi32>
        %lt3A_1502 = arith.cmpi slt, %rem3A_1496, %lt3A_1501 : vector<16xi32>
        %lt3A_1503 = arith.constant 0 : i32
        %lt3A_1504 = arith.cmpi slt, %select_n3A_1494, %lt3A_1503 : i32
        %ne3A_1505 = vector.broadcast %lt3A_1504 : i1 to vector<16xi1>
        %ne3A_1506 = vector.broadcast %ne3A_1505 : vector<16xi1> to vector<16xi1>
        %ne3A_1507 = arith.xori %lt3A_1502, %ne3A_1506 : vector<16xi1>
        %and3A_1508 = arith.andi %ne3A_1507, %ne3A_1499 : vector<16xi1>
        %add3A_1509 = vector.broadcast %select_n3A_1494 : i32 to vector<16xi32>
        %add3A_1510 = arith.addi %rem3A_1496, %add3A_1509 : vector<16xi32>
        %select_n3A_1511 = arith.select %and3A_1508, %add3A_1510, %rem3A_1496 : vector<16xi1>, vector<16xi32>
        %mul3A_1512 = arith.constant 128 : i32
        %mul3A_1513 = vector.broadcast %mul3A_1512 : i32 to vector<16xi32>
        %mul3A_1514 = arith.muli %mul3A_1513, %select_n3A_1511 : vector<16xi32>
        %jit3A_1515 = arith.constant 4 : i32
        %div3A_1516 = vector.broadcast %jit3A_1515 : i32 to vector<16xi32>
        %div3A_1517 = arith.divsi %add3A_1489, %div3A_1516 : vector<16xi32>
        %sign3A_1518 = arith.constant 0 : i32
        %sign3A_1519 = vector.broadcast %sign3A_1518 : i32 to vector<16xi32>
        %sign3A_1520 = arith.cmpi sgt, %add3A_1489, %sign3A_1519 : vector<16xi32>
        %sign3A_1521 = arith.extui %sign3A_1520 : vector<16xi1> to vector<16xi32>
        %sign3A_1522 = arith.constant 0 : i32
        %sign3A_1523 = vector.broadcast %sign3A_1522 : i32 to vector<16xi32>
        %sign3A_1524 = arith.cmpi slt, %add3A_1489, %sign3A_1523 : vector<16xi32>
        %sign3A_1525 = arith.extui %sign3A_1524 : vector<16xi1> to vector<16xi32>
        %sign3A_1526 = arith.subi %sign3A_1521, %sign3A_1525 : vector<16xi32>
        %sign3A_1527 = arith.constant 0 : i32
        %sign3A_1528 = arith.cmpi sgt, %jit3A_1515, %sign3A_1527 : i32
        %sign3A_1529 = arith.extui %sign3A_1528 : i1 to i32
        %sign3A_1530 = arith.constant 0 : i32
        %sign3A_1531 = arith.cmpi slt, %jit3A_1515, %sign3A_1530 : i32
        %sign3A_1532 = arith.extui %sign3A_1531 : i1 to i32
        %sign3A_1533 = arith.subi %sign3A_1529, %sign3A_1532 : i32
        %ne3A_1534 = vector.broadcast %sign3A_1533 : i32 to vector<16xi32>
        %ne3A_1535 = arith.cmpi ne, %sign3A_1526, %ne3A_1534 : vector<16xi32>
        %rem3A_1536 = vector.broadcast %jit3A_1515 : i32 to vector<16xi32>
        %rem3A_1537 = arith.remsi %add3A_1489, %rem3A_1536 : vector<16xi32>
        %ne3A_1538 = arith.constant 0 : i32
        %ne3A_1539 = vector.broadcast %ne3A_1538 : i32 to vector<16xi32>
        %ne3A_1540 = arith.cmpi ne, %rem3A_1537, %ne3A_1539 : vector<16xi32>
        %and3A_1541 = arith.andi %ne3A_1535, %ne3A_1540 : vector<16xi1>
        %sub3A_1542 = arith.constant 1 : i32
        %sub3A_1543 = vector.broadcast %sub3A_1542 : i32 to vector<16xi32>
        %sub3A_1544 = arith.subi %div3A_1517, %sub3A_1543 : vector<16xi32>
        %select_n3A_1545 = arith.select %and3A_1541, %sub3A_1544, %div3A_1517 : vector<16xi1>, vector<16xi32>
        %add3A_1546 = arith.addi %mul3A_1514, %select_n3A_1545 : vector<16xi32>
        %broadcast_in_dim3A_1547 = arith.constant 0 : i32
        %broadcast_in_dim3A_1548 = vector.broadcast %broadcast_in_dim3A_1547 : i32 to vector<16xi32>
        %gather3A_1549 = arith.constant 0 : i32
        %gather3A_1550 = arith.constant 0 : i32
        %gather3A_1551 = tpu.memref_slice %run_scoped3A[%rem3A_195, %gather3A_1549, %gather3A_1550] : memref<2x1x512xi32, #tpu.memory_space<vmem>> -> memref<1x1x512xi32, #tpu.memory_space<vmem>>
        %gather3A_1552 = tpu.memref_squeeze %gather3A_1551 : memref<1x1x512xi32, #tpu.memory_space<vmem>> -> memref<1x512xi32, #tpu.memory_space<vmem>>
        %gather3A_1553 = tpu.vector_load_idx %gather3A_1552[%broadcast_in_dim3A_1548, %add3A_1546] : memref<1x512xi32, #tpu.memory_space<vmem>>[vector<16xi32>, vector<16xi32>], vector<16xi32>,
        %mul3A_1554 = arith.constant 4 : i32
        %mul3A_1555 = vector.broadcast %mul3A_1554 : i32 to vector<16xi32>
        %mul3A_1556 = arith.muli %gather3A_1553, %mul3A_1555 : vector<16xi32>
        %swap3A_1557 = arith.constant 288 : index
        %swap3A_1558 = tpu.vector_load %arg5[%swap3A_1557] {strides = array<i32>} : memref<512xi32, #tpu.memory_space<vmem>>, vector<16xi32>,
        tpu.vector_store %arg5[%swap3A_1557], %mul3A_1556 {strides = array<i32>} : memref<512xi32, #tpu.memory_space<vmem>>, vector<16xi32>,
        %add3A_1559 = arith.constant 304 : i32
        %add3A_1560 = vector.broadcast %add3A_1559 : i32 to vector<16xi32>
        %add3A_1561 = arith.addi %iota3A, %add3A_1560 : vector<16xi32>
        %jit3A_1562 = arith.constant 4 : i32
        %eq3A_1563 = arith.constant 0 : i32
        %eq3A_1564 = arith.cmpi eq, %jit3A_1562, %eq3A_1563 : i32
        %jit3A_1565 = arith.constant 1 : i32
        %select_n3A_1566 = arith.select %eq3A_1564, %jit3A_1565, %jit3A_1562 : i32
        %rem3A_1567 = vector.broadcast %select_n3A_1566 : i32 to vector<16xi32>
        %rem3A_1568 = arith.remsi %add3A_1561, %rem3A_1567 : vector<16xi32>
        %ne3A_1569 = arith.constant 0 : i32
        %ne3A_1570 = vector.broadcast %ne3A_1569 : i32 to vector<16xi32>
        %ne3A_1571 = arith.cmpi ne, %rem3A_1568, %ne3A_1570 : vector<16xi32>
        %lt3A_1572 = arith.constant 0 : i32
        %lt3A_1573 = vector.broadcast %lt3A_1572 : i32 to vector<16xi32>
        %lt3A_1574 = arith.cmpi slt, %rem3A_1568, %lt3A_1573 : vector<16xi32>
        %lt3A_1575 = arith.constant 0 : i32
        %lt3A_1576 = arith.cmpi slt, %select_n3A_1566, %lt3A_1575 : i32
        %ne3A_1577 = vector.broadcast %lt3A_1576 : i1 to vector<16xi1>
        %ne3A_1578 = vector.broadcast %ne3A_1577 : vector<16xi1> to vector<16xi1>
        %ne3A_1579 = arith.xori %lt3A_1574, %ne3A_1578 : vector<16xi1>
        %and3A_1580 = arith.andi %ne3A_1579, %ne3A_1571 : vector<16xi1>
        %add3A_1581 = vector.broadcast %select_n3A_1566 : i32 to vector<16xi32>
        %add3A_1582 = arith.addi %rem3A_1568, %add3A_1581 : vector<16xi32>
        %select_n3A_1583 = arith.select %and3A_1580, %add3A_1582, %rem3A_1568 : vector<16xi1>, vector<16xi32>
        %mul3A_1584 = arith.constant 128 : i32
        %mul3A_1585 = vector.broadcast %mul3A_1584 : i32 to vector<16xi32>
        %mul3A_1586 = arith.muli %mul3A_1585, %select_n3A_1583 : vector<16xi32>
        %jit3A_1587 = arith.constant 4 : i32
        %div3A_1588 = vector.broadcast %jit3A_1587 : i32 to vector<16xi32>
        %div3A_1589 = arith.divsi %add3A_1561, %div3A_1588 : vector<16xi32>
        %sign3A_1590 = arith.constant 0 : i32
        %sign3A_1591 = vector.broadcast %sign3A_1590 : i32 to vector<16xi32>
        %sign3A_1592 = arith.cmpi sgt, %add3A_1561, %sign3A_1591 : vector<16xi32>
        %sign3A_1593 = arith.extui %sign3A_1592 : vector<16xi1> to vector<16xi32>
        %sign3A_1594 = arith.constant 0 : i32
        %sign3A_1595 = vector.broadcast %sign3A_1594 : i32 to vector<16xi32>
        %sign3A_1596 = arith.cmpi slt, %add3A_1561, %sign3A_1595 : vector<16xi32>
        %sign3A_1597 = arith.extui %sign3A_1596 : vector<16xi1> to vector<16xi32>
        %sign3A_1598 = arith.subi %sign3A_1593, %sign3A_1597 : vector<16xi32>
        %sign3A_1599 = arith.constant 0 : i32
        %sign3A_1600 = arith.cmpi sgt, %jit3A_1587, %sign3A_1599 : i32
        %sign3A_1601 = arith.extui %sign3A_1600 : i1 to i32
        %sign3A_1602 = arith.constant 0 : i32
        %sign3A_1603 = arith.cmpi slt, %jit3A_1587, %sign3A_1602 : i32
        %sign3A_1604 = arith.extui %sign3A_1603 : i1 to i32
        %sign3A_1605 = arith.subi %sign3A_1601, %sign3A_1604 : i32
        %ne3A_1606 = vector.broadcast %sign3A_1605 : i32 to vector<16xi32>
        %ne3A_1607 = arith.cmpi ne, %sign3A_1598, %ne3A_1606 : vector<16xi32>
        %rem3A_1608 = vector.broadcast %jit3A_1587 : i32 to vector<16xi32>
        %rem3A_1609 = arith.remsi %add3A_1561, %rem3A_1608 : vector<16xi32>
        %ne3A_1610 = arith.constant 0 : i32
        %ne3A_1611 = vector.broadcast %ne3A_1610 : i32 to vector<16xi32>
        %ne3A_1612 = arith.cmpi ne, %rem3A_1609, %ne3A_1611 : vector<16xi32>
        %and3A_1613 = arith.andi %ne3A_1607, %ne3A_1612 : vector<16xi1>
        %sub3A_1614 = arith.constant 1 : i32
        %sub3A_1615 = vector.broadcast %sub3A_1614 : i32 to vector<16xi32>
        %sub3A_1616 = arith.subi %div3A_1589, %sub3A_1615 : vector<16xi32>
        %select_n3A_1617 = arith.select %and3A_1613, %sub3A_1616, %div3A_1589 : vector<16xi1>, vector<16xi32>
        %add3A_1618 = arith.addi %mul3A_1586, %select_n3A_1617 : vector<16xi32>
        %broadcast_in_dim3A_1619 = arith.constant 0 : i32
        %broadcast_in_dim3A_1620 = vector.broadcast %broadcast_in_dim3A_1619 : i32 to vector<16xi32>
        %gather3A_1621 = arith.constant 0 : i32
        %gather3A_1622 = arith.constant 0 : i32
        %gather3A_1623 = tpu.memref_slice %run_scoped3A[%rem3A_195, %gather3A_1621, %gather3A_1622] : memref<2x1x512xi32, #tpu.memory_space<vmem>> -> memref<1x1x512xi32, #tpu.memory_space<vmem>>
        %gather3A_1624 = tpu.memref_squeeze %gather3A_1623 : memref<1x1x512xi32, #tpu.memory_space<vmem>> -> memref<1x512xi32, #tpu.memory_space<vmem>>
        %gather3A_1625 = tpu.vector_load_idx %gather3A_1624[%broadcast_in_dim3A_1620, %add3A_1618] : memref<1x512xi32, #tpu.memory_space<vmem>>[vector<16xi32>, vector<16xi32>], vector<16xi32>,
        %mul3A_1626 = arith.constant 4 : i32
        %mul3A_1627 = vector.broadcast %mul3A_1626 : i32 to vector<16xi32>
        %mul3A_1628 = arith.muli %gather3A_1625, %mul3A_1627 : vector<16xi32>
        %swap3A_1629 = arith.constant 304 : index
        %swap3A_1630 = tpu.vector_load %arg5[%swap3A_1629] {strides = array<i32>} : memref<512xi32, #tpu.memory_space<vmem>>, vector<16xi32>,
        tpu.vector_store %arg5[%swap3A_1629], %mul3A_1628 {strides = array<i32>} : memref<512xi32, #tpu.memory_space<vmem>>, vector<16xi32>,
        %add3A_1631 = arith.constant 320 : i32
        %add3A_1632 = vector.broadcast %add3A_1631 : i32 to vector<16xi32>
        %add3A_1633 = arith.addi %iota3A, %add3A_1632 : vector<16xi32>
        %jit3A_1634 = arith.constant 4 : i32
        %eq3A_1635 = arith.constant 0 : i32
        %eq3A_1636 = arith.cmpi eq, %jit3A_1634, %eq3A_1635 : i32
        %jit3A_1637 = arith.constant 1 : i32
        %select_n3A_1638 = arith.select %eq3A_1636, %jit3A_1637, %jit3A_1634 : i32
        %rem3A_1639 = vector.broadcast %select_n3A_1638 : i32 to vector<16xi32>
        %rem3A_1640 = arith.remsi %add3A_1633, %rem3A_1639 : vector<16xi32>
        %ne3A_1641 = arith.constant 0 : i32
        %ne3A_1642 = vector.broadcast %ne3A_1641 : i32 to vector<16xi32>
        %ne3A_1643 = arith.cmpi ne, %rem3A_1640, %ne3A_1642 : vector<16xi32>
        %lt3A_1644 = arith.constant 0 : i32
        %lt3A_1645 = vector.broadcast %lt3A_1644 : i32 to vector<16xi32>
        %lt3A_1646 = arith.cmpi slt, %rem3A_1640, %lt3A_1645 : vector<16xi32>
        %lt3A_1647 = arith.constant 0 : i32
        %lt3A_1648 = arith.cmpi slt, %select_n3A_1638, %lt3A_1647 : i32
        %ne3A_1649 = vector.broadcast %lt3A_1648 : i1 to vector<16xi1>
        %ne3A_1650 = vector.broadcast %ne3A_1649 : vector<16xi1> to vector<16xi1>
        %ne3A_1651 = arith.xori %lt3A_1646, %ne3A_1650 : vector<16xi1>
        %and3A_1652 = arith.andi %ne3A_1651, %ne3A_1643 : vector<16xi1>
        %add3A_1653 = vector.broadcast %select_n3A_1638 : i32 to vector<16xi32>
        %add3A_1654 = arith.addi %rem3A_1640, %add3A_1653 : vector<16xi32>
        %select_n3A_1655 = arith.select %and3A_1652, %add3A_1654, %rem3A_1640 : vector<16xi1>, vector<16xi32>
        %mul3A_1656 = arith.constant 128 : i32
        %mul3A_1657 = vector.broadcast %mul3A_1656 : i32 to vector<16xi32>
        %mul3A_1658 = arith.muli %mul3A_1657, %select_n3A_1655 : vector<16xi32>
        %jit3A_1659 = arith.constant 4 : i32
        %div3A_1660 = vector.broadcast %jit3A_1659 : i32 to vector<16xi32>
        %div3A_1661 = arith.divsi %add3A_1633, %div3A_1660 : vector<16xi32>
        %sign3A_1662 = arith.constant 0 : i32
        %sign3A_1663 = vector.broadcast %sign3A_1662 : i32 to vector<16xi32>
        %sign3A_1664 = arith.cmpi sgt, %add3A_1633, %sign3A_1663 : vector<16xi32>
        %sign3A_1665 = arith.extui %sign3A_1664 : vector<16xi1> to vector<16xi32>
        %sign3A_1666 = arith.constant 0 : i32
        %sign3A_1667 = vector.broadcast %sign3A_1666 : i32 to vector<16xi32>
        %sign3A_1668 = arith.cmpi slt, %add3A_1633, %sign3A_1667 : vector<16xi32>
        %sign3A_1669 = arith.extui %sign3A_1668 : vector<16xi1> to vector<16xi32>
        %sign3A_1670 = arith.subi %sign3A_1665, %sign3A_1669 : vector<16xi32>
        %sign3A_1671 = arith.constant 0 : i32
        %sign3A_1672 = arith.cmpi sgt, %jit3A_1659, %sign3A_1671 : i32
        %sign3A_1673 = arith.extui %sign3A_1672 : i1 to i32
        %sign3A_1674 = arith.constant 0 : i32
        %sign3A_1675 = arith.cmpi slt, %jit3A_1659, %sign3A_1674 : i32
        %sign3A_1676 = arith.extui %sign3A_1675 : i1 to i32
        %sign3A_1677 = arith.subi %sign3A_1673, %sign3A_1676 : i32
        %ne3A_1678 = vector.broadcast %sign3A_1677 : i32 to vector<16xi32>
        %ne3A_1679 = arith.cmpi ne, %sign3A_1670, %ne3A_1678 : vector<16xi32>
        %rem3A_1680 = vector.broadcast %jit3A_1659 : i32 to vector<16xi32>
        %rem3A_1681 = arith.remsi %add3A_1633, %rem3A_1680 : vector<16xi32>
        %ne3A_1682 = arith.constant 0 : i32
        %ne3A_1683 = vector.broadcast %ne3A_1682 : i32 to vector<16xi32>
        %ne3A_1684 = arith.cmpi ne, %rem3A_1681, %ne3A_1683 : vector<16xi32>
        %and3A_1685 = arith.andi %ne3A_1679, %ne3A_1684 : vector<16xi1>
        %sub3A_1686 = arith.constant 1 : i32
        %sub3A_1687 = vector.broadcast %sub3A_1686 : i32 to vector<16xi32>
        %sub3A_1688 = arith.subi %div3A_1661, %sub3A_1687 : vector<16xi32>
        %select_n3A_1689 = arith.select %and3A_1685, %sub3A_1688, %div3A_1661 : vector<16xi1>, vector<16xi32>
        %add3A_1690 = arith.addi %mul3A_1658, %select_n3A_1689 : vector<16xi32>
        %broadcast_in_dim3A_1691 = arith.constant 0 : i32
        %broadcast_in_dim3A_1692 = vector.broadcast %broadcast_in_dim3A_1691 : i32 to vector<16xi32>
        %gather3A_1693 = arith.constant 0 : i32
        %gather3A_1694 = arith.constant 0 : i32
        %gather3A_1695 = tpu.memref_slice %run_scoped3A[%rem3A_195, %gather3A_1693, %gather3A_1694] : memref<2x1x512xi32, #tpu.memory_space<vmem>> -> memref<1x1x512xi32, #tpu.memory_space<vmem>>
        %gather3A_1696 = tpu.memref_squeeze %gather3A_1695 : memref<1x1x512xi32, #tpu.memory_space<vmem>> -> memref<1x512xi32, #tpu.memory_space<vmem>>
        %gather3A_1697 = tpu.vector_load_idx %gather3A_1696[%broadcast_in_dim3A_1692, %add3A_1690] : memref<1x512xi32, #tpu.memory_space<vmem>>[vector<16xi32>, vector<16xi32>], vector<16xi32>,
        %mul3A_1698 = arith.constant 4 : i32
        %mul3A_1699 = vector.broadcast %mul3A_1698 : i32 to vector<16xi32>
        %mul3A_1700 = arith.muli %gather3A_1697, %mul3A_1699 : vector<16xi32>
        %swap3A_1701 = arith.constant 320 : index
        %swap3A_1702 = tpu.vector_load %arg5[%swap3A_1701] {strides = array<i32>} : memref<512xi32, #tpu.memory_space<vmem>>, vector<16xi32>,
        tpu.vector_store %arg5[%swap3A_1701], %mul3A_1700 {strides = array<i32>} : memref<512xi32, #tpu.memory_space<vmem>>, vector<16xi32>,
        %add3A_1703 = arith.constant 336 : i32
        %add3A_1704 = vector.broadcast %add3A_1703 : i32 to vector<16xi32>
        %add3A_1705 = arith.addi %iota3A, %add3A_1704 : vector<16xi32>
        %jit3A_1706 = arith.constant 4 : i32
        %eq3A_1707 = arith.constant 0 : i32
        %eq3A_1708 = arith.cmpi eq, %jit3A_1706, %eq3A_1707 : i32
        %jit3A_1709 = arith.constant 1 : i32
        %select_n3A_1710 = arith.select %eq3A_1708, %jit3A_1709, %jit3A_1706 : i32
        %rem3A_1711 = vector.broadcast %select_n3A_1710 : i32 to vector<16xi32>
        %rem3A_1712 = arith.remsi %add3A_1705, %rem3A_1711 : vector<16xi32>
        %ne3A_1713 = arith.constant 0 : i32
        %ne3A_1714 = vector.broadcast %ne3A_1713 : i32 to vector<16xi32>
        %ne3A_1715 = arith.cmpi ne, %rem3A_1712, %ne3A_1714 : vector<16xi32>
        %lt3A_1716 = arith.constant 0 : i32
        %lt3A_1717 = vector.broadcast %lt3A_1716 : i32 to vector<16xi32>
        %lt3A_1718 = arith.cmpi slt, %rem3A_1712, %lt3A_1717 : vector<16xi32>
        %lt3A_1719 = arith.constant 0 : i32
        %lt3A_1720 = arith.cmpi slt, %select_n3A_1710, %lt3A_1719 : i32
        %ne3A_1721 = vector.broadcast %lt3A_1720 : i1 to vector<16xi1>
        %ne3A_1722 = vector.broadcast %ne3A_1721 : vector<16xi1> to vector<16xi1>
        %ne3A_1723 = arith.xori %lt3A_1718, %ne3A_1722 : vector<16xi1>
        %and3A_1724 = arith.andi %ne3A_1723, %ne3A_1715 : vector<16xi1>
        %add3A_1725 = vector.broadcast %select_n3A_1710 : i32 to vector<16xi32>
        %add3A_1726 = arith.addi %rem3A_1712, %add3A_1725 : vector<16xi32>
        %select_n3A_1727 = arith.select %and3A_1724, %add3A_1726, %rem3A_1712 : vector<16xi1>, vector<16xi32>
        %mul3A_1728 = arith.constant 128 : i32
        %mul3A_1729 = vector.broadcast %mul3A_1728 : i32 to vector<16xi32>
        %mul3A_1730 = arith.muli %mul3A_1729, %select_n3A_1727 : vector<16xi32>
        %jit3A_1731 = arith.constant 4 : i32
        %div3A_1732 = vector.broadcast %jit3A_1731 : i32 to vector<16xi32>
        %div3A_1733 = arith.divsi %add3A_1705, %div3A_1732 : vector<16xi32>
        %sign3A_1734 = arith.constant 0 : i32
        %sign3A_1735 = vector.broadcast %sign3A_1734 : i32 to vector<16xi32>
        %sign3A_1736 = arith.cmpi sgt, %add3A_1705, %sign3A_1735 : vector<16xi32>
        %sign3A_1737 = arith.extui %sign3A_1736 : vector<16xi1> to vector<16xi32>
        %sign3A_1738 = arith.constant 0 : i32
        %sign3A_1739 = vector.broadcast %sign3A_1738 : i32 to vector<16xi32>
        %sign3A_1740 = arith.cmpi slt, %add3A_1705, %sign3A_1739 : vector<16xi32>
        %sign3A_1741 = arith.extui %sign3A_1740 : vector<16xi1> to vector<16xi32>
        %sign3A_1742 = arith.subi %sign3A_1737, %sign3A_1741 : vector<16xi32>
        %sign3A_1743 = arith.constant 0 : i32
        %sign3A_1744 = arith.cmpi sgt, %jit3A_1731, %sign3A_1743 : i32
        %sign3A_1745 = arith.extui %sign3A_1744 : i1 to i32
        %sign3A_1746 = arith.constant 0 : i32
        %sign3A_1747 = arith.cmpi slt, %jit3A_1731, %sign3A_1746 : i32
        %sign3A_1748 = arith.extui %sign3A_1747 : i1 to i32
        %sign3A_1749 = arith.subi %sign3A_1745, %sign3A_1748 : i32
        %ne3A_1750 = vector.broadcast %sign3A_1749 : i32 to vector<16xi32>
        %ne3A_1751 = arith.cmpi ne, %sign3A_1742, %ne3A_1750 : vector<16xi32>
        %rem3A_1752 = vector.broadcast %jit3A_1731 : i32 to vector<16xi32>
        %rem3A_1753 = arith.remsi %add3A_1705, %rem3A_1752 : vector<16xi32>
        %ne3A_1754 = arith.constant 0 : i32
        %ne3A_1755 = vector.broadcast %ne3A_1754 : i32 to vector<16xi32>
        %ne3A_1756 = arith.cmpi ne, %rem3A_1753, %ne3A_1755 : vector<16xi32>
        %and3A_1757 = arith.andi %ne3A_1751, %ne3A_1756 : vector<16xi1>
        %sub3A_1758 = arith.constant 1 : i32
        %sub3A_1759 = vector.broadcast %sub3A_1758 : i32 to vector<16xi32>
        %sub3A_1760 = arith.subi %div3A_1733, %sub3A_1759 : vector<16xi32>
        %select_n3A_1761 = arith.select %and3A_1757, %sub3A_1760, %div3A_1733 : vector<16xi1>, vector<16xi32>
        %add3A_1762 = arith.addi %mul3A_1730, %select_n3A_1761 : vector<16xi32>
        %broadcast_in_dim3A_1763 = arith.constant 0 : i32
        %broadcast_in_dim3A_1764 = vector.broadcast %broadcast_in_dim3A_1763 : i32 to vector<16xi32>
        %gather3A_1765 = arith.constant 0 : i32
        %gather3A_1766 = arith.constant 0 : i32
        %gather3A_1767 = tpu.memref_slice %run_scoped3A[%rem3A_195, %gather3A_1765, %gather3A_1766] : memref<2x1x512xi32, #tpu.memory_space<vmem>> -> memref<1x1x512xi32, #tpu.memory_space<vmem>>
        %gather3A_1768 = tpu.memref_squeeze %gather3A_1767 : memref<1x1x512xi32, #tpu.memory_space<vmem>> -> memref<1x512xi32, #tpu.memory_space<vmem>>
        %gather3A_1769 = tpu.vector_load_idx %gather3A_1768[%broadcast_in_dim3A_1764, %add3A_1762] : memref<1x512xi32, #tpu.memory_space<vmem>>[vector<16xi32>, vector<16xi32>], vector<16xi32>,
        %mul3A_1770 = arith.constant 4 : i32
        %mul3A_1771 = vector.broadcast %mul3A_1770 : i32 to vector<16xi32>
        %mul3A_1772 = arith.muli %gather3A_1769, %mul3A_1771 : vector<16xi32>
        %swap3A_1773 = arith.constant 336 : index
        %swap3A_1774 = tpu.vector_load %arg5[%swap3A_1773] {strides = array<i32>} : memref<512xi32, #tpu.memory_space<vmem>>, vector<16xi32>,
        tpu.vector_store %arg5[%swap3A_1773], %mul3A_1772 {strides = array<i32>} : memref<512xi32, #tpu.memory_space<vmem>>, vector<16xi32>,
        %add3A_1775 = arith.constant 352 : i32
        %add3A_1776 = vector.broadcast %add3A_1775 : i32 to vector<16xi32>
        %add3A_1777 = arith.addi %iota3A, %add3A_1776 : vector<16xi32>
        %jit3A_1778 = arith.constant 4 : i32
        %eq3A_1779 = arith.constant 0 : i32
        %eq3A_1780 = arith.cmpi eq, %jit3A_1778, %eq3A_1779 : i32
        %jit3A_1781 = arith.constant 1 : i32
        %select_n3A_1782 = arith.select %eq3A_1780, %jit3A_1781, %jit3A_1778 : i32
        %rem3A_1783 = vector.broadcast %select_n3A_1782 : i32 to vector<16xi32>
        %rem3A_1784 = arith.remsi %add3A_1777, %rem3A_1783 : vector<16xi32>
        %ne3A_1785 = arith.constant 0 : i32
        %ne3A_1786 = vector.broadcast %ne3A_1785 : i32 to vector<16xi32>
        %ne3A_1787 = arith.cmpi ne, %rem3A_1784, %ne3A_1786 : vector<16xi32>
        %lt3A_1788 = arith.constant 0 : i32
        %lt3A_1789 = vector.broadcast %lt3A_1788 : i32 to vector<16xi32>
        %lt3A_1790 = arith.cmpi slt, %rem3A_1784, %lt3A_1789 : vector<16xi32>
        %lt3A_1791 = arith.constant 0 : i32
        %lt3A_1792 = arith.cmpi slt, %select_n3A_1782, %lt3A_1791 : i32
        %ne3A_1793 = vector.broadcast %lt3A_1792 : i1 to vector<16xi1>
        %ne3A_1794 = vector.broadcast %ne3A_1793 : vector<16xi1> to vector<16xi1>
        %ne3A_1795 = arith.xori %lt3A_1790, %ne3A_1794 : vector<16xi1>
        %and3A_1796 = arith.andi %ne3A_1795, %ne3A_1787 : vector<16xi1>
        %add3A_1797 = vector.broadcast %select_n3A_1782 : i32 to vector<16xi32>
        %add3A_1798 = arith.addi %rem3A_1784, %add3A_1797 : vector<16xi32>
        %select_n3A_1799 = arith.select %and3A_1796, %add3A_1798, %rem3A_1784 : vector<16xi1>, vector<16xi32>
        %mul3A_1800 = arith.constant 128 : i32
        %mul3A_1801 = vector.broadcast %mul3A_1800 : i32 to vector<16xi32>
        %mul3A_1802 = arith.muli %mul3A_1801, %select_n3A_1799 : vector<16xi32>
        %jit3A_1803 = arith.constant 4 : i32
        %div3A_1804 = vector.broadcast %jit3A_1803 : i32 to vector<16xi32>
        %div3A_1805 = arith.divsi %add3A_1777, %div3A_1804 : vector<16xi32>
        %sign3A_1806 = arith.constant 0 : i32
        %sign3A_1807 = vector.broadcast %sign3A_1806 : i32 to vector<16xi32>
        %sign3A_1808 = arith.cmpi sgt, %add3A_1777, %sign3A_1807 : vector<16xi32>
        %sign3A_1809 = arith.extui %sign3A_1808 : vector<16xi1> to vector<16xi32>
        %sign3A_1810 = arith.constant 0 : i32
        %sign3A_1811 = vector.broadcast %sign3A_1810 : i32 to vector<16xi32>
        %sign3A_1812 = arith.cmpi slt, %add3A_1777, %sign3A_1811 : vector<16xi32>
        %sign3A_1813 = arith.extui %sign3A_1812 : vector<16xi1> to vector<16xi32>
        %sign3A_1814 = arith.subi %sign3A_1809, %sign3A_1813 : vector<16xi32>
        %sign3A_1815 = arith.constant 0 : i32
        %sign3A_1816 = arith.cmpi sgt, %jit3A_1803, %sign3A_1815 : i32
        %sign3A_1817 = arith.extui %sign3A_1816 : i1 to i32
        %sign3A_1818 = arith.constant 0 : i32
        %sign3A_1819 = arith.cmpi slt, %jit3A_1803, %sign3A_1818 : i32
        %sign3A_1820 = arith.extui %sign3A_1819 : i1 to i32
        %sign3A_1821 = arith.subi %sign3A_1817, %sign3A_1820 : i32
        %ne3A_1822 = vector.broadcast %sign3A_1821 : i32 to vector<16xi32>
        %ne3A_1823 = arith.cmpi ne, %sign3A_1814, %ne3A_1822 : vector<16xi32>
        %rem3A_1824 = vector.broadcast %jit3A_1803 : i32 to vector<16xi32>
        %rem3A_1825 = arith.remsi %add3A_1777, %rem3A_1824 : vector<16xi32>
        %ne3A_1826 = arith.constant 0 : i32
        %ne3A_1827 = vector.broadcast %ne3A_1826 : i32 to vector<16xi32>
        %ne3A_1828 = arith.cmpi ne, %rem3A_1825, %ne3A_1827 : vector<16xi32>
        %and3A_1829 = arith.andi %ne3A_1823, %ne3A_1828 : vector<16xi1>
        %sub3A_1830 = arith.constant 1 : i32
        %sub3A_1831 = vector.broadcast %sub3A_1830 : i32 to vector<16xi32>
        %sub3A_1832 = arith.subi %div3A_1805, %sub3A_1831 : vector<16xi32>
        %select_n3A_1833 = arith.select %and3A_1829, %sub3A_1832, %div3A_1805 : vector<16xi1>, vector<16xi32>
        %add3A_1834 = arith.addi %mul3A_1802, %select_n3A_1833 : vector<16xi32>
        %broadcast_in_dim3A_1835 = arith.constant 0 : i32
        %broadcast_in_dim3A_1836 = vector.broadcast %broadcast_in_dim3A_1835 : i32 to vector<16xi32>
        %gather3A_1837 = arith.constant 0 : i32
        %gather3A_1838 = arith.constant 0 : i32
        %gather3A_1839 = tpu.memref_slice %run_scoped3A[%rem3A_195, %gather3A_1837, %gather3A_1838] : memref<2x1x512xi32, #tpu.memory_space<vmem>> -> memref<1x1x512xi32, #tpu.memory_space<vmem>>
        %gather3A_1840 = tpu.memref_squeeze %gather3A_1839 : memref<1x1x512xi32, #tpu.memory_space<vmem>> -> memref<1x512xi32, #tpu.memory_space<vmem>>
        %gather3A_1841 = tpu.vector_load_idx %gather3A_1840[%broadcast_in_dim3A_1836, %add3A_1834] : memref<1x512xi32, #tpu.memory_space<vmem>>[vector<16xi32>, vector<16xi32>], vector<16xi32>,
        %mul3A_1842 = arith.constant 4 : i32
        %mul3A_1843 = vector.broadcast %mul3A_1842 : i32 to vector<16xi32>
        %mul3A_1844 = arith.muli %gather3A_1841, %mul3A_1843 : vector<16xi32>
        %swap3A_1845 = arith.constant 352 : index
        %swap3A_1846 = tpu.vector_load %arg5[%swap3A_1845] {strides = array<i32>} : memref<512xi32, #tpu.memory_space<vmem>>, vector<16xi32>,
        tpu.vector_store %arg5[%swap3A_1845], %mul3A_1844 {strides = array<i32>} : memref<512xi32, #tpu.memory_space<vmem>>, vector<16xi32>,
        %add3A_1847 = arith.constant 368 : i32
        %add3A_1848 = vector.broadcast %add3A_1847 : i32 to vector<16xi32>
        %add3A_1849 = arith.addi %iota3A, %add3A_1848 : vector<16xi32>
        %jit3A_1850 = arith.constant 4 : i32
        %eq3A_1851 = arith.constant 0 : i32
        %eq3A_1852 = arith.cmpi eq, %jit3A_1850, %eq3A_1851 : i32
        %jit3A_1853 = arith.constant 1 : i32
        %select_n3A_1854 = arith.select %eq3A_1852, %jit3A_1853, %jit3A_1850 : i32
        %rem3A_1855 = vector.broadcast %select_n3A_1854 : i32 to vector<16xi32>
        %rem3A_1856 = arith.remsi %add3A_1849, %rem3A_1855 : vector<16xi32>
        %ne3A_1857 = arith.constant 0 : i32
        %ne3A_1858 = vector.broadcast %ne3A_1857 : i32 to vector<16xi32>
        %ne3A_1859 = arith.cmpi ne, %rem3A_1856, %ne3A_1858 : vector<16xi32>
        %lt3A_1860 = arith.constant 0 : i32
        %lt3A_1861 = vector.broadcast %lt3A_1860 : i32 to vector<16xi32>
        %lt3A_1862 = arith.cmpi slt, %rem3A_1856, %lt3A_1861 : vector<16xi32>
        %lt3A_1863 = arith.constant 0 : i32
        %lt3A_1864 = arith.cmpi slt, %select_n3A_1854, %lt3A_1863 : i32
        %ne3A_1865 = vector.broadcast %lt3A_1864 : i1 to vector<16xi1>
        %ne3A_1866 = vector.broadcast %ne3A_1865 : vector<16xi1> to vector<16xi1>
        %ne3A_1867 = arith.xori %lt3A_1862, %ne3A_1866 : vector<16xi1>
        %and3A_1868 = arith.andi %ne3A_1867, %ne3A_1859 : vector<16xi1>
        %add3A_1869 = vector.broadcast %select_n3A_1854 : i32 to vector<16xi32>
        %add3A_1870 = arith.addi %rem3A_1856, %add3A_1869 : vector<16xi32>
        %select_n3A_1871 = arith.select %and3A_1868, %add3A_1870, %rem3A_1856 : vector<16xi1>, vector<16xi32>
        %mul3A_1872 = arith.constant 128 : i32
        %mul3A_1873 = vector.broadcast %mul3A_1872 : i32 to vector<16xi32>
        %mul3A_1874 = arith.muli %mul3A_1873, %select_n3A_1871 : vector<16xi32>
        %jit3A_1875 = arith.constant 4 : i32
        %div3A_1876 = vector.broadcast %jit3A_1875 : i32 to vector<16xi32>
        %div3A_1877 = arith.divsi %add3A_1849, %div3A_1876 : vector<16xi32>
        %sign3A_1878 = arith.constant 0 : i32
        %sign3A_1879 = vector.broadcast %sign3A_1878 : i32 to vector<16xi32>
        %sign3A_1880 = arith.cmpi sgt, %add3A_1849, %sign3A_1879 : vector<16xi32>
        %sign3A_1881 = arith.extui %sign3A_1880 : vector<16xi1> to vector<16xi32>
        %sign3A_1882 = arith.constant 0 : i32
        %sign3A_1883 = vector.broadcast %sign3A_1882 : i32 to vector<16xi32>
        %sign3A_1884 = arith.cmpi slt, %add3A_1849, %sign3A_1883 : vector<16xi32>
        %sign3A_1885 = arith.extui %sign3A_1884 : vector<16xi1> to vector<16xi32>
        %sign3A_1886 = arith.subi %sign3A_1881, %sign3A_1885 : vector<16xi32>
        %sign3A_1887 = arith.constant 0 : i32
        %sign3A_1888 = arith.cmpi sgt, %jit3A_1875, %sign3A_1887 : i32
        %sign3A_1889 = arith.extui %sign3A_1888 : i1 to i32
        %sign3A_1890 = arith.constant 0 : i32
        %sign3A_1891 = arith.cmpi slt, %jit3A_1875, %sign3A_1890 : i32
        %sign3A_1892 = arith.extui %sign3A_1891 : i1 to i32
        %sign3A_1893 = arith.subi %sign3A_1889, %sign3A_1892 : i32
        %ne3A_1894 = vector.broadcast %sign3A_1893 : i32 to vector<16xi32>
        %ne3A_1895 = arith.cmpi ne, %sign3A_1886, %ne3A_1894 : vector<16xi32>
        %rem3A_1896 = vector.broadcast %jit3A_1875 : i32 to vector<16xi32>
        %rem3A_1897 = arith.remsi %add3A_1849, %rem3A_1896 : vector<16xi32>
        %ne3A_1898 = arith.constant 0 : i32
        %ne3A_1899 = vector.broadcast %ne3A_1898 : i32 to vector<16xi32>
        %ne3A_1900 = arith.cmpi ne, %rem3A_1897, %ne3A_1899 : vector<16xi32>
        %and3A_1901 = arith.andi %ne3A_1895, %ne3A_1900 : vector<16xi1>
        %sub3A_1902 = arith.constant 1 : i32
        %sub3A_1903 = vector.broadcast %sub3A_1902 : i32 to vector<16xi32>
        %sub3A_1904 = arith.subi %div3A_1877, %sub3A_1903 : vector<16xi32>
        %select_n3A_1905 = arith.select %and3A_1901, %sub3A_1904, %div3A_1877 : vector<16xi1>, vector<16xi32>
        %add3A_1906 = arith.addi %mul3A_1874, %select_n3A_1905 : vector<16xi32>
        %broadcast_in_dim3A_1907 = arith.constant 0 : i32
        %broadcast_in_dim3A_1908 = vector.broadcast %broadcast_in_dim3A_1907 : i32 to vector<16xi32>
        %gather3A_1909 = arith.constant 0 : i32
        %gather3A_1910 = arith.constant 0 : i32
        %gather3A_1911 = tpu.memref_slice %run_scoped3A[%rem3A_195, %gather3A_1909, %gather3A_1910] : memref<2x1x512xi32, #tpu.memory_space<vmem>> -> memref<1x1x512xi32, #tpu.memory_space<vmem>>
        %gather3A_1912 = tpu.memref_squeeze %gather3A_1911 : memref<1x1x512xi32, #tpu.memory_space<vmem>> -> memref<1x512xi32, #tpu.memory_space<vmem>>
        %gather3A_1913 = tpu.vector_load_idx %gather3A_1912[%broadcast_in_dim3A_1908, %add3A_1906] : memref<1x512xi32, #tpu.memory_space<vmem>>[vector<16xi32>, vector<16xi32>], vector<16xi32>,
        %mul3A_1914 = arith.constant 4 : i32
        %mul3A_1915 = vector.broadcast %mul3A_1914 : i32 to vector<16xi32>
        %mul3A_1916 = arith.muli %gather3A_1913, %mul3A_1915 : vector<16xi32>
        %swap3A_1917 = arith.constant 368 : index
        %swap3A_1918 = tpu.vector_load %arg5[%swap3A_1917] {strides = array<i32>} : memref<512xi32, #tpu.memory_space<vmem>>, vector<16xi32>,
        tpu.vector_store %arg5[%swap3A_1917], %mul3A_1916 {strides = array<i32>} : memref<512xi32, #tpu.memory_space<vmem>>, vector<16xi32>,
        %add3A_1919 = arith.constant 384 : i32
        %add3A_1920 = vector.broadcast %add3A_1919 : i32 to vector<16xi32>
        %add3A_1921 = arith.addi %iota3A, %add3A_1920 : vector<16xi32>
        %jit3A_1922 = arith.constant 4 : i32
        %eq3A_1923 = arith.constant 0 : i32
        %eq3A_1924 = arith.cmpi eq, %jit3A_1922, %eq3A_1923 : i32
        %jit3A_1925 = arith.constant 1 : i32
        %select_n3A_1926 = arith.select %eq3A_1924, %jit3A_1925, %jit3A_1922 : i32
        %rem3A_1927 = vector.broadcast %select_n3A_1926 : i32 to vector<16xi32>
        %rem3A_1928 = arith.remsi %add3A_1921, %rem3A_1927 : vector<16xi32>
        %ne3A_1929 = arith.constant 0 : i32
        %ne3A_1930 = vector.broadcast %ne3A_1929 : i32 to vector<16xi32>
        %ne3A_1931 = arith.cmpi ne, %rem3A_1928, %ne3A_1930 : vector<16xi32>
        %lt3A_1932 = arith.constant 0 : i32
        %lt3A_1933 = vector.broadcast %lt3A_1932 : i32 to vector<16xi32>
        %lt3A_1934 = arith.cmpi slt, %rem3A_1928, %lt3A_1933 : vector<16xi32>
        %lt3A_1935 = arith.constant 0 : i32
        %lt3A_1936 = arith.cmpi slt, %select_n3A_1926, %lt3A_1935 : i32
        %ne3A_1937 = vector.broadcast %lt3A_1936 : i1 to vector<16xi1>
        %ne3A_1938 = vector.broadcast %ne3A_1937 : vector<16xi1> to vector<16xi1>
        %ne3A_1939 = arith.xori %lt3A_1934, %ne3A_1938 : vector<16xi1>
        %and3A_1940 = arith.andi %ne3A_1939, %ne3A_1931 : vector<16xi1>
        %add3A_1941 = vector.broadcast %select_n3A_1926 : i32 to vector<16xi32>
        %add3A_1942 = arith.addi %rem3A_1928, %add3A_1941 : vector<16xi32>
        %select_n3A_1943 = arith.select %and3A_1940, %add3A_1942, %rem3A_1928 : vector<16xi1>, vector<16xi32>
        %mul3A_1944 = arith.constant 128 : i32
        %mul3A_1945 = vector.broadcast %mul3A_1944 : i32 to vector<16xi32>
        %mul3A_1946 = arith.muli %mul3A_1945, %select_n3A_1943 : vector<16xi32>
        %jit3A_1947 = arith.constant 4 : i32
        %div3A_1948 = vector.broadcast %jit3A_1947 : i32 to vector<16xi32>
        %div3A_1949 = arith.divsi %add3A_1921, %div3A_1948 : vector<16xi32>
        %sign3A_1950 = arith.constant 0 : i32
        %sign3A_1951 = vector.broadcast %sign3A_1950 : i32 to vector<16xi32>
        %sign3A_1952 = arith.cmpi sgt, %add3A_1921, %sign3A_1951 : vector<16xi32>
        %sign3A_1953 = arith.extui %sign3A_1952 : vector<16xi1> to vector<16xi32>
        %sign3A_1954 = arith.constant 0 : i32
        %sign3A_1955 = vector.broadcast %sign3A_1954 : i32 to vector<16xi32>
        %sign3A_1956 = arith.cmpi slt, %add3A_1921, %sign3A_1955 : vector<16xi32>
        %sign3A_1957 = arith.extui %sign3A_1956 : vector<16xi1> to vector<16xi32>
        %sign3A_1958 = arith.subi %sign3A_1953, %sign3A_1957 : vector<16xi32>
        %sign3A_1959 = arith.constant 0 : i32
        %sign3A_1960 = arith.cmpi sgt, %jit3A_1947, %sign3A_1959 : i32
        %sign3A_1961 = arith.extui %sign3A_1960 : i1 to i32
        %sign3A_1962 = arith.constant 0 : i32
        %sign3A_1963 = arith.cmpi slt, %jit3A_1947, %sign3A_1962 : i32
        %sign3A_1964 = arith.extui %sign3A_1963 : i1 to i32
        %sign3A_1965 = arith.subi %sign3A_1961, %sign3A_1964 : i32
        %ne3A_1966 = vector.broadcast %sign3A_1965 : i32 to vector<16xi32>
        %ne3A_1967 = arith.cmpi ne, %sign3A_1958, %ne3A_1966 : vector<16xi32>
        %rem3A_1968 = vector.broadcast %jit3A_1947 : i32 to vector<16xi32>
        %rem3A_1969 = arith.remsi %add3A_1921, %rem3A_1968 : vector<16xi32>
        %ne3A_1970 = arith.constant 0 : i32
        %ne3A_1971 = vector.broadcast %ne3A_1970 : i32 to vector<16xi32>
        %ne3A_1972 = arith.cmpi ne, %rem3A_1969, %ne3A_1971 : vector<16xi32>
        %and3A_1973 = arith.andi %ne3A_1967, %ne3A_1972 : vector<16xi1>
        %sub3A_1974 = arith.constant 1 : i32
        %sub3A_1975 = vector.broadcast %sub3A_1974 : i32 to vector<16xi32>
        %sub3A_1976 = arith.subi %div3A_1949, %sub3A_1975 : vector<16xi32>
        %select_n3A_1977 = arith.select %and3A_1973, %sub3A_1976, %div3A_1949 : vector<16xi1>, vector<16xi32>
        %add3A_1978 = arith.addi %mul3A_1946, %select_n3A_1977 : vector<16xi32>
        %broadcast_in_dim3A_1979 = arith.constant 0 : i32
        %broadcast_in_dim3A_1980 = vector.broadcast %broadcast_in_dim3A_1979 : i32 to vector<16xi32>
        %gather3A_1981 = arith.constant 0 : i32
        %gather3A_1982 = arith.constant 0 : i32
        %gather3A_1983 = tpu.memref_slice %run_scoped3A[%rem3A_195, %gather3A_1981, %gather3A_1982] : memref<2x1x512xi32, #tpu.memory_space<vmem>> -> memref<1x1x512xi32, #tpu.memory_space<vmem>>
        %gather3A_1984 = tpu.memref_squeeze %gather3A_1983 : memref<1x1x512xi32, #tpu.memory_space<vmem>> -> memref<1x512xi32, #tpu.memory_space<vmem>>
        %gather3A_1985 = tpu.vector_load_idx %gather3A_1984[%broadcast_in_dim3A_1980, %add3A_1978] : memref<1x512xi32, #tpu.memory_space<vmem>>[vector<16xi32>, vector<16xi32>], vector<16xi32>,
        %mul3A_1986 = arith.constant 4 : i32
        %mul3A_1987 = vector.broadcast %mul3A_1986 : i32 to vector<16xi32>
        %mul3A_1988 = arith.muli %gather3A_1985, %mul3A_1987 : vector<16xi32>
        %swap3A_1989 = arith.constant 384 : index
        %swap3A_1990 = tpu.vector_load %arg5[%swap3A_1989] {strides = array<i32>} : memref<512xi32, #tpu.memory_space<vmem>>, vector<16xi32>,
        tpu.vector_store %arg5[%swap3A_1989], %mul3A_1988 {strides = array<i32>} : memref<512xi32, #tpu.memory_space<vmem>>, vector<16xi32>,
        %add3A_1991 = arith.constant 400 : i32
        %add3A_1992 = vector.broadcast %add3A_1991 : i32 to vector<16xi32>
        %add3A_1993 = arith.addi %iota3A, %add3A_1992 : vector<16xi32>
        %jit3A_1994 = arith.constant 4 : i32
        %eq3A_1995 = arith.constant 0 : i32
        %eq3A_1996 = arith.cmpi eq, %jit3A_1994, %eq3A_1995 : i32
        %jit3A_1997 = arith.constant 1 : i32
        %select_n3A_1998 = arith.select %eq3A_1996, %jit3A_1997, %jit3A_1994 : i32
        %rem3A_1999 = vector.broadcast %select_n3A_1998 : i32 to vector<16xi32>
        %rem3A_2000 = arith.remsi %add3A_1993, %rem3A_1999 : vector<16xi32>
        %ne3A_2001 = arith.constant 0 : i32
        %ne3A_2002 = vector.broadcast %ne3A_2001 : i32 to vector<16xi32>
        %ne3A_2003 = arith.cmpi ne, %rem3A_2000, %ne3A_2002 : vector<16xi32>
        %lt3A_2004 = arith.constant 0 : i32
        %lt3A_2005 = vector.broadcast %lt3A_2004 : i32 to vector<16xi32>
        %lt3A_2006 = arith.cmpi slt, %rem3A_2000, %lt3A_2005 : vector<16xi32>
        %lt3A_2007 = arith.constant 0 : i32
        %lt3A_2008 = arith.cmpi slt, %select_n3A_1998, %lt3A_2007 : i32
        %ne3A_2009 = vector.broadcast %lt3A_2008 : i1 to vector<16xi1>
        %ne3A_2010 = vector.broadcast %ne3A_2009 : vector<16xi1> to vector<16xi1>
        %ne3A_2011 = arith.xori %lt3A_2006, %ne3A_2010 : vector<16xi1>
        %and3A_2012 = arith.andi %ne3A_2011, %ne3A_2003 : vector<16xi1>
        %add3A_2013 = vector.broadcast %select_n3A_1998 : i32 to vector<16xi32>
        %add3A_2014 = arith.addi %rem3A_2000, %add3A_2013 : vector<16xi32>
        %select_n3A_2015 = arith.select %and3A_2012, %add3A_2014, %rem3A_2000 : vector<16xi1>, vector<16xi32>
        %mul3A_2016 = arith.constant 128 : i32
        %mul3A_2017 = vector.broadcast %mul3A_2016 : i32 to vector<16xi32>
        %mul3A_2018 = arith.muli %mul3A_2017, %select_n3A_2015 : vector<16xi32>
        %jit3A_2019 = arith.constant 4 : i32
        %div3A_2020 = vector.broadcast %jit3A_2019 : i32 to vector<16xi32>
        %div3A_2021 = arith.divsi %add3A_1993, %div3A_2020 : vector<16xi32>
        %sign3A_2022 = arith.constant 0 : i32
        %sign3A_2023 = vector.broadcast %sign3A_2022 : i32 to vector<16xi32>
        %sign3A_2024 = arith.cmpi sgt, %add3A_1993, %sign3A_2023 : vector<16xi32>
        %sign3A_2025 = arith.extui %sign3A_2024 : vector<16xi1> to vector<16xi32>
        %sign3A_2026 = arith.constant 0 : i32
        %sign3A_2027 = vector.broadcast %sign3A_2026 : i32 to vector<16xi32>
        %sign3A_2028 = arith.cmpi slt, %add3A_1993, %sign3A_2027 : vector<16xi32>
        %sign3A_2029 = arith.extui %sign3A_2028 : vector<16xi1> to vector<16xi32>
        %sign3A_2030 = arith.subi %sign3A_2025, %sign3A_2029 : vector<16xi32>
        %sign3A_2031 = arith.constant 0 : i32
        %sign3A_2032 = arith.cmpi sgt, %jit3A_2019, %sign3A_2031 : i32
        %sign3A_2033 = arith.extui %sign3A_2032 : i1 to i32
        %sign3A_2034 = arith.constant 0 : i32
        %sign3A_2035 = arith.cmpi slt, %jit3A_2019, %sign3A_2034 : i32
        %sign3A_2036 = arith.extui %sign3A_2035 : i1 to i32
        %sign3A_2037 = arith.subi %sign3A_2033, %sign3A_2036 : i32
        %ne3A_2038 = vector.broadcast %sign3A_2037 : i32 to vector<16xi32>
        %ne3A_2039 = arith.cmpi ne, %sign3A_2030, %ne3A_2038 : vector<16xi32>
        %rem3A_2040 = vector.broadcast %jit3A_2019 : i32 to vector<16xi32>
        %rem3A_2041 = arith.remsi %add3A_1993, %rem3A_2040 : vector<16xi32>
        %ne3A_2042 = arith.constant 0 : i32
        %ne3A_2043 = vector.broadcast %ne3A_2042 : i32 to vector<16xi32>
        %ne3A_2044 = arith.cmpi ne, %rem3A_2041, %ne3A_2043 : vector<16xi32>
        %and3A_2045 = arith.andi %ne3A_2039, %ne3A_2044 : vector<16xi1>
        %sub3A_2046 = arith.constant 1 : i32
        %sub3A_2047 = vector.broadcast %sub3A_2046 : i32 to vector<16xi32>
        %sub3A_2048 = arith.subi %div3A_2021, %sub3A_2047 : vector<16xi32>
        %select_n3A_2049 = arith.select %and3A_2045, %sub3A_2048, %div3A_2021 : vector<16xi1>, vector<16xi32>
        %add3A_2050 = arith.addi %mul3A_2018, %select_n3A_2049 : vector<16xi32>
        %broadcast_in_dim3A_2051 = arith.constant 0 : i32
        %broadcast_in_dim3A_2052 = vector.broadcast %broadcast_in_dim3A_2051 : i32 to vector<16xi32>
        %gather3A_2053 = arith.constant 0 : i32
        %gather3A_2054 = arith.constant 0 : i32
        %gather3A_2055 = tpu.memref_slice %run_scoped3A[%rem3A_195, %gather3A_2053, %gather3A_2054] : memref<2x1x512xi32, #tpu.memory_space<vmem>> -> memref<1x1x512xi32, #tpu.memory_space<vmem>>
        %gather3A_2056 = tpu.memref_squeeze %gather3A_2055 : memref<1x1x512xi32, #tpu.memory_space<vmem>> -> memref<1x512xi32, #tpu.memory_space<vmem>>
        %gather3A_2057 = tpu.vector_load_idx %gather3A_2056[%broadcast_in_dim3A_2052, %add3A_2050] : memref<1x512xi32, #tpu.memory_space<vmem>>[vector<16xi32>, vector<16xi32>], vector<16xi32>,
        %mul3A_2058 = arith.constant 4 : i32
        %mul3A_2059 = vector.broadcast %mul3A_2058 : i32 to vector<16xi32>
        %mul3A_2060 = arith.muli %gather3A_2057, %mul3A_2059 : vector<16xi32>
        %swap3A_2061 = arith.constant 400 : index
        %swap3A_2062 = tpu.vector_load %arg5[%swap3A_2061] {strides = array<i32>} : memref<512xi32, #tpu.memory_space<vmem>>, vector<16xi32>,
        tpu.vector_store %arg5[%swap3A_2061], %mul3A_2060 {strides = array<i32>} : memref<512xi32, #tpu.memory_space<vmem>>, vector<16xi32>,
        %add3A_2063 = arith.constant 416 : i32
        %add3A_2064 = vector.broadcast %add3A_2063 : i32 to vector<16xi32>
        %add3A_2065 = arith.addi %iota3A, %add3A_2064 : vector<16xi32>
        %jit3A_2066 = arith.constant 4 : i32
        %eq3A_2067 = arith.constant 0 : i32
        %eq3A_2068 = arith.cmpi eq, %jit3A_2066, %eq3A_2067 : i32
        %jit3A_2069 = arith.constant 1 : i32
        %select_n3A_2070 = arith.select %eq3A_2068, %jit3A_2069, %jit3A_2066 : i32
        %rem3A_2071 = vector.broadcast %select_n3A_2070 : i32 to vector<16xi32>
        %rem3A_2072 = arith.remsi %add3A_2065, %rem3A_2071 : vector<16xi32>
        %ne3A_2073 = arith.constant 0 : i32
        %ne3A_2074 = vector.broadcast %ne3A_2073 : i32 to vector<16xi32>
        %ne3A_2075 = arith.cmpi ne, %rem3A_2072, %ne3A_2074 : vector<16xi32>
        %lt3A_2076 = arith.constant 0 : i32
        %lt3A_2077 = vector.broadcast %lt3A_2076 : i32 to vector<16xi32>
        %lt3A_2078 = arith.cmpi slt, %rem3A_2072, %lt3A_2077 : vector<16xi32>
        %lt3A_2079 = arith.constant 0 : i32
        %lt3A_2080 = arith.cmpi slt, %select_n3A_2070, %lt3A_2079 : i32
        %ne3A_2081 = vector.broadcast %lt3A_2080 : i1 to vector<16xi1>
        %ne3A_2082 = vector.broadcast %ne3A_2081 : vector<16xi1> to vector<16xi1>
        %ne3A_2083 = arith.xori %lt3A_2078, %ne3A_2082 : vector<16xi1>
        %and3A_2084 = arith.andi %ne3A_2083, %ne3A_2075 : vector<16xi1>
        %add3A_2085 = vector.broadcast %select_n3A_2070 : i32 to vector<16xi32>
        %add3A_2086 = arith.addi %rem3A_2072, %add3A_2085 : vector<16xi32>
        %select_n3A_2087 = arith.select %and3A_2084, %add3A_2086, %rem3A_2072 : vector<16xi1>, vector<16xi32>
        %mul3A_2088 = arith.constant 128 : i32
        %mul3A_2089 = vector.broadcast %mul3A_2088 : i32 to vector<16xi32>
        %mul3A_2090 = arith.muli %mul3A_2089, %select_n3A_2087 : vector<16xi32>
        %jit3A_2091 = arith.constant 4 : i32
        %div3A_2092 = vector.broadcast %jit3A_2091 : i32 to vector<16xi32>
        %div3A_2093 = arith.divsi %add3A_2065, %div3A_2092 : vector<16xi32>
        %sign3A_2094 = arith.constant 0 : i32
        %sign3A_2095 = vector.broadcast %sign3A_2094 : i32 to vector<16xi32>
        %sign3A_2096 = arith.cmpi sgt, %add3A_2065, %sign3A_2095 : vector<16xi32>
        %sign3A_2097 = arith.extui %sign3A_2096 : vector<16xi1> to vector<16xi32>
        %sign3A_2098 = arith.constant 0 : i32
        %sign3A_2099 = vector.broadcast %sign3A_2098 : i32 to vector<16xi32>
        %sign3A_2100 = arith.cmpi slt, %add3A_2065, %sign3A_2099 : vector<16xi32>
        %sign3A_2101 = arith.extui %sign3A_2100 : vector<16xi1> to vector<16xi32>
        %sign3A_2102 = arith.subi %sign3A_2097, %sign3A_2101 : vector<16xi32>
        %sign3A_2103 = arith.constant 0 : i32
        %sign3A_2104 = arith.cmpi sgt, %jit3A_2091, %sign3A_2103 : i32
        %sign3A_2105 = arith.extui %sign3A_2104 : i1 to i32
        %sign3A_2106 = arith.constant 0 : i32
        %sign3A_2107 = arith.cmpi slt, %jit3A_2091, %sign3A_2106 : i32
        %sign3A_2108 = arith.extui %sign3A_2107 : i1 to i32
        %sign3A_2109 = arith.subi %sign3A_2105, %sign3A_2108 : i32
        %ne3A_2110 = vector.broadcast %sign3A_2109 : i32 to vector<16xi32>
        %ne3A_2111 = arith.cmpi ne, %sign3A_2102, %ne3A_2110 : vector<16xi32>
        %rem3A_2112 = vector.broadcast %jit3A_2091 : i32 to vector<16xi32>
        %rem3A_2113 = arith.remsi %add3A_2065, %rem3A_2112 : vector<16xi32>
        %ne3A_2114 = arith.constant 0 : i32
        %ne3A_2115 = vector.broadcast %ne3A_2114 : i32 to vector<16xi32>
        %ne3A_2116 = arith.cmpi ne, %rem3A_2113, %ne3A_2115 : vector<16xi32>
        %and3A_2117 = arith.andi %ne3A_2111, %ne3A_2116 : vector<16xi1>
        %sub3A_2118 = arith.constant 1 : i32
        %sub3A_2119 = vector.broadcast %sub3A_2118 : i32 to vector<16xi32>
        %sub3A_2120 = arith.subi %div3A_2093, %sub3A_2119 : vector<16xi32>
        %select_n3A_2121 = arith.select %and3A_2117, %sub3A_2120, %div3A_2093 : vector<16xi1>, vector<16xi32>
        %add3A_2122 = arith.addi %mul3A_2090, %select_n3A_2121 : vector<16xi32>
        %broadcast_in_dim3A_2123 = arith.constant 0 : i32
        %broadcast_in_dim3A_2124 = vector.broadcast %broadcast_in_dim3A_2123 : i32 to vector<16xi32>
        %gather3A_2125 = arith.constant 0 : i32
        %gather3A_2126 = arith.constant 0 : i32
        %gather3A_2127 = tpu.memref_slice %run_scoped3A[%rem3A_195, %gather3A_2125, %gather3A_2126] : memref<2x1x512xi32, #tpu.memory_space<vmem>> -> memref<1x1x512xi32, #tpu.memory_space<vmem>>
        %gather3A_2128 = tpu.memref_squeeze %gather3A_2127 : memref<1x1x512xi32, #tpu.memory_space<vmem>> -> memref<1x512xi32, #tpu.memory_space<vmem>>
        %gather3A_2129 = tpu.vector_load_idx %gather3A_2128[%broadcast_in_dim3A_2124, %add3A_2122] : memref<1x512xi32, #tpu.memory_space<vmem>>[vector<16xi32>, vector<16xi32>], vector<16xi32>,
        %mul3A_2130 = arith.constant 4 : i32
        %mul3A_2131 = vector.broadcast %mul3A_2130 : i32 to vector<16xi32>
        %mul3A_2132 = arith.muli %gather3A_2129, %mul3A_2131 : vector<16xi32>
        %swap3A_2133 = arith.constant 416 : index
        %swap3A_2134 = tpu.vector_load %arg5[%swap3A_2133] {strides = array<i32>} : memref<512xi32, #tpu.memory_space<vmem>>, vector<16xi32>,
        tpu.vector_store %arg5[%swap3A_2133], %mul3A_2132 {strides = array<i32>} : memref<512xi32, #tpu.memory_space<vmem>>, vector<16xi32>,
        %add3A_2135 = arith.constant 432 : i32
        %add3A_2136 = vector.broadcast %add3A_2135 : i32 to vector<16xi32>
        %add3A_2137 = arith.addi %iota3A, %add3A_2136 : vector<16xi32>
        %jit3A_2138 = arith.constant 4 : i32
        %eq3A_2139 = arith.constant 0 : i32
        %eq3A_2140 = arith.cmpi eq, %jit3A_2138, %eq3A_2139 : i32
        %jit3A_2141 = arith.constant 1 : i32
        %select_n3A_2142 = arith.select %eq3A_2140, %jit3A_2141, %jit3A_2138 : i32
        %rem3A_2143 = vector.broadcast %select_n3A_2142 : i32 to vector<16xi32>
        %rem3A_2144 = arith.remsi %add3A_2137, %rem3A_2143 : vector<16xi32>
        %ne3A_2145 = arith.constant 0 : i32
        %ne3A_2146 = vector.broadcast %ne3A_2145 : i32 to vector<16xi32>
        %ne3A_2147 = arith.cmpi ne, %rem3A_2144, %ne3A_2146 : vector<16xi32>
        %lt3A_2148 = arith.constant 0 : i32
        %lt3A_2149 = vector.broadcast %lt3A_2148 : i32 to vector<16xi32>
        %lt3A_2150 = arith.cmpi slt, %rem3A_2144, %lt3A_2149 : vector<16xi32>
        %lt3A_2151 = arith.constant 0 : i32
        %lt3A_2152 = arith.cmpi slt, %select_n3A_2142, %lt3A_2151 : i32
        %ne3A_2153 = vector.broadcast %lt3A_2152 : i1 to vector<16xi1>
        %ne3A_2154 = vector.broadcast %ne3A_2153 : vector<16xi1> to vector<16xi1>
        %ne3A_2155 = arith.xori %lt3A_2150, %ne3A_2154 : vector<16xi1>
        %and3A_2156 = arith.andi %ne3A_2155, %ne3A_2147 : vector<16xi1>
        %add3A_2157 = vector.broadcast %select_n3A_2142 : i32 to vector<16xi32>
        %add3A_2158 = arith.addi %rem3A_2144, %add3A_2157 : vector<16xi32>
        %select_n3A_2159 = arith.select %and3A_2156, %add3A_2158, %rem3A_2144 : vector<16xi1>, vector<16xi32>
        %mul3A_2160 = arith.constant 128 : i32
        %mul3A_2161 = vector.broadcast %mul3A_2160 : i32 to vector<16xi32>
        %mul3A_2162 = arith.muli %mul3A_2161, %select_n3A_2159 : vector<16xi32>
        %jit3A_2163 = arith.constant 4 : i32
        %div3A_2164 = vector.broadcast %jit3A_2163 : i32 to vector<16xi32>
        %div3A_2165 = arith.divsi %add3A_2137, %div3A_2164 : vector<16xi32>
        %sign3A_2166 = arith.constant 0 : i32
        %sign3A_2167 = vector.broadcast %sign3A_2166 : i32 to vector<16xi32>
        %sign3A_2168 = arith.cmpi sgt, %add3A_2137, %sign3A_2167 : vector<16xi32>
        %sign3A_2169 = arith.extui %sign3A_2168 : vector<16xi1> to vector<16xi32>
        %sign3A_2170 = arith.constant 0 : i32
        %sign3A_2171 = vector.broadcast %sign3A_2170 : i32 to vector<16xi32>
        %sign3A_2172 = arith.cmpi slt, %add3A_2137, %sign3A_2171 : vector<16xi32>
        %sign3A_2173 = arith.extui %sign3A_2172 : vector<16xi1> to vector<16xi32>
        %sign3A_2174 = arith.subi %sign3A_2169, %sign3A_2173 : vector<16xi32>
        %sign3A_2175 = arith.constant 0 : i32
        %sign3A_2176 = arith.cmpi sgt, %jit3A_2163, %sign3A_2175 : i32
        %sign3A_2177 = arith.extui %sign3A_2176 : i1 to i32
        %sign3A_2178 = arith.constant 0 : i32
        %sign3A_2179 = arith.cmpi slt, %jit3A_2163, %sign3A_2178 : i32
        %sign3A_2180 = arith.extui %sign3A_2179 : i1 to i32
        %sign3A_2181 = arith.subi %sign3A_2177, %sign3A_2180 : i32
        %ne3A_2182 = vector.broadcast %sign3A_2181 : i32 to vector<16xi32>
        %ne3A_2183 = arith.cmpi ne, %sign3A_2174, %ne3A_2182 : vector<16xi32>
        %rem3A_2184 = vector.broadcast %jit3A_2163 : i32 to vector<16xi32>
        %rem3A_2185 = arith.remsi %add3A_2137, %rem3A_2184 : vector<16xi32>
        %ne3A_2186 = arith.constant 0 : i32
        %ne3A_2187 = vector.broadcast %ne3A_2186 : i32 to vector<16xi32>
        %ne3A_2188 = arith.cmpi ne, %rem3A_2185, %ne3A_2187 : vector<16xi32>
        %and3A_2189 = arith.andi %ne3A_2183, %ne3A_2188 : vector<16xi1>
        %sub3A_2190 = arith.constant 1 : i32
        %sub3A_2191 = vector.broadcast %sub3A_2190 : i32 to vector<16xi32>
        %sub3A_2192 = arith.subi %div3A_2165, %sub3A_2191 : vector<16xi32>
        %select_n3A_2193 = arith.select %and3A_2189, %sub3A_2192, %div3A_2165 : vector<16xi1>, vector<16xi32>
        %add3A_2194 = arith.addi %mul3A_2162, %select_n3A_2193 : vector<16xi32>
        %broadcast_in_dim3A_2195 = arith.constant 0 : i32
        %broadcast_in_dim3A_2196 = vector.broadcast %broadcast_in_dim3A_2195 : i32 to vector<16xi32>
        %gather3A_2197 = arith.constant 0 : i32
        %gather3A_2198 = arith.constant 0 : i32
        %gather3A_2199 = tpu.memref_slice %run_scoped3A[%rem3A_195, %gather3A_2197, %gather3A_2198] : memref<2x1x512xi32, #tpu.memory_space<vmem>> -> memref<1x1x512xi32, #tpu.memory_space<vmem>>
        %gather3A_2200 = tpu.memref_squeeze %gather3A_2199 : memref<1x1x512xi32, #tpu.memory_space<vmem>> -> memref<1x512xi32, #tpu.memory_space<vmem>>
        %gather3A_2201 = tpu.vector_load_idx %gather3A_2200[%broadcast_in_dim3A_2196, %add3A_2194] : memref<1x512xi32, #tpu.memory_space<vmem>>[vector<16xi32>, vector<16xi32>], vector<16xi32>,
        %mul3A_2202 = arith.constant 4 : i32
        %mul3A_2203 = vector.broadcast %mul3A_2202 : i32 to vector<16xi32>
        %mul3A_2204 = arith.muli %gather3A_2201, %mul3A_2203 : vector<16xi32>
        %swap3A_2205 = arith.constant 432 : index
        %swap3A_2206 = tpu.vector_load %arg5[%swap3A_2205] {strides = array<i32>} : memref<512xi32, #tpu.memory_space<vmem>>, vector<16xi32>,
        tpu.vector_store %arg5[%swap3A_2205], %mul3A_2204 {strides = array<i32>} : memref<512xi32, #tpu.memory_space<vmem>>, vector<16xi32>,
        %add3A_2207 = arith.constant 448 : i32
        %add3A_2208 = vector.broadcast %add3A_2207 : i32 to vector<16xi32>
        %add3A_2209 = arith.addi %iota3A, %add3A_2208 : vector<16xi32>
        %jit3A_2210 = arith.constant 4 : i32
        %eq3A_2211 = arith.constant 0 : i32
        %eq3A_2212 = arith.cmpi eq, %jit3A_2210, %eq3A_2211 : i32
        %jit3A_2213 = arith.constant 1 : i32
        %select_n3A_2214 = arith.select %eq3A_2212, %jit3A_2213, %jit3A_2210 : i32
        %rem3A_2215 = vector.broadcast %select_n3A_2214 : i32 to vector<16xi32>
        %rem3A_2216 = arith.remsi %add3A_2209, %rem3A_2215 : vector<16xi32>
        %ne3A_2217 = arith.constant 0 : i32
        %ne3A_2218 = vector.broadcast %ne3A_2217 : i32 to vector<16xi32>
        %ne3A_2219 = arith.cmpi ne, %rem3A_2216, %ne3A_2218 : vector<16xi32>
        %lt3A_2220 = arith.constant 0 : i32
        %lt3A_2221 = vector.broadcast %lt3A_2220 : i32 to vector<16xi32>
        %lt3A_2222 = arith.cmpi slt, %rem3A_2216, %lt3A_2221 : vector<16xi32>
        %lt3A_2223 = arith.constant 0 : i32
        %lt3A_2224 = arith.cmpi slt, %select_n3A_2214, %lt3A_2223 : i32
        %ne3A_2225 = vector.broadcast %lt3A_2224 : i1 to vector<16xi1>
        %ne3A_2226 = vector.broadcast %ne3A_2225 : vector<16xi1> to vector<16xi1>
        %ne3A_2227 = arith.xori %lt3A_2222, %ne3A_2226 : vector<16xi1>
        %and3A_2228 = arith.andi %ne3A_2227, %ne3A_2219 : vector<16xi1>
        %add3A_2229 = vector.broadcast %select_n3A_2214 : i32 to vector<16xi32>
        %add3A_2230 = arith.addi %rem3A_2216, %add3A_2229 : vector<16xi32>
        %select_n3A_2231 = arith.select %and3A_2228, %add3A_2230, %rem3A_2216 : vector<16xi1>, vector<16xi32>
        %mul3A_2232 = arith.constant 128 : i32
        %mul3A_2233 = vector.broadcast %mul3A_2232 : i32 to vector<16xi32>
        %mul3A_2234 = arith.muli %mul3A_2233, %select_n3A_2231 : vector<16xi32>
        %jit3A_2235 = arith.constant 4 : i32
        %div3A_2236 = vector.broadcast %jit3A_2235 : i32 to vector<16xi32>
        %div3A_2237 = arith.divsi %add3A_2209, %div3A_2236 : vector<16xi32>
        %sign3A_2238 = arith.constant 0 : i32
        %sign3A_2239 = vector.broadcast %sign3A_2238 : i32 to vector<16xi32>
        %sign3A_2240 = arith.cmpi sgt, %add3A_2209, %sign3A_2239 : vector<16xi32>
        %sign3A_2241 = arith.extui %sign3A_2240 : vector<16xi1> to vector<16xi32>
        %sign3A_2242 = arith.constant 0 : i32
        %sign3A_2243 = vector.broadcast %sign3A_2242 : i32 to vector<16xi32>
        %sign3A_2244 = arith.cmpi slt, %add3A_2209, %sign3A_2243 : vector<16xi32>
        %sign3A_2245 = arith.extui %sign3A_2244 : vector<16xi1> to vector<16xi32>
        %sign3A_2246 = arith.subi %sign3A_2241, %sign3A_2245 : vector<16xi32>
        %sign3A_2247 = arith.constant 0 : i32
        %sign3A_2248 = arith.cmpi sgt, %jit3A_2235, %sign3A_2247 : i32
        %sign3A_2249 = arith.extui %sign3A_2248 : i1 to i32
        %sign3A_2250 = arith.constant 0 : i32
        %sign3A_2251 = arith.cmpi slt, %jit3A_2235, %sign3A_2250 : i32
        %sign3A_2252 = arith.extui %sign3A_2251 : i1 to i32
        %sign3A_2253 = arith.subi %sign3A_2249, %sign3A_2252 : i32
        %ne3A_2254 = vector.broadcast %sign3A_2253 : i32 to vector<16xi32>
        %ne3A_2255 = arith.cmpi ne, %sign3A_2246, %ne3A_2254 : vector<16xi32>
        %rem3A_2256 = vector.broadcast %jit3A_2235 : i32 to vector<16xi32>
        %rem3A_2257 = arith.remsi %add3A_2209, %rem3A_2256 : vector<16xi32>
        %ne3A_2258 = arith.constant 0 : i32
        %ne3A_2259 = vector.broadcast %ne3A_2258 : i32 to vector<16xi32>
        %ne3A_2260 = arith.cmpi ne, %rem3A_2257, %ne3A_2259 : vector<16xi32>
        %and3A_2261 = arith.andi %ne3A_2255, %ne3A_2260 : vector<16xi1>
        %sub3A_2262 = arith.constant 1 : i32
        %sub3A_2263 = vector.broadcast %sub3A_2262 : i32 to vector<16xi32>
        %sub3A_2264 = arith.subi %div3A_2237, %sub3A_2263 : vector<16xi32>
        %select_n3A_2265 = arith.select %and3A_2261, %sub3A_2264, %div3A_2237 : vector<16xi1>, vector<16xi32>
        %add3A_2266 = arith.addi %mul3A_2234, %select_n3A_2265 : vector<16xi32>
        %broadcast_in_dim3A_2267 = arith.constant 0 : i32
        %broadcast_in_dim3A_2268 = vector.broadcast %broadcast_in_dim3A_2267 : i32 to vector<16xi32>
        %gather3A_2269 = arith.constant 0 : i32
        %gather3A_2270 = arith.constant 0 : i32
        %gather3A_2271 = tpu.memref_slice %run_scoped3A[%rem3A_195, %gather3A_2269, %gather3A_2270] : memref<2x1x512xi32, #tpu.memory_space<vmem>> -> memref<1x1x512xi32, #tpu.memory_space<vmem>>
        %gather3A_2272 = tpu.memref_squeeze %gather3A_2271 : memref<1x1x512xi32, #tpu.memory_space<vmem>> -> memref<1x512xi32, #tpu.memory_space<vmem>>
        %gather3A_2273 = tpu.vector_load_idx %gather3A_2272[%broadcast_in_dim3A_2268, %add3A_2266] : memref<1x512xi32, #tpu.memory_space<vmem>>[vector<16xi32>, vector<16xi32>], vector<16xi32>,
        %mul3A_2274 = arith.constant 4 : i32
        %mul3A_2275 = vector.broadcast %mul3A_2274 : i32 to vector<16xi32>
        %mul3A_2276 = arith.muli %gather3A_2273, %mul3A_2275 : vector<16xi32>
        %swap3A_2277 = arith.constant 448 : index
        %swap3A_2278 = tpu.vector_load %arg5[%swap3A_2277] {strides = array<i32>} : memref<512xi32, #tpu.memory_space<vmem>>, vector<16xi32>,
        tpu.vector_store %arg5[%swap3A_2277], %mul3A_2276 {strides = array<i32>} : memref<512xi32, #tpu.memory_space<vmem>>, vector<16xi32>,
        %add3A_2279 = arith.constant 464 : i32
        %add3A_2280 = vector.broadcast %add3A_2279 : i32 to vector<16xi32>
        %add3A_2281 = arith.addi %iota3A, %add3A_2280 : vector<16xi32>
        %jit3A_2282 = arith.constant 4 : i32
        %eq3A_2283 = arith.constant 0 : i32
        %eq3A_2284 = arith.cmpi eq, %jit3A_2282, %eq3A_2283 : i32
        %jit3A_2285 = arith.constant 1 : i32
        %select_n3A_2286 = arith.select %eq3A_2284, %jit3A_2285, %jit3A_2282 : i32
        %rem3A_2287 = vector.broadcast %select_n3A_2286 : i32 to vector<16xi32>
        %rem3A_2288 = arith.remsi %add3A_2281, %rem3A_2287 : vector<16xi32>
        %ne3A_2289 = arith.constant 0 : i32
        %ne3A_2290 = vector.broadcast %ne3A_2289 : i32 to vector<16xi32>
        %ne3A_2291 = arith.cmpi ne, %rem3A_2288, %ne3A_2290 : vector<16xi32>
        %lt3A_2292 = arith.constant 0 : i32
        %lt3A_2293 = vector.broadcast %lt3A_2292 : i32 to vector<16xi32>
        %lt3A_2294 = arith.cmpi slt, %rem3A_2288, %lt3A_2293 : vector<16xi32>
        %lt3A_2295 = arith.constant 0 : i32
        %lt3A_2296 = arith.cmpi slt, %select_n3A_2286, %lt3A_2295 : i32
        %ne3A_2297 = vector.broadcast %lt3A_2296 : i1 to vector<16xi1>
        %ne3A_2298 = vector.broadcast %ne3A_2297 : vector<16xi1> to vector<16xi1>
        %ne3A_2299 = arith.xori %lt3A_2294, %ne3A_2298 : vector<16xi1>
        %and3A_2300 = arith.andi %ne3A_2299, %ne3A_2291 : vector<16xi1>
        %add3A_2301 = vector.broadcast %select_n3A_2286 : i32 to vector<16xi32>
        %add3A_2302 = arith.addi %rem3A_2288, %add3A_2301 : vector<16xi32>
        %select_n3A_2303 = arith.select %and3A_2300, %add3A_2302, %rem3A_2288 : vector<16xi1>, vector<16xi32>
        %mul3A_2304 = arith.constant 128 : i32
        %mul3A_2305 = vector.broadcast %mul3A_2304 : i32 to vector<16xi32>
        %mul3A_2306 = arith.muli %mul3A_2305, %select_n3A_2303 : vector<16xi32>
        %jit3A_2307 = arith.constant 4 : i32
        %div3A_2308 = vector.broadcast %jit3A_2307 : i32 to vector<16xi32>
        %div3A_2309 = arith.divsi %add3A_2281, %div3A_2308 : vector<16xi32>
        %sign3A_2310 = arith.constant 0 : i32
        %sign3A_2311 = vector.broadcast %sign3A_2310 : i32 to vector<16xi32>
        %sign3A_2312 = arith.cmpi sgt, %add3A_2281, %sign3A_2311 : vector<16xi32>
        %sign3A_2313 = arith.extui %sign3A_2312 : vector<16xi1> to vector<16xi32>
        %sign3A_2314 = arith.constant 0 : i32
        %sign3A_2315 = vector.broadcast %sign3A_2314 : i32 to vector<16xi32>
        %sign3A_2316 = arith.cmpi slt, %add3A_2281, %sign3A_2315 : vector<16xi32>
        %sign3A_2317 = arith.extui %sign3A_2316 : vector<16xi1> to vector<16xi32>
        %sign3A_2318 = arith.subi %sign3A_2313, %sign3A_2317 : vector<16xi32>
        %sign3A_2319 = arith.constant 0 : i32
        %sign3A_2320 = arith.cmpi sgt, %jit3A_2307, %sign3A_2319 : i32
        %sign3A_2321 = arith.extui %sign3A_2320 : i1 to i32
        %sign3A_2322 = arith.constant 0 : i32
        %sign3A_2323 = arith.cmpi slt, %jit3A_2307, %sign3A_2322 : i32
        %sign3A_2324 = arith.extui %sign3A_2323 : i1 to i32
        %sign3A_2325 = arith.subi %sign3A_2321, %sign3A_2324 : i32
        %ne3A_2326 = vector.broadcast %sign3A_2325 : i32 to vector<16xi32>
        %ne3A_2327 = arith.cmpi ne, %sign3A_2318, %ne3A_2326 : vector<16xi32>
        %rem3A_2328 = vector.broadcast %jit3A_2307 : i32 to vector<16xi32>
        %rem3A_2329 = arith.remsi %add3A_2281, %rem3A_2328 : vector<16xi32>
        %ne3A_2330 = arith.constant 0 : i32
        %ne3A_2331 = vector.broadcast %ne3A_2330 : i32 to vector<16xi32>
        %ne3A_2332 = arith.cmpi ne, %rem3A_2329, %ne3A_2331 : vector<16xi32>
        %and3A_2333 = arith.andi %ne3A_2327, %ne3A_2332 : vector<16xi1>
        %sub3A_2334 = arith.constant 1 : i32
        %sub3A_2335 = vector.broadcast %sub3A_2334 : i32 to vector<16xi32>
        %sub3A_2336 = arith.subi %div3A_2309, %sub3A_2335 : vector<16xi32>
        %select_n3A_2337 = arith.select %and3A_2333, %sub3A_2336, %div3A_2309 : vector<16xi1>, vector<16xi32>
        %add3A_2338 = arith.addi %mul3A_2306, %select_n3A_2337 : vector<16xi32>
        %broadcast_in_dim3A_2339 = arith.constant 0 : i32
        %broadcast_in_dim3A_2340 = vector.broadcast %broadcast_in_dim3A_2339 : i32 to vector<16xi32>
        %gather3A_2341 = arith.constant 0 : i32
        %gather3A_2342 = arith.constant 0 : i32
        %gather3A_2343 = tpu.memref_slice %run_scoped3A[%rem3A_195, %gather3A_2341, %gather3A_2342] : memref<2x1x512xi32, #tpu.memory_space<vmem>> -> memref<1x1x512xi32, #tpu.memory_space<vmem>>
        %gather3A_2344 = tpu.memref_squeeze %gather3A_2343 : memref<1x1x512xi32, #tpu.memory_space<vmem>> -> memref<1x512xi32, #tpu.memory_space<vmem>>
        %gather3A_2345 = tpu.vector_load_idx %gather3A_2344[%broadcast_in_dim3A_2340, %add3A_2338] : memref<1x512xi32, #tpu.memory_space<vmem>>[vector<16xi32>, vector<16xi32>], vector<16xi32>,
        %mul3A_2346 = arith.constant 4 : i32
        %mul3A_2347 = vector.broadcast %mul3A_2346 : i32 to vector<16xi32>
        %mul3A_2348 = arith.muli %gather3A_2345, %mul3A_2347 : vector<16xi32>
        %swap3A_2349 = arith.constant 464 : index
        %swap3A_2350 = tpu.vector_load %arg5[%swap3A_2349] {strides = array<i32>} : memref<512xi32, #tpu.memory_space<vmem>>, vector<16xi32>,
        tpu.vector_store %arg5[%swap3A_2349], %mul3A_2348 {strides = array<i32>} : memref<512xi32, #tpu.memory_space<vmem>>, vector<16xi32>,
        %add3A_2351 = arith.constant 480 : i32
        %add3A_2352 = vector.broadcast %add3A_2351 : i32 to vector<16xi32>
        %add3A_2353 = arith.addi %iota3A, %add3A_2352 : vector<16xi32>
        %jit3A_2354 = arith.constant 4 : i32
        %eq3A_2355 = arith.constant 0 : i32
        %eq3A_2356 = arith.cmpi eq, %jit3A_2354, %eq3A_2355 : i32
        %jit3A_2357 = arith.constant 1 : i32
        %select_n3A_2358 = arith.select %eq3A_2356, %jit3A_2357, %jit3A_2354 : i32
        %rem3A_2359 = vector.broadcast %select_n3A_2358 : i32 to vector<16xi32>
        %rem3A_2360 = arith.remsi %add3A_2353, %rem3A_2359 : vector<16xi32>
        %ne3A_2361 = arith.constant 0 : i32
        %ne3A_2362 = vector.broadcast %ne3A_2361 : i32 to vector<16xi32>
        %ne3A_2363 = arith.cmpi ne, %rem3A_2360, %ne3A_2362 : vector<16xi32>
        %lt3A_2364 = arith.constant 0 : i32
        %lt3A_2365 = vector.broadcast %lt3A_2364 : i32 to vector<16xi32>
        %lt3A_2366 = arith.cmpi slt, %rem3A_2360, %lt3A_2365 : vector<16xi32>
        %lt3A_2367 = arith.constant 0 : i32
        %lt3A_2368 = arith.cmpi slt, %select_n3A_2358, %lt3A_2367 : i32
        %ne3A_2369 = vector.broadcast %lt3A_2368 : i1 to vector<16xi1>
        %ne3A_2370 = vector.broadcast %ne3A_2369 : vector<16xi1> to vector<16xi1>
        %ne3A_2371 = arith.xori %lt3A_2366, %ne3A_2370 : vector<16xi1>
        %and3A_2372 = arith.andi %ne3A_2371, %ne3A_2363 : vector<16xi1>
        %add3A_2373 = vector.broadcast %select_n3A_2358 : i32 to vector<16xi32>
        %add3A_2374 = arith.addi %rem3A_2360, %add3A_2373 : vector<16xi32>
        %select_n3A_2375 = arith.select %and3A_2372, %add3A_2374, %rem3A_2360 : vector<16xi1>, vector<16xi32>
        %mul3A_2376 = arith.constant 128 : i32
        %mul3A_2377 = vector.broadcast %mul3A_2376 : i32 to vector<16xi32>
        %mul3A_2378 = arith.muli %mul3A_2377, %select_n3A_2375 : vector<16xi32>
        %jit3A_2379 = arith.constant 4 : i32
        %div3A_2380 = vector.broadcast %jit3A_2379 : i32 to vector<16xi32>
        %div3A_2381 = arith.divsi %add3A_2353, %div3A_2380 : vector<16xi32>
        %sign3A_2382 = arith.constant 0 : i32
        %sign3A_2383 = vector.broadcast %sign3A_2382 : i32 to vector<16xi32>
        %sign3A_2384 = arith.cmpi sgt, %add3A_2353, %sign3A_2383 : vector<16xi32>
        %sign3A_2385 = arith.extui %sign3A_2384 : vector<16xi1> to vector<16xi32>
        %sign3A_2386 = arith.constant 0 : i32
        %sign3A_2387 = vector.broadcast %sign3A_2386 : i32 to vector<16xi32>
        %sign3A_2388 = arith.cmpi slt, %add3A_2353, %sign3A_2387 : vector<16xi32>
        %sign3A_2389 = arith.extui %sign3A_2388 : vector<16xi1> to vector<16xi32>
        %sign3A_2390 = arith.subi %sign3A_2385, %sign3A_2389 : vector<16xi32>
        %sign3A_2391 = arith.constant 0 : i32
        %sign3A_2392 = arith.cmpi sgt, %jit3A_2379, %sign3A_2391 : i32
        %sign3A_2393 = arith.extui %sign3A_2392 : i1 to i32
        %sign3A_2394 = arith.constant 0 : i32
        %sign3A_2395 = arith.cmpi slt, %jit3A_2379, %sign3A_2394 : i32
        %sign3A_2396 = arith.extui %sign3A_2395 : i1 to i32
        %sign3A_2397 = arith.subi %sign3A_2393, %sign3A_2396 : i32
        %ne3A_2398 = vector.broadcast %sign3A_2397 : i32 to vector<16xi32>
        %ne3A_2399 = arith.cmpi ne, %sign3A_2390, %ne3A_2398 : vector<16xi32>
        %rem3A_2400 = vector.broadcast %jit3A_2379 : i32 to vector<16xi32>
        %rem3A_2401 = arith.remsi %add3A_2353, %rem3A_2400 : vector<16xi32>
        %ne3A_2402 = arith.constant 0 : i32
        %ne3A_2403 = vector.broadcast %ne3A_2402 : i32 to vector<16xi32>
        %ne3A_2404 = arith.cmpi ne, %rem3A_2401, %ne3A_2403 : vector<16xi32>
        %and3A_2405 = arith.andi %ne3A_2399, %ne3A_2404 : vector<16xi1>
        %sub3A_2406 = arith.constant 1 : i32
        %sub3A_2407 = vector.broadcast %sub3A_2406 : i32 to vector<16xi32>
        %sub3A_2408 = arith.subi %div3A_2381, %sub3A_2407 : vector<16xi32>
        %select_n3A_2409 = arith.select %and3A_2405, %sub3A_2408, %div3A_2381 : vector<16xi1>, vector<16xi32>
        %add3A_2410 = arith.addi %mul3A_2378, %select_n3A_2409 : vector<16xi32>
        %broadcast_in_dim3A_2411 = arith.constant 0 : i32
        %broadcast_in_dim3A_2412 = vector.broadcast %broadcast_in_dim3A_2411 : i32 to vector<16xi32>
        %gather3A_2413 = arith.constant 0 : i32
        %gather3A_2414 = arith.constant 0 : i32
        %gather3A_2415 = tpu.memref_slice %run_scoped3A[%rem3A_195, %gather3A_2413, %gather3A_2414] : memref<2x1x512xi32, #tpu.memory_space<vmem>> -> memref<1x1x512xi32, #tpu.memory_space<vmem>>
        %gather3A_2416 = tpu.memref_squeeze %gather3A_2415 : memref<1x1x512xi32, #tpu.memory_space<vmem>> -> memref<1x512xi32, #tpu.memory_space<vmem>>
        %gather3A_2417 = tpu.vector_load_idx %gather3A_2416[%broadcast_in_dim3A_2412, %add3A_2410] : memref<1x512xi32, #tpu.memory_space<vmem>>[vector<16xi32>, vector<16xi32>], vector<16xi32>,
        %mul3A_2418 = arith.constant 4 : i32
        %mul3A_2419 = vector.broadcast %mul3A_2418 : i32 to vector<16xi32>
        %mul3A_2420 = arith.muli %gather3A_2417, %mul3A_2419 : vector<16xi32>
        %swap3A_2421 = arith.constant 480 : index
        %swap3A_2422 = tpu.vector_load %arg5[%swap3A_2421] {strides = array<i32>} : memref<512xi32, #tpu.memory_space<vmem>>, vector<16xi32>,
        tpu.vector_store %arg5[%swap3A_2421], %mul3A_2420 {strides = array<i32>} : memref<512xi32, #tpu.memory_space<vmem>>, vector<16xi32>,
        %add3A_2423 = arith.constant 496 : i32
        %add3A_2424 = vector.broadcast %add3A_2423 : i32 to vector<16xi32>
        %add3A_2425 = arith.addi %iota3A, %add3A_2424 : vector<16xi32>
        %jit3A_2426 = arith.constant 4 : i32
        %eq3A_2427 = arith.constant 0 : i32
        %eq3A_2428 = arith.cmpi eq, %jit3A_2426, %eq3A_2427 : i32
        %jit3A_2429 = arith.constant 1 : i32
        %select_n3A_2430 = arith.select %eq3A_2428, %jit3A_2429, %jit3A_2426 : i32
        %rem3A_2431 = vector.broadcast %select_n3A_2430 : i32 to vector<16xi32>
        %rem3A_2432 = arith.remsi %add3A_2425, %rem3A_2431 : vector<16xi32>
        %ne3A_2433 = arith.constant 0 : i32
        %ne3A_2434 = vector.broadcast %ne3A_2433 : i32 to vector<16xi32>
        %ne3A_2435 = arith.cmpi ne, %rem3A_2432, %ne3A_2434 : vector<16xi32>
        %lt3A_2436 = arith.constant 0 : i32
        %lt3A_2437 = vector.broadcast %lt3A_2436 : i32 to vector<16xi32>
        %lt3A_2438 = arith.cmpi slt, %rem3A_2432, %lt3A_2437 : vector<16xi32>
        %lt3A_2439 = arith.constant 0 : i32
        %lt3A_2440 = arith.cmpi slt, %select_n3A_2430, %lt3A_2439 : i32
        %ne3A_2441 = vector.broadcast %lt3A_2440 : i1 to vector<16xi1>
        %ne3A_2442 = vector.broadcast %ne3A_2441 : vector<16xi1> to vector<16xi1>
        %ne3A_2443 = arith.xori %lt3A_2438, %ne3A_2442 : vector<16xi1>
        %and3A_2444 = arith.andi %ne3A_2443, %ne3A_2435 : vector<16xi1>
        %add3A_2445 = vector.broadcast %select_n3A_2430 : i32 to vector<16xi32>
        %add3A_2446 = arith.addi %rem3A_2432, %add3A_2445 : vector<16xi32>
        %select_n3A_2447 = arith.select %and3A_2444, %add3A_2446, %rem3A_2432 : vector<16xi1>, vector<16xi32>
        %mul3A_2448 = arith.constant 128 : i32
        %mul3A_2449 = vector.broadcast %mul3A_2448 : i32 to vector<16xi32>
        %mul3A_2450 = arith.muli %mul3A_2449, %select_n3A_2447 : vector<16xi32>
        %jit3A_2451 = arith.constant 4 : i32
        %div3A_2452 = vector.broadcast %jit3A_2451 : i32 to vector<16xi32>
        %div3A_2453 = arith.divsi %add3A_2425, %div3A_2452 : vector<16xi32>
        %sign3A_2454 = arith.constant 0 : i32
        %sign3A_2455 = vector.broadcast %sign3A_2454 : i32 to vector<16xi32>
        %sign3A_2456 = arith.cmpi sgt, %add3A_2425, %sign3A_2455 : vector<16xi32>
        %sign3A_2457 = arith.extui %sign3A_2456 : vector<16xi1> to vector<16xi32>
        %sign3A_2458 = arith.constant 0 : i32
        %sign3A_2459 = vector.broadcast %sign3A_2458 : i32 to vector<16xi32>
        %sign3A_2460 = arith.cmpi slt, %add3A_2425, %sign3A_2459 : vector<16xi32>
        %sign3A_2461 = arith.extui %sign3A_2460 : vector<16xi1> to vector<16xi32>
        %sign3A_2462 = arith.subi %sign3A_2457, %sign3A_2461 : vector<16xi32>
        %sign3A_2463 = arith.constant 0 : i32
        %sign3A_2464 = arith.cmpi sgt, %jit3A_2451, %sign3A_2463 : i32
        %sign3A_2465 = arith.extui %sign3A_2464 : i1 to i32
        %sign3A_2466 = arith.constant 0 : i32
        %sign3A_2467 = arith.cmpi slt, %jit3A_2451, %sign3A_2466 : i32
        %sign3A_2468 = arith.extui %sign3A_2467 : i1 to i32
        %sign3A_2469 = arith.subi %sign3A_2465, %sign3A_2468 : i32
        %ne3A_2470 = vector.broadcast %sign3A_2469 : i32 to vector<16xi32>
        %ne3A_2471 = arith.cmpi ne, %sign3A_2462, %ne3A_2470 : vector<16xi32>
        %rem3A_2472 = vector.broadcast %jit3A_2451 : i32 to vector<16xi32>
        %rem3A_2473 = arith.remsi %add3A_2425, %rem3A_2472 : vector<16xi32>
        %ne3A_2474 = arith.constant 0 : i32
        %ne3A_2475 = vector.broadcast %ne3A_2474 : i32 to vector<16xi32>
        %ne3A_2476 = arith.cmpi ne, %rem3A_2473, %ne3A_2475 : vector<16xi32>
        %and3A_2477 = arith.andi %ne3A_2471, %ne3A_2476 : vector<16xi1>
        %sub3A_2478 = arith.constant 1 : i32
        %sub3A_2479 = vector.broadcast %sub3A_2478 : i32 to vector<16xi32>
        %sub3A_2480 = arith.subi %div3A_2453, %sub3A_2479 : vector<16xi32>
        %select_n3A_2481 = arith.select %and3A_2477, %sub3A_2480, %div3A_2453 : vector<16xi1>, vector<16xi32>
        %add3A_2482 = arith.addi %mul3A_2450, %select_n3A_2481 : vector<16xi32>
        %broadcast_in_dim3A_2483 = arith.constant 0 : i32
        %broadcast_in_dim3A_2484 = vector.broadcast %broadcast_in_dim3A_2483 : i32 to vector<16xi32>
        %gather3A_2485 = arith.constant 0 : i32
        %gather3A_2486 = arith.constant 0 : i32
        %gather3A_2487 = tpu.memref_slice %run_scoped3A[%rem3A_195, %gather3A_2485, %gather3A_2486] : memref<2x1x512xi32, #tpu.memory_space<vmem>> -> memref<1x1x512xi32, #tpu.memory_space<vmem>>
        %gather3A_2488 = tpu.memref_squeeze %gather3A_2487 : memref<1x1x512xi32, #tpu.memory_space<vmem>> -> memref<1x512xi32, #tpu.memory_space<vmem>>
        %gather3A_2489 = tpu.vector_load_idx %gather3A_2488[%broadcast_in_dim3A_2484, %add3A_2482] : memref<1x512xi32, #tpu.memory_space<vmem>>[vector<16xi32>, vector<16xi32>], vector<16xi32>,
        %mul3A_2490 = arith.constant 4 : i32
        %mul3A_2491 = vector.broadcast %mul3A_2490 : i32 to vector<16xi32>
        %mul3A_2492 = arith.muli %gather3A_2489, %mul3A_2491 : vector<16xi32>
        %swap3A_2493 = arith.constant 496 : index
        %swap3A_2494 = tpu.vector_load %arg5[%swap3A_2493] {strides = array<i32>} : memref<512xi32, #tpu.memory_space<vmem>>, vector<16xi32>,
        tpu.vector_store %arg5[%swap3A_2493], %mul3A_2492 {strides = array<i32>} : memref<512xi32, #tpu.memory_space<vmem>>, vector<16xi32>,
        "tpu.region"() ({
          %run_scoped3A_2560 = tpu.sem_alloc : memref<!tpu.dma_semaphore, #tpu.memory_space<semaphore_mem>>
          %dma_start3A_2561 = arith.constant 0 : i32
          %dma_start3A_2562 = arith.constant 0 : i32
          %dma_start3A_2563 = tpu.memref_slice %run_scoped3A_8[%rem3A_197, %dma_start3A_2561, %dma_start3A_2562] : memref<2x512x32xf32, #tpu.memory_space<vmem>> -> memref<1x512x32xf32, #tpu.memory_space<vmem>>
          %dma_start3A_2564 = tpu.memref_squeeze %dma_start3A_2563 : memref<1x512x32xf32, #tpu.memory_space<vmem>> -> memref<512x32xf32, #tpu.memory_space<vmem>>
          %dma_start3A_2565 = arith.constant 0 : i32
          %dma_start3A_2566 = arith.constant 0 : i32
          %dma_start3A_2567 = tpu.memref_slice %arg2[%dma_start3A_2565, %dma_start3A_2566] : memref<4000000x32xf32, #tpu.memory_space<hbm>> -> memref<4000000x32xf32, #tpu.memory_space<hbm>>
          tpu.enqueue_indirect_dma source(%dma_start3A_2567 : memref<4000000x32xf32, #tpu.memory_space<hbm>>) target(%dma_start3A_2564 : memref<512x32xf32, #tpu.memory_space<vmem>>) offsets(%arg5 : memref<512xi32, #tpu.memory_space<vmem>>) semaphore(%run_scoped3A_2560 : memref<!tpu.dma_semaphore, #tpu.memory_space<semaphore_mem>>)
          %dma_wait3A_2568 = arith.constant 0 : i32
          %dma_wait3A_2569 = arith.constant 0 : i32
          %dma_wait3A_2570 = tpu.memref_slice %run_scoped3A_8[%rem3A_197, %dma_wait3A_2568, %dma_wait3A_2569] : memref<2x512x32xf32, #tpu.memory_space<vmem>> -> memref<1x512x32xf32, #tpu.memory_space<vmem>>
          %dma_wait3A_2571 = tpu.memref_squeeze %dma_wait3A_2570 : memref<1x512x32xf32, #tpu.memory_space<vmem>> -> memref<512x32xf32, #tpu.memory_space<vmem>>
          %dma_wait3A_2572 = arith.constant 0 : i32
          %dma_wait3A_2573 = arith.constant 0 : i32
          %dma_wait3A_2574 = tpu.memref_slice %arg2[%dma_wait3A_2572, %dma_wait3A_2573] : memref<4000000x32xf32, #tpu.memory_space<hbm>> -> memref<4000000x32xf32, #tpu.memory_space<hbm>>
          tpu.wait_indirect_dma semaphore(%run_scoped3A_2560 : memref<!tpu.dma_semaphore, #tpu.memory_space<semaphore_mem>>) src(%dma_wait3A_2574 : memref<4000000x32xf32, #tpu.memory_space<hbm>>) dst(%dma_wait3A_2571 : memref<512x32xf32, #tpu.memory_space<vmem>>)
          tpu.yield
        }) : () -> ()
        "tpu.trace_stop"() : () -> ()
        %ne3A_2495 = arith.cmpi ne, %add3A_131, %add3A_149 : i32
        %or3A_2496 = arith.constant false
        %or3A_2497 = arith.ori %or3A_2496, %ne3A_2495 : i1
        %or3A_2498 = arith.ori %or3A_2497, %eq3A_130 : i1
        %convert_element_type3A_2499 = arith.extui %or3A_2498 : i1 to i32
        %cond3A_2500 = arith.constant 0 : i32
        %cond3A_2501 = arith.cmpi ne, %convert_element_type3A_2499, %cond3A_2500 : i32
        scf.if %cond3A_2501 {
        } else {
        }
        %and3A_2502 = arith.constant false
        %and3A_2503 = arith.andi %or3A_2498, %and3A_2502 : i1
        %ne3A_2504 = arith.cmpi ne, %add3A_131, %add3A_149 : i32
        %or3A_2505 = arith.constant false
        %or3A_2506 = arith.ori %or3A_2505, %ne3A_2504 : i1
        %or3A_2507 = arith.constant false
        %or3A_2508 = arith.ori %or3A_2506, %or3A_2507 : i1
        %or3A_2509 = arith.ori %or3A_2508, %eq3A_130 : i1
        %convert_element_type3A_2510 = arith.extui %or3A_2509 : i1 to i32
        %cond3A_2511 = arith.constant 0 : i32
        %cond3A_2512 = arith.cmpi ne, %convert_element_type3A_2510, %cond3A_2511 : i32
        scf.if %cond3A_2512 {
          "tpu.trace_start"() <{level = 10 : i32, message = "ep_copy_out"}> : () -> ()
          %rem3A_2560 = arith.constant 2 : i32
          %rem3A_2561 = arith.remui %scan3A_124, %rem3A_2560 : i32
          %mul3A_2562 = arith.constant 512 : i32
          %mul3A_2563 = arith.muli %mul3A_2562, %add3A_131 : i32
          %dma_start3A_2564 = arith.constant 0 : i32
          %dma_start3A_2565 = arith.constant 0 : i32
          %dma_start3A_2566 = tpu.memref_slice %run_scoped3A_8[%rem3A_2561, %dma_start3A_2564, %dma_start3A_2565] : memref<2x512x32xf32, #tpu.memory_space<vmem>> -> memref<1x512x32xf32, #tpu.memory_space<vmem>>
          %dma_start3A_2567 = tpu.memref_squeeze %dma_start3A_2566 : memref<1x512x32xf32, #tpu.memory_space<vmem>> -> memref<512x32xf32, #tpu.memory_space<vmem>>
          %dma_start3A_2568 = arith.constant 0 : i32
          %dma_start3A_2569 = tpu.memref_slice %arg4[%mul3A_2563, %dma_start3A_2568] : memref<819200x32xf32, #tpu.memory_space<hbm>> -> memref<512x32xf32, #tpu.memory_space<hbm>>
          %dma_start3A_2570 = tpu.memref_slice %run_scoped3A_9[%rem3A_2561] : memref<2x!tpu.dma_semaphore, #tpu.memory_space<semaphore_mem>> -> memref<1x!tpu.dma_semaphore, #tpu.memory_space<semaphore_mem>>
          %dma_start3A_2571 = tpu.memref_squeeze %dma_start3A_2570 : memref<1x!tpu.dma_semaphore, #tpu.memory_space<semaphore_mem>> -> memref<!tpu.dma_semaphore, #tpu.memory_space<semaphore_mem>>
          %dma_start3A_2572 = arith.constant 0 : i32
          %dma_start3A_2573 = tpu.memref_slice %arg4[%mul3A_2563, %dma_start3A_2572] : memref<819200x32xf32, #tpu.memory_space<hbm>> -> memref<512x32xf32, #tpu.memory_space<hbm>>
          %dma_start3A_2574 = arith.constant 0 : i32
          %dma_start3A_2575 = arith.constant 0 : i32
          %dma_start3A_2576 = tpu.memref_slice %run_scoped3A_8[%rem3A_2561, %dma_start3A_2574, %dma_start3A_2575] : memref<2x512x32xf32, #tpu.memory_space<vmem>> -> memref<1x512x32xf32, #tpu.memory_space<vmem>>
          %dma_start3A_2577 = tpu.memref_squeeze %dma_start3A_2576 : memref<1x512x32xf32, #tpu.memory_space<vmem>> -> memref<512x32xf32, #tpu.memory_space<vmem>>
          tpu.enqueue_dma source(%dma_start3A_2577 : memref<512x32xf32, #tpu.memory_space<vmem>>) target(%dma_start3A_2573 : memref<512x32xf32, #tpu.memory_space<hbm>>) target_semaphore(%dma_start3A_2571 : memref<!tpu.dma_semaphore, #tpu.memory_space<semaphore_mem>>)
          "tpu.trace_stop"() : () -> ()
        } else {
        }
        %and3A_2513 = arith.constant true
        %and3A_2514 = arith.andi %or3A_2509, %and3A_2513 : i1
        %add3A_2515 = arith.constant 1 : i32
        %add3A_2516 = arith.addi %scan3A_124, %add3A_2515 : i32
        %select_n3A_2517 = arith.select %and3A_2514, %add3A_2516, %scan3A_124 : i32
        %ne3A_2518 = arith.cmpi ne, %add3A_131, %add3A_140 : i32
        %or3A_2519 = arith.constant false
        %or3A_2520 = arith.ori %or3A_2519, %ne3A_2518 : i1
        %not3A_2521 = arith.constant true
        %not3A_2522 = arith.xori %eq3A_128, %not3A_2521 : i1
        %and3A_2523 = arith.andi %or3A_2520, %not3A_2522 : i1
        %convert_element_type3A_2524 = arith.extui %and3A_2523 : i1 to i32
        %cond3A_2525 = arith.constant 0 : i32
        %cond3A_2526 = arith.cmpi ne, %convert_element_type3A_2524, %cond3A_2525 : i32
        scf.if %cond3A_2526 {
        } else {
        }
        %and3A_2527 = arith.constant false
        %and3A_2528 = arith.andi %and3A_2523, %and3A_2527 : i1
        %ne3A_2529 = arith.cmpi ne, %add3A_131, %add3A_140 : i32
        %or3A_2530 = arith.constant false
        %or3A_2531 = arith.ori %or3A_2530, %ne3A_2529 : i1
        %or3A_2532 = arith.constant false
        %or3A_2533 = arith.ori %or3A_2531, %or3A_2532 : i1
        %not3A_2534 = arith.constant true
        %not3A_2535 = arith.xori %eq3A_128, %not3A_2534 : i1
        %and3A_2536 = arith.andi %or3A_2533, %not3A_2535 : i1
        %convert_element_type3A_2537 = arith.extui %and3A_2536 : i1 to i32
        %cond3A_2538 = arith.constant 0 : i32
        %cond3A_2539 = arith.cmpi ne, %convert_element_type3A_2537, %cond3A_2538 : i32
        scf.if %cond3A_2539 {
          "tpu.trace_start"() <{level = 10 : i32, message = "ep_wait_out"}> : () -> ()
          %rem3A_2560 = arith.constant 2 : i32
          %rem3A_2561 = arith.remui %scan3A_125, %rem3A_2560 : i32
          %mul3A_2562 = arith.constant 512 : i32
          %mul3A_2563 = arith.muli %mul3A_2562, %add3A_140 : i32
          %dma_wait3A_2564 = arith.constant 0 : i32
          %dma_wait3A_2565 = arith.constant 0 : i32
          %dma_wait3A_2566 = tpu.memref_slice %run_scoped3A_8[%rem3A_2561, %dma_wait3A_2564, %dma_wait3A_2565] : memref<2x512x32xf32, #tpu.memory_space<vmem>> -> memref<1x512x32xf32, #tpu.memory_space<vmem>>
          %dma_wait3A_2567 = tpu.memref_squeeze %dma_wait3A_2566 : memref<1x512x32xf32, #tpu.memory_space<vmem>> -> memref<512x32xf32, #tpu.memory_space<vmem>>
          %dma_wait3A_2568 = arith.constant 0 : i32
          %dma_wait3A_2569 = tpu.memref_slice %arg4[%mul3A_2563, %dma_wait3A_2568] : memref<819200x32xf32, #tpu.memory_space<hbm>> -> memref<512x32xf32, #tpu.memory_space<hbm>>
          %dma_wait3A_2570 = tpu.memref_slice %run_scoped3A_9[%rem3A_2561] : memref<2x!tpu.dma_semaphore, #tpu.memory_space<semaphore_mem>> -> memref<1x!tpu.dma_semaphore, #tpu.memory_space<semaphore_mem>>
          %dma_wait3A_2571 = tpu.memref_squeeze %dma_wait3A_2570 : memref<1x!tpu.dma_semaphore, #tpu.memory_space<semaphore_mem>> -> memref<!tpu.dma_semaphore, #tpu.memory_space<semaphore_mem>>
          %dma_wait3A_2572 = arith.constant 0 : i32
          %dma_wait3A_2573 = tpu.memref_slice %arg4[%mul3A_2563, %dma_wait3A_2572] : memref<819200x32xf32, #tpu.memory_space<hbm>> -> memref<512x32xf32, #tpu.memory_space<hbm>>
          %dma_wait3A_2574 = arith.constant 0 : i32
          %dma_wait3A_2575 = arith.constant 0 : i32
          %dma_wait3A_2576 = tpu.memref_slice %run_scoped3A_8[%rem3A_2561, %dma_wait3A_2574, %dma_wait3A_2575] : memref<2x512x32xf32, #tpu.memory_space<vmem>> -> memref<1x512x32xf32, #tpu.memory_space<vmem>>
          %dma_wait3A_2577 = tpu.memref_squeeze %dma_wait3A_2576 : memref<1x512x32xf32, #tpu.memory_space<vmem>> -> memref<512x32xf32, #tpu.memory_space<vmem>>
          tpu.wait_dma2 semaphore(%dma_wait3A_2571 : memref<!tpu.dma_semaphore, #tpu.memory_space<semaphore_mem>>) src(%dma_wait3A_2577 : memref<512x32xf32, #tpu.memory_space<vmem>>) dst(%dma_wait3A_2573 : memref<512x32xf32, #tpu.memory_space<hbm>>)
          "tpu.trace_stop"() : () -> ()
        } else {
        }
        %and3A_2540 = arith.constant true
        %and3A_2541 = arith.andi %and3A_2536, %and3A_2540 : i1
        %add3A_2542 = arith.constant 1 : i32
        %add3A_2543 = arith.addi %scan3A_125, %add3A_2542 : i32
        %select_n3A_2544 = arith.select %and3A_2541, %add3A_2543, %scan3A_125 : i32
        %ne3A_2545 = arith.cmpi ne, %add3A_131, %add3A_149 : i32
        %or3A_2546 = arith.constant false
        %or3A_2547 = arith.ori %or3A_2546, %ne3A_2545 : i1
        %or3A_2548 = arith.ori %or3A_2547, %eq3A_130 : i1
        %add3A_2549 = arith.constant 1 : i32
        %add3A_2550 = arith.addi %scan3A_123, %add3A_2549 : i32
        %select_n3A_2551 = arith.select %or3A_2548, %add3A_2550, %scan3A_123 : i32
        %add3A_2552 = arith.constant 1 : i32
        %add3A_2553 = arith.addi %scan3A_126, %add3A_2552 : i32
        %select_n3A_2554 = arith.constant true
        %select_n3A_2555 = arith.select %select_n3A_2554, %add3A_2553, %scan3A_126 : i32
        %eq3A_2556 = arith.constant 50 : i32
        %eq3A_2557 = arith.cmpi eq, %select_n3A_2555, %eq3A_2556 : i32
        %select_n3A_2558 = arith.constant 0 : i32
        %select_n3A_2559 = arith.select %eq3A_2557, %select_n3A_2558, %select_n3A_2555 : i32
        scf.yield %select_n3A_167, %select_n3A_2551, %select_n3A_2517, %select_n3A_2544, %select_n3A_2559 : i32, i32, i32, i32, i32
      }
      %scan3A_68 = arith.constant 50 : i32
      %sub3A = arith.constant 1 : i32
      %sub3A_69 = arith.subi %scan3A_67#4, %sub3A : i32
      %select_n3A_70 = arith.constant true
      %select_n3A_71 = arith.select %select_n3A_70, %sub3A_69, %scan3A_67#4 : i32
      %eq3A_72 = arith.constant -1 : i32
      %eq3A_73 = arith.cmpi eq, %select_n3A_71, %eq3A_72 : i32
      %select_n3A_74 = arith.constant 49 : i32
      %select_n3A_75 = arith.select %eq3A_73, %select_n3A_74, %select_n3A_71 : i32
      %add3A_76 = arith.addi %select_n3A_75, %mul3A_6 : i32
      %sub3A_77 = arith.constant 1 : i32
      %sub3A_78 = arith.subi %select_n3A_75, %sub3A_77 : i32
      %select_n3A_79 = arith.constant true
      %select_n3A_80 = arith.select %select_n3A_79, %sub3A_78, %select_n3A_75 : i32
      %eq3A_81 = arith.constant -1 : i32
      %eq3A_82 = arith.cmpi eq, %select_n3A_80, %eq3A_81 : i32
      %select_n3A_83 = arith.constant 49 : i32
      %select_n3A_84 = arith.select %eq3A_82, %select_n3A_83, %select_n3A_80 : i32
      %add3A_85 = arith.addi %select_n3A_84, %mul3A_6 : i32
      %add3A_86 = arith.constant 1 : i32
      %add3A_87 = arith.addi %select_n3A_75, %add3A_86 : i32
      %select_n3A_88 = arith.constant true
      %select_n3A_89 = arith.select %select_n3A_88, %add3A_87, %select_n3A_75 : i32
      %eq3A_90 = arith.constant 50 : i32
      %eq3A_91 = arith.cmpi eq, %select_n3A_89, %eq3A_90 : i32
      %select_n3A_92 = arith.constant 0 : i32
      %select_n3A_93 = arith.select %eq3A_91, %select_n3A_92, %select_n3A_89 : i32
      %add3A_94 = arith.addi %select_n3A_93, %mul3A_6 : i32
      %add3A_95 = arith.constant 1 : i32
      %add3A_96 = arith.addi %select_n3A_93, %add3A_95 : i32
      %select_n3A_97 = arith.constant true
      %select_n3A_98 = arith.select %select_n3A_97, %add3A_96, %select_n3A_93 : i32
      %eq3A_99 = arith.constant 50 : i32
      %eq3A_100 = arith.cmpi eq, %select_n3A_98, %eq3A_99 : i32
      %select_n3A_101 = arith.constant 0 : i32
      %select_n3A_102 = arith.select %eq3A_100, %select_n3A_101, %select_n3A_98 : i32
      %add3A_103 = arith.addi %select_n3A_102, %mul3A_6 : i32
      "tpu.trace_start"() <{level = 10 : i32, message = "ep_finalize"}> : () -> ()
      %rem3A_104 = arith.constant 2 : i32
      %rem3A_105 = arith.remui %scan3A_67#3, %rem3A_104 : i32
      %mul3A_106 = arith.constant 512 : i32
      %mul3A_107 = arith.muli %mul3A_106, %add3A_76 : i32
      %dma_wait3A = arith.constant 0 : i32
      %dma_wait3A_108 = arith.constant 0 : i32
      %dma_wait3A_109 = tpu.memref_slice %run_scoped3A_8[%rem3A_105, %dma_wait3A, %dma_wait3A_108] : memref<2x512x32xf32, #tpu.memory_space<vmem>> -> memref<1x512x32xf32, #tpu.memory_space<vmem>>
      %dma_wait3A_110 = tpu.memref_squeeze %dma_wait3A_109 : memref<1x512x32xf32, #tpu.memory_space<vmem>> -> memref<512x32xf32, #tpu.memory_space<vmem>>
      %dma_wait3A_111 = arith.constant 0 : i32
      %dma_wait3A_112 = tpu.memref_slice %arg4[%mul3A_107, %dma_wait3A_111] : memref<819200x32xf32, #tpu.memory_space<hbm>> -> memref<512x32xf32, #tpu.memory_space<hbm>>
      %dma_wait3A_113 = tpu.memref_slice %run_scoped3A_9[%rem3A_105] : memref<2x!tpu.dma_semaphore, #tpu.memory_space<semaphore_mem>> -> memref<1x!tpu.dma_semaphore, #tpu.memory_space<semaphore_mem>>
      %dma_wait3A_114 = tpu.memref_squeeze %dma_wait3A_113 : memref<1x!tpu.dma_semaphore, #tpu.memory_space<semaphore_mem>> -> memref<!tpu.dma_semaphore, #tpu.memory_space<semaphore_mem>>
      %dma_wait3A_115 = arith.constant 0 : i32
      %dma_wait3A_116 = tpu.memref_slice %arg4[%mul3A_107, %dma_wait3A_115] : memref<819200x32xf32, #tpu.memory_space<hbm>> -> memref<512x32xf32, #tpu.memory_space<hbm>>
      %dma_wait3A_117 = arith.constant 0 : i32
      %dma_wait3A_118 = arith.constant 0 : i32
      %dma_wait3A_119 = tpu.memref_slice %run_scoped3A_8[%rem3A_105, %dma_wait3A_117, %dma_wait3A_118] : memref<2x512x32xf32, #tpu.memory_space<vmem>> -> memref<1x512x32xf32, #tpu.memory_space<vmem>>
      %dma_wait3A_120 = tpu.memref_squeeze %dma_wait3A_119 : memref<1x512x32xf32, #tpu.memory_space<vmem>> -> memref<512x32xf32, #tpu.memory_space<vmem>>
      tpu.wait_dma2 semaphore(%dma_wait3A_114 : memref<!tpu.dma_semaphore, #tpu.memory_space<semaphore_mem>>) src(%dma_wait3A_120 : memref<512x32xf32, #tpu.memory_space<vmem>>) dst(%dma_wait3A_116 : memref<512x32xf32, #tpu.memory_space<hbm>>)
      "tpu.trace_stop"() : () -> ()
      tpu.yield
    }) : () -> ()
    return
  }
}

module attributes {stable_mosaic.version = 14 : i64} {
  func.func @_finish_body(%arg0: i32, %arg1: memref<1x8x128x128xf32, #tpu.memory_space<vmem>>, %arg2: memref<1x8x4x128xi32, #tpu.memory_space<vmem>>, %arg3: memref<1x4x32x8x128xf32, #tpu.memory_space<vmem>>) attributes {dimension_semantics = [#tpu.dimension_semantics<parallel>], iteration_bounds = array<i64: 200>, scalar_prefetch = 0 : i64, scratch_operands = 0 : i64, tpu.core_type = #tpu.core_type<tc>, window_params = [{transform_indices = @transform_0, window_bounds = array<i64: 1, 8, 128, 128>}, {transform_indices = @transform_1, window_bounds = array<i64: 1, 8, 4, 128>}, {transform_indices = @transform_2, window_bounds = array<i64: 1, 4, 32, 8, 128>}]} {
    %get3A = arith.constant 0 : index
    %get3A_0 = arith.constant 0 : index
    %get3A_1 = arith.constant 0 : index
    %get3A_2 = arith.constant 0 : index
    %get3A_3 = vector.load %arg1[%get3A, %get3A_0, %get3A_1, %get3A_2] : memref<1x8x128x128xf32, #tpu.memory_space<vmem>>, vector<1x1x128x128xf32>
    %get3A_4 = vector.shape_cast %get3A_3 : vector<1x1x128x128xf32> to vector<128x128xf32>
    %transpose3A = tpu.transpose %get3A_4, [1, 0] : vector<128x128xf32> -> vector<128x128xf32>
    %get3A_5 = arith.constant 0 : index
    %get3A_6 = arith.constant 0 : index
    %get3A_7 = arith.constant 0 : index
    %get3A_8 = arith.constant 0 : index
    %get3A_9 = vector.load %arg2[%get3A_5, %get3A_6, %get3A_7, %get3A_8] : memref<1x8x4x128xi32, #tpu.memory_space<vmem>>, vector<1x1x4x128xi32>
    %get3A_10 = vector.shape_cast %get3A_9 : vector<1x1x4x128xi32> to vector<4x128xi32>
    %eq3A = arith.constant 1 : i32
    %eq3A_11 = vector.broadcast %eq3A : i32 to vector<4x128xi32>
    %eq3A_12 = arith.cmpi eq, %get3A_10, %eq3A_11 : vector<4x128xi32>
    %jit3A = arith.constant 0.000000e+00 : f32
    %jit3A_13 = arith.constant 5.65685415 : f32
    %broadcast_in_dim3A = vector.broadcast %jit3A : f32 to vector<4x128xf32>
    %broadcast_in_dim3A_14 = vector.broadcast %jit3A_13 : f32 to vector<4x128xf32>
    %select_n3A = arith.select %eq3A_12, %broadcast_in_dim3A, %broadcast_in_dim3A_14 : vector<4x128xi1>, vector<4x128xf32>
    %slice3A = vector.extract_strided_slice %transpose3A {offsets = [0, 0], sizes = [32, 128], strides = [1, 1]} : vector<128x128xf32> to vector<32x128xf32>
    %slice3A_15 = vector.extract_strided_slice %select_n3A {offsets = [0, 0], sizes = [1, 128], strides = [1, 1]} : vector<4x128xf32> to vector<1x128xf32>
    %squeeze3A = vector.shape_cast %slice3A_15 : vector<1x128xf32> to vector<128xf32>
    %broadcast_in_dim3A_16 = vector.shape_cast %squeeze3A : vector<128xf32> to vector<1x128xf32>
    %mul3A = vector.broadcast %broadcast_in_dim3A_16 : vector<1x128xf32> to vector<32x128xf32>
    %mul3A_17 = arith.mulf %slice3A, %mul3A : vector<32x128xf32>
    %reshape3A = vector.shape_cast %mul3A_17 : vector<32x128xf32> to vector<4x8x128xf32>
    %swap3A = arith.constant 0 : index
    %swap3A_18 = arith.constant 0 : index
    %swap3A_19 = arith.constant 0 : index
    %swap3A_20 = arith.constant 0 : index
    %swap3A_21 = arith.constant 0 : index
    %swap3A_22 = vector.load %arg3[%swap3A, %swap3A_18, %swap3A_19, %swap3A_20, %swap3A_21] : memref<1x4x32x8x128xf32, #tpu.memory_space<vmem>>, vector<1x4x1x8x128xf32>
    %swap3A_23 = vector.shape_cast %swap3A_22 : vector<1x4x1x8x128xf32> to vector<4x8x128xf32>
    %swap3A_24 = vector.shape_cast %reshape3A : vector<4x8x128xf32> to vector<1x4x1x8x128xf32>
    tpu.vector_store %arg3[%swap3A, %swap3A_18, %swap3A_19, %swap3A_20, %swap3A_21], %swap3A_24 {strides = array<i32>} : memref<1x4x32x8x128xf32, #tpu.memory_space<vmem>>, vector<1x4x1x8x128xf32>,
    %slice3A_25 = vector.extract_strided_slice %transpose3A {offsets = [32, 0], sizes = [32, 128], strides = [1, 1]} : vector<128x128xf32> to vector<32x128xf32>
    %slice3A_26 = vector.extract_strided_slice %select_n3A {offsets = [1, 0], sizes = [1, 128], strides = [1, 1]} : vector<4x128xf32> to vector<1x128xf32>
    %squeeze3A_27 = vector.shape_cast %slice3A_26 : vector<1x128xf32> to vector<128xf32>
    %broadcast_in_dim3A_28 = vector.shape_cast %squeeze3A_27 : vector<128xf32> to vector<1x128xf32>
    %mul3A_29 = vector.broadcast %broadcast_in_dim3A_28 : vector<1x128xf32> to vector<32x128xf32>
    %mul3A_30 = arith.mulf %slice3A_25, %mul3A_29 : vector<32x128xf32>
    %reshape3A_31 = vector.shape_cast %mul3A_30 : vector<32x128xf32> to vector<4x8x128xf32>
    %swap3A_32 = arith.constant 0 : index
    %swap3A_33 = arith.constant 0 : index
    %swap3A_34 = arith.constant 1 : index
    %swap3A_35 = arith.constant 0 : index
    %swap3A_36 = arith.constant 0 : index
    %swap3A_37 = vector.load %arg3[%swap3A_32, %swap3A_33, %swap3A_34, %swap3A_35, %swap3A_36] : memref<1x4x32x8x128xf32, #tpu.memory_space<vmem>>, vector<1x4x1x8x128xf32>
    %swap3A_38 = vector.shape_cast %swap3A_37 : vector<1x4x1x8x128xf32> to vector<4x8x128xf32>
    %swap3A_39 = vector.shape_cast %reshape3A_31 : vector<4x8x128xf32> to vector<1x4x1x8x128xf32>
    tpu.vector_store %arg3[%swap3A_32, %swap3A_33, %swap3A_34, %swap3A_35, %swap3A_36], %swap3A_39 {strides = array<i32>} : memref<1x4x32x8x128xf32, #tpu.memory_space<vmem>>, vector<1x4x1x8x128xf32>,
    %slice3A_40 = vector.extract_strided_slice %transpose3A {offsets = [64, 0], sizes = [32, 128], strides = [1, 1]} : vector<128x128xf32> to vector<32x128xf32>
    %slice3A_41 = vector.extract_strided_slice %select_n3A {offsets = [2, 0], sizes = [1, 128], strides = [1, 1]} : vector<4x128xf32> to vector<1x128xf32>
    %squeeze3A_42 = vector.shape_cast %slice3A_41 : vector<1x128xf32> to vector<128xf32>
    %broadcast_in_dim3A_43 = vector.shape_cast %squeeze3A_42 : vector<128xf32> to vector<1x128xf32>
    %mul3A_44 = vector.broadcast %broadcast_in_dim3A_43 : vector<1x128xf32> to vector<32x128xf32>
    %mul3A_45 = arith.mulf %slice3A_40, %mul3A_44 : vector<32x128xf32>
    %reshape3A_46 = vector.shape_cast %mul3A_45 : vector<32x128xf32> to vector<4x8x128xf32>
    %swap3A_47 = arith.constant 0 : index
    %swap3A_48 = arith.constant 0 : index
    %swap3A_49 = arith.constant 2 : index
    %swap3A_50 = arith.constant 0 : index
    %swap3A_51 = arith.constant 0 : index
    %swap3A_52 = vector.load %arg3[%swap3A_47, %swap3A_48, %swap3A_49, %swap3A_50, %swap3A_51] : memref<1x4x32x8x128xf32, #tpu.memory_space<vmem>>, vector<1x4x1x8x128xf32>
    %swap3A_53 = vector.shape_cast %swap3A_52 : vector<1x4x1x8x128xf32> to vector<4x8x128xf32>
    %swap3A_54 = vector.shape_cast %reshape3A_46 : vector<4x8x128xf32> to vector<1x4x1x8x128xf32>
    tpu.vector_store %arg3[%swap3A_47, %swap3A_48, %swap3A_49, %swap3A_50, %swap3A_51], %swap3A_54 {strides = array<i32>} : memref<1x4x32x8x128xf32, #tpu.memory_space<vmem>>, vector<1x4x1x8x128xf32>,
    %slice3A_55 = vector.extract_strided_slice %transpose3A {offsets = [96, 0], sizes = [32, 128], strides = [1, 1]} : vector<128x128xf32> to vector<32x128xf32>
    %slice3A_56 = vector.extract_strided_slice %select_n3A {offsets = [3, 0], sizes = [1, 128], strides = [1, 1]} : vector<4x128xf32> to vector<1x128xf32>
    %squeeze3A_57 = vector.shape_cast %slice3A_56 : vector<1x128xf32> to vector<128xf32>
    %broadcast_in_dim3A_58 = vector.shape_cast %squeeze3A_57 : vector<128xf32> to vector<1x128xf32>
    %mul3A_59 = vector.broadcast %broadcast_in_dim3A_58 : vector<1x128xf32> to vector<32x128xf32>
    %mul3A_60 = arith.mulf %slice3A_55, %mul3A_59 : vector<32x128xf32>
    %reshape3A_61 = vector.shape_cast %mul3A_60 : vector<32x128xf32> to vector<4x8x128xf32>
    %swap3A_62 = arith.constant 0 : index
    %swap3A_63 = arith.constant 0 : index
    %swap3A_64 = arith.constant 3 : index
    %swap3A_65 = arith.constant 0 : index
    %swap3A_66 = arith.constant 0 : index
    %swap3A_67 = vector.load %arg3[%swap3A_62, %swap3A_63, %swap3A_64, %swap3A_65, %swap3A_66] : memref<1x4x32x8x128xf32, #tpu.memory_space<vmem>>, vector<1x4x1x8x128xf32>
    %swap3A_68 = vector.shape_cast %swap3A_67 : vector<1x4x1x8x128xf32> to vector<4x8x128xf32>
    %swap3A_69 = vector.shape_cast %reshape3A_61 : vector<4x8x128xf32> to vector<1x4x1x8x128xf32>
    tpu.vector_store %arg3[%swap3A_62, %swap3A_63, %swap3A_64, %swap3A_65, %swap3A_66], %swap3A_69 {strides = array<i32>} : memref<1x4x32x8x128xf32, #tpu.memory_space<vmem>>, vector<1x4x1x8x128xf32>,
    %get3A_70 = arith.constant 0 : index
    %get3A_71 = arith.constant 1 : index
    %get3A_72 = arith.constant 0 : index
    %get3A_73 = arith.constant 0 : index
    %get3A_74 = vector.load %arg1[%get3A_70, %get3A_71, %get3A_72, %get3A_73] : memref<1x8x128x128xf32, #tpu.memory_space<vmem>>, vector<1x1x128x128xf32>
    %get3A_75 = vector.shape_cast %get3A_74 : vector<1x1x128x128xf32> to vector<128x128xf32>
    %transpose3A_76 = tpu.transpose %get3A_75, [1, 0] : vector<128x128xf32> -> vector<128x128xf32>
    %get3A_77 = arith.constant 0 : index
    %get3A_78 = arith.constant 1 : index
    %get3A_79 = arith.constant 0 : index
    %get3A_80 = arith.constant 0 : index
    %get3A_81 = vector.load %arg2[%get3A_77, %get3A_78, %get3A_79, %get3A_80] : memref<1x8x4x128xi32, #tpu.memory_space<vmem>>, vector<1x1x4x128xi32>
    %get3A_82 = vector.shape_cast %get3A_81 : vector<1x1x4x128xi32> to vector<4x128xi32>
    %eq3A_83 = arith.constant 1 : i32
    %eq3A_84 = vector.broadcast %eq3A_83 : i32 to vector<4x128xi32>
    %eq3A_85 = arith.cmpi eq, %get3A_82, %eq3A_84 : vector<4x128xi32>
    %jit3A_86 = arith.constant 0.000000e+00 : f32
    %jit3A_87 = arith.constant 5.65685415 : f32
    %broadcast_in_dim3A_88 = vector.broadcast %jit3A_86 : f32 to vector<4x128xf32>
    %broadcast_in_dim3A_89 = vector.broadcast %jit3A_87 : f32 to vector<4x128xf32>
    %select_n3A_90 = arith.select %eq3A_85, %broadcast_in_dim3A_88, %broadcast_in_dim3A_89 : vector<4x128xi1>, vector<4x128xf32>
    %slice3A_91 = vector.extract_strided_slice %transpose3A_76 {offsets = [0, 0], sizes = [32, 128], strides = [1, 1]} : vector<128x128xf32> to vector<32x128xf32>
    %slice3A_92 = vector.extract_strided_slice %select_n3A_90 {offsets = [0, 0], sizes = [1, 128], strides = [1, 1]} : vector<4x128xf32> to vector<1x128xf32>
    %squeeze3A_93 = vector.shape_cast %slice3A_92 : vector<1x128xf32> to vector<128xf32>
    %broadcast_in_dim3A_94 = vector.shape_cast %squeeze3A_93 : vector<128xf32> to vector<1x128xf32>
    %mul3A_95 = vector.broadcast %broadcast_in_dim3A_94 : vector<1x128xf32> to vector<32x128xf32>
    %mul3A_96 = arith.mulf %slice3A_91, %mul3A_95 : vector<32x128xf32>
    %reshape3A_97 = vector.shape_cast %mul3A_96 : vector<32x128xf32> to vector<4x8x128xf32>
    %swap3A_98 = arith.constant 0 : index
    %swap3A_99 = arith.constant 0 : index
    %swap3A_100 = arith.constant 4 : index
    %swap3A_101 = arith.constant 0 : index
    %swap3A_102 = arith.constant 0 : index
    %swap3A_103 = vector.load %arg3[%swap3A_98, %swap3A_99, %swap3A_100, %swap3A_101, %swap3A_102] : memref<1x4x32x8x128xf32, #tpu.memory_space<vmem>>, vector<1x4x1x8x128xf32>
    %swap3A_104 = vector.shape_cast %swap3A_103 : vector<1x4x1x8x128xf32> to vector<4x8x128xf32>
    %swap3A_105 = vector.shape_cast %reshape3A_97 : vector<4x8x128xf32> to vector<1x4x1x8x128xf32>
    tpu.vector_store %arg3[%swap3A_98, %swap3A_99, %swap3A_100, %swap3A_101, %swap3A_102], %swap3A_105 {strides = array<i32>} : memref<1x4x32x8x128xf32, #tpu.memory_space<vmem>>, vector<1x4x1x8x128xf32>,
    %slice3A_106 = vector.extract_strided_slice %transpose3A_76 {offsets = [32, 0], sizes = [32, 128], strides = [1, 1]} : vector<128x128xf32> to vector<32x128xf32>
    %slice3A_107 = vector.extract_strided_slice %select_n3A_90 {offsets = [1, 0], sizes = [1, 128], strides = [1, 1]} : vector<4x128xf32> to vector<1x128xf32>
    %squeeze3A_108 = vector.shape_cast %slice3A_107 : vector<1x128xf32> to vector<128xf32>
    %broadcast_in_dim3A_109 = vector.shape_cast %squeeze3A_108 : vector<128xf32> to vector<1x128xf32>
    %mul3A_110 = vector.broadcast %broadcast_in_dim3A_109 : vector<1x128xf32> to vector<32x128xf32>
    %mul3A_111 = arith.mulf %slice3A_106, %mul3A_110 : vector<32x128xf32>
    %reshape3A_112 = vector.shape_cast %mul3A_111 : vector<32x128xf32> to vector<4x8x128xf32>
    %swap3A_113 = arith.constant 0 : index
    %swap3A_114 = arith.constant 0 : index
    %swap3A_115 = arith.constant 5 : index
    %swap3A_116 = arith.constant 0 : index
    %swap3A_117 = arith.constant 0 : index
    %swap3A_118 = vector.load %arg3[%swap3A_113, %swap3A_114, %swap3A_115, %swap3A_116, %swap3A_117] : memref<1x4x32x8x128xf32, #tpu.memory_space<vmem>>, vector<1x4x1x8x128xf32>
    %swap3A_119 = vector.shape_cast %swap3A_118 : vector<1x4x1x8x128xf32> to vector<4x8x128xf32>
    %swap3A_120 = vector.shape_cast %reshape3A_112 : vector<4x8x128xf32> to vector<1x4x1x8x128xf32>
    tpu.vector_store %arg3[%swap3A_113, %swap3A_114, %swap3A_115, %swap3A_116, %swap3A_117], %swap3A_120 {strides = array<i32>} : memref<1x4x32x8x128xf32, #tpu.memory_space<vmem>>, vector<1x4x1x8x128xf32>,
    %slice3A_121 = vector.extract_strided_slice %transpose3A_76 {offsets = [64, 0], sizes = [32, 128], strides = [1, 1]} : vector<128x128xf32> to vector<32x128xf32>
    %slice3A_122 = vector.extract_strided_slice %select_n3A_90 {offsets = [2, 0], sizes = [1, 128], strides = [1, 1]} : vector<4x128xf32> to vector<1x128xf32>
    %squeeze3A_123 = vector.shape_cast %slice3A_122 : vector<1x128xf32> to vector<128xf32>
    %broadcast_in_dim3A_124 = vector.shape_cast %squeeze3A_123 : vector<128xf32> to vector<1x128xf32>
    %mul3A_125 = vector.broadcast %broadcast_in_dim3A_124 : vector<1x128xf32> to vector<32x128xf32>
    %mul3A_126 = arith.mulf %slice3A_121, %mul3A_125 : vector<32x128xf32>
    %reshape3A_127 = vector.shape_cast %mul3A_126 : vector<32x128xf32> to vector<4x8x128xf32>
    %swap3A_128 = arith.constant 0 : index
    %swap3A_129 = arith.constant 0 : index
    %swap3A_130 = arith.constant 6 : index
    %swap3A_131 = arith.constant 0 : index
    %swap3A_132 = arith.constant 0 : index
    %swap3A_133 = vector.load %arg3[%swap3A_128, %swap3A_129, %swap3A_130, %swap3A_131, %swap3A_132] : memref<1x4x32x8x128xf32, #tpu.memory_space<vmem>>, vector<1x4x1x8x128xf32>
    %swap3A_134 = vector.shape_cast %swap3A_133 : vector<1x4x1x8x128xf32> to vector<4x8x128xf32>
    %swap3A_135 = vector.shape_cast %reshape3A_127 : vector<4x8x128xf32> to vector<1x4x1x8x128xf32>
    tpu.vector_store %arg3[%swap3A_128, %swap3A_129, %swap3A_130, %swap3A_131, %swap3A_132], %swap3A_135 {strides = array<i32>} : memref<1x4x32x8x128xf32, #tpu.memory_space<vmem>>, vector<1x4x1x8x128xf32>,
    %slice3A_136 = vector.extract_strided_slice %transpose3A_76 {offsets = [96, 0], sizes = [32, 128], strides = [1, 1]} : vector<128x128xf32> to vector<32x128xf32>
    %slice3A_137 = vector.extract_strided_slice %select_n3A_90 {offsets = [3, 0], sizes = [1, 128], strides = [1, 1]} : vector<4x128xf32> to vector<1x128xf32>
    %squeeze3A_138 = vector.shape_cast %slice3A_137 : vector<1x128xf32> to vector<128xf32>
    %broadcast_in_dim3A_139 = vector.shape_cast %squeeze3A_138 : vector<128xf32> to vector<1x128xf32>
    %mul3A_140 = vector.broadcast %broadcast_in_dim3A_139 : vector<1x128xf32> to vector<32x128xf32>
    %mul3A_141 = arith.mulf %slice3A_136, %mul3A_140 : vector<32x128xf32>
    %reshape3A_142 = vector.shape_cast %mul3A_141 : vector<32x128xf32> to vector<4x8x128xf32>
    %swap3A_143 = arith.constant 0 : index
    %swap3A_144 = arith.constant 0 : index
    %swap3A_145 = arith.constant 7 : index
    %swap3A_146 = arith.constant 0 : index
    %swap3A_147 = arith.constant 0 : index
    %swap3A_148 = vector.load %arg3[%swap3A_143, %swap3A_144, %swap3A_145, %swap3A_146, %swap3A_147] : memref<1x4x32x8x128xf32, #tpu.memory_space<vmem>>, vector<1x4x1x8x128xf32>
    %swap3A_149 = vector.shape_cast %swap3A_148 : vector<1x4x1x8x128xf32> to vector<4x8x128xf32>
    %swap3A_150 = vector.shape_cast %reshape3A_142 : vector<4x8x128xf32> to vector<1x4x1x8x128xf32>
    tpu.vector_store %arg3[%swap3A_143, %swap3A_144, %swap3A_145, %swap3A_146, %swap3A_147], %swap3A_150 {strides = array<i32>} : memref<1x4x32x8x128xf32, #tpu.memory_space<vmem>>, vector<1x4x1x8x128xf32>,
    %get3A_151 = arith.constant 0 : index
    %get3A_152 = arith.constant 2 : index
    %get3A_153 = arith.constant 0 : index
    %get3A_154 = arith.constant 0 : index
    %get3A_155 = vector.load %arg1[%get3A_151, %get3A_152, %get3A_153, %get3A_154] : memref<1x8x128x128xf32, #tpu.memory_space<vmem>>, vector<1x1x128x128xf32>
    %get3A_156 = vector.shape_cast %get3A_155 : vector<1x1x128x128xf32> to vector<128x128xf32>
    %transpose3A_157 = tpu.transpose %get3A_156, [1, 0] : vector<128x128xf32> -> vector<128x128xf32>
    %get3A_158 = arith.constant 0 : index
    %get3A_159 = arith.constant 2 : index
    %get3A_160 = arith.constant 0 : index
    %get3A_161 = arith.constant 0 : index
    %get3A_162 = vector.load %arg2[%get3A_158, %get3A_159, %get3A_160, %get3A_161] : memref<1x8x4x128xi32, #tpu.memory_space<vmem>>, vector<1x1x4x128xi32>
    %get3A_163 = vector.shape_cast %get3A_162 : vector<1x1x4x128xi32> to vector<4x128xi32>
    %eq3A_164 = arith.constant 1 : i32
    %eq3A_165 = vector.broadcast %eq3A_164 : i32 to vector<4x128xi32>
    %eq3A_166 = arith.cmpi eq, %get3A_163, %eq3A_165 : vector<4x128xi32>
    %jit3A_167 = arith.constant 0.000000e+00 : f32
    %jit3A_168 = arith.constant 5.65685415 : f32
    %broadcast_in_dim3A_169 = vector.broadcast %jit3A_167 : f32 to vector<4x128xf32>
    %broadcast_in_dim3A_170 = vector.broadcast %jit3A_168 : f32 to vector<4x128xf32>
    %select_n3A_171 = arith.select %eq3A_166, %broadcast_in_dim3A_169, %broadcast_in_dim3A_170 : vector<4x128xi1>, vector<4x128xf32>
    %slice3A_172 = vector.extract_strided_slice %transpose3A_157 {offsets = [0, 0], sizes = [32, 128], strides = [1, 1]} : vector<128x128xf32> to vector<32x128xf32>
    %slice3A_173 = vector.extract_strided_slice %select_n3A_171 {offsets = [0, 0], sizes = [1, 128], strides = [1, 1]} : vector<4x128xf32> to vector<1x128xf32>
    %squeeze3A_174 = vector.shape_cast %slice3A_173 : vector<1x128xf32> to vector<128xf32>
    %broadcast_in_dim3A_175 = vector.shape_cast %squeeze3A_174 : vector<128xf32> to vector<1x128xf32>
    %mul3A_176 = vector.broadcast %broadcast_in_dim3A_175 : vector<1x128xf32> to vector<32x128xf32>
    %mul3A_177 = arith.mulf %slice3A_172, %mul3A_176 : vector<32x128xf32>
    %reshape3A_178 = vector.shape_cast %mul3A_177 : vector<32x128xf32> to vector<4x8x128xf32>
    %swap3A_179 = arith.constant 0 : index
    %swap3A_180 = arith.constant 0 : index
    %swap3A_181 = arith.constant 8 : index
    %swap3A_182 = arith.constant 0 : index
    %swap3A_183 = arith.constant 0 : index
    %swap3A_184 = vector.load %arg3[%swap3A_179, %swap3A_180, %swap3A_181, %swap3A_182, %swap3A_183] : memref<1x4x32x8x128xf32, #tpu.memory_space<vmem>>, vector<1x4x1x8x128xf32>
    %swap3A_185 = vector.shape_cast %swap3A_184 : vector<1x4x1x8x128xf32> to vector<4x8x128xf32>
    %swap3A_186 = vector.shape_cast %reshape3A_178 : vector<4x8x128xf32> to vector<1x4x1x8x128xf32>
    tpu.vector_store %arg3[%swap3A_179, %swap3A_180, %swap3A_181, %swap3A_182, %swap3A_183], %swap3A_186 {strides = array<i32>} : memref<1x4x32x8x128xf32, #tpu.memory_space<vmem>>, vector<1x4x1x8x128xf32>,
    %slice3A_187 = vector.extract_strided_slice %transpose3A_157 {offsets = [32, 0], sizes = [32, 128], strides = [1, 1]} : vector<128x128xf32> to vector<32x128xf32>
    %slice3A_188 = vector.extract_strided_slice %select_n3A_171 {offsets = [1, 0], sizes = [1, 128], strides = [1, 1]} : vector<4x128xf32> to vector<1x128xf32>
    %squeeze3A_189 = vector.shape_cast %slice3A_188 : vector<1x128xf32> to vector<128xf32>
    %broadcast_in_dim3A_190 = vector.shape_cast %squeeze3A_189 : vector<128xf32> to vector<1x128xf32>
    %mul3A_191 = vector.broadcast %broadcast_in_dim3A_190 : vector<1x128xf32> to vector<32x128xf32>
    %mul3A_192 = arith.mulf %slice3A_187, %mul3A_191 : vector<32x128xf32>
    %reshape3A_193 = vector.shape_cast %mul3A_192 : vector<32x128xf32> to vector<4x8x128xf32>
    %swap3A_194 = arith.constant 0 : index
    %swap3A_195 = arith.constant 0 : index
    %swap3A_196 = arith.constant 9 : index
    %swap3A_197 = arith.constant 0 : index
    %swap3A_198 = arith.constant 0 : index
    %swap3A_199 = vector.load %arg3[%swap3A_194, %swap3A_195, %swap3A_196, %swap3A_197, %swap3A_198] : memref<1x4x32x8x128xf32, #tpu.memory_space<vmem>>, vector<1x4x1x8x128xf32>
    %swap3A_200 = vector.shape_cast %swap3A_199 : vector<1x4x1x8x128xf32> to vector<4x8x128xf32>
    %swap3A_201 = vector.shape_cast %reshape3A_193 : vector<4x8x128xf32> to vector<1x4x1x8x128xf32>
    tpu.vector_store %arg3[%swap3A_194, %swap3A_195, %swap3A_196, %swap3A_197, %swap3A_198], %swap3A_201 {strides = array<i32>} : memref<1x4x32x8x128xf32, #tpu.memory_space<vmem>>, vector<1x4x1x8x128xf32>,
    %slice3A_202 = vector.extract_strided_slice %transpose3A_157 {offsets = [64, 0], sizes = [32, 128], strides = [1, 1]} : vector<128x128xf32> to vector<32x128xf32>
    %slice3A_203 = vector.extract_strided_slice %select_n3A_171 {offsets = [2, 0], sizes = [1, 128], strides = [1, 1]} : vector<4x128xf32> to vector<1x128xf32>
    %squeeze3A_204 = vector.shape_cast %slice3A_203 : vector<1x128xf32> to vector<128xf32>
    %broadcast_in_dim3A_205 = vector.shape_cast %squeeze3A_204 : vector<128xf32> to vector<1x128xf32>
    %mul3A_206 = vector.broadcast %broadcast_in_dim3A_205 : vector<1x128xf32> to vector<32x128xf32>
    %mul3A_207 = arith.mulf %slice3A_202, %mul3A_206 : vector<32x128xf32>
    %reshape3A_208 = vector.shape_cast %mul3A_207 : vector<32x128xf32> to vector<4x8x128xf32>
    %swap3A_209 = arith.constant 0 : index
    %swap3A_210 = arith.constant 0 : index
    %swap3A_211 = arith.constant 10 : index
    %swap3A_212 = arith.constant 0 : index
    %swap3A_213 = arith.constant 0 : index
    %swap3A_214 = vector.load %arg3[%swap3A_209, %swap3A_210, %swap3A_211, %swap3A_212, %swap3A_213] : memref<1x4x32x8x128xf32, #tpu.memory_space<vmem>>, vector<1x4x1x8x128xf32>
    %swap3A_215 = vector.shape_cast %swap3A_214 : vector<1x4x1x8x128xf32> to vector<4x8x128xf32>
    %swap3A_216 = vector.shape_cast %reshape3A_208 : vector<4x8x128xf32> to vector<1x4x1x8x128xf32>
    tpu.vector_store %arg3[%swap3A_209, %swap3A_210, %swap3A_211, %swap3A_212, %swap3A_213], %swap3A_216 {strides = array<i32>} : memref<1x4x32x8x128xf32, #tpu.memory_space<vmem>>, vector<1x4x1x8x128xf32>,
    %slice3A_217 = vector.extract_strided_slice %transpose3A_157 {offsets = [96, 0], sizes = [32, 128], strides = [1, 1]} : vector<128x128xf32> to vector<32x128xf32>
    %slice3A_218 = vector.extract_strided_slice %select_n3A_171 {offsets = [3, 0], sizes = [1, 128], strides = [1, 1]} : vector<4x128xf32> to vector<1x128xf32>
    %squeeze3A_219 = vector.shape_cast %slice3A_218 : vector<1x128xf32> to vector<128xf32>
    %broadcast_in_dim3A_220 = vector.shape_cast %squeeze3A_219 : vector<128xf32> to vector<1x128xf32>
    %mul3A_221 = vector.broadcast %broadcast_in_dim3A_220 : vector<1x128xf32> to vector<32x128xf32>
    %mul3A_222 = arith.mulf %slice3A_217, %mul3A_221 : vector<32x128xf32>
    %reshape3A_223 = vector.shape_cast %mul3A_222 : vector<32x128xf32> to vector<4x8x128xf32>
    %swap3A_224 = arith.constant 0 : index
    %swap3A_225 = arith.constant 0 : index
    %swap3A_226 = arith.constant 11 : index
    %swap3A_227 = arith.constant 0 : index
    %swap3A_228 = arith.constant 0 : index
    %swap3A_229 = vector.load %arg3[%swap3A_224, %swap3A_225, %swap3A_226, %swap3A_227, %swap3A_228] : memref<1x4x32x8x128xf32, #tpu.memory_space<vmem>>, vector<1x4x1x8x128xf32>
    %swap3A_230 = vector.shape_cast %swap3A_229 : vector<1x4x1x8x128xf32> to vector<4x8x128xf32>
    %swap3A_231 = vector.shape_cast %reshape3A_223 : vector<4x8x128xf32> to vector<1x4x1x8x128xf32>
    tpu.vector_store %arg3[%swap3A_224, %swap3A_225, %swap3A_226, %swap3A_227, %swap3A_228], %swap3A_231 {strides = array<i32>} : memref<1x4x32x8x128xf32, #tpu.memory_space<vmem>>, vector<1x4x1x8x128xf32>,
    %get3A_232 = arith.constant 0 : index
    %get3A_233 = arith.constant 3 : index
    %get3A_234 = arith.constant 0 : index
    %get3A_235 = arith.constant 0 : index
    %get3A_236 = vector.load %arg1[%get3A_232, %get3A_233, %get3A_234, %get3A_235] : memref<1x8x128x128xf32, #tpu.memory_space<vmem>>, vector<1x1x128x128xf32>
    %get3A_237 = vector.shape_cast %get3A_236 : vector<1x1x128x128xf32> to vector<128x128xf32>
    %transpose3A_238 = tpu.transpose %get3A_237, [1, 0] : vector<128x128xf32> -> vector<128x128xf32>
    %get3A_239 = arith.constant 0 : index
    %get3A_240 = arith.constant 3 : index
    %get3A_241 = arith.constant 0 : index
    %get3A_242 = arith.constant 0 : index
    %get3A_243 = vector.load %arg2[%get3A_239, %get3A_240, %get3A_241, %get3A_242] : memref<1x8x4x128xi32, #tpu.memory_space<vmem>>, vector<1x1x4x128xi32>
    %get3A_244 = vector.shape_cast %get3A_243 : vector<1x1x4x128xi32> to vector<4x128xi32>
    %eq3A_245 = arith.constant 1 : i32
    %eq3A_246 = vector.broadcast %eq3A_245 : i32 to vector<4x128xi32>
    %eq3A_247 = arith.cmpi eq, %get3A_244, %eq3A_246 : vector<4x128xi32>
    %jit3A_248 = arith.constant 0.000000e+00 : f32
    %jit3A_249 = arith.constant 5.65685415 : f32
    %broadcast_in_dim3A_250 = vector.broadcast %jit3A_248 : f32 to vector<4x128xf32>
    %broadcast_in_dim3A_251 = vector.broadcast %jit3A_249 : f32 to vector<4x128xf32>
    %select_n3A_252 = arith.select %eq3A_247, %broadcast_in_dim3A_250, %broadcast_in_dim3A_251 : vector<4x128xi1>, vector<4x128xf32>
    %slice3A_253 = vector.extract_strided_slice %transpose3A_238 {offsets = [0, 0], sizes = [32, 128], strides = [1, 1]} : vector<128x128xf32> to vector<32x128xf32>
    %slice3A_254 = vector.extract_strided_slice %select_n3A_252 {offsets = [0, 0], sizes = [1, 128], strides = [1, 1]} : vector<4x128xf32> to vector<1x128xf32>
    %squeeze3A_255 = vector.shape_cast %slice3A_254 : vector<1x128xf32> to vector<128xf32>
    %broadcast_in_dim3A_256 = vector.shape_cast %squeeze3A_255 : vector<128xf32> to vector<1x128xf32>
    %mul3A_257 = vector.broadcast %broadcast_in_dim3A_256 : vector<1x128xf32> to vector<32x128xf32>
    %mul3A_258 = arith.mulf %slice3A_253, %mul3A_257 : vector<32x128xf32>
    %reshape3A_259 = vector.shape_cast %mul3A_258 : vector<32x128xf32> to vector<4x8x128xf32>
    %swap3A_260 = arith.constant 0 : index
    %swap3A_261 = arith.constant 0 : index
    %swap3A_262 = arith.constant 12 : index
    %swap3A_263 = arith.constant 0 : index
    %swap3A_264 = arith.constant 0 : index
    %swap3A_265 = vector.load %arg3[%swap3A_260, %swap3A_261, %swap3A_262, %swap3A_263, %swap3A_264] : memref<1x4x32x8x128xf32, #tpu.memory_space<vmem>>, vector<1x4x1x8x128xf32>
    %swap3A_266 = vector.shape_cast %swap3A_265 : vector<1x4x1x8x128xf32> to vector<4x8x128xf32>
    %swap3A_267 = vector.shape_cast %reshape3A_259 : vector<4x8x128xf32> to vector<1x4x1x8x128xf32>
    tpu.vector_store %arg3[%swap3A_260, %swap3A_261, %swap3A_262, %swap3A_263, %swap3A_264], %swap3A_267 {strides = array<i32>} : memref<1x4x32x8x128xf32, #tpu.memory_space<vmem>>, vector<1x4x1x8x128xf32>,
    %slice3A_268 = vector.extract_strided_slice %transpose3A_238 {offsets = [32, 0], sizes = [32, 128], strides = [1, 1]} : vector<128x128xf32> to vector<32x128xf32>
    %slice3A_269 = vector.extract_strided_slice %select_n3A_252 {offsets = [1, 0], sizes = [1, 128], strides = [1, 1]} : vector<4x128xf32> to vector<1x128xf32>
    %squeeze3A_270 = vector.shape_cast %slice3A_269 : vector<1x128xf32> to vector<128xf32>
    %broadcast_in_dim3A_271 = vector.shape_cast %squeeze3A_270 : vector<128xf32> to vector<1x128xf32>
    %mul3A_272 = vector.broadcast %broadcast_in_dim3A_271 : vector<1x128xf32> to vector<32x128xf32>
    %mul3A_273 = arith.mulf %slice3A_268, %mul3A_272 : vector<32x128xf32>
    %reshape3A_274 = vector.shape_cast %mul3A_273 : vector<32x128xf32> to vector<4x8x128xf32>
    %swap3A_275 = arith.constant 0 : index
    %swap3A_276 = arith.constant 0 : index
    %swap3A_277 = arith.constant 13 : index
    %swap3A_278 = arith.constant 0 : index
    %swap3A_279 = arith.constant 0 : index
    %swap3A_280 = vector.load %arg3[%swap3A_275, %swap3A_276, %swap3A_277, %swap3A_278, %swap3A_279] : memref<1x4x32x8x128xf32, #tpu.memory_space<vmem>>, vector<1x4x1x8x128xf32>
    %swap3A_281 = vector.shape_cast %swap3A_280 : vector<1x4x1x8x128xf32> to vector<4x8x128xf32>
    %swap3A_282 = vector.shape_cast %reshape3A_274 : vector<4x8x128xf32> to vector<1x4x1x8x128xf32>
    tpu.vector_store %arg3[%swap3A_275, %swap3A_276, %swap3A_277, %swap3A_278, %swap3A_279], %swap3A_282 {strides = array<i32>} : memref<1x4x32x8x128xf32, #tpu.memory_space<vmem>>, vector<1x4x1x8x128xf32>,
    %slice3A_283 = vector.extract_strided_slice %transpose3A_238 {offsets = [64, 0], sizes = [32, 128], strides = [1, 1]} : vector<128x128xf32> to vector<32x128xf32>
    %slice3A_284 = vector.extract_strided_slice %select_n3A_252 {offsets = [2, 0], sizes = [1, 128], strides = [1, 1]} : vector<4x128xf32> to vector<1x128xf32>
    %squeeze3A_285 = vector.shape_cast %slice3A_284 : vector<1x128xf32> to vector<128xf32>
    %broadcast_in_dim3A_286 = vector.shape_cast %squeeze3A_285 : vector<128xf32> to vector<1x128xf32>
    %mul3A_287 = vector.broadcast %broadcast_in_dim3A_286 : vector<1x128xf32> to vector<32x128xf32>
    %mul3A_288 = arith.mulf %slice3A_283, %mul3A_287 : vector<32x128xf32>
    %reshape3A_289 = vector.shape_cast %mul3A_288 : vector<32x128xf32> to vector<4x8x128xf32>
    %swap3A_290 = arith.constant 0 : index
    %swap3A_291 = arith.constant 0 : index
    %swap3A_292 = arith.constant 14 : index
    %swap3A_293 = arith.constant 0 : index
    %swap3A_294 = arith.constant 0 : index
    %swap3A_295 = vector.load %arg3[%swap3A_290, %swap3A_291, %swap3A_292, %swap3A_293, %swap3A_294] : memref<1x4x32x8x128xf32, #tpu.memory_space<vmem>>, vector<1x4x1x8x128xf32>
    %swap3A_296 = vector.shape_cast %swap3A_295 : vector<1x4x1x8x128xf32> to vector<4x8x128xf32>
    %swap3A_297 = vector.shape_cast %reshape3A_289 : vector<4x8x128xf32> to vector<1x4x1x8x128xf32>
    tpu.vector_store %arg3[%swap3A_290, %swap3A_291, %swap3A_292, %swap3A_293, %swap3A_294], %swap3A_297 {strides = array<i32>} : memref<1x4x32x8x128xf32, #tpu.memory_space<vmem>>, vector<1x4x1x8x128xf32>,
    %slice3A_298 = vector.extract_strided_slice %transpose3A_238 {offsets = [96, 0], sizes = [32, 128], strides = [1, 1]} : vector<128x128xf32> to vector<32x128xf32>
    %slice3A_299 = vector.extract_strided_slice %select_n3A_252 {offsets = [3, 0], sizes = [1, 128], strides = [1, 1]} : vector<4x128xf32> to vector<1x128xf32>
    %squeeze3A_300 = vector.shape_cast %slice3A_299 : vector<1x128xf32> to vector<128xf32>
    %broadcast_in_dim3A_301 = vector.shape_cast %squeeze3A_300 : vector<128xf32> to vector<1x128xf32>
    %mul3A_302 = vector.broadcast %broadcast_in_dim3A_301 : vector<1x128xf32> to vector<32x128xf32>
    %mul3A_303 = arith.mulf %slice3A_298, %mul3A_302 : vector<32x128xf32>
    %reshape3A_304 = vector.shape_cast %mul3A_303 : vector<32x128xf32> to vector<4x8x128xf32>
    %swap3A_305 = arith.constant 0 : index
    %swap3A_306 = arith.constant 0 : index
    %swap3A_307 = arith.constant 15 : index
    %swap3A_308 = arith.constant 0 : index
    %swap3A_309 = arith.constant 0 : index
    %swap3A_310 = vector.load %arg3[%swap3A_305, %swap3A_306, %swap3A_307, %swap3A_308, %swap3A_309] : memref<1x4x32x8x128xf32, #tpu.memory_space<vmem>>, vector<1x4x1x8x128xf32>
    %swap3A_311 = vector.shape_cast %swap3A_310 : vector<1x4x1x8x128xf32> to vector<4x8x128xf32>
    %swap3A_312 = vector.shape_cast %reshape3A_304 : vector<4x8x128xf32> to vector<1x4x1x8x128xf32>
    tpu.vector_store %arg3[%swap3A_305, %swap3A_306, %swap3A_307, %swap3A_308, %swap3A_309], %swap3A_312 {strides = array<i32>} : memref<1x4x32x8x128xf32, #tpu.memory_space<vmem>>, vector<1x4x1x8x128xf32>,
    %get3A_313 = arith.constant 0 : index
    %get3A_314 = arith.constant 4 : index
    %get3A_315 = arith.constant 0 : index
    %get3A_316 = arith.constant 0 : index
    %get3A_317 = vector.load %arg1[%get3A_313, %get3A_314, %get3A_315, %get3A_316] : memref<1x8x128x128xf32, #tpu.memory_space<vmem>>, vector<1x1x128x128xf32>
    %get3A_318 = vector.shape_cast %get3A_317 : vector<1x1x128x128xf32> to vector<128x128xf32>
    %transpose3A_319 = tpu.transpose %get3A_318, [1, 0] : vector<128x128xf32> -> vector<128x128xf32>
    %get3A_320 = arith.constant 0 : index
    %get3A_321 = arith.constant 4 : index
    %get3A_322 = arith.constant 0 : index
    %get3A_323 = arith.constant 0 : index
    %get3A_324 = vector.load %arg2[%get3A_320, %get3A_321, %get3A_322, %get3A_323] : memref<1x8x4x128xi32, #tpu.memory_space<vmem>>, vector<1x1x4x128xi32>
    %get3A_325 = vector.shape_cast %get3A_324 : vector<1x1x4x128xi32> to vector<4x128xi32>
    %eq3A_326 = arith.constant 1 : i32
    %eq3A_327 = vector.broadcast %eq3A_326 : i32 to vector<4x128xi32>
    %eq3A_328 = arith.cmpi eq, %get3A_325, %eq3A_327 : vector<4x128xi32>
    %jit3A_329 = arith.constant 0.000000e+00 : f32
    %jit3A_330 = arith.constant 5.65685415 : f32
    %broadcast_in_dim3A_331 = vector.broadcast %jit3A_329 : f32 to vector<4x128xf32>
    %broadcast_in_dim3A_332 = vector.broadcast %jit3A_330 : f32 to vector<4x128xf32>
    %select_n3A_333 = arith.select %eq3A_328, %broadcast_in_dim3A_331, %broadcast_in_dim3A_332 : vector<4x128xi1>, vector<4x128xf32>
    %slice3A_334 = vector.extract_strided_slice %transpose3A_319 {offsets = [0, 0], sizes = [32, 128], strides = [1, 1]} : vector<128x128xf32> to vector<32x128xf32>
    %slice3A_335 = vector.extract_strided_slice %select_n3A_333 {offsets = [0, 0], sizes = [1, 128], strides = [1, 1]} : vector<4x128xf32> to vector<1x128xf32>
    %squeeze3A_336 = vector.shape_cast %slice3A_335 : vector<1x128xf32> to vector<128xf32>
    %broadcast_in_dim3A_337 = vector.shape_cast %squeeze3A_336 : vector<128xf32> to vector<1x128xf32>
    %mul3A_338 = vector.broadcast %broadcast_in_dim3A_337 : vector<1x128xf32> to vector<32x128xf32>
    %mul3A_339 = arith.mulf %slice3A_334, %mul3A_338 : vector<32x128xf32>
    %reshape3A_340 = vector.shape_cast %mul3A_339 : vector<32x128xf32> to vector<4x8x128xf32>
    %swap3A_341 = arith.constant 0 : index
    %swap3A_342 = arith.constant 0 : index
    %swap3A_343 = arith.constant 16 : index
    %swap3A_344 = arith.constant 0 : index
    %swap3A_345 = arith.constant 0 : index
    %swap3A_346 = vector.load %arg3[%swap3A_341, %swap3A_342, %swap3A_343, %swap3A_344, %swap3A_345] : memref<1x4x32x8x128xf32, #tpu.memory_space<vmem>>, vector<1x4x1x8x128xf32>
    %swap3A_347 = vector.shape_cast %swap3A_346 : vector<1x4x1x8x128xf32> to vector<4x8x128xf32>
    %swap3A_348 = vector.shape_cast %reshape3A_340 : vector<4x8x128xf32> to vector<1x4x1x8x128xf32>
    tpu.vector_store %arg3[%swap3A_341, %swap3A_342, %swap3A_343, %swap3A_344, %swap3A_345], %swap3A_348 {strides = array<i32>} : memref<1x4x32x8x128xf32, #tpu.memory_space<vmem>>, vector<1x4x1x8x128xf32>,
    %slice3A_349 = vector.extract_strided_slice %transpose3A_319 {offsets = [32, 0], sizes = [32, 128], strides = [1, 1]} : vector<128x128xf32> to vector<32x128xf32>
    %slice3A_350 = vector.extract_strided_slice %select_n3A_333 {offsets = [1, 0], sizes = [1, 128], strides = [1, 1]} : vector<4x128xf32> to vector<1x128xf32>
    %squeeze3A_351 = vector.shape_cast %slice3A_350 : vector<1x128xf32> to vector<128xf32>
    %broadcast_in_dim3A_352 = vector.shape_cast %squeeze3A_351 : vector<128xf32> to vector<1x128xf32>
    %mul3A_353 = vector.broadcast %broadcast_in_dim3A_352 : vector<1x128xf32> to vector<32x128xf32>
    %mul3A_354 = arith.mulf %slice3A_349, %mul3A_353 : vector<32x128xf32>
    %reshape3A_355 = vector.shape_cast %mul3A_354 : vector<32x128xf32> to vector<4x8x128xf32>
    %swap3A_356 = arith.constant 0 : index
    %swap3A_357 = arith.constant 0 : index
    %swap3A_358 = arith.constant 17 : index
    %swap3A_359 = arith.constant 0 : index
    %swap3A_360 = arith.constant 0 : index
    %swap3A_361 = vector.load %arg3[%swap3A_356, %swap3A_357, %swap3A_358, %swap3A_359, %swap3A_360] : memref<1x4x32x8x128xf32, #tpu.memory_space<vmem>>, vector<1x4x1x8x128xf32>
    %swap3A_362 = vector.shape_cast %swap3A_361 : vector<1x4x1x8x128xf32> to vector<4x8x128xf32>
    %swap3A_363 = vector.shape_cast %reshape3A_355 : vector<4x8x128xf32> to vector<1x4x1x8x128xf32>
    tpu.vector_store %arg3[%swap3A_356, %swap3A_357, %swap3A_358, %swap3A_359, %swap3A_360], %swap3A_363 {strides = array<i32>} : memref<1x4x32x8x128xf32, #tpu.memory_space<vmem>>, vector<1x4x1x8x128xf32>,
    %slice3A_364 = vector.extract_strided_slice %transpose3A_319 {offsets = [64, 0], sizes = [32, 128], strides = [1, 1]} : vector<128x128xf32> to vector<32x128xf32>
    %slice3A_365 = vector.extract_strided_slice %select_n3A_333 {offsets = [2, 0], sizes = [1, 128], strides = [1, 1]} : vector<4x128xf32> to vector<1x128xf32>
    %squeeze3A_366 = vector.shape_cast %slice3A_365 : vector<1x128xf32> to vector<128xf32>
    %broadcast_in_dim3A_367 = vector.shape_cast %squeeze3A_366 : vector<128xf32> to vector<1x128xf32>
    %mul3A_368 = vector.broadcast %broadcast_in_dim3A_367 : vector<1x128xf32> to vector<32x128xf32>
    %mul3A_369 = arith.mulf %slice3A_364, %mul3A_368 : vector<32x128xf32>
    %reshape3A_370 = vector.shape_cast %mul3A_369 : vector<32x128xf32> to vector<4x8x128xf32>
    %swap3A_371 = arith.constant 0 : index
    %swap3A_372 = arith.constant 0 : index
    %swap3A_373 = arith.constant 18 : index
    %swap3A_374 = arith.constant 0 : index
    %swap3A_375 = arith.constant 0 : index
    %swap3A_376 = vector.load %arg3[%swap3A_371, %swap3A_372, %swap3A_373, %swap3A_374, %swap3A_375] : memref<1x4x32x8x128xf32, #tpu.memory_space<vmem>>, vector<1x4x1x8x128xf32>
    %swap3A_377 = vector.shape_cast %swap3A_376 : vector<1x4x1x8x128xf32> to vector<4x8x128xf32>
    %swap3A_378 = vector.shape_cast %reshape3A_370 : vector<4x8x128xf32> to vector<1x4x1x8x128xf32>
    tpu.vector_store %arg3[%swap3A_371, %swap3A_372, %swap3A_373, %swap3A_374, %swap3A_375], %swap3A_378 {strides = array<i32>} : memref<1x4x32x8x128xf32, #tpu.memory_space<vmem>>, vector<1x4x1x8x128xf32>,
    %slice3A_379 = vector.extract_strided_slice %transpose3A_319 {offsets = [96, 0], sizes = [32, 128], strides = [1, 1]} : vector<128x128xf32> to vector<32x128xf32>
    %slice3A_380 = vector.extract_strided_slice %select_n3A_333 {offsets = [3, 0], sizes = [1, 128], strides = [1, 1]} : vector<4x128xf32> to vector<1x128xf32>
    %squeeze3A_381 = vector.shape_cast %slice3A_380 : vector<1x128xf32> to vector<128xf32>
    %broadcast_in_dim3A_382 = vector.shape_cast %squeeze3A_381 : vector<128xf32> to vector<1x128xf32>
    %mul3A_383 = vector.broadcast %broadcast_in_dim3A_382 : vector<1x128xf32> to vector<32x128xf32>
    %mul3A_384 = arith.mulf %slice3A_379, %mul3A_383 : vector<32x128xf32>
    %reshape3A_385 = vector.shape_cast %mul3A_384 : vector<32x128xf32> to vector<4x8x128xf32>
    %swap3A_386 = arith.constant 0 : index
    %swap3A_387 = arith.constant 0 : index
    %swap3A_388 = arith.constant 19 : index
    %swap3A_389 = arith.constant 0 : index
    %swap3A_390 = arith.constant 0 : index
    %swap3A_391 = vector.load %arg3[%swap3A_386, %swap3A_387, %swap3A_388, %swap3A_389, %swap3A_390] : memref<1x4x32x8x128xf32, #tpu.memory_space<vmem>>, vector<1x4x1x8x128xf32>
    %swap3A_392 = vector.shape_cast %swap3A_391 : vector<1x4x1x8x128xf32> to vector<4x8x128xf32>
    %swap3A_393 = vector.shape_cast %reshape3A_385 : vector<4x8x128xf32> to vector<1x4x1x8x128xf32>
    tpu.vector_store %arg3[%swap3A_386, %swap3A_387, %swap3A_388, %swap3A_389, %swap3A_390], %swap3A_393 {strides = array<i32>} : memref<1x4x32x8x128xf32, #tpu.memory_space<vmem>>, vector<1x4x1x8x128xf32>,
    %get3A_394 = arith.constant 0 : index
    %get3A_395 = arith.constant 5 : index
    %get3A_396 = arith.constant 0 : index
    %get3A_397 = arith.constant 0 : index
    %get3A_398 = vector.load %arg1[%get3A_394, %get3A_395, %get3A_396, %get3A_397] : memref<1x8x128x128xf32, #tpu.memory_space<vmem>>, vector<1x1x128x128xf32>
    %get3A_399 = vector.shape_cast %get3A_398 : vector<1x1x128x128xf32> to vector<128x128xf32>
    %transpose3A_400 = tpu.transpose %get3A_399, [1, 0] : vector<128x128xf32> -> vector<128x128xf32>
    %get3A_401 = arith.constant 0 : index
    %get3A_402 = arith.constant 5 : index
    %get3A_403 = arith.constant 0 : index
    %get3A_404 = arith.constant 0 : index
    %get3A_405 = vector.load %arg2[%get3A_401, %get3A_402, %get3A_403, %get3A_404] : memref<1x8x4x128xi32, #tpu.memory_space<vmem>>, vector<1x1x4x128xi32>
    %get3A_406 = vector.shape_cast %get3A_405 : vector<1x1x4x128xi32> to vector<4x128xi32>
    %eq3A_407 = arith.constant 1 : i32
    %eq3A_408 = vector.broadcast %eq3A_407 : i32 to vector<4x128xi32>
    %eq3A_409 = arith.cmpi eq, %get3A_406, %eq3A_408 : vector<4x128xi32>
    %jit3A_410 = arith.constant 0.000000e+00 : f32
    %jit3A_411 = arith.constant 5.65685415 : f32
    %broadcast_in_dim3A_412 = vector.broadcast %jit3A_410 : f32 to vector<4x128xf32>
    %broadcast_in_dim3A_413 = vector.broadcast %jit3A_411 : f32 to vector<4x128xf32>
    %select_n3A_414 = arith.select %eq3A_409, %broadcast_in_dim3A_412, %broadcast_in_dim3A_413 : vector<4x128xi1>, vector<4x128xf32>
    %slice3A_415 = vector.extract_strided_slice %transpose3A_400 {offsets = [0, 0], sizes = [32, 128], strides = [1, 1]} : vector<128x128xf32> to vector<32x128xf32>
    %slice3A_416 = vector.extract_strided_slice %select_n3A_414 {offsets = [0, 0], sizes = [1, 128], strides = [1, 1]} : vector<4x128xf32> to vector<1x128xf32>
    %squeeze3A_417 = vector.shape_cast %slice3A_416 : vector<1x128xf32> to vector<128xf32>
    %broadcast_in_dim3A_418 = vector.shape_cast %squeeze3A_417 : vector<128xf32> to vector<1x128xf32>
    %mul3A_419 = vector.broadcast %broadcast_in_dim3A_418 : vector<1x128xf32> to vector<32x128xf32>
    %mul3A_420 = arith.mulf %slice3A_415, %mul3A_419 : vector<32x128xf32>
    %reshape3A_421 = vector.shape_cast %mul3A_420 : vector<32x128xf32> to vector<4x8x128xf32>
    %swap3A_422 = arith.constant 0 : index
    %swap3A_423 = arith.constant 0 : index
    %swap3A_424 = arith.constant 20 : index
    %swap3A_425 = arith.constant 0 : index
    %swap3A_426 = arith.constant 0 : index
    %swap3A_427 = vector.load %arg3[%swap3A_422, %swap3A_423, %swap3A_424, %swap3A_425, %swap3A_426] : memref<1x4x32x8x128xf32, #tpu.memory_space<vmem>>, vector<1x4x1x8x128xf32>
    %swap3A_428 = vector.shape_cast %swap3A_427 : vector<1x4x1x8x128xf32> to vector<4x8x128xf32>
    %swap3A_429 = vector.shape_cast %reshape3A_421 : vector<4x8x128xf32> to vector<1x4x1x8x128xf32>
    tpu.vector_store %arg3[%swap3A_422, %swap3A_423, %swap3A_424, %swap3A_425, %swap3A_426], %swap3A_429 {strides = array<i32>} : memref<1x4x32x8x128xf32, #tpu.memory_space<vmem>>, vector<1x4x1x8x128xf32>,
    %slice3A_430 = vector.extract_strided_slice %transpose3A_400 {offsets = [32, 0], sizes = [32, 128], strides = [1, 1]} : vector<128x128xf32> to vector<32x128xf32>
    %slice3A_431 = vector.extract_strided_slice %select_n3A_414 {offsets = [1, 0], sizes = [1, 128], strides = [1, 1]} : vector<4x128xf32> to vector<1x128xf32>
    %squeeze3A_432 = vector.shape_cast %slice3A_431 : vector<1x128xf32> to vector<128xf32>
    %broadcast_in_dim3A_433 = vector.shape_cast %squeeze3A_432 : vector<128xf32> to vector<1x128xf32>
    %mul3A_434 = vector.broadcast %broadcast_in_dim3A_433 : vector<1x128xf32> to vector<32x128xf32>
    %mul3A_435 = arith.mulf %slice3A_430, %mul3A_434 : vector<32x128xf32>
    %reshape3A_436 = vector.shape_cast %mul3A_435 : vector<32x128xf32> to vector<4x8x128xf32>
    %swap3A_437 = arith.constant 0 : index
    %swap3A_438 = arith.constant 0 : index
    %swap3A_439 = arith.constant 21 : index
    %swap3A_440 = arith.constant 0 : index
    %swap3A_441 = arith.constant 0 : index
    %swap3A_442 = vector.load %arg3[%swap3A_437, %swap3A_438, %swap3A_439, %swap3A_440, %swap3A_441] : memref<1x4x32x8x128xf32, #tpu.memory_space<vmem>>, vector<1x4x1x8x128xf32>
    %swap3A_443 = vector.shape_cast %swap3A_442 : vector<1x4x1x8x128xf32> to vector<4x8x128xf32>
    %swap3A_444 = vector.shape_cast %reshape3A_436 : vector<4x8x128xf32> to vector<1x4x1x8x128xf32>
    tpu.vector_store %arg3[%swap3A_437, %swap3A_438, %swap3A_439, %swap3A_440, %swap3A_441], %swap3A_444 {strides = array<i32>} : memref<1x4x32x8x128xf32, #tpu.memory_space<vmem>>, vector<1x4x1x8x128xf32>,
    %slice3A_445 = vector.extract_strided_slice %transpose3A_400 {offsets = [64, 0], sizes = [32, 128], strides = [1, 1]} : vector<128x128xf32> to vector<32x128xf32>
    %slice3A_446 = vector.extract_strided_slice %select_n3A_414 {offsets = [2, 0], sizes = [1, 128], strides = [1, 1]} : vector<4x128xf32> to vector<1x128xf32>
    %squeeze3A_447 = vector.shape_cast %slice3A_446 : vector<1x128xf32> to vector<128xf32>
    %broadcast_in_dim3A_448 = vector.shape_cast %squeeze3A_447 : vector<128xf32> to vector<1x128xf32>
    %mul3A_449 = vector.broadcast %broadcast_in_dim3A_448 : vector<1x128xf32> to vector<32x128xf32>
    %mul3A_450 = arith.mulf %slice3A_445, %mul3A_449 : vector<32x128xf32>
    %reshape3A_451 = vector.shape_cast %mul3A_450 : vector<32x128xf32> to vector<4x8x128xf32>
    %swap3A_452 = arith.constant 0 : index
    %swap3A_453 = arith.constant 0 : index
    %swap3A_454 = arith.constant 22 : index
    %swap3A_455 = arith.constant 0 : index
    %swap3A_456 = arith.constant 0 : index
    %swap3A_457 = vector.load %arg3[%swap3A_452, %swap3A_453, %swap3A_454, %swap3A_455, %swap3A_456] : memref<1x4x32x8x128xf32, #tpu.memory_space<vmem>>, vector<1x4x1x8x128xf32>
    %swap3A_458 = vector.shape_cast %swap3A_457 : vector<1x4x1x8x128xf32> to vector<4x8x128xf32>
    %swap3A_459 = vector.shape_cast %reshape3A_451 : vector<4x8x128xf32> to vector<1x4x1x8x128xf32>
    tpu.vector_store %arg3[%swap3A_452, %swap3A_453, %swap3A_454, %swap3A_455, %swap3A_456], %swap3A_459 {strides = array<i32>} : memref<1x4x32x8x128xf32, #tpu.memory_space<vmem>>, vector<1x4x1x8x128xf32>,
    %slice3A_460 = vector.extract_strided_slice %transpose3A_400 {offsets = [96, 0], sizes = [32, 128], strides = [1, 1]} : vector<128x128xf32> to vector<32x128xf32>
    %slice3A_461 = vector.extract_strided_slice %select_n3A_414 {offsets = [3, 0], sizes = [1, 128], strides = [1, 1]} : vector<4x128xf32> to vector<1x128xf32>
    %squeeze3A_462 = vector.shape_cast %slice3A_461 : vector<1x128xf32> to vector<128xf32>
    %broadcast_in_dim3A_463 = vector.shape_cast %squeeze3A_462 : vector<128xf32> to vector<1x128xf32>
    %mul3A_464 = vector.broadcast %broadcast_in_dim3A_463 : vector<1x128xf32> to vector<32x128xf32>
    %mul3A_465 = arith.mulf %slice3A_460, %mul3A_464 : vector<32x128xf32>
    %reshape3A_466 = vector.shape_cast %mul3A_465 : vector<32x128xf32> to vector<4x8x128xf32>
    %swap3A_467 = arith.constant 0 : index
    %swap3A_468 = arith.constant 0 : index
    %swap3A_469 = arith.constant 23 : index
    %swap3A_470 = arith.constant 0 : index
    %swap3A_471 = arith.constant 0 : index
    %swap3A_472 = vector.load %arg3[%swap3A_467, %swap3A_468, %swap3A_469, %swap3A_470, %swap3A_471] : memref<1x4x32x8x128xf32, #tpu.memory_space<vmem>>, vector<1x4x1x8x128xf32>
    %swap3A_473 = vector.shape_cast %swap3A_472 : vector<1x4x1x8x128xf32> to vector<4x8x128xf32>
    %swap3A_474 = vector.shape_cast %reshape3A_466 : vector<4x8x128xf32> to vector<1x4x1x8x128xf32>
    tpu.vector_store %arg3[%swap3A_467, %swap3A_468, %swap3A_469, %swap3A_470, %swap3A_471], %swap3A_474 {strides = array<i32>} : memref<1x4x32x8x128xf32, #tpu.memory_space<vmem>>, vector<1x4x1x8x128xf32>,
    %get3A_475 = arith.constant 0 : index
    %get3A_476 = arith.constant 6 : index
    %get3A_477 = arith.constant 0 : index
    %get3A_478 = arith.constant 0 : index
    %get3A_479 = vector.load %arg1[%get3A_475, %get3A_476, %get3A_477, %get3A_478] : memref<1x8x128x128xf32, #tpu.memory_space<vmem>>, vector<1x1x128x128xf32>
    %get3A_480 = vector.shape_cast %get3A_479 : vector<1x1x128x128xf32> to vector<128x128xf32>
    %transpose3A_481 = tpu.transpose %get3A_480, [1, 0] : vector<128x128xf32> -> vector<128x128xf32>
    %get3A_482 = arith.constant 0 : index
    %get3A_483 = arith.constant 6 : index
    %get3A_484 = arith.constant 0 : index
    %get3A_485 = arith.constant 0 : index
    %get3A_486 = vector.load %arg2[%get3A_482, %get3A_483, %get3A_484, %get3A_485] : memref<1x8x4x128xi32, #tpu.memory_space<vmem>>, vector<1x1x4x128xi32>
    %get3A_487 = vector.shape_cast %get3A_486 : vector<1x1x4x128xi32> to vector<4x128xi32>
    %eq3A_488 = arith.constant 1 : i32
    %eq3A_489 = vector.broadcast %eq3A_488 : i32 to vector<4x128xi32>
    %eq3A_490 = arith.cmpi eq, %get3A_487, %eq3A_489 : vector<4x128xi32>
    %jit3A_491 = arith.constant 0.000000e+00 : f32
    %jit3A_492 = arith.constant 5.65685415 : f32
    %broadcast_in_dim3A_493 = vector.broadcast %jit3A_491 : f32 to vector<4x128xf32>
    %broadcast_in_dim3A_494 = vector.broadcast %jit3A_492 : f32 to vector<4x128xf32>
    %select_n3A_495 = arith.select %eq3A_490, %broadcast_in_dim3A_493, %broadcast_in_dim3A_494 : vector<4x128xi1>, vector<4x128xf32>
    %slice3A_496 = vector.extract_strided_slice %transpose3A_481 {offsets = [0, 0], sizes = [32, 128], strides = [1, 1]} : vector<128x128xf32> to vector<32x128xf32>
    %slice3A_497 = vector.extract_strided_slice %select_n3A_495 {offsets = [0, 0], sizes = [1, 128], strides = [1, 1]} : vector<4x128xf32> to vector<1x128xf32>
    %squeeze3A_498 = vector.shape_cast %slice3A_497 : vector<1x128xf32> to vector<128xf32>
    %broadcast_in_dim3A_499 = vector.shape_cast %squeeze3A_498 : vector<128xf32> to vector<1x128xf32>
    %mul3A_500 = vector.broadcast %broadcast_in_dim3A_499 : vector<1x128xf32> to vector<32x128xf32>
    %mul3A_501 = arith.mulf %slice3A_496, %mul3A_500 : vector<32x128xf32>
    %reshape3A_502 = vector.shape_cast %mul3A_501 : vector<32x128xf32> to vector<4x8x128xf32>
    %swap3A_503 = arith.constant 0 : index
    %swap3A_504 = arith.constant 0 : index
    %swap3A_505 = arith.constant 24 : index
    %swap3A_506 = arith.constant 0 : index
    %swap3A_507 = arith.constant 0 : index
    %swap3A_508 = vector.load %arg3[%swap3A_503, %swap3A_504, %swap3A_505, %swap3A_506, %swap3A_507] : memref<1x4x32x8x128xf32, #tpu.memory_space<vmem>>, vector<1x4x1x8x128xf32>
    %swap3A_509 = vector.shape_cast %swap3A_508 : vector<1x4x1x8x128xf32> to vector<4x8x128xf32>
    %swap3A_510 = vector.shape_cast %reshape3A_502 : vector<4x8x128xf32> to vector<1x4x1x8x128xf32>
    tpu.vector_store %arg3[%swap3A_503, %swap3A_504, %swap3A_505, %swap3A_506, %swap3A_507], %swap3A_510 {strides = array<i32>} : memref<1x4x32x8x128xf32, #tpu.memory_space<vmem>>, vector<1x4x1x8x128xf32>,
    %slice3A_511 = vector.extract_strided_slice %transpose3A_481 {offsets = [32, 0], sizes = [32, 128], strides = [1, 1]} : vector<128x128xf32> to vector<32x128xf32>
    %slice3A_512 = vector.extract_strided_slice %select_n3A_495 {offsets = [1, 0], sizes = [1, 128], strides = [1, 1]} : vector<4x128xf32> to vector<1x128xf32>
    %squeeze3A_513 = vector.shape_cast %slice3A_512 : vector<1x128xf32> to vector<128xf32>
    %broadcast_in_dim3A_514 = vector.shape_cast %squeeze3A_513 : vector<128xf32> to vector<1x128xf32>
    %mul3A_515 = vector.broadcast %broadcast_in_dim3A_514 : vector<1x128xf32> to vector<32x128xf32>
    %mul3A_516 = arith.mulf %slice3A_511, %mul3A_515 : vector<32x128xf32>
    %reshape3A_517 = vector.shape_cast %mul3A_516 : vector<32x128xf32> to vector<4x8x128xf32>
    %swap3A_518 = arith.constant 0 : index
    %swap3A_519 = arith.constant 0 : index
    %swap3A_520 = arith.constant 25 : index
    %swap3A_521 = arith.constant 0 : index
    %swap3A_522 = arith.constant 0 : index
    %swap3A_523 = vector.load %arg3[%swap3A_518, %swap3A_519, %swap3A_520, %swap3A_521, %swap3A_522] : memref<1x4x32x8x128xf32, #tpu.memory_space<vmem>>, vector<1x4x1x8x128xf32>
    %swap3A_524 = vector.shape_cast %swap3A_523 : vector<1x4x1x8x128xf32> to vector<4x8x128xf32>
    %swap3A_525 = vector.shape_cast %reshape3A_517 : vector<4x8x128xf32> to vector<1x4x1x8x128xf32>
    tpu.vector_store %arg3[%swap3A_518, %swap3A_519, %swap3A_520, %swap3A_521, %swap3A_522], %swap3A_525 {strides = array<i32>} : memref<1x4x32x8x128xf32, #tpu.memory_space<vmem>>, vector<1x4x1x8x128xf32>,
    %slice3A_526 = vector.extract_strided_slice %transpose3A_481 {offsets = [64, 0], sizes = [32, 128], strides = [1, 1]} : vector<128x128xf32> to vector<32x128xf32>
    %slice3A_527 = vector.extract_strided_slice %select_n3A_495 {offsets = [2, 0], sizes = [1, 128], strides = [1, 1]} : vector<4x128xf32> to vector<1x128xf32>
    %squeeze3A_528 = vector.shape_cast %slice3A_527 : vector<1x128xf32> to vector<128xf32>
    %broadcast_in_dim3A_529 = vector.shape_cast %squeeze3A_528 : vector<128xf32> to vector<1x128xf32>
    %mul3A_530 = vector.broadcast %broadcast_in_dim3A_529 : vector<1x128xf32> to vector<32x128xf32>
    %mul3A_531 = arith.mulf %slice3A_526, %mul3A_530 : vector<32x128xf32>
    %reshape3A_532 = vector.shape_cast %mul3A_531 : vector<32x128xf32> to vector<4x8x128xf32>
    %swap3A_533 = arith.constant 0 : index
    %swap3A_534 = arith.constant 0 : index
    %swap3A_535 = arith.constant 26 : index
    %swap3A_536 = arith.constant 0 : index
    %swap3A_537 = arith.constant 0 : index
    %swap3A_538 = vector.load %arg3[%swap3A_533, %swap3A_534, %swap3A_535, %swap3A_536, %swap3A_537] : memref<1x4x32x8x128xf32, #tpu.memory_space<vmem>>, vector<1x4x1x8x128xf32>
    %swap3A_539 = vector.shape_cast %swap3A_538 : vector<1x4x1x8x128xf32> to vector<4x8x128xf32>
    %swap3A_540 = vector.shape_cast %reshape3A_532 : vector<4x8x128xf32> to vector<1x4x1x8x128xf32>
    tpu.vector_store %arg3[%swap3A_533, %swap3A_534, %swap3A_535, %swap3A_536, %swap3A_537], %swap3A_540 {strides = array<i32>} : memref<1x4x32x8x128xf32, #tpu.memory_space<vmem>>, vector<1x4x1x8x128xf32>,
    %slice3A_541 = vector.extract_strided_slice %transpose3A_481 {offsets = [96, 0], sizes = [32, 128], strides = [1, 1]} : vector<128x128xf32> to vector<32x128xf32>
    %slice3A_542 = vector.extract_strided_slice %select_n3A_495 {offsets = [3, 0], sizes = [1, 128], strides = [1, 1]} : vector<4x128xf32> to vector<1x128xf32>
    %squeeze3A_543 = vector.shape_cast %slice3A_542 : vector<1x128xf32> to vector<128xf32>
    %broadcast_in_dim3A_544 = vector.shape_cast %squeeze3A_543 : vector<128xf32> to vector<1x128xf32>
    %mul3A_545 = vector.broadcast %broadcast_in_dim3A_544 : vector<1x128xf32> to vector<32x128xf32>
    %mul3A_546 = arith.mulf %slice3A_541, %mul3A_545 : vector<32x128xf32>
    %reshape3A_547 = vector.shape_cast %mul3A_546 : vector<32x128xf32> to vector<4x8x128xf32>
    %swap3A_548 = arith.constant 0 : index
    %swap3A_549 = arith.constant 0 : index
    %swap3A_550 = arith.constant 27 : index
    %swap3A_551 = arith.constant 0 : index
    %swap3A_552 = arith.constant 0 : index
    %swap3A_553 = vector.load %arg3[%swap3A_548, %swap3A_549, %swap3A_550, %swap3A_551, %swap3A_552] : memref<1x4x32x8x128xf32, #tpu.memory_space<vmem>>, vector<1x4x1x8x128xf32>
    %swap3A_554 = vector.shape_cast %swap3A_553 : vector<1x4x1x8x128xf32> to vector<4x8x128xf32>
    %swap3A_555 = vector.shape_cast %reshape3A_547 : vector<4x8x128xf32> to vector<1x4x1x8x128xf32>
    tpu.vector_store %arg3[%swap3A_548, %swap3A_549, %swap3A_550, %swap3A_551, %swap3A_552], %swap3A_555 {strides = array<i32>} : memref<1x4x32x8x128xf32, #tpu.memory_space<vmem>>, vector<1x4x1x8x128xf32>,
    %get3A_556 = arith.constant 0 : index
    %get3A_557 = arith.constant 7 : index
    %get3A_558 = arith.constant 0 : index
    %get3A_559 = arith.constant 0 : index
    %get3A_560 = vector.load %arg1[%get3A_556, %get3A_557, %get3A_558, %get3A_559] : memref<1x8x128x128xf32, #tpu.memory_space<vmem>>, vector<1x1x128x128xf32>
    %get3A_561 = vector.shape_cast %get3A_560 : vector<1x1x128x128xf32> to vector<128x128xf32>
    %transpose3A_562 = tpu.transpose %get3A_561, [1, 0] : vector<128x128xf32> -> vector<128x128xf32>
    %get3A_563 = arith.constant 0 : index
    %get3A_564 = arith.constant 7 : index
    %get3A_565 = arith.constant 0 : index
    %get3A_566 = arith.constant 0 : index
    %get3A_567 = vector.load %arg2[%get3A_563, %get3A_564, %get3A_565, %get3A_566] : memref<1x8x4x128xi32, #tpu.memory_space<vmem>>, vector<1x1x4x128xi32>
    %get3A_568 = vector.shape_cast %get3A_567 : vector<1x1x4x128xi32> to vector<4x128xi32>
    %eq3A_569 = arith.constant 1 : i32
    %eq3A_570 = vector.broadcast %eq3A_569 : i32 to vector<4x128xi32>
    %eq3A_571 = arith.cmpi eq, %get3A_568, %eq3A_570 : vector<4x128xi32>
    %jit3A_572 = arith.constant 0.000000e+00 : f32
    %jit3A_573 = arith.constant 5.65685415 : f32
    %broadcast_in_dim3A_574 = vector.broadcast %jit3A_572 : f32 to vector<4x128xf32>
    %broadcast_in_dim3A_575 = vector.broadcast %jit3A_573 : f32 to vector<4x128xf32>
    %select_n3A_576 = arith.select %eq3A_571, %broadcast_in_dim3A_574, %broadcast_in_dim3A_575 : vector<4x128xi1>, vector<4x128xf32>
    %slice3A_577 = vector.extract_strided_slice %transpose3A_562 {offsets = [0, 0], sizes = [32, 128], strides = [1, 1]} : vector<128x128xf32> to vector<32x128xf32>
    %slice3A_578 = vector.extract_strided_slice %select_n3A_576 {offsets = [0, 0], sizes = [1, 128], strides = [1, 1]} : vector<4x128xf32> to vector<1x128xf32>
    %squeeze3A_579 = vector.shape_cast %slice3A_578 : vector<1x128xf32> to vector<128xf32>
    %broadcast_in_dim3A_580 = vector.shape_cast %squeeze3A_579 : vector<128xf32> to vector<1x128xf32>
    %mul3A_581 = vector.broadcast %broadcast_in_dim3A_580 : vector<1x128xf32> to vector<32x128xf32>
    %mul3A_582 = arith.mulf %slice3A_577, %mul3A_581 : vector<32x128xf32>
    %reshape3A_583 = vector.shape_cast %mul3A_582 : vector<32x128xf32> to vector<4x8x128xf32>
    %swap3A_584 = arith.constant 0 : index
    %swap3A_585 = arith.constant 0 : index
    %swap3A_586 = arith.constant 28 : index
    %swap3A_587 = arith.constant 0 : index
    %swap3A_588 = arith.constant 0 : index
    %swap3A_589 = vector.load %arg3[%swap3A_584, %swap3A_585, %swap3A_586, %swap3A_587, %swap3A_588] : memref<1x4x32x8x128xf32, #tpu.memory_space<vmem>>, vector<1x4x1x8x128xf32>
    %swap3A_590 = vector.shape_cast %swap3A_589 : vector<1x4x1x8x128xf32> to vector<4x8x128xf32>
    %swap3A_591 = vector.shape_cast %reshape3A_583 : vector<4x8x128xf32> to vector<1x4x1x8x128xf32>
    tpu.vector_store %arg3[%swap3A_584, %swap3A_585, %swap3A_586, %swap3A_587, %swap3A_588], %swap3A_591 {strides = array<i32>} : memref<1x4x32x8x128xf32, #tpu.memory_space<vmem>>, vector<1x4x1x8x128xf32>,
    %slice3A_592 = vector.extract_strided_slice %transpose3A_562 {offsets = [32, 0], sizes = [32, 128], strides = [1, 1]} : vector<128x128xf32> to vector<32x128xf32>
    %slice3A_593 = vector.extract_strided_slice %select_n3A_576 {offsets = [1, 0], sizes = [1, 128], strides = [1, 1]} : vector<4x128xf32> to vector<1x128xf32>
    %squeeze3A_594 = vector.shape_cast %slice3A_593 : vector<1x128xf32> to vector<128xf32>
    %broadcast_in_dim3A_595 = vector.shape_cast %squeeze3A_594 : vector<128xf32> to vector<1x128xf32>
    %mul3A_596 = vector.broadcast %broadcast_in_dim3A_595 : vector<1x128xf32> to vector<32x128xf32>
    %mul3A_597 = arith.mulf %slice3A_592, %mul3A_596 : vector<32x128xf32>
    %reshape3A_598 = vector.shape_cast %mul3A_597 : vector<32x128xf32> to vector<4x8x128xf32>
    %swap3A_599 = arith.constant 0 : index
    %swap3A_600 = arith.constant 0 : index
    %swap3A_601 = arith.constant 29 : index
    %swap3A_602 = arith.constant 0 : index
    %swap3A_603 = arith.constant 0 : index
    %swap3A_604 = vector.load %arg3[%swap3A_599, %swap3A_600, %swap3A_601, %swap3A_602, %swap3A_603] : memref<1x4x32x8x128xf32, #tpu.memory_space<vmem>>, vector<1x4x1x8x128xf32>
    %swap3A_605 = vector.shape_cast %swap3A_604 : vector<1x4x1x8x128xf32> to vector<4x8x128xf32>
    %swap3A_606 = vector.shape_cast %reshape3A_598 : vector<4x8x128xf32> to vector<1x4x1x8x128xf32>
    tpu.vector_store %arg3[%swap3A_599, %swap3A_600, %swap3A_601, %swap3A_602, %swap3A_603], %swap3A_606 {strides = array<i32>} : memref<1x4x32x8x128xf32, #tpu.memory_space<vmem>>, vector<1x4x1x8x128xf32>,
    %slice3A_607 = vector.extract_strided_slice %transpose3A_562 {offsets = [64, 0], sizes = [32, 128], strides = [1, 1]} : vector<128x128xf32> to vector<32x128xf32>
    %slice3A_608 = vector.extract_strided_slice %select_n3A_576 {offsets = [2, 0], sizes = [1, 128], strides = [1, 1]} : vector<4x128xf32> to vector<1x128xf32>
    %squeeze3A_609 = vector.shape_cast %slice3A_608 : vector<1x128xf32> to vector<128xf32>
    %broadcast_in_dim3A_610 = vector.shape_cast %squeeze3A_609 : vector<128xf32> to vector<1x128xf32>
    %mul3A_611 = vector.broadcast %broadcast_in_dim3A_610 : vector<1x128xf32> to vector<32x128xf32>
    %mul3A_612 = arith.mulf %slice3A_607, %mul3A_611 : vector<32x128xf32>
    %reshape3A_613 = vector.shape_cast %mul3A_612 : vector<32x128xf32> to vector<4x8x128xf32>
    %swap3A_614 = arith.constant 0 : index
    %swap3A_615 = arith.constant 0 : index
    %swap3A_616 = arith.constant 30 : index
    %swap3A_617 = arith.constant 0 : index
    %swap3A_618 = arith.constant 0 : index
    %swap3A_619 = vector.load %arg3[%swap3A_614, %swap3A_615, %swap3A_616, %swap3A_617, %swap3A_618] : memref<1x4x32x8x128xf32, #tpu.memory_space<vmem>>, vector<1x4x1x8x128xf32>
    %swap3A_620 = vector.shape_cast %swap3A_619 : vector<1x4x1x8x128xf32> to vector<4x8x128xf32>
    %swap3A_621 = vector.shape_cast %reshape3A_613 : vector<4x8x128xf32> to vector<1x4x1x8x128xf32>
    tpu.vector_store %arg3[%swap3A_614, %swap3A_615, %swap3A_616, %swap3A_617, %swap3A_618], %swap3A_621 {strides = array<i32>} : memref<1x4x32x8x128xf32, #tpu.memory_space<vmem>>, vector<1x4x1x8x128xf32>,
    %slice3A_622 = vector.extract_strided_slice %transpose3A_562 {offsets = [96, 0], sizes = [32, 128], strides = [1, 1]} : vector<128x128xf32> to vector<32x128xf32>
    %slice3A_623 = vector.extract_strided_slice %select_n3A_576 {offsets = [3, 0], sizes = [1, 128], strides = [1, 1]} : vector<4x128xf32> to vector<1x128xf32>
    %squeeze3A_624 = vector.shape_cast %slice3A_623 : vector<1x128xf32> to vector<128xf32>
    %broadcast_in_dim3A_625 = vector.shape_cast %squeeze3A_624 : vector<128xf32> to vector<1x128xf32>
    %mul3A_626 = vector.broadcast %broadcast_in_dim3A_625 : vector<1x128xf32> to vector<32x128xf32>
    %mul3A_627 = arith.mulf %slice3A_622, %mul3A_626 : vector<32x128xf32>
    %reshape3A_628 = vector.shape_cast %mul3A_627 : vector<32x128xf32> to vector<4x8x128xf32>
    %swap3A_629 = arith.constant 0 : index
    %swap3A_630 = arith.constant 0 : index
    %swap3A_631 = arith.constant 31 : index
    %swap3A_632 = arith.constant 0 : index
    %swap3A_633 = arith.constant 0 : index
    %swap3A_634 = vector.load %arg3[%swap3A_629, %swap3A_630, %swap3A_631, %swap3A_632, %swap3A_633] : memref<1x4x32x8x128xf32, #tpu.memory_space<vmem>>, vector<1x4x1x8x128xf32>
    %swap3A_635 = vector.shape_cast %swap3A_634 : vector<1x4x1x8x128xf32> to vector<4x8x128xf32>
    %swap3A_636 = vector.shape_cast %reshape3A_628 : vector<4x8x128xf32> to vector<1x4x1x8x128xf32>
    tpu.vector_store %arg3[%swap3A_629, %swap3A_630, %swap3A_631, %swap3A_632, %swap3A_633], %swap3A_636 {strides = array<i32>} : memref<1x4x32x8x128xf32, #tpu.memory_space<vmem>>, vector<1x4x1x8x128xf32>,
    return
  }
  func.func @transform_0(%arg0: i32) -> (i32, i32, i32, i32) {
    %c0_i32 = arith.constant 0 : i32
    %c0_i32_0 = arith.constant 0 : i32
    %c0_i32_1 = arith.constant 0 : i32
    %c0_i32_2 = arith.constant 0 : i32
    return %arg0, %c0_i32, %c0_i32_0, %c0_i32_1 : i32, i32, i32, i32
  }
  func.func @transform_1(%arg0: i32) -> (i32, i32, i32, i32) {
    %c0_i32 = arith.constant 0 : i32
    %c0_i32_0 = arith.constant 0 : i32
    %c0_i32_1 = arith.constant 0 : i32
    %c0_i32_2 = arith.constant 0 : i32
    return %arg0, %c0_i32, %c0_i32_0, %c0_i32_1 : i32, i32, i32, i32
  }
  func.func @transform_2(%arg0: i32) -> (i32, i32, i32, i32, i32) {
    %c0_i32 = arith.constant 0 : i32
    %c0_i32_0 = arith.constant 0 : i32
    %c0_i32_1 = arith.constant 0 : i32
    %c0_i32_2 = arith.constant 0 : i32
    %c0_i32_3 = arith.constant 0 : i32
    return %arg0, %c0_i32, %c0_i32_0, %c0_i32_1, %c0_i32_2 : i32, i32, i32, i32, i32
  }
}

</mosaic_0001>

<sc_bundles>
// kernel: kernel.4.cloned.1.call-start
scs
__scs_entry_jumppad:
0x0: {  	(pc) =	sbr.rel $0x88, $3  }
0x1: {  	(tag) =	ssettag $0x0;
	lr =	simm.s32 $0x1  }
0x2: {  	[smem:$0x3F9F] =	sst lr;
	_ =	strace $0xD0000000  }
0x3: {  	_ = 	snop  }
0x4: {  	_ = 	snop  }
0x5: {  	_ = 	snop  }
0x6: {  	_ = 	snop  }
0x7: {  	_ = 	snop  }
__scs_overlays_trampoline_lowered:
0x8: {  	[smem:$0x3FAE] =	sst s0  }
0x9: {  	[smem:$0x3FAF] =	sst s1  }
0xa: {  	[smem:$0x3FB0] =	sst s2  }
0xb: {  	[smem:$0x3FB1] =	sst s3  }
0xc: {  	[smem:$0x3FB2] =	sst s4  }
0xd: {  	[smem:$0x3FB3] =	sst s5  }
0xe: {  	[smem:$0x3FB4] =	sst s6  }
0xf: {  	[smem:$0x3FB5] =	sst s7  }
0x10: {  	[smem:$0x3FB6] =	sst s8  }
0x11: {  	[smem:$0x3FB7] =	sst s9;
	s0 =	simm.s32 @!p0 $0x0  }
0x12: {  	s1 =	sld [smem:$0x3F9D];
	s0 =	simm.s32 @p0 $0x1  }
0x13: {  	[smem:$0x3FB8] =	sst s0;
	s0 =	simm.s32 @!p1 $0x0  }
0x14: {  	s2 =	sld [smem:$0x3F9C];
	s0 =	simm.s32 @p1 $0x1  }
0x15: {  	[smem:$0x3FB9] =	sst s0;
	s0 =	simm.s32 @!p2 $0x0  }
0x16: {  	s3 =	sld [smem:$0x3FDB];
	s0 =	simm.s32 @p2 $0x1  }
0x17: {  	s4 =	simm.s32 $0x1BF5;
	[smem:$0x3FBB] =	sst s0  }
0x18: {  	s0 =	sld [smem:$0x3F9E];
	_ =	swait.ge [sflag:s4], $0x0  }
0x19: {  	s7 =	sld [smem:$0x3F9F]  }
0x1a: {  	s8 =	sadd.s32 $0xFFFFE003, lr  }
0x1b: {  	s9 =	sadd.s32 $0xFFFFFEF7, lr;
	s5 =	simm.s32 $0xFFFFFFFF;
	p2 =	slt.u32 s8, $0xFFFFF086  }
0x1c: {  	p1 =	slt.u32 s9, $0xF7A;
	s5 =	simm.s32 @!p2 $0x0  }
0x1d: {  	s5 =	simm.s32 @p1 $0x1;
	p0 =	seq.s32 s7, s2  }
0x1e: {  	s7 =	smul.u32 @!p0 $0xF7A, s2;
	p2 =	seq.s32 @!p0 s5, $0x0  }
0x1f: {  	s9 =	smul.u32 $0xF7A, s1;
	s8 =	simm.s32 @!p0 $0x1BF5;
	p2 =	por !p2, p0  }
0x20: {  	[sflag:s8] =	ssyncset.s32 @!p0 $0xFFFFF086;
	s6 =	sadd.s32 @!p0 s3, s7;
	s7 =	simm.s32 @!p0 $0x108  }
0x21: {  	s3 =	sadd.s32 s3, s9;
	s6 =	sadd.s32 @!p0 $0x88, s6;
	s7 =	simm.s32 @p2 $0x1082  }
0x22: {  	[simem:s7], [sflag:s8] =	dma.local @!p0 [hbm:s6], $0xF7A  }
0x23: {  	s9 =	sor.u32 $0xD0000000, s2;
	s6 =	simm.s32 $0x108;
	_ =	swait.ge @!p0 [sflag:s8], $0x0  }
0x24: {  	s3 =	sadd.s32 $0x88, s3;
	s6 =	simm.s32 @!p1 $0x1082;
	[sflag:s4] =	ssyncset.s32 $0xFFFFF086  }
0x25: {  	[simem:s6], [sflag:s4] =	dma.local [hbm:s3], $0xF7A  }
0x26: {  	[smem:$0x3F9F] =	sst s1;
	(tag) =	ssettag s2;
	_ =	strace s9  }
0x27: {  	s1 =	sld [smem:$0x3FAF]  }
0x28: {  	s2 =	sld [smem:$0x3FB0]  }
0x29: {  	s4 =	sld [smem:$0x3FB2]  }
0x2a: {  	p0 =	seq.s32 s5, $0x0;
	s5 =	sld [smem:$0x3FB3]  }
0x2b: {  	s6 =	sld [smem:$0x3FB4]  }
0x2c: {  	s7 =	sld [smem:$0x3FB5]  }
0x2d: {  	s3 =	simm.s32 $0x108;
	s8 =	sld [smem:$0x3FB6]  }
0x2e: {  	s3 =	simm.s32 @!p0 $0x1082;
	s9 =	sld [smem:$0x3FB7]  }
0x2f: {  	lr =	sadd.s32 s0, s3;
	s0 =	sld [smem:$0x3FAE]  }
0x30: {  	s3 =	sld [smem:$0x3FB1]  }
0x31: {  	[smem:$0x3FBA] =	sst s10  }
0x32: {  	s10 =	sld [smem:$0x3FB8];
	_ =	sdelay $0x3  }
0x33: {  	p0 =	seq.s32 s10, $0x1;
	s10 =	sld [smem:$0x3FBA];
	_ =	sdelay $0x3  }
0x34: {  	[smem:$0x3FBA] =	sst s10  }
0x35: {  	s10 =	sld [smem:$0x3FB9];
	_ =	sdelay $0x3  }
0x36: {  	p1 =	seq.s32 s10, $0x1;
	s10 =	sld [smem:$0x3FBA];
	_ =	sdelay $0x3  }
0x37: {  	[smem:$0x3FBA] =	sst s10  }
0x38: {  	s10 =	sld [smem:$0x3FBB]  }
0x39: {  	_ = 	snop;
	(pc) =	sbr.ind lr, $3  }
0x3a: {  	_ = 	snop  }
0x3b: {  	_ = 	snop  }
0x3c: {  	p2 =	seq.s32 s10, $0x1;
	s10 =	sld [smem:$0x3FBA]  }
0x3d: {  	_ =	shalt  }
0x3e: {  	_ =	shalt  }
0x3f: {  	_ =	shalt  }
0x40: {  	_ =	shalt  }
0x41: {  	_ =	shalt  }
0x42: {  	_ =	shalt  }
0x43: {  	_ =	shalt  }
0x44: {  	_ =	shalt  }
0x45: {  	_ =	shalt  }
0x46: {  	_ =	shalt  }
0x47: {  	_ =	shalt  }
0x48: {  	_ =	shalt  }
0x49: {  	_ =	shalt  }
0x4a: {  	_ =	shalt  }
0x4b: {  	_ =	shalt  }
0x4c: {  	_ =	shalt  }
0x4d: {  	_ =	shalt  }
0x4e: {  	_ =	shalt  }
0x4f: {  	_ =	shalt  }
0x50: {  	_ =	shalt  }
0x51: {  	_ =	shalt  }
0x52: {  	_ =	shalt  }
0x53: {  	_ =	shalt  }
0x54: {  	_ =	shalt  }
0x55: {  	_ =	shalt  }
0x56: {  	_ =	shalt  }
0x57: {  	_ =	shalt  }
0x58: {  	_ =	shalt  }
0x59: {  	_ =	shalt  }
0x5a: {  	_ =	shalt  }
0x5b: {  	_ =	shalt  }
0x5c: {  	_ =	shalt  }
0x5d: {  	_ =	shalt  }
0x5e: {  	_ =	shalt  }
0x5f: {  	_ =	shalt  }
0x60: {  	_ =	shalt  }
0x61: {  	_ =	shalt  }
0x62: {  	_ =	shalt  }
0x63: {  	_ =	shalt  }
0x64: {  	_ =	shalt  }
0x65: {  	_ =	shalt  }
0x66: {  	_ =	shalt  }
0x67: {  	_ =	shalt  }
0x68: {  	_ =	shalt  }
0x69: {  	_ =	shalt  }
0x6a: {  	_ =	shalt  }
0x6b: {  	_ =	shalt  }
0x6c: {  	_ =	shalt  }
0x6d: {  	_ =	shalt  }
0x6e: {  	_ =	shalt  }
0x6f: {  	_ =	shalt  }
0x70: {  	_ =	shalt  }
0x71: {  	_ =	shalt  }
0x72: {  	_ =	shalt  }
0x73: {  	_ =	shalt  }
0x74: {  	_ =	shalt  }
0x75: {  	_ =	shalt  }
0x76: {  	_ =	shalt  }
0x77: {  	_ =	shalt  }
0x78: {  	_ =	shalt  }
0x79: {  	_ =	shalt  }
0x7a: {  	_ =	shalt  }
0x7b: {  	_ =	shalt  }
0x7c: {  	_ =	shalt  }
0x7d: {  	_ =	shalt  }
0x7e: {  	_ =	shalt  }
0x7f: {  	_ =	shalt  }
0x80: {  	_ =	shalt  }
0x81: {  	_ =	shalt  }
0x82: {  	_ =	shalt  }
0x83: {  	_ =	shalt  }
0x84: {  	_ =	shalt  }
0x85: {  	_ =	shalt  }
0x86: {  	_ =	shalt  }
0x87: {  	_ =	shalt  }
.Lfunc_end0:
.L_simem_size_0:
called_computation.1_lowered:
.L_overlay_start_0:
0x88: {  	s2 =	sld [smem:$0x3FD9]  }
0x89: {  	s3 =	sld [smem:$0x3FFE];
	_ =	sdelay $0x1  }
0x8a: {  	s1 =	srdreg.scid  }
0x8b: {  	s0 =	sand.u32 $0x1, s1  }
0x8c: {  	s17 =	sshll.u32 s0, $0xA;
	s2 =	sadd.s32 s3, s2  }
0x8d: {  	s2 =	sadd.s32 s2, s17  }
0x8e: {  	[smem:$0x3FC6] =	sst s2  }
0x8f: {  	_ = 	snop  }
0x90: {  	s2 =	sld [smem:$0x3FD0];
	(tm) =	ssettm $0x1  }
0x91: {  	s18 =	sld [smem:$0x3FFB];
	_ =	sdelay $0x3  }
0x92: {  	_ =	strace s18  }
0x93: {  	s3 =	sld [smem:$0x3FFC];
	_ =	sdelay $0x3  }
0x94: {  	_ =	strace s3  }
0x95: {  	s3 =	sld [smem:$0x3FFD];
	_ =	sdelay $0x3  }
0x96: {  	_ =	strace s3  }
0x97: {  	_ =	strace $0x8FFFFFFF  }
0x98: {  	s19 =	sld [smem:$0x3FDB];
	_ =	sdelay $0x1  }
0x99: {  	s4 =	simm.s32 $_scs_section_size  }
0x9a: {  	s5 =	simm.s32 $_size__tile_overlayer_lowered;
	s6 =	simm.s32 $_tile_overlayer_lowered  }
0x9b: {  	s22 =	simm.s32 $0x1BFF;
	s21 =	sshll.u32 s6, $0x1;
	s3 =	sadd.s32 s4, s19  }
0x9c: {  	s7 =	simm.s32 $0x0;
	s20 =	sshll.u32 s5, $0x1;
	s5 =	sadd.s32 s21, s3  }
0x9d: {  	[timem:s7], [sflag:s22] =	dma.local [hbm:s5], s20  }
0x9e: {  	_ =	swait.ge [sflag:s22], s20  }
0x9f: {  	s4 =	ssub.s32 $0x0, s20;
	[sflag:s22] =	ssyncset.done $0x0  }
0xa0: {  	[sflag:s22] =	ssyncadd.s32 s4;
	_ =	sdelay $0x1  }
0xa1: {  	s23 =	simm.s32 $0x1B8B  }
0xa2: {  	_ =	swait.ge [sflag:s23], $0x1  }
0xa3: {  	[sflag:s23] =	ssyncset.done $0x0  }
0xa4: {  	s25 =	simm.s32 $0x1B8E;
	s24 =	sld [smem:$0x3FFE];
	[sflag:s23] =	ssyncadd.s32 $0xFFFFFFFF  }
0xa5: {  	s26 =	simm.s32 $execute0_lowered;
	[smem:$0x3FD2] =	sst s25  }
0xa6: {  	s5 =	sshll.u32 s26, $0x1;
	_ =	strace $0x80000049;
	[dreg:$0x1] =	wrdreg $0xFFFFFFFF  }
0xa7: {  	s28 =	simm.s32 $_size_execute0_lowered;
	s3 =	sadd.s32 s3, s5;
	[dreg:$0x0] =	wrdreg $0x0  }
0xa8: {  	s5 =	sshll.u32 s28, $0x1;
	[dreg:$0x2] =	wrdreg s3  }
0xa9: {  	[dreg:$0x3] =	wrdreg s5  }
0xaa: {  	[dreg:$0x4] =	wrdreg $0xC0  }
0xab: {  	_ =	task [dreg:s7], $0x5FFFF  }
0xac: {  	[dreg:$0x1] =	wrdreg $0xFFFFFFFF  }
0xad: {  	[dreg:$0x0] =	wrdreg $0x60  }
0xae: {  	[dreg:$0x2] =	wrdreg s24  }
0xaf: {  	[dreg:$0x3] =	wrdreg s2  }
0xb0: {  	[dreg:$0x4] =	wrdreg $0x9  }
0xb1: {  	_ =	task.clear_ibuf [dreg:s7], $0x5FFFF;
	_ =	strace $0x90000049  }
0xb2: {  	s29 =	simm.s32 $0x9;
	_ =	strace $0x80000052  }
0xb3: {  	_ =	swait.ge [sflag:s29], $0x1  }
0xb4: {  	[sflag:s29] =	ssyncadd.s32 $0xFFFFFFFF  }
0xb5: {  	_ =	strace $0x90000052  }
0xb6: {  	_ =	sfence  }
0xb7: {  	s30 =	sld [smem:$0x0];
	_ =	sdelay $0x2  }
0xb8: {  	s31 =	sshll.u32 s1, $0xD;
	s1 =	sshrl.u32 s1, $0x2  }
0xb9: {  	s3 =	sand.u32 $0x4000, s31;
	s1 =	sadd.s32 s1, s30  }
0xba: {  	s0 =	sor.u32 s3, s0;
	s1 =	sshll.u32 s1, $0x11  }
0xbb: {  	s0 =	sor.u32 s1, s0  }
0xbc: {  	s0 =	sadd.s32 $0x8F2B, s0  }
0xbd: {  	[sflag:s0] =	ssyncadd.remote.s32 $0x1  }
0xbe: {  	_ =	sfence.sel $0xFFFF  }
0xbf: {  	[dreg:$0x0] =	wrdreg $0xFFFFFFFF;
	(pc) =	sbr.abs _section_cstart, $3  }
0xc0: {  	[dreg:$0x1] =	wrdreg $0xFFFFFFFF  }
0xc1: {  	_ =	task.clear_ibuf [dreg:s7], $0x2FFFF;
	_ =	strace $0x9FFFFFFF  }
0xc2: {  	(tm) =	ssettm $0x7FFFFFFF  }
0xc3: {  	_ =	shalt  }
tec
execute0_lowered:
.L_overlay_start_1:
0x0: {  	(tag) =	ssettag $0x1  }
0x1: {  	v0 =	vimm.s32 $0x183;
	vm12 =	vcmask $0x300  }
0x2: {  	v1 =	vimm.s32 $0x187;
	vm13 =	vcmask $0x704;
	vm14 =	vcmask $0xB08  }
0x3: {  	vm11 =	vcmask $0xF0C;
	vm10 =	vcmask $0x1310;
	vm9 =	vcmask $0x1714  }
0x4: {  	vm8 =	vcmask $0x1B18;
	vm7 =	vcmask $0x1F1C;
	vm6 =	vcmask $0x2320  }
0x5: {  	vm5 =	vcmask $0x2724;
	vm4 =	vcmask $0x2B28;
	vm3 =	vcmask $0x2F2C  }
0x6: {  	vm2 =	vcmask $0x3330;
	vm0 =	vcmask $0x3734;
	vm1 =	vcmask $0x3B38  }
0x7: {  	v2 =	vimm.s32 $0x18B;
	v3 =	vimm.s32 $0x18F;
	v4 =	vimm.s32 $0x193  }
0x8: {  	v5 =	vimm.s32 $0x197;
	v6 =	vimm.s32 $0x19B;
	v7 =	vimm.s32 $0x19F  }
0x9: {  	v8 =	vimm.s32 $0x1A3;
	v9 =	vimm.s32 $0x1A7;
	v10 =	vimm.s32 $0x1AB  }
0xa: {  	v11 =	vimm.s32 $0x1AF;
	v12 =	vimm.s32 $0x1B3;
	v13 =	vimm.s32 $0x1B7  }
0xb: {  	v14 =	vimm.s32 $0x1BB;
	v15 =	vimm.s32 $0x1BF;
	v16 =	vimm.s32 $0x1C3  }
0xc: {  	v17 =	vimm.s32 $0x1C7;
	v18 =	vimm.s32 $0x1CB;
	v19 =	vimm.s32 $0x1CF  }
0xd: {  	v20 =	vimm.s32 $0x1D3;
	v21 =	vimm.s32 $0x1D7;
	v22 =	vimm.s32 $0x1DB  }
0xe: {  	v23 =	vimm.s32 $0x1DF;
	v24 =	vimm.s32 $0x1E3;
	v25 =	vimm.s32 $0x1E7  }
0xf: {  	v26 =	vimm.s32 $0x1EB;
	v27 =	vimm.s32 $0x1EF;
	v28 =	vimm.s32 $0x1F3  }
0x10: {  	v29 =	vimm.s32 $0x1F7;
	v30 =	vimm.s32 $0x1FB;
	v31 =	vimm.s32 $0x1FF  }
0x11: {  	v0 =	vsel vm12, $0x0, v0;
	v1 =	vsel vm12, $0x4, v1;
	v2 =	vsel vm12, $0x8, v2  }
0x12: {  	v3 =	vsel vm12, $0xC, v3;
	v4 =	vsel vm12, $0x10, v4;
	v5 =	vsel vm12, $0x14, v5  }
0x13: {  	v6 =	vsel vm12, $0x18, v6;
	v7 =	vsel vm12, $0x1C, v7;
	v8 =	vsel vm12, $0x20, v8  }
0x14: {  	v9 =	vsel vm12, $0x24, v9;
	v10 =	vsel vm12, $0x28, v10;
	v11 =	vsel vm12, $0x2C, v11  }
0x15: {  	v12 =	vsel vm12, $0x30, v12;
	v13 =	vsel vm12, $0x34, v13;
	v14 =	vsel vm12, $0x38, v14  }
0x16: {  	v15 =	vsel vm12, $0x3C, v15;
	v16 =	vsel vm12, $0x40, v16;
	v17 =	vsel vm12, $0x44, v17  }
0x17: {  	v18 =	vsel vm12, $0x48, v18;
	v19 =	vsel vm12, $0x4C, v19;
	v20 =	vsel vm12, $0x50, v20  }
0x18: {  	v21 =	vsel vm12, $0x54, v21;
	v22 =	vsel vm12, $0x58, v22;
	v23 =	vsel vm12, $0x5C, v23  }
0x19: {  	v24 =	vsel vm12, $0x60, v24;
	v25 =	vsel vm12, $0x64, v25;
	v26 =	vsel vm12, $0x68, v26  }
0x1a: {  	v27 =	vsel vm12, $0x6C, v27;
	v28 =	vsel vm12, $0x70, v28;
	v29 =	vsel vm12, $0x74, v29  }
0x1b: {  	v30 =	vsel vm12, $0x78, v30;
	v31 =	vsel vm12, $0x7C, v31;
	v0 =	vsel vm13, $0x80, v0  }
0x1c: {  	v1 =	vsel vm13, $0x84, v1;
	v2 =	vsel vm13, $0x88, v2;
	v3 =	vsel vm13, $0x8C, v3  }
0x1d: {  	v4 =	vsel vm13, $0x90, v4;
	v5 =	vsel vm13, $0x94, v5;
	v6 =	vsel vm13, $0x98, v6  }
0x1e: {  	v7 =	vsel vm13, $0x9C, v7;
	v8 =	vsel vm13, $0xA0, v8;
	v9 =	vsel vm13, $0xA4, v9  }
0x1f: {  	v10 =	vsel vm13, $0xA8, v10;
	v11 =	vsel vm13, $0xAC, v11;
	v12 =	vsel vm13, $0xB0, v12  }
0x20: {  	v13 =	vsel vm13, $0xB4, v13;
	v14 =	vsel vm13, $0xB8, v14;
	v15 =	vsel vm13, $0xBC, v15  }
0x21: {  	v16 =	vsel vm13, $0xC0, v16;
	v17 =	vsel vm13, $0xC4, v17;
	v18 =	vsel vm13, $0xC8, v18  }
0x22: {  	v19 =	vsel vm13, $0xCC, v19;
	v20 =	vsel vm13, $0xD0, v20;
	v21 =	vsel vm13, $0xD4, v21  }
0x23: {  	v22 =	vsel vm13, $0xD8, v22;
	v23 =	vsel vm13, $0xDC, v23;
	v24 =	vsel vm13, $0xE0, v24  }
0x24: {  	v25 =	vsel vm13, $0xE4, v25;
	v26 =	vsel vm13, $0xE8, v26;
	v27 =	vsel vm13, $0xEC, v27  }
0x25: {  	v28 =	vsel vm13, $0xF0, v28;
	v29 =	vsel vm13, $0xF4, v29;
	v30 =	vsel vm13, $0xF8, v30  }
0x26: {  	v31 =	vsel vm13, $0xFC, v31;
	v0 =	vsel vm14, $0x100, v0;
	v1 =	vsel vm14, $0x104, v1  }
0x27: {  	v2 =	vsel vm14, $0x108, v2;
	v3 =	vsel vm14, $0x10C, v3;
	v4 =	vsel vm14, $0x110, v4  }
0x28: {  	v5 =	vsel vm14, $0x114, v5;
	v6 =	vsel vm14, $0x118, v6;
	v7 =	vsel vm14, $0x11C, v7  }
0x29: {  	v8 =	vsel vm14, $0x120, v8;
	v9 =	vsel vm14, $0x124, v9;
	v10 =	vsel vm14, $0x128, v10  }
0x2a: {  	v11 =	vsel vm14, $0x12C, v11;
	v12 =	vsel vm14, $0x130, v12;
	v13 =	vsel vm14, $0x134, v13  }
0x2b: {  	v14 =	vsel vm14, $0x138, v14;
	v15 =	vsel vm14, $0x13C, v15;
	v16 =	vsel vm14, $0x140, v16  }
0x2c: {  	v17 =	vsel vm14, $0x144, v17;
	v18 =	vsel vm14, $0x148, v18;
	v19 =	vsel vm14, $0x14C, v19  }
0x2d: {  	v20 =	vsel vm14, $0x150, v20;
	v21 =	vsel vm14, $0x154, v21;
	v22 =	vsel vm14, $0x158, v22  }
0x2e: {  	v23 =	vsel vm14, $0x15C, v23;
	v24 =	vsel vm14, $0x160, v24;
	v25 =	vsel vm14, $0x164, v25  }
0x2f: {  	v26 =	vsel vm14, $0x168, v26;
	v27 =	vsel vm14, $0x16C, v27;
	v28 =	vsel vm14, $0x170, v28  }
0x30: {  	v29 =	vsel vm14, $0x174, v29;
	v30 =	vsel vm14, $0x178, v30;
	v31 =	vsel vm14, $0x17C, v31  }
0x31: {  	v0 =	vsel vm11, $0x180, v0;
	v1 =	vsel vm11, $0x184, v1;
	v2 =	vsel vm11, $0x188, v2  }
0x32: {  	v3 =	vsel vm11, $0x18C, v3;
	v4 =	vsel vm11, $0x190, v4;
	v5 =	vsel vm11, $0x194, v5  }
0x33: {  	v6 =	vsel vm11, $0x198, v6;
	v7 =	vsel vm11, $0x19C, v7;
	v8 =	vsel vm11, $0x1A0, v8  }
0x34: {  	v9 =	vsel vm11, $0x1A4, v9;
	v10 =	vsel vm11, $0x1A8, v10;
	v11 =	vsel vm11, $0x1AC, v11  }
0x35: {  	v12 =	vsel vm11, $0x1B0, v12;
	v13 =	vsel vm11, $0x1B4, v13;
	v14 =	vsel vm11, $0x1B8, v14  }
0x36: {  	v15 =	vsel vm11, $0x1BC, v15;
	v16 =	vsel vm11, $0x1C0, v16;
	v17 =	vsel vm11, $0x1C4, v17  }
0x37: {  	v18 =	vsel vm11, $0x1C8, v18;
	v19 =	vsel vm11, $0x1CC, v19;
	v20 =	vsel vm11, $0x1D0, v20  }
0x38: {  	v21 =	vsel vm11, $0x1D4, v21;
	v22 =	vsel vm11, $0x1D8, v22;
	v23 =	vsel vm11, $0x1DC, v23  }
0x39: {  	v24 =	vsel vm11, $0x1E0, v24;
	v25 =	vsel vm11, $0x1E4, v25;
	v26 =	vsel vm11, $0x1E8, v26  }
0x3a: {  	v27 =	vsel vm11, $0x1EC, v27;
	v28 =	vsel vm11, $0x1F0, v28;
	v29 =	vsel vm11, $0x1F4, v29  }
0x3b: {  	v30 =	vsel vm11, $0x1F8, v30;
	v31 =	vsel vm11, $0x1FC, v31;
	v0 =	vsel vm10, $0x1, v0  }
0x3c: {  	v1 =	vsel vm10, $0x5, v1;
	v2 =	vsel vm10, $0x9, v2;
	v3 =	vsel vm10, $0xD, v3  }
0x3d: {  	v4 =	vsel vm10, $0x11, v4;
	v5 =	vsel vm10, $0x15, v5;
	v6 =	vsel vm10, $0x19, v6  }
0x3e: {  	v7 =	vsel vm10, $0x1D, v7;
	v8 =	vsel vm10, $0x21, v8;
	v9 =	vsel vm10, $0x25, v9  }
0x3f: {  	v10 =	vsel vm10, $0x29, v10;
	v11 =	vsel vm10, $0x2D, v11;
	v12 =	vsel vm10, $0x31, v12  }
0x40: {  	v13 =	vsel vm10, $0x35, v13;
	v14 =	vsel vm10, $0x39, v14;
	v15 =	vsel vm10, $0x3D, v15  }
0x41: {  	v16 =	vsel vm10, $0x41, v16;
	v17 =	vsel vm10, $0x45, v17;
	v18 =	vsel vm10, $0x49, v18  }
0x42: {  	v19 =	vsel vm10, $0x4D, v19;
	v20 =	vsel vm10, $0x51, v20;
	v21 =	vsel vm10, $0x55, v21  }
0x43: {  	v22 =	vsel vm10, $0x59, v22;
	v23 =	vsel vm10, $0x5D, v23;
	v24 =	vsel vm10, $0x61, v24  }
0x44: {  	v25 =	vsel vm10, $0x65, v25;
	v26 =	vsel vm10, $0x69, v26;
	v27 =	vsel vm10, $0x6D, v27  }
0x45: {  	v28 =	vsel vm10, $0x71, v28;
	v29 =	vsel vm10, $0x75, v29;
	v30 =	vsel vm10, $0x79, v30  }
0x46: {  	v31 =	vsel vm10, $0x7D, v31;
	v0 =	vsel vm9, $0x81, v0;
	v1 =	vsel vm9, $0x85, v1  }
0x47: {  	v2 =	vsel vm9, $0x89, v2;
	v3 =	vsel vm9, $0x8D, v3;
	v4 =	vsel vm9, $0x91, v4  }
0x48: {  	v5 =	vsel vm9, $0x95, v5;
	v6 =	vsel vm9, $0x99, v6;
	v7 =	vsel vm9, $0x9D, v7  }
0x49: {  	v8 =	vsel vm9, $0xA1, v8;
	v9 =	vsel vm9, $0xA5, v9;
	v10 =	vsel vm9, $0xA9, v10  }
0x4a: {  	v11 =	vsel vm9, $0xAD, v11;
	v12 =	vsel vm9, $0xB1, v12;
	v13 =	vsel vm9, $0xB5, v13  }
0x4b: {  	v14 =	vsel vm9, $0xB9, v14;
	v15 =	vsel vm9, $0xBD, v15;
	v16 =	vsel vm9, $0xC1, v16  }
0x4c: {  	v17 =	vsel vm9, $0xC5, v17;
	v18 =	vsel vm9, $0xC9, v18;
	v19 =	vsel vm9, $0xCD, v19  }
0x4d: {  	v20 =	vsel vm9, $0xD1, v20;
	v21 =	vsel vm9, $0xD5, v21;
	v22 =	vsel vm9, $0xD9, v22  }
0x4e: {  	v23 =	vsel vm9, $0xDD, v23;
	v24 =	vsel vm9, $0xE1, v24;
	v25 =	vsel vm9, $0xE5, v25  }
0x4f: {  	v26 =	vsel vm9, $0xE9, v26;
	v27 =	vsel vm9, $0xED, v27;
	v28 =	vsel vm9, $0xF1, v28  }
0x50: {  	v29 =	vsel vm9, $0xF5, v29;
	v30 =	vsel vm9, $0xF9, v30;
	v31 =	vsel vm9, $0xFD, v31  }
0x51: {  	v0 =	vsel vm8, $0x101, v0;
	v1 =	vsel vm8, $0x105, v1;
	v2 =	vsel vm8, $0x109, v2  }
0x52: {  	v3 =	vsel vm8, $0x10D, v3;
	v4 =	vsel vm8, $0x111, v4;
	v5 =	vsel vm8, $0x115, v5  }
0x53: {  	v6 =	vsel vm8, $0x119, v6;
	v7 =	vsel vm8, $0x11D, v7;
	v8 =	vsel vm8, $0x121, v8  }
0x54: {  	v9 =	vsel vm8, $0x125, v9;
	v10 =	vsel vm8, $0x129, v10;
	v11 =	vsel vm8, $0x12D, v11  }
0x55: {  	v12 =	vsel vm8, $0x131, v12;
	v13 =	vsel vm8, $0x135, v13;
	v14 =	vsel vm8, $0x139, v14  }
0x56: {  	v15 =	vsel vm8, $0x13D, v15;
	v16 =	vsel vm8, $0x141, v16;
	v17 =	vsel vm8, $0x145, v17  }
0x57: {  	v18 =	vsel vm8, $0x149, v18;
	v19 =	vsel vm8, $0x14D, v19;
	v20 =	vsel vm8, $0x151, v20  }
0x58: {  	v21 =	vsel vm8, $0x155, v21;
	v22 =	vsel vm8, $0x159, v22;
	v23 =	vsel vm8, $0x15D, v23  }
0x59: {  	v24 =	vsel vm8, $0x161, v24;
	v25 =	vsel vm8, $0x165, v25;
	v26 =	vsel vm8, $0x169, v26  }
0x5a: {  	v27 =	vsel vm8, $0x16D, v27;
	v28 =	vsel vm8, $0x171, v28;
	v29 =	vsel vm8, $0x175, v29  }
0x5b: {  	v30 =	vsel vm8, $0x179, v30;
	v31 =	vsel vm8, $0x17D, v31;
	v0 =	vsel vm7, $0x181, v0  }
0x5c: {  	v1 =	vsel vm7, $0x185, v1;
	v2 =	vsel vm7, $0x189, v2;
	v3 =	vsel vm7, $0x18D, v3  }
0x5d: {  	v4 =	vsel vm7, $0x191, v4;
	v5 =	vsel vm7, $0x195, v5;
	v6 =	vsel vm7, $0x199, v6  }
0x5e: {  	v7 =	vsel vm7, $0x19D, v7;
	v8 =	vsel vm7, $0x1A1, v8;
	v9 =	vsel vm7, $0x1A5, v9  }
0x5f: {  	v10 =	vsel vm7, $0x1A9, v10;
	v11 =	vsel vm7, $0x1AD, v11;
	v12 =	vsel vm7, $0x1B1, v12  }
0x60: {  	v13 =	vsel vm7, $0x1B5, v13;
	v14 =	vsel vm7, $0x1B9, v14;
	v15 =	vsel vm7, $0x1BD, v15  }
0x61: {  	v16 =	vsel vm7, $0x1C1, v16;
	v17 =	vsel vm7, $0x1C5, v17;
	v18 =	vsel vm7, $0x1C9, v18  }
0x62: {  	v19 =	vsel vm7, $0x1CD, v19;
	v20 =	vsel vm7, $0x1D1, v20;
	v21 =	vsel vm7, $0x1D5, v21  }
0x63: {  	v22 =	vsel vm7, $0x1D9, v22;
	v23 =	vsel vm7, $0x1DD, v23;
	v24 =	vsel vm7, $0x1E1, v24  }
0x64: {  	v25 =	vsel vm7, $0x1E5, v25;
	v26 =	vsel vm7, $0x1E9, v26;
	v27 =	vsel vm7, $0x1ED, v27  }
0x65: {  	v28 =	vsel vm7, $0x1F1, v28;
	v29 =	vsel vm7, $0x1F5, v29;
	v30 =	vsel vm7, $0x1F9, v30  }
0x66: {  	v31 =	vsel vm7, $0x1FD, v31;
	v0 =	vsel vm6, $0x2, v0;
	v1 =	vsel vm6, $0x6, v1  }
0x67: {  	v2 =	vsel vm6, $0xA, v2;
	v3 =	vsel vm6, $0xE, v3;
	v4 =	vsel vm6, $0x12, v4  }
0x68: {  	v5 =	vsel vm6, $0x16, v5;
	v6 =	vsel vm6, $0x1A, v6;
	v7 =	vsel vm6, $0x1E, v7  }
0x69: {  	v8 =	vsel vm6, $0x22, v8;
	v9 =	vsel vm6, $0x26, v9;
	v10 =	vsel vm6, $0x2A, v10  }
0x6a: {  	v11 =	vsel vm6, $0x2E, v11;
	v12 =	vsel vm6, $0x32, v12;
	v13 =	vsel vm6, $0x36, v13  }
0x6b: {  	v14 =	vsel vm6, $0x3A, v14;
	v15 =	vsel vm6, $0x3E, v15;
	v16 =	vsel vm6, $0x42, v16  }
0x6c: {  	v17 =	vsel vm6, $0x46, v17;
	v18 =	vsel vm6, $0x4A, v18;
	v19 =	vsel vm6, $0x4E, v19  }
0x6d: {  	v20 =	vsel vm6, $0x52, v20;
	v21 =	vsel vm6, $0x56, v21;
	v22 =	vsel vm6, $0x5A, v22  }
0x6e: {  	v23 =	vsel vm6, $0x5E, v23;
	v24 =	vsel vm6, $0x62, v24;
	v25 =	vsel vm6, $0x66, v25  }
0x6f: {  	v26 =	vsel vm6, $0x6A, v26;
	v27 =	vsel vm6, $0x6E, v27;
	v28 =	vsel vm6, $0x72, v28  }
0x70: {  	v29 =	vsel vm6, $0x76, v29;
	v30 =	vsel vm6, $0x7A, v30;
	v31 =	vsel vm6, $0x7E, v31  }
0x71: {  	v0 =	vsel vm5, $0x82, v0;
	v1 =	vsel vm5, $0x86, v1;
	v2 =	vsel vm5, $0x8A, v2  }
0x72: {  	v3 =	vsel vm5, $0x8E, v3;
	v4 =	vsel vm5, $0x92, v4;
	v5 =	vsel vm5, $0x96, v5  }
0x73: {  	v6 =	vsel vm5, $0x9A, v6;
	v7 =	vsel vm5, $0x9E, v7;
	v8 =	vsel vm5, $0xA2, v8  }
0x74: {  	v9 =	vsel vm5, $0xA6, v9;
	v10 =	vsel vm5, $0xAA, v10;
	v11 =	vsel vm5, $0xAE, v11  }
0x75: {  	v12 =	vsel vm5, $0xB2, v12;
	v13 =	vsel vm5, $0xB6, v13;
	v14 =	vsel vm5, $0xBA, v14  }
0x76: {  	v15 =	vsel vm5, $0xBE, v15;
	v16 =	vsel vm5, $0xC2, v16;
	v17 =	vsel vm5, $0xC6, v17  }
0x77: {  	v18 =	vsel vm5, $0xCA, v18;
	v19 =	vsel vm5, $0xCE, v19;
	v20 =	vsel vm5, $0xD2, v20  }
0x78: {  	v21 =	vsel vm5, $0xD6, v21;
	v22 =	vsel vm5, $0xDA, v22;
	v23 =	vsel vm5, $0xDE, v23  }
0x79: {  	v24 =	vsel vm5, $0xE2, v24;
	v25 =	vsel vm5, $0xE6, v25;
	v26 =	vsel vm5, $0xEA, v26  }
0x7a: {  	v27 =	vsel vm5, $0xEE, v27;
	v28 =	vsel vm5, $0xF2, v28;
	v29 =	vsel vm5, $0xF6, v29  }
0x7b: {  	v30 =	vsel vm5, $0xFA, v30;
	v31 =	vsel vm5, $0xFE, v31;
	v0 =	vsel vm4, $0x102, v0  }
0x7c: {  	v1 =	vsel vm4, $0x106, v1;
	v2 =	vsel vm4, $0x10A, v2;
	v3 =	vsel vm4, $0x10E, v3  }
0x7d: {  	v4 =	vsel vm4, $0x112, v4;
	v5 =	vsel vm4, $0x116, v5;
	v6 =	vsel vm4, $0x11A, v6  }
0x7e: {  	v7 =	vsel vm4, $0x11E, v7;
	v8 =	vsel vm4, $0x122, v8;
	v9 =	vsel vm4, $0x126, v9  }
0x7f: {  	v10 =	vsel vm4, $0x12A, v10;
	v11 =	vsel vm4, $0x12E, v11;
	v12 =	vsel vm4, $0x132, v12  }
0x80: {  	v13 =	vsel vm4, $0x136, v13;
	v14 =	vsel vm4, $0x13A, v14;
	v15 =	vsel vm4, $0x13E, v15  }
0x81: {  	v16 =	vsel vm4, $0x142, v16;
	v17 =	vsel vm4, $0x146, v17;
	v18 =	vsel vm4, $0x14A, v18  }
0x82: {  	v19 =	vsel vm4, $0x14E, v19;
	v20 =	vsel vm4, $0x152, v20;
	v21 =	vsel vm4, $0x156, v21  }
0x83: {  	v22 =	vsel vm4, $0x15A, v22;
	v23 =	vsel vm4, $0x15E, v23;
	v24 =	vsel vm4, $0x162, v24  }
0x84: {  	v25 =	vsel vm4, $0x166, v25;
	v26 =	vsel vm4, $0x16A, v26;
	v27 =	vsel vm4, $0x16E, v27  }
0x85: {  	v28 =	vsel vm4, $0x172, v28;
	v29 =	vsel vm4, $0x176, v29;
	v30 =	vsel vm4, $0x17A, v30  }
0x86: {  	v31 =	vsel vm4, $0x17E, v31;
	v0 =	vsel vm3, $0x182, v0;
	v1 =	vsel vm3, $0x186, v1  }
0x87: {  	v2 =	vsel vm3, $0x18A, v2;
	v3 =	vsel vm3, $0x18E, v3;
	v4 =	vsel vm3, $0x192, v4  }
0x88: {  	v5 =	vsel vm3, $0x196, v5;
	v6 =	vsel vm3, $0x19A, v6;
	v7 =	vsel vm3, $0x19E, v7  }
0x89: {  	v8 =	vsel vm3, $0x1A2, v8;
	v9 =	vsel vm3, $0x1A6, v9;
	v10 =	vsel vm3, $0x1AA, v10  }
0x8a: {  	v11 =	vsel vm3, $0x1AE, v11;
	v12 =	vsel vm3, $0x1B2, v12;
	v13 =	vsel vm3, $0x1B6, v13  }
0x8b: {  	v14 =	vsel vm3, $0x1BA, v14;
	v15 =	vsel vm3, $0x1BE, v15;
	v16 =	vsel vm3, $0x1C2, v16  }
0x8c: {  	v17 =	vsel vm3, $0x1C6, v17;
	v18 =	vsel vm3, $0x1CA, v18;
	v19 =	vsel vm3, $0x1CE, v19  }
0x8d: {  	v20 =	vsel vm3, $0x1D2, v20;
	v21 =	vsel vm3, $0x1D6, v21;
	v22 =	vsel vm3, $0x1DA, v22  }
0x8e: {  	v23 =	vsel vm3, $0x1DE, v23;
	v24 =	vsel vm3, $0x1E2, v24;
	v25 =	vsel vm3, $0x1E6, v25  }
0x8f: {  	v26 =	vsel vm3, $0x1EA, v26;
	v27 =	vsel vm3, $0x1EE, v27;
	v28 =	vsel vm3, $0x1F2, v28  }
0x90: {  	v29 =	vsel vm3, $0x1F6, v29;
	v30 =	vsel vm3, $0x1FA, v30;
	v31 =	vsel vm3, $0x1FE, v31  }
0x91: {  	v0 =	vsel vm2, $0x3, v0;
	v1 =	vsel vm2, $0x7, v1;
	v2 =	vsel vm2, $0xB, v2  }
0x92: {  	v3 =	vsel vm2, $0xF, v3;
	v4 =	vsel vm2, $0x13, v4;
	v5 =	vsel vm2, $0x17, v5  }
0x93: {  	v6 =	vsel vm2, $0x1B, v6;
	v7 =	vsel vm2, $0x1F, v7;
	v8 =	vsel vm2, $0x23, v8  }
0x94: {  	v9 =	vsel vm2, $0x27, v9;
	v10 =	vsel vm2, $0x2B, v10;
	v11 =	vsel vm2, $0x2F, v11  }
0x95: {  	v12 =	vsel vm2, $0x33, v12;
	v13 =	vsel vm2, $0x37, v13;
	v14 =	vsel vm2, $0x3B, v14  }
0x96: {  	v15 =	vsel vm2, $0x3F, v15;
	v16 =	vsel vm2, $0x43, v16;
	v17 =	vsel vm2, $0x47, v17  }
0x97: {  	v18 =	vsel vm2, $0x4B, v18;
	v19 =	vsel vm2, $0x4F, v19;
	v20 =	vsel vm2, $0x53, v20  }
0x98: {  	v21 =	vsel vm2, $0x57, v21;
	v22 =	vsel vm2, $0x5B, v22;
	v23 =	vsel vm2, $0x5F, v23  }
0x99: {  	v24 =	vsel vm2, $0x63, v24;
	v25 =	vsel vm2, $0x67, v25;
	v26 =	vsel vm2, $0x6B, v26  }
0x9a: {  	v27 =	vsel vm2, $0x6F, v27;
	v28 =	vsel vm2, $0x73, v28;
	v29 =	vsel vm2, $0x77, v29  }
0x9b: {  	v30 =	vsel vm2, $0x7B, v30;
	v31 =	vsel vm2, $0x7F, v31;
	v0 =	vsel vm0, $0x83, v0  }
0x9c: {  	v1 =	vsel vm0, $0x87, v1;
	v2 =	vsel vm0, $0x8B, v2;
	v3 =	vsel vm0, $0x8F, v3  }
0x9d: {  	v4 =	vsel vm0, $0x93, v4;
	v5 =	vsel vm0, $0x97, v5;
	v6 =	vsel vm0, $0x9B, v6  }
0x9e: {  	v7 =	vsel vm0, $0x9F, v7;
	v8 =	vsel vm0, $0xA3, v8;
	v9 =	vsel vm0, $0xA7, v9  }
0x9f: {  	v10 =	vsel vm0, $0xAB, v10;
	v11 =	vsel vm0, $0xAF, v11;
	v12 =	vsel vm0, $0xB3, v12  }
0xa0: {  	v13 =	vsel vm0, $0xB7, v13;
	v14 =	vsel vm0, $0xBB, v14;
	v15 =	vsel vm0, $0xBF, v15  }
0xa1: {  	v16 =	vsel vm0, $0xC3, v16;
	v17 =	vsel vm0, $0xC7, v17;
	v18 =	vsel vm0, $0xCB, v18  }
0xa2: {  	v19 =	vsel vm0, $0xCF, v19;
	v20 =	vsel vm0, $0xD3, v20;
	v21 =	vsel vm0, $0xD7, v21  }
0xa3: {  	v22 =	vsel vm0, $0xDB, v22;
	v23 =	vsel vm0, $0xDF, v23;
	v24 =	vsel vm0, $0xE3, v24  }
0xa4: {  	v25 =	vsel vm0, $0xE7, v25;
	v26 =	vsel vm0, $0xEB, v26;
	v27 =	vsel vm0, $0xEF, v27  }
0xa5: {  	v28 =	vsel vm0, $0xF3, v28;
	v29 =	vsel vm0, $0xF7, v29;
	v30 =	vsel vm0, $0xFB, v30  }
0xa6: {  	v31 =	vsel vm0, $0xFF, v31;
	v0 =	vsel vm1, $0x103, v0;
	v1 =	vsel vm1, $0x107, v1  }
0xa7: {  	s4 =	rddreg [dreg:$0x0];
	v2 =	vsel vm1, $0x10B, v2;
	v3 =	vsel vm1, $0x10F, v3;
	v4 =	vsel vm1, $0x113, v4  }
0xa8: {  	s1 =	rddreg [dreg:$0x1];
	v5 =	vsel vm1, $0x117, v5;
	v6 =	vsel vm1, $0x11B, v6;
	v7 =	vsel vm1, $0x11F, v7  }
0xa9: {  	s2 =	simm.s32 $0x0;
	s3 =	srdreg.scid;
	s9 =	simm.s32 $0x5;
	v8 =	vsel vm1, $0x123, v8;
	v9 =	vsel vm1, $0x127, v9;
	v10 =	vsel vm1, $0x12B, v10  }
0xaa: {  	s10 =	simm.s32 $0x4;
	s11 =	simm.s32 $0x0;
	[smem:$0x7FF] =	sst s2;
	v11 =	vsel vm1, $0x12F, v11;
	v12 =	vsel vm1, $0x133, v12;
	v13 =	vsel vm1, $0x137, v13  }
0xab: {  	s5 =	sand.u32 $0x1, s3;
	s6 =	sadd.s32 $0xF43000, s4;
	s3 =	stileid.u32;
	v14 =	vsel vm1, $0x13B, v14;
	v15 =	vsel vm1, $0x13F, v15;
	v16 =	vsel vm1, $0x143, v16  }
0xac: {  	s4 =	sadd.s32 $0xC00, s4;
	s7 =	sshll.u32 s5, $0x4;
	s5 =	ssub.s32 $0x2, s5;
	v17 =	vsel vm1, $0x147, v17;
	v18 =	vsel vm1, $0x14B, v18;
	v19 =	vsel vm1, $0x14F, v19  }
0xad: {  	_ =	strace $0x8000004A;
	s30 =	sor.u32 s3, s7;
	s31 =	sshrl.u32 s5, $0x1;
	v20 =	vsel vm1, $0x153, v20;
	v21 =	vsel vm1, $0x157, v21;
	v22 =	vsel vm1, $0x15B, v22  }
0xae: {  	[dreg:$0x3] =	wrdreg s6;
	s7 =	smul.u32 $0xC80, s30;
	s8 =	ssub.s32 s5, s31;
	v23 =	vsel vm1, $0x15F, v23;
	v24 =	vsel vm1, $0x163, v24;
	v25 =	vsel vm1, $0x167, v25  }
0xaf: {  	[dreg:$0x4] =	wrdreg s4;
	s4 =	smul.u32 $0x32, s30;
	s6 =	smax.u32 s8, $0x1;
	v26 =	vsel vm1, $0x16B, v26;
	v27 =	vsel vm1, $0x16F, v27;
	v28 =	vsel vm1, $0x173, v28  }
0xb0: {  	s8 =	simm.s32 $0x1;
	s5 =	sadd.s32 s1, s7;
	s7 =	simm.s32 $0x200;
	v29 =	vsel vm1, $0x177, v29;
	v30 =	vsel vm1, $0x17B, v30;
	v31 =	vsel vm1, $0x17F, v31  }
.LBB2_1:
0xb1: {  	_ =	strace $0x8000004B;
	s12 =	simm.s32 $0x1;
	p0 =	por $0x0, $0x0  }
0xb2: {  	[tilespmem:s7], [sflag:$0x1] =	stream.linear.gather [hbm4b:s5+s2], $0x200, $0x200038;
	[tilespmem:$0x8600] =	vst v63  }
0xb3: {  	s12 =	simm.s32 @p0 $0x0  }
0xb4: {  	p1 =	por $0x1, $0x1;
	p0 =	sne.s32 s12, $0x0  }
0xb5: {  	p1 =	por !p1, !p0  }
0xb6: {  	p1 =	por !p1, !p1  }
0xb7: {  	_ =	strace $0x9000004B;
	s13 =	sadd.s32 @p1 s4, s12  }
0xb8: {  	s14 =	sand.u32 @p1 $0x1, s8;
	_ =	strace @p1 $0x8000004C;
	s13 =	sshll.u32 @p1 s13, $0x6  }
0xb9: {  	s16 =	simm.s32 @p1 $0x0;
	s15 =	sshll.u32 @p1 s14, $0x9;
	s13 =	sand.u32 @p1 $0x1FFFFFC0, s13  }
0xba: {  	s14 =	sadd.s32 @p1 $0x1, s14;
	s15 =	sadd.s32 @p1 $0x200, s15;
	s13 =	sadd.s32 @p1 s1, s13  }
0xbb: {  	[tilespmem:s15], [sflag:s14] =	stream.linear.gather @p1 [hbm4b:s13+s16], $0x200, $0x200038;
	[tilespmem:$0x8600] =	vst v63  }
0xbc: {  	s23 =	sand.u32 $0x1, s2;
	_ =	strace @p1 $0x9000004C  }
0xbd: {  	s25 =	sadd.s32 $0x1, s23;
	_ =	strace $0x8000004D  }
0xbe: {  	_ =	swait.ge [sflag:s25], $0x200  }
0xbf: {  	[sflag:s25] =	ssyncset.done $0x0  }
0xc0: {  	[sflag:s25] =	ssyncadd.s32 $0xFFFFFE00  }
0xc1: {  	s26 =	simm.s32 $0x0;
	_ =	strace $0x9000004D  }
0xc2: {  	s13 =	sand.u32 $0x200, s26;
	_ =	strace $0x8000004E  }
0xc3: {  	v32 =	vld.idx.msk [tilespmem:v0+s13+$0x200], $0xffff;
	_ =	sdelay $0x4  }
0xc4: {  	v32 =	vshll.u32 v32, $0x2  }
0xc5: {  	[tilespmem:$0x0] =	vst v32  }
0xc6: {  	v32 =	vld.idx.msk [tilespmem:v1+s13+$0x200], $0xffff;
	_ =	sdelay $0x4  }
0xc7: {  	v32 =	vshll.u32 v32, $0x2  }
0xc8: {  	[tilespmem:$0x10] =	vst v32  }
0xc9: {  	v32 =	vld.idx.msk [tilespmem:v2+s13+$0x200], $0xffff;
	_ =	sdelay $0x4  }
0xca: {  	v32 =	vshll.u32 v32, $0x2  }
0xcb: {  	[tilespmem:$0x20] =	vst v32  }
0xcc: {  	v32 =	vld.idx.msk [tilespmem:v3+s13+$0x200], $0xffff;
	_ =	sdelay $0x4  }
0xcd: {  	v32 =	vshll.u32 v32, $0x2  }
0xce: {  	[tilespmem:$0x30] =	vst v32  }
0xcf: {  	v32 =	vld.idx.msk [tilespmem:v4+s13+$0x200], $0xffff;
	_ =	sdelay $0x4  }
0xd0: {  	v32 =	vshll.u32 v32, $0x2  }
0xd1: {  	[tilespmem:$0x40] =	vst v32  }
0xd2: {  	v32 =	vld.idx.msk [tilespmem:v5+s13+$0x200], $0xffff;
	_ =	sdelay $0x4  }
0xd3: {  	v32 =	vshll.u32 v32, $0x2  }
0xd4: {  	[tilespmem:$0x50] =	vst v32  }
0xd5: {  	v32 =	vld.idx.msk [tilespmem:v6+s13+$0x200], $0xffff;
	_ =	sdelay $0x4  }
0xd6: {  	v32 =	vshll.u32 v32, $0x2  }
0xd7: {  	[tilespmem:$0x60] =	vst v32  }
0xd8: {  	v32 =	vld.idx.msk [tilespmem:v7+s13+$0x200], $0xffff;
	_ =	sdelay $0x4  }
0xd9: {  	v32 =	vshll.u32 v32, $0x2  }
0xda: {  	[tilespmem:$0x70] =	vst v32  }
0xdb: {  	v32 =	vld.idx.msk [tilespmem:v8+s13+$0x200], $0xffff;
	_ =	sdelay $0x4  }
0xdc: {  	v32 =	vshll.u32 v32, $0x2  }
0xdd: {  	[tilespmem:$0x80] =	vst v32  }
0xde: {  	v32 =	vld.idx.msk [tilespmem:v9+s13+$0x200], $0xffff;
	_ =	sdelay $0x4  }
0xdf: {  	v32 =	vshll.u32 v32, $0x2  }
0xe0: {  	[tilespmem:$0x90] =	vst v32  }
0xe1: {  	v32 =	vld.idx.msk [tilespmem:v10+s13+$0x200], $0xffff;
	_ =	sdelay $0x4  }
0xe2: {  	v32 =	vshll.u32 v32, $0x2  }
0xe3: {  	[tilespmem:$0xA0] =	vst v32  }
0xe4: {  	v32 =	vld.idx.msk [tilespmem:v11+s13+$0x200], $0xffff;
	_ =	sdelay $0x4  }
0xe5: {  	v32 =	vshll.u32 v32, $0x2  }
0xe6: {  	[tilespmem:$0xB0] =	vst v32  }
0xe7: {  	v32 =	vld.idx.msk [tilespmem:v12+s13+$0x200], $0xffff;
	_ =	sdelay $0x4  }
0xe8: {  	v32 =	vshll.u32 v32, $0x2  }
0xe9: {  	[tilespmem:$0xC0] =	vst v32  }
0xea: {  	v32 =	vld.idx.msk [tilespmem:v13+s13+$0x200], $0xffff;
	_ =	sdelay $0x4  }
0xeb: {  	v32 =	vshll.u32 v32, $0x2  }
0xec: {  	[tilespmem:$0xD0] =	vst v32  }
0xed: {  	v32 =	vld.idx.msk [tilespmem:v14+s13+$0x200], $0xffff;
	_ =	sdelay $0x4  }
0xee: {  	v32 =	vshll.u32 v32, $0x2  }
0xef: {  	[tilespmem:$0xE0] =	vst v32  }
0xf0: {  	v32 =	vld.idx.msk [tilespmem:v15+s13+$0x200], $0xffff;
	_ =	sdelay $0x4  }
0xf1: {  	v32 =	vshll.u32 v32, $0x2  }
0xf2: {  	[tilespmem:$0xF0] =	vst v32  }
0xf3: {  	v32 =	vld.idx.msk [tilespmem:v16+s13+$0x200], $0xffff;
	_ =	sdelay $0x4  }
0xf4: {  	v32 =	vshll.u32 v32, $0x2  }
0xf5: {  	[tilespmem:$0x100] =	vst v32  }
0xf6: {  	v32 =	vld.idx.msk [tilespmem:v17+s13+$0x200], $0xffff;
	_ =	sdelay $0x4  }
0xf7: {  	v32 =	vshll.u32 v32, $0x2  }
0xf8: {  	[tilespmem:$0x110] =	vst v32  }
0xf9: {  	v32 =	vld.idx.msk [tilespmem:v18+s13+$0x200], $0xffff;
	_ =	sdelay $0x4  }
0xfa: {  	v32 =	vshll.u32 v32, $0x2  }
0xfb: {  	[tilespmem:$0x120] =	vst v32  }
0xfc: {  	v32 =	vld.idx.msk [tilespmem:v19+s13+$0x200], $0xffff;
	_ =	sdelay $0x4  }
0xfd: {  	v32 =	vshll.u32 v32, $0x2  }
0xfe: {  	[tilespmem:$0x130] =	vst v32  }
0xff: {  	v32 =	vld.idx.msk [tilespmem:v20+s13+$0x200], $0xffff;
	_ =	sdelay $0x4  }
0x100: {  	v32 =	vshll.u32 v32, $0x2  }
0x101: {  	[tilespmem:$0x140] =	vst v32  }
0x102: {  	v32 =	vld.idx.msk [tilespmem:v21+s13+$0x200], $0xffff;
	_ =	sdelay $0x4  }
0x103: {  	v32 =	vshll.u32 v32, $0x2  }
0x104: {  	[tilespmem:$0x150] =	vst v32  }
0x105: {  	v32 =	vld.idx.msk [tilespmem:v22+s13+$0x200], $0xffff;
	_ =	sdelay $0x4  }
0x106: {  	v32 =	vshll.u32 v32, $0x2  }
0x107: {  	[tilespmem:$0x160] =	vst v32  }
0x108: {  	v32 =	vld.idx.msk [tilespmem:v23+s13+$0x200], $0xffff;
	_ =	sdelay $0x4  }
0x109: {  	v32 =	vshll.u32 v32, $0x2  }
0x10a: {  	[tilespmem:$0x170] =	vst v32  }
0x10b: {  	v32 =	vld.idx.msk [tilespmem:v24+s13+$0x200], $0xffff;
	_ =	sdelay $0x4  }
0x10c: {  	v32 =	vshll.u32 v32, $0x2  }
0x10d: {  	[tilespmem:$0x180] =	vst v32  }
0x10e: {  	v32 =	vld.idx.msk [tilespmem:v25+s13+$0x200], $0xffff;
	_ =	sdelay $0x4  }
0x10f: {  	v32 =	vshll.u32 v32, $0x2  }
0x110: {  	[tilespmem:$0x190] =	vst v32  }
0x111: {  	v32 =	vld.idx.msk [tilespmem:v26+s13+$0x200], $0xffff;
	_ =	sdelay $0x4  }
0x112: {  	v32 =	vshll.u32 v32, $0x2  }
0x113: {  	[tilespmem:$0x1A0] =	vst v32  }
0x114: {  	v32 =	vld.idx.msk [tilespmem:v27+s13+$0x200], $0xffff;
	_ =	sdelay $0x4  }
0x115: {  	v32 =	vshll.u32 v32, $0x2  }
0x116: {  	[tilespmem:$0x1B0] =	vst v32  }
0x117: {  	v32 =	vld.idx.msk [tilespmem:v28+s13+$0x200], $0xffff;
	_ =	sdelay $0x4  }
0x118: {  	v32 =	vshll.u32 v32, $0x2  }
0x119: {  	[tilespmem:$0x1C0] =	vst v32  }
0x11a: {  	v32 =	vld.idx.msk [tilespmem:v29+s13+$0x200], $0xffff;
	_ =	sdelay $0x4  }
0x11b: {  	v32 =	vshll.u32 v32, $0x2  }
0x11c: {  	[tilespmem:$0x1D0] =	vst v32  }
0x11d: {  	v32 =	vld.idx.msk [tilespmem:v30+s13+$0x200], $0xffff;
	_ =	sdelay $0x4  }
0x11e: {  	v32 =	vshll.u32 v32, $0x2  }
0x11f: {  	[tilespmem:$0x1E0] =	vst v32  }
0x120: {  	s19 =	sadd.s32 $0x0, s4;
	p5 =	por $0x0, $0x0;
	p2 =	por $0x0, $0x0;
	v32 =	vld.idx.msk [tilespmem:v31+s13+$0x200], $0xffff  }
0x121: {  	s22 =	simm.s32 $0x1;
	p6 =	por $0x1, $0x1;
	s17 =	sshll.u32 s23, $0xE  }
0x122: {  	s20 =	simm.s32 $0x1;
	s24 =	sor.u32 $0x600, s17;
	s17 =	sadd.s32 $0x1, s12  }
0x123: {  	s22 =	simm.s32 @!p2 $0x0;
	p3 =	por p5, p0;
	p0 =	seq.s32 s17, $0x32  }
0x124: {  	p2 =	por $0x1, $0x1;
	s17 =	simm.s32 @p0 $0x0;
	s28 =	simm.s32 @p3 $0x0  }
0x125: {  	s21 =	sshll.u32 @p3 s19, $0xB;
	s19 =	simm.s32 $0x0;
	p0 =	sne.s32 s12, s17;
	v32 =	vshll.u32 v32, $0x2  }
0x126: {  	s14 =	simm.s32 $0x1;
	s16 =	simm.s32 $0x30;
	s31 =	rddreg [dreg:$0x3];
	[tilespmem:$0x1F0] =	vst v32  }
0x127: {  	[tilespmem:s24], [sflag:$0x5] =	stream.indirect.gather [hbm4b:s31+s7], $0x20, s2, s7, $0x2000b8;
	[tilespmem:$0x8600] =	vst v63  }
0x128: {  	s15 =	simm.s32 $0x0;
	s14 =	simm.s32 @!p1 $0x0;
	_ =	swait.ge [sflag:s9], $0x4000  }
0x129: {  	p1 =	por !p6, !p0;
	s18 =	sadd.s32 $0x1, s14;
	[sflag:s9] =	ssyncset.done $0x0  }
0x12a: {  	s14 =	sand.u32 @!p2 $0x1, s2;
	p4 =	por !p1, !p1;
	[sflag:s9] =	ssyncadd.s32 $0xFFFFC000  }
0x12b: {  	s26 =	sand.u32 @p4 $0x1, s18;
	s30 =	sadd.s32 @p4 s4, s17;
	_ =	strace $0x9000004E  }
0x12c: {  	s20 =	simm.s32 @!p4 $0x0;
	s25 =	sadd.s32 @!p2 $0x3, s14;
	_ =	strace @p3 $0x8000004F  }
0x12d: {  	s14 =	simm.s32 $0x0;
	s13 =	simm.s32 $0x31;
	s29 =	rddreg [dreg:$0x4]  }
.LBB2_2:
0x12e: {  	s31 =	sand.u32 @p3 $0x1FFFF800, s21  }
0x12f: {  	s23 =	sadd.s32 @p3 $0x3, s23;
	s29 =	sadd.s32 @p3 s29, s31  }
0x130: {  	[hbm4b:s29+s28] =	stream.linear.scatter @p3 [tilespmem:s24], [sflag:s23], $0x4000, $0x200038;
	[tilespmem:$0x8600] =	vst v63  }
0x131: {  	_ =	strace @p3 $0x9000004F  }
0x132: {  	s30 =	sshll.u32 @p4 s30, $0x6;
	_ =	strace @!p2 $0x80000050  }
0x133: {  	s0 =	sshll.u32 @p4 s26, $0x9;
	s14 =	sadd.s32 s22, s14;
	_ =	swait.ge @!p2 [sflag:s25], $0x4000  }
0x134: {  	s22 =	sadd.s32 @p4 $0x1, s26;
	s30 =	sand.u32 @p4 $0x1FFFFFC0, s30;
	[sflag:s25] =	ssyncset.done @!p2 $0x0  }
0x135: {  	s0 =	sadd.s32 @p4 $0x200, s0;
	s24 =	simm.s32 $0x1;
	[sflag:s25] =	ssyncadd.s32 @!p2 $0xFFFFC000  }
0x136: {  	s23 =	sadd.s32 @p4 s1, s30;
	s24 =	simm.s32 @!p3 $0x0;
	_ =	strace @!p2 $0x90000050  }
0x137: {  	s19 =	sadd.s32 s24, s19;
	s25 =	simm.s32 @p4 $0x0;
	_ =	strace @p4 $0x8000004C  }
0x138: {  	[tilespmem:s0], [sflag:s22] =	stream.linear.gather @p4 [hbm4b:s23+s25], $0x200, $0x200038;
	[tilespmem:$0x8600] =	vst v63  }
0x139: {  	s15 =	sadd.s32 s24, s15;
	s24 =	sand.u32 $0x1, s19;
	_ =	strace @p4 $0x9000004C  }
0x13a: {  	s23 =	sadd.s32 $0x1, s24;
	_ =	strace $0x8000004D  }
0x13b: {  	_ =	swait.ge [sflag:s23], $0x200  }
0x13c: {  	[sflag:s23] =	ssyncset.done $0x0  }
0x13d: {  	[sflag:s23] =	ssyncadd.s32 $0xFFFFFE00  }
0x13e: {  	s28 =	sshll.u32 s19, $0x9;
	_ =	strace $0x9000004D  }
0x13f: {  	s24 =	sand.u32 $0x200, s28;
	_ =	strace $0x8000004E  }
0x140: {  	v32 =	vld.idx.msk [tilespmem:v0+s24+$0x200], $0xffff;
	_ =	sdelay $0x4  }
0x141: {  	v32 =	vshll.u32 v32, $0x2  }
0x142: {  	[tilespmem:$0x0] =	vst v32  }
0x143: {  	v32 =	vld.idx.msk [tilespmem:v1+s24+$0x200], $0xffff;
	_ =	sdelay $0x4  }
0x144: {  	v32 =	vshll.u32 v32, $0x2  }
0x145: {  	[tilespmem:$0x10] =	vst v32  }
0x146: {  	v32 =	vld.idx.msk [tilespmem:v2+s24+$0x200], $0xffff;
	_ =	sdelay $0x4  }
0x147: {  	v32 =	vshll.u32 v32, $0x2  }
0x148: {  	[tilespmem:$0x20] =	vst v32  }
0x149: {  	v32 =	vld.idx.msk [tilespmem:v3+s24+$0x200], $0xffff;
	_ =	sdelay $0x4  }
0x14a: {  	v32 =	vshll.u32 v32, $0x2  }
0x14b: {  	[tilespmem:$0x30] =	vst v32  }
0x14c: {  	v32 =	vld.idx.msk [tilespmem:v4+s24+$0x200], $0xffff;
	_ =	sdelay $0x4  }
0x14d: {  	v32 =	vshll.u32 v32, $0x2  }
0x14e: {  	[tilespmem:$0x40] =	vst v32  }
0x14f: {  	v32 =	vld.idx.msk [tilespmem:v5+s24+$0x200], $0xffff;
	_ =	sdelay $0x4  }
0x150: {  	v32 =	vshll.u32 v32, $0x2  }
0x151: {  	[tilespmem:$0x50] =	vst v32  }
0x152: {  	v32 =	vld.idx.msk [tilespmem:v6+s24+$0x200], $0xffff;
	_ =	sdelay $0x4  }
0x153: {  	v32 =	vshll.u32 v32, $0x2  }
0x154: {  	[tilespmem:$0x60] =	vst v32  }
0x155: {  	v32 =	vld.idx.msk [tilespmem:v7+s24+$0x200], $0xffff;
	_ =	sdelay $0x4  }
0x156: {  	v32 =	vshll.u32 v32, $0x2  }
0x157: {  	[tilespmem:$0x70] =	vst v32  }
0x158: {  	v32 =	vld.idx.msk [tilespmem:v8+s24+$0x200], $0xffff;
	_ =	sdelay $0x4  }
0x159: {  	v32 =	vshll.u32 v32, $0x2  }
0x15a: {  	[tilespmem:$0x80] =	vst v32  }
0x15b: {  	v32 =	vld.idx.msk [tilespmem:v9+s24+$0x200], $0xffff;
	_ =	sdelay $0x4  }
0x15c: {  	v32 =	vshll.u32 v32, $0x2  }
0x15d: {  	[tilespmem:$0x90] =	vst v32  }
0x15e: {  	v32 =	vld.idx.msk [tilespmem:v10+s24+$0x200], $0xffff;
	_ =	sdelay $0x4  }
0x15f: {  	v32 =	vshll.u32 v32, $0x2  }
0x160: {  	[tilespmem:$0xA0] =	vst v32  }
0x161: {  	v32 =	vld.idx.msk [tilespmem:v11+s24+$0x200], $0xffff;
	_ =	sdelay $0x4  }
0x162: {  	v32 =	vshll.u32 v32, $0x2  }
0x163: {  	[tilespmem:$0xB0] =	vst v32  }
0x164: {  	v32 =	vld.idx.msk [tilespmem:v12+s24+$0x200], $0xffff;
	_ =	sdelay $0x4  }
0x165: {  	v32 =	vshll.u32 v32, $0x2  }
0x166: {  	[tilespmem:$0xC0] =	vst v32  }
0x167: {  	v32 =	vld.idx.msk [tilespmem:v13+s24+$0x200], $0xffff;
	_ =	sdelay $0x4  }
0x168: {  	v32 =	vshll.u32 v32, $0x2  }
0x169: {  	[tilespmem:$0xD0] =	vst v32  }
0x16a: {  	v32 =	vld.idx.msk [tilespmem:v14+s24+$0x200], $0xffff;
	_ =	sdelay $0x4  }
0x16b: {  	v32 =	vshll.u32 v32, $0x2  }
0x16c: {  	[tilespmem:$0xE0] =	vst v32  }
0x16d: {  	v32 =	vld.idx.msk [tilespmem:v15+s24+$0x200], $0xffff;
	_ =	sdelay $0x4  }
0x16e: {  	v32 =	vshll.u32 v32, $0x2  }
0x16f: {  	[tilespmem:$0xF0] =	vst v32  }
0x170: {  	v32 =	vld.idx.msk [tilespmem:v16+s24+$0x200], $0xffff;
	_ =	sdelay $0x4  }
0x171: {  	v32 =	vshll.u32 v32, $0x2  }
0x172: {  	[tilespmem:$0x100] =	vst v32  }
0x173: {  	v32 =	vld.idx.msk [tilespmem:v17+s24+$0x200], $0xffff;
	_ =	sdelay $0x4  }
0x174: {  	v32 =	vshll.u32 v32, $0x2  }
0x175: {  	[tilespmem:$0x110] =	vst v32  }
0x176: {  	v32 =	vld.idx.msk [tilespmem:v18+s24+$0x200], $0xffff;
	_ =	sdelay $0x4  }
0x177: {  	v32 =	vshll.u32 v32, $0x2  }
0x178: {  	[tilespmem:$0x120] =	vst v32  }
0x179: {  	v32 =	vld.idx.msk [tilespmem:v19+s24+$0x200], $0xffff;
	_ =	sdelay $0x4  }
0x17a: {  	v32 =	vshll.u32 v32, $0x2  }
0x17b: {  	[tilespmem:$0x130] =	vst v32  }
0x17c: {  	v32 =	vld.idx.msk [tilespmem:v20+s24+$0x200], $0xffff;
	_ =	sdelay $0x4  }
0x17d: {  	v32 =	vshll.u32 v32, $0x2  }
0x17e: {  	[tilespmem:$0x140] =	vst v32  }
0x17f: {  	v32 =	vld.idx.msk [tilespmem:v21+s24+$0x200], $0xffff;
	_ =	sdelay $0x4  }
0x180: {  	v32 =	vshll.u32 v32, $0x2  }
0x181: {  	[tilespmem:$0x150] =	vst v32  }
0x182: {  	v32 =	vld.idx.msk [tilespmem:v22+s24+$0x200], $0xffff;
	_ =	sdelay $0x4  }
0x183: {  	v32 =	vshll.u32 v32, $0x2  }
0x184: {  	[tilespmem:$0x160] =	vst v32  }
0x185: {  	v32 =	vld.idx.msk [tilespmem:v23+s24+$0x200], $0xffff;
	_ =	sdelay $0x4  }
0x186: {  	v32 =	vshll.u32 v32, $0x2  }
0x187: {  	[tilespmem:$0x170] =	vst v32  }
0x188: {  	v32 =	vld.idx.msk [tilespmem:v24+s24+$0x200], $0xffff;
	_ =	sdelay $0x4  }
0x189: {  	v32 =	vshll.u32 v32, $0x2  }
0x18a: {  	[tilespmem:$0x180] =	vst v32  }
0x18b: {  	v32 =	vld.idx.msk [tilespmem:v25+s24+$0x200], $0xffff;
	_ =	sdelay $0x4  }
0x18c: {  	v32 =	vshll.u32 v32, $0x2  }
0x18d: {  	[tilespmem:$0x190] =	vst v32  }
0x18e: {  	v32 =	vld.idx.msk [tilespmem:v26+s24+$0x200], $0xffff;
	_ =	sdelay $0x4  }
0x18f: {  	v32 =	vshll.u32 v32, $0x2  }
0x190: {  	[tilespmem:$0x1A0] =	vst v32  }
0x191: {  	v32 =	vld.idx.msk [tilespmem:v27+s24+$0x200], $0xffff;
	_ =	sdelay $0x4  }
0x192: {  	v32 =	vshll.u32 v32, $0x2  }
0x193: {  	[tilespmem:$0x1B0] =	vst v32  }
0x194: {  	v32 =	vld.idx.msk [tilespmem:v28+s24+$0x200], $0xffff;
	_ =	sdelay $0x4  }
0x195: {  	v32 =	vshll.u32 v32, $0x2  }
0x196: {  	[tilespmem:$0x1C0] =	vst v32  }
0x197: {  	v32 =	vld.idx.msk [tilespmem:v29+s24+$0x200], $0xffff;
	_ =	sdelay $0x4  }
0x198: {  	v32 =	vshll.u32 v32, $0x2  }
0x199: {  	[tilespmem:$0x1D0] =	vst v32  }
0x19a: {  	v32 =	vld.idx.msk [tilespmem:v30+s24+$0x200], $0xffff;
	_ =	sdelay $0x4  }
0x19b: {  	v32 =	vshll.u32 v32, $0x2  }
0x19c: {  	[tilespmem:$0x1E0] =	vst v32  }
0x19d: {  	s21 =	smov.u32 s13;
	s13 =	smov.u32 s16;
	s16 =	sadd.s32 $0xFFFFFFFF, s16;
	v32 =	vld.idx.msk [tilespmem:v31+s24+$0x200], $0xffff  }
0x19e: {  	s26 =	sadd.s32 s4, s12;
	s12 =	smov.u32 s17;
	s17 =	sadd.s32 $0x1, s17  }
0x19f: {  	s18 =	sadd.s32 s20, s18;
	s20 =	simm.s32 $0x1;
	p5 =	seq.s32 s21, $0x1  }
0x1a0: {  	p1 =	sne.s32 s16, $0x0;
	p3 =	por p5, p0;
	p0 =	seq.s32 s17, $0x32  }
0x1a1: {  	p6 =	sne.s32 s13, $0x1;
	s17 =	simm.s32 @p0 $0x0;
	s23 =	sand.u32 $0x1, s15  }
0x1a2: {  	p0 =	sne.s32 s12, s17;
	p2 =	seq.s32 s21, $0x32;
	s31 =	sshll.u32 s23, $0xE;
	v32 =	vshll.u32 v32, $0x2  }
0x1a3: {  	s22 =	simm.s32 $0x1;
	s25 =	rddreg [dreg:$0x3];
	s24 =	sor.u32 $0x600, s31;
	[tilespmem:$0x1F0] =	vst v32  }
0x1a4: {  	[tilespmem:s24], [sflag:$0x5] =	stream.indirect.gather [hbm4b:s25+s7], $0x20, s2, s7, $0x2000b8;
	[tilespmem:$0x8600] =	vst v63  }
0x1a5: {  	s0 =	sand.u32 @!p2 $0x1, s14;
	s28 =	simm.s32 @p3 $0x0;
	_ =	swait.ge [sflag:s9], $0x4000  }
.Ltmp0:
0x1a6: {  	p4 =	sne.s32 s21, $0x32;
	[sflag:s9] =	ssyncset.done $0x0;
	(pc) =	sbr.rel @p1 .LBB2_2-.Ltmp0, $4  }
0x1a7: {  	s22 =	simm.s32 @!p4 $0x0;
	p4 =	por !p6, !p0;
	[sflag:s9] =	ssyncadd.s32 $0xFFFFC000  }
0x1a8: {  	s21 =	sshll.u32 @p3 s26, $0xB;
	p4 =	por !p4, !p4;
	_ =	strace $0x9000004E  }
0x1a9: {  	s26 =	sand.u32 @p4 $0x1, s18;
	s30 =	sadd.s32 @p4 s4, s17;
	_ =	strace @p3 $0x8000004F  }
0x1aa: {  	s20 =	simm.s32 @!p4 $0x0;
	s25 =	sadd.s32 @!p2 $0x3, s0;
	s29 =	rddreg [dreg:$0x4]  }
0x1ab: {  	s0 =	sand.u32 @p3 $0x1FFFF800, s21  }
0x1ac: {  	s16 =	sadd.s32 @p3 $0x3, s23;
	s0 =	sadd.s32 @p3 s29, s0  }
0x1ad: {  	[hbm4b:s0+s28] =	stream.linear.scatter @p3 [tilespmem:s24], [sflag:s16], $0x4000, $0x200038;
	[tilespmem:$0x8600] =	vst v63  }
0x1ae: {  	_ =	strace @p3 $0x9000004F  }
0x1af: {  	_ =	strace @!p2 $0x80000050  }
0x1b0: {  	s17 =	sshll.u32 @p4 s26, $0x9;
	s20 =	simm.s32 @p4 $0x0;
	_ =	swait.ge @!p2 [sflag:s25], $0x4000  }
0x1b1: {  	s17 =	sadd.s32 @p4 $0x200, s17;
	s0 =	sshll.u32 @p4 s30, $0x6;
	[sflag:s25] =	ssyncset.done @!p2 $0x0  }
0x1b2: {  	s16 =	simm.s32 $0x1;
	s0 =	sand.u32 @p4 $0x1FFFFFC0, s0;
	[sflag:s25] =	ssyncadd.s32 @!p2 $0xFFFFC000  }
0x1b3: {  	s16 =	simm.s32 @!p3 $0x0;
	s0 =	sadd.s32 @p4 s1, s0;
	_ =	strace @!p2 $0x90000050  }
0x1b4: {  	s18 =	sadd.s32 s16, s19;
	s19 =	sadd.s32 @p4 $0x1, s26;
	_ =	strace @p4 $0x8000004C  }
0x1b5: {  	[tilespmem:s17], [sflag:s19] =	stream.linear.gather @p4 [hbm4b:s0+s20], $0x200, $0x200038;
	[tilespmem:$0x8600] =	vst v63  }
0x1b6: {  	s25 =	sand.u32 $0x1, s18;
	_ =	strace @p4 $0x9000004C  }
0x1b7: {  	s0 =	sadd.s32 $0x1, s25;
	_ =	strace $0x8000004D  }
0x1b8: {  	_ =	swait.ge [sflag:s0], $0x200  }
0x1b9: {  	[sflag:s0] =	ssyncset.done $0x0  }
0x1ba: {  	[sflag:s0] =	ssyncadd.s32 $0xFFFFFE00  }
0x1bb: {  	s26 =	sshll.u32 s18, $0x9;
	_ =	strace $0x9000004D  }
0x1bc: {  	s28 =	sand.u32 $0x200, s26;
	_ =	strace $0x8000004E  }
0x1bd: {  	v32 =	vld.idx.msk [tilespmem:v0+s28+$0x200], $0xffff;
	_ =	sdelay $0x4  }
0x1be: {  	v32 =	vshll.u32 v32, $0x2  }
0x1bf: {  	[tilespmem:$0x0] =	vst v32  }
0x1c0: {  	v32 =	vld.idx.msk [tilespmem:v1+s28+$0x200], $0xffff;
	_ =	sdelay $0x4  }
0x1c1: {  	v32 =	vshll.u32 v32, $0x2  }
0x1c2: {  	[tilespmem:$0x10] =	vst v32  }
0x1c3: {  	v32 =	vld.idx.msk [tilespmem:v2+s28+$0x200], $0xffff;
	_ =	sdelay $0x4  }
0x1c4: {  	v32 =	vshll.u32 v32, $0x2  }
0x1c5: {  	[tilespmem:$0x20] =	vst v32  }
0x1c6: {  	v32 =	vld.idx.msk [tilespmem:v3+s28+$0x200], $0xffff;
	_ =	sdelay $0x4  }
0x1c7: {  	v32 =	vshll.u32 v32, $0x2  }
0x1c8: {  	[tilespmem:$0x30] =	vst v32  }
0x1c9: {  	v32 =	vld.idx.msk [tilespmem:v4+s28+$0x200], $0xffff;
	_ =	sdelay $0x4  }
0x1ca: {  	v32 =	vshll.u32 v32, $0x2  }
0x1cb: {  	[tilespmem:$0x40] =	vst v32  }
0x1cc: {  	v32 =	vld.idx.msk [tilespmem:v5+s28+$0x200], $0xffff;
	_ =	sdelay $0x4  }
0x1cd: {  	v32 =	vshll.u32 v32, $0x2  }
0x1ce: {  	[tilespmem:$0x50] =	vst v32  }
0x1cf: {  	v32 =	vld.idx.msk [tilespmem:v6+s28+$0x200], $0xffff;
	_ =	sdelay $0x4  }
0x1d0: {  	v32 =	vshll.u32 v32, $0x2  }
0x1d1: {  	[tilespmem:$0x60] =	vst v32  }
0x1d2: {  	v32 =	vld.idx.msk [tilespmem:v7+s28+$0x200], $0xffff;
	_ =	sdelay $0x4  }
0x1d3: {  	v32 =	vshll.u32 v32, $0x2  }
0x1d4: {  	[tilespmem:$0x70] =	vst v32  }
0x1d5: {  	v32 =	vld.idx.msk [tilespmem:v8+s28+$0x200], $0xffff;
	_ =	sdelay $0x4  }
0x1d6: {  	v32 =	vshll.u32 v32, $0x2  }
0x1d7: {  	[tilespmem:$0x80] =	vst v32  }
0x1d8: {  	v32 =	vld.idx.msk [tilespmem:v9+s28+$0x200], $0xffff;
	_ =	sdelay $0x4  }
0x1d9: {  	v32 =	vshll.u32 v32, $0x2  }
0x1da: {  	[tilespmem:$0x90] =	vst v32  }
0x1db: {  	v32 =	vld.idx.msk [tilespmem:v10+s28+$0x200], $0xffff;
	_ =	sdelay $0x4  }
0x1dc: {  	v32 =	vshll.u32 v32, $0x2  }
0x1dd: {  	[tilespmem:$0xA0] =	vst v32  }
0x1de: {  	v32 =	vld.idx.msk [tilespmem:v11+s28+$0x200], $0xffff;
	_ =	sdelay $0x4  }
0x1df: {  	v32 =	vshll.u32 v32, $0x2  }
0x1e0: {  	[tilespmem:$0xB0] =	vst v32  }
0x1e1: {  	v32 =	vld.idx.msk [tilespmem:v12+s28+$0x200], $0xffff;
	_ =	sdelay $0x4  }
0x1e2: {  	v32 =	vshll.u32 v32, $0x2  }
0x1e3: {  	[tilespmem:$0xC0] =	vst v32  }
0x1e4: {  	v32 =	vld.idx.msk [tilespmem:v13+s28+$0x200], $0xffff;
	_ =	sdelay $0x4  }
0x1e5: {  	v32 =	vshll.u32 v32, $0x2  }
0x1e6: {  	[tilespmem:$0xD0] =	vst v32  }
0x1e7: {  	v32 =	vld.idx.msk [tilespmem:v14+s28+$0x200], $0xffff;
	_ =	sdelay $0x4  }
0x1e8: {  	v32 =	vshll.u32 v32, $0x2  }
0x1e9: {  	[tilespmem:$0xE0] =	vst v32  }
0x1ea: {  	v32 =	vld.idx.msk [tilespmem:v15+s28+$0x200], $0xffff;
	_ =	sdelay $0x4  }
0x1eb: {  	v32 =	vshll.u32 v32, $0x2  }
0x1ec: {  	[tilespmem:$0xF0] =	vst v32  }
0x1ed: {  	v32 =	vld.idx.msk [tilespmem:v16+s28+$0x200], $0xffff;
	_ =	sdelay $0x4  }
0x1ee: {  	v32 =	vshll.u32 v32, $0x2  }
0x1ef: {  	[tilespmem:$0x100] =	vst v32  }
0x1f0: {  	v32 =	vld.idx.msk [tilespmem:v17+s28+$0x200], $0xffff;
	_ =	sdelay $0x4  }
0x1f1: {  	v32 =	vshll.u32 v32, $0x2  }
0x1f2: {  	[tilespmem:$0x110] =	vst v32  }
0x1f3: {  	v32 =	vld.idx.msk [tilespmem:v18+s28+$0x200], $0xffff;
	_ =	sdelay $0x4  }
0x1f4: {  	v32 =	vshll.u32 v32, $0x2  }
0x1f5: {  	[tilespmem:$0x120] =	vst v32  }
0x1f6: {  	v32 =	vld.idx.msk [tilespmem:v19+s28+$0x200], $0xffff;
	_ =	sdelay $0x4  }
0x1f7: {  	v32 =	vshll.u32 v32, $0x2  }
0x1f8: {  	[tilespmem:$0x130] =	vst v32  }
0x1f9: {  	v32 =	vld.idx.msk [tilespmem:v20+s28+$0x200], $0xffff;
	_ =	sdelay $0x4  }
0x1fa: {  	v32 =	vshll.u32 v32, $0x2  }
0x1fb: {  	[tilespmem:$0x140] =	vst v32  }
0x1fc: {  	v32 =	vld.idx.msk [tilespmem:v21+s28+$0x200], $0xffff;
	_ =	sdelay $0x4  }
0x1fd: {  	v32 =	vshll.u32 v32, $0x2  }
0x1fe: {  	[tilespmem:$0x150] =	vst v32  }
0x1ff: {  	v32 =	vld.idx.msk [tilespmem:v22+s28+$0x200], $0xffff;
	_ =	sdelay $0x4  }
0x200: {  	v32 =	vshll.u32 v32, $0x2  }
0x201: {  	[tilespmem:$0x160] =	vst v32  }
0x202: {  	v32 =	vld.idx.msk [tilespmem:v23+s28+$0x200], $0xffff;
	_ =	sdelay $0x4  }
0x203: {  	v32 =	vshll.u32 v32, $0x2  }
0x204: {  	[tilespmem:$0x170] =	vst v32  }
0x205: {  	v32 =	vld.idx.msk [tilespmem:v24+s28+$0x200], $0xffff;
	_ =	sdelay $0x4  }
0x206: {  	v32 =	vshll.u32 v32, $0x2  }
0x207: {  	[tilespmem:$0x180] =	vst v32  }
0x208: {  	v32 =	vld.idx.msk [tilespmem:v25+s28+$0x200], $0xffff;
	_ =	sdelay $0x4  }
0x209: {  	v32 =	vshll.u32 v32, $0x2  }
0x20a: {  	[tilespmem:$0x190] =	vst v32  }
0x20b: {  	v32 =	vld.idx.msk [tilespmem:v26+s28+$0x200], $0xffff;
	_ =	sdelay $0x4  }
0x20c: {  	v32 =	vshll.u32 v32, $0x2  }
0x20d: {  	[tilespmem:$0x1A0] =	vst v32  }
0x20e: {  	v32 =	vld.idx.msk [tilespmem:v27+s28+$0x200], $0xffff;
	_ =	sdelay $0x4  }
0x20f: {  	v32 =	vshll.u32 v32, $0x2  }
0x210: {  	[tilespmem:$0x1B0] =	vst v32  }
0x211: {  	v32 =	vld.idx.msk [tilespmem:v28+s28+$0x200], $0xffff;
	_ =	sdelay $0x4  }
0x212: {  	v32 =	vshll.u32 v32, $0x2  }
0x213: {  	[tilespmem:$0x1C0] =	vst v32  }
0x214: {  	v32 =	vld.idx.msk [tilespmem:v29+s28+$0x200], $0xffff;
	_ =	sdelay $0x4  }
0x215: {  	v32 =	vshll.u32 v32, $0x2  }
0x216: {  	[tilespmem:$0x1D0] =	vst v32  }
0x217: {  	v32 =	vld.idx.msk [tilespmem:v30+s28+$0x200], $0xffff;
	_ =	sdelay $0x4  }
0x218: {  	v32 =	vshll.u32 v32, $0x2  }
0x219: {  	[tilespmem:$0x1E0] =	vst v32  }
0x21a: {  	v32 =	vld.idx.msk [tilespmem:v31+s28+$0x200], $0xffff;
	_ =	sdelay $0x2  }
0x21b: {  	s29 =	sadd.s32 s16, s15  }
0x21c: {  	s0 =	sand.u32 $0x1, s29  }
0x21d: {  	s31 =	sshll.u32 s0, $0xE;
	v32 =	vshll.u32 v32, $0x2  }
0x21e: {  	s16 =	sor.u32 $0x600, s31;
	s30 =	rddreg [dreg:$0x3];
	[tilespmem:$0x1F0] =	vst v32  }
0x21f: {  	[tilespmem:s16], [sflag:$0x5] =	stream.indirect.gather [hbm4b:s30+s7], $0x20, s2, s7, $0x2000b8;
	[tilespmem:$0x8600] =	vst v63  }
0x220: {  	_ =	swait.ge [sflag:s9], $0x4000  }
0x221: {  	[sflag:s9] =	ssyncset.done $0x0  }
0x222: {  	p1 =	seq.s32 s13, $0x1;
	[sflag:s9] =	ssyncadd.s32 $0xFFFFC000  }
0x223: {  	s12 =	sadd.s32 s4, s12;
	p0 =	por p1, p0;
	_ =	strace $0x9000004E  }
0x224: {  	s14 =	sadd.s32 s22, s14;
	s12 =	sshll.u32 @p0 s12, $0xB;
	_ =	strace @p0 $0x8000004F  }
0x225: {  	p1 =	seq.s32 s13, $0x32;
	s12 =	sand.u32 @p0 $0x1FFFF800, s12;
	s15 =	rddreg [dreg:$0x4]  }
0x226: {  	s13 =	simm.s32 @p0 $0x0;
	s0 =	sadd.s32 @p0 $0x3, s0;
	s12 =	sadd.s32 @p0 s15, s12  }
0x227: {  	[hbm4b:s12+s13] =	stream.linear.scatter @p0 [tilespmem:s16], [sflag:s0], $0x4000, $0x200038;
	[tilespmem:$0x8600] =	vst v63  }
0x228: {  	s0 =	sand.u32 @!p1 $0x1, s14;
	_ =	strace @p0 $0x9000004F  }
0x229: {  	s0 =	sadd.s32 @!p1 $0x3, s0;
	_ =	strace @!p1 $0x80000050  }
0x22a: {  	_ =	swait.ge @!p1 [sflag:s0], $0x4000  }
0x22b: {  	[sflag:s0] =	ssyncset.done @!p1 $0x0  }
0x22c: {  	s11 =	sadd.s32 $0x1, s11;
	[sflag:s0] =	ssyncadd.s32 @!p1 $0xFFFFC000  }
0x22d: {  	p0 =	sne.s32 s11, s6;
	_ =	strace @!p1 $0x90000050  }
.Ltmp1:
0x22e: {  	_ =	strace $0x80000051;
	(pc) =	sbr.rel @p0 .LBB2_1-.Ltmp1, $4  }
0x22f: {  	_ =	swait.ge [sflag:s10], $0x4000  }
0x230: {  	[sflag:s10] =	ssyncset.done $0x0  }
0x231: {  	[sflag:s10] =	ssyncadd.s32 $0xFFFFC000  }
0x232: {  	_ =	strace $0x90000051  }
0x233: {  	_ =	sfence.sel $0x180000  }
0x234: {  	[bflag:$0x0] =	sbarrier.arrive $0xFFFF  }
0x235: {  	_ =	strace $0x9000004A  }
0x236: {  	[bflag:$0x2] =	sbarrier.arrive $0xFFFF  }
0x237: {  	p0 =	sne.s32 s3, $0x0;
	s0 =	rddreg [dreg:$0x2]  }
0x238: {  	s0 =	sadd.s32 @!p0 $0x100000, s0  }
0x239: {  	[sflag:s0] =	ssyncadd.tile.s32 @!p0 $0x1;
	_ =	shalt  }
.Lfunc_end2:
_tile_overlayer_lowered:
.L_overlay_start_2:
0x23a: {  	(tag) =	ssettag $0x2  }
0x23b: {  	s0 =	rddreg [dreg:$0x0];
	s2 =	stileid.u32  }
0x23c: {  	s1 =	rddreg [dreg:$0x1];
	p0 =	sne.s32 s2, $0x0  }
0x23d: {  	s3 =	rddreg [dreg:$0x2];
	[bflag:$0x3] =	sbarrier.arrive $0xFFFF;
	s2 =	simm.s32 @!p0 $0x1C01  }
0x23e: {  	[timem:s3], [sflag:s2] =	dma.local @!p0 [hbm:s0], s1  }
0x23f: {  	s0 =	simm.s32 @!p0 $0x1  }
0x240: {  	_ =	swait.ge @!p0 [sflag:s0], s1  }
0x241: {  	s1 =	ssub.s32 @!p0 $0x0, s1;
	[sflag:s0] =	ssyncset.done @!p0 $0x0  }
0x242: {  	[sflag:s0] =	ssyncadd.s32 @!p0 s1  }
0x243: {  	[bflag:$0x3] =	sbarrier.arrive $0xFFFF  }
0x244: {  	_ =	shalt  }

// kernel: sparse-core-data-format-call.cloned.1.call-start
scs
called_computation_lowered:
.L_overlay_start_0:
0x0: {  	s2 =	sld [smem:$0x3FD9]  }
0x1: {  	s3 =	sld [smem:$0x3FFE];
	_ =	sdelay $0x1  }
0x2: {  	s1 =	srdreg.scid  }
0x3: {  	s0 =	sand.u32 $0x1, s1  }
0x4: {  	s18 =	sshll.u32 s0, $0xA;
	s2 =	sadd.s32 s3, s2  }
0x5: {  	s2 =	sadd.s32 s2, s18  }
0x6: {  	[smem:$0x3FC6] =	sst s2  }
0x7: {  	_ = 	snop  }
0x8: {  	s2 =	sld [smem:$0x3FC8];
	(tm) =	ssettm $0x1  }
0x9: {  	s19 =	sld [smem:$0x3FFB];
	_ =	sdelay $0x3  }
0xa: {  	_ =	strace s19  }
0xb: {  	s3 =	sld [smem:$0x3FFC];
	_ =	sdelay $0x3  }
0xc: {  	_ =	strace s3  }
0xd: {  	s3 =	sld [smem:$0x3FFD];
	_ =	sdelay $0x3  }
0xe: {  	_ =	strace s3  }
0xf: {  	_ =	strace $0x8FFFFFFF  }
0x10: {  	s20 =	sld [smem:$0x3FDB];
	_ =	sdelay $0x1  }
0x11: {  	s4 =	simm.s32 $_scs_section_size  }
0x12: {  	s5 =	simm.s32 $_size__tile_overlayer_lowered;
	s6 =	simm.s32 $_tile_overlayer_lowered  }
0x13: {  	s23 =	simm.s32 $0x1BFF;
	s22 =	sshll.u32 s6, $0x1;
	s3 =	sadd.s32 s4, s20  }
0x14: {  	s7 =	simm.s32 $0x0;
	s21 =	sshll.u32 s5, $0x1;
	s5 =	sadd.s32 s22, s3  }
0x15: {  	[timem:s7], [sflag:s23] =	dma.local [hbm:s5], s21  }
0x16: {  	_ =	swait.ge [sflag:s23], s21  }
0x17: {  	s4 =	ssub.s32 $0x0, s21;
	[sflag:s23] =	ssyncset.done $0x0  }
0x18: {  	[sflag:s23] =	ssyncadd.s32 s4;
	_ =	sdelay $0x1  }
0x19: {  	s24 =	simm.s32 $0x1B8B  }
0x1a: {  	_ =	swait.ge [sflag:s24], $0x1  }
0x1b: {  	[sflag:s24] =	ssyncset.done $0x0  }
0x1c: {  	s26 =	simm.s32 $0x1B8E;
	s25 =	sld [smem:$0x3FFE];
	[sflag:s24] =	ssyncadd.s32 $0xFFFFFFFF  }
0x1d: {  	s27 =	simm.s32 $execute0_lowered;
	[smem:$0x3FD2] =	sst s26  }
0x1e: {  	s5 =	sshll.u32 s27, $0x1;
	_ =	strace $0x80000046;
	[dreg:$0x1] =	wrdreg $0xFFFFFFFF  }
0x1f: {  	s28 =	simm.s32 $_size_execute0_lowered;
	s3 =	sadd.s32 s3, s5;
	[dreg:$0x0] =	wrdreg $0x0  }
0x20: {  	s5 =	sshll.u32 s28, $0x1;
	[dreg:$0x2] =	wrdreg s3  }
0x21: {  	[dreg:$0x3] =	wrdreg s5  }
0x22: {  	[dreg:$0x4] =	wrdreg $0xC0  }
0x23: {  	_ =	task [dreg:s7], $0x5FFFF  }
0x24: {  	[dreg:$0x1] =	wrdreg $0xFFFFFFFF  }
0x25: {  	[dreg:$0x0] =	wrdreg $0x60  }
0x26: {  	[dreg:$0x2] =	wrdreg s2  }
0x27: {  	[dreg:$0x3] =	wrdreg s25  }
0x28: {  	[dreg:$0x4] =	wrdreg $0x9  }
0x29: {  	_ =	task.clear_ibuf [dreg:s7], $0x5FFFF;
	_ =	strace $0x90000046  }
0x2a: {  	s29 =	simm.s32 $0x9;
	_ =	strace $0x80000048  }
0x2b: {  	_ =	swait.ge [sflag:s29], $0x1  }
0x2c: {  	[sflag:s29] =	ssyncadd.s32 $0xFFFFFFFF  }
0x2d: {  	_ =	strace $0x90000048  }
0x2e: {  	_ =	sfence  }
0x2f: {  	s30 =	sld [smem:$0x0];
	_ =	sdelay $0x2  }
0x30: {  	s31 =	sshll.u32 s1, $0xD;
	s1 =	sshrl.u32 s1, $0x2  }
0x31: {  	s3 =	sand.u32 $0x4000, s31;
	s1 =	sadd.s32 s1, s30  }
0x32: {  	s0 =	sor.u32 s3, s0;
	s1 =	sshll.u32 s1, $0x11  }
0x33: {  	s0 =	sor.u32 s1, s0  }
0x34: {  	s0 =	sadd.s32 $0x8F2B, s0  }
0x35: {  	[sflag:s0] =	ssyncadd.remote.s32 $0x1  }
0x36: {  	_ =	sfence.sel $0xFFFF  }
0x37: {  	[dreg:$0x0] =	wrdreg $0xFFFFFFFF;
	(pc) =	sbr.abs _section_cstart, $3  }
0x38: {  	[dreg:$0x1] =	wrdreg $0xFFFFFFFF  }
0x39: {  	_ =	task.clear_ibuf [dreg:s7], $0x2FFFF;
	_ =	strace $0x9FFFFFFF  }
0x3a: {  	(tm) =	ssettm $0x7FFFFFFF  }
0x3b: {  	_ =	shalt  }
tec
execute0_lowered:
.L_overlay_start_1:
0x0: {  	(tag) =	ssettag $0x1  }
0x1: {  	s0 =	srdreg.scid;
	s2 =	rddreg [dreg:$0x0]  }
0x2: {  	s5 =	rddreg [dreg:$0x1];
	s1 =	stileid.u32  }
0x3: {  	s4 =	simm.s32 $0x1;
	s6 =	simm.s32 $0x2;
	s15 =	simm.s32 $0x0  }
0x4: {  	p0 =	por $0x0, $0x0;
	s8 =	simm.s32 $0x80;
	s0 =	sshll.u32 s0, $0x4  }
0x5: {  	s14 =	simm.s32 $0x0;
	s9 =	simm.s32 $0x0;
	s3 =	sand.u32 $0x10, s0  }
.Ltmp0:
0x6: {  	s10 =	simm.s32 $0x0;
	s3 =	sor.u32 s1, s3;
	(pc) =	sbr.rel .LBB1_1-.Ltmp0, $4  }
0x7: {  	s0 =	rddreg [dreg:$0x2];
	_ =	strace $0x80000047;
	s3 =	sshll.u32 s3, $0x7  }
0x8: {  	s12 =	simm.s32 $0x0;
	[sflag:s4] =	ssyncpa.u1 $0x0;
	s7 =	ssub.s32 $0xF4200, s3  }
0x9: {  	s13 =	simm.s32 $0x0;
	[sflag:s6] =	ssyncpa.u1 $0x0;
	s6 =	sshrl.u32 s7, $0xC  }
0xa: {  	s5 =	sadd.s32 $0xC00, s5;
	s11 =	smov.u32 s3;
	s7 =	sadd.s32 $0x2, s6  }
.LBB1_5:
0xb: {  	p1 =	slt.u32 s13, $0x2  }
0xc: {  	s17 =	smov.u32 s15;
	p2 =	sgt.s32 @!p1 s15, $0xF41C0;
	s16 =	sshra.s32 @!p1 s15, $0x1F  }
0xd: {  	p3 =	sgt.s32 @!p1 s14, $0x60;
	s18 =	sshra.s32 @!p1 s14, $0x1F;
	p2 =	por !p2, p1  }
0xe: {  	s15 =	sand.u32 @!p1 s16, s15;
	p3 =	por !p3, p1;
	s16 =	smov.u32 s14  }
0xf: {  	s14 =	sand.u32 @!p1 s18, s14;
	s17 =	simm.s32 @p2 $0xF41C0;
	s16 =	simm.s32 @p3 $0x60  }
0x10: {  	s15 =	ssub.s32 @!p1 s17, s15;
	s14 =	ssub.s32 @!p1 s16, s14  }
0x11: {  	s18 =	smov.u32 s12;
	s16 =	sadd.s32 @!p1 $0xFFF0BE40, s15;
	s17 =	sadd.s32 @!p1 $0xFFFFFFA0, s14  }
0x12: {  	s15 =	ssub.s32 @!p1 $0xF4240, s15;
	p2 =	sgt.s32 @!p1 s16, $0x7F;
	p3 =	sgt.s32 @!p1 s17, $0x1F  }
0x13: {  	s14 =	ssub.s32 @!p1 $0x80, s14;
	p2 =	por !p2, p1;
	p3 =	por !p3, p1  }
0x14: {  	s16 =	sadd.s32 $0x1000, s11;
	s15 =	simm.s32 @!p2 $0x0;
	s14 =	simm.s32 @!p3 $0x0  }
0x15: {  	p2 =	sgt.s32 s16, $0xF423F;
	s14 =	smul.u32 @!p1 s14, s15;
	s15 =	sadd.s32 $0x20, s12  }
0x16: {  	s18 =	smov.u32 @p2 s15  }
0x17: {  	s16 =	smov.u32 @p2 s3;
	p2 =	sgt.s32 s18, $0x1F  }
0x18: {  	s18 =	simm.s32 @p2 $0x0;
	p2 =	sne.s32 s13, s7  }
.Ltmp1:
0x19: {  	p0 =	por !p0, !p0;
	s17 =	simm.s32 @!p1 $0x2;
	(pc) =	sbr.rel @!p2 .LBB1_6-.Ltmp1, $4  }
0x1a: {  	s15 =	smov.u32 s9;
	s9 =	smov.u32 s11;
	s14 =	sand.u32 @!p1 $0x3FFFFFFF, s14  }
0x1b: {  	s11 =	smov.u32 s16;
	_ =	swait.ge @!p1 [sflag:s17], s14;
	s19 =	ssub.s32 @!p1 $0x0, s14  }
0x1c: {  	s14 =	smov.u32 s10;
	s13 =	sadd.s32 $0x1, s13;
	[sflag:s17] =	ssyncset.done @!p1 $0x0  }
0x1d: {  	s10 =	smov.u32 s12;
	s12 =	smov.u32 s18;
	[sflag:s17] =	ssyncadd.s32 @!p1 s19  }
.LBB1_1:
0x1e: {  	p1 =	sgt.u32 s13, s6  }
0x1f: {  	s16 =	sshrl.u32 @!p1 s12, $0x3  }
0x20: {  	s17 =	sshll.u32 @!p1 s11, $0x3;
	s16 =	smul.u32 @!p1 $0x7A1400, s16  }
0x21: {  	s18 =	sshll.u32 @!p1 s12, $0x7;
	s17 =	sand.u32 @!p1 $0xFFFFFC00, s17  }
0x22: {  	s16 =	sadd.s32 @!p1 s16, s17;
	s17 =	sand.u32 @!p1 $0x380, s18  }
0x23: {  	s18 =	sand.u32 @!p1 $0x7F, s11;
	s16 =	sor.u32 @!p1 s17, s16  }
0x24: {  	s17 =	sor.u32 @!p1 s18, s16  }
0x25: {  	s18 =	smulhi.u32 @!p1 $0x218D6287, s17;
	_ =	sdelay $0x1  }
0x26: {  	s16 =	smulhi.u32 @!p1 $0x218D6287, s16;
	s18 =	sshrl.u32 @!p1 s18, $0x11  }
0x27: {  	s18 =	smul.u32 @!p1 $0xF4280, s18  }
0x28: {  	s19 =	sxor.u32 @!p1 $0xFFFFFFFF, s13;
	s16 =	sshrl.u32 @!p1 s16, $0x11  }
0x29: {  	s19 =	sshll.u32 @!p1 s19, $0xC;
	s16 =	sand.u32 @!p1 $0x1F, s16;
	s17 =	ssub.s32 @!p1 s17, s18  }
0x2a: {  	s16 =	smul.u32 @!p1 $0x1E850, s16;
	s18 =	sshrl.u32 @!p1 s17, $0x3;
	s17 =	sand.u32 @!p1 $0x7, s17  }
0x2b: {  	s19 =	sand.u32 @!p1 $0x1000, s19;
	s18 =	sadd.s32 @!p1 s2, s18;
	s17 =	sshll.u32 @!p1 s17, $0x12  }
0x2c: {  	s16 =	sadd.s32 @!p1 s16, s18;
	s17 =	sor.u32 @!p1 $0x400, s17;
	s18 =	simm.s32 @!p1 $0x7A1400  }
0x2d: {  	[tilespmem:s19], [sflag:$0x1] =	stream.strided.gather @!p1 [hbm4b:s16+s17], $0x1000, s18, s17, $0x38;
	[tilespmem:$0x4100] =	vst v63  }
0x2e: {  	p1 =	seq.s32 s13, $0x0  }
0x2f: {  	p2 =	sge.u32 @!p1 s13, s7  }
0x30: {  	p1 =	por p1, p2  }
.Ltmp2:
0x31: {  	_ = 	snop;
	(pc) =	sbr.rel @p1 .LBB1_5-.Ltmp2, $1  }
0x32: {  	_ =	sdelay $0x3  }
0x33: {  	s16 =	simm.s32 $0x1  }
0x34: {  	_ =	swait.ge [sflag:s4], $0x1000;
	s16 =	simm.s32 @!p0 $0x0  }
0x35: {  	[sflag:s4] =	ssyncset.done $0x0;
	s17 =	sshll.u32 s16, $0xC  }
0x36: {  	[sflag:s4] =	ssyncadd.s32 $0xFFFFF000;
	s17 =	sor.u32 $0x40, s17  }
0x37: {  	s16 =	smul.u32 $0x4200, s16;
	v0 =	vld [tilespmem:s17+$0x30]  }
0x38: {  	v1 =	vld [tilespmem:s17+$0xFFFFFFD0]  }
0x39: {  	s16 =	sshrl.u32 s16, $0x2;
	v5 =	vld [tilespmem:s17+$0xFFFFFFE0]  }
0x3a: {  	v6 =	vld [tilespmem:s17+$0xFFFFFFF0];
	s19 =	sor.u32 $0x2000, s16  }
0x3b: {  	s31 =	sand.u32 $0x1, s13;
	v4 =	vld [tilespmem:s17+$0x0];
	s18 =	sadd.s32 $0x0, s19  }
0x3c: {  	v3 =	vld [tilespmem:s17+$0x10];
	s16 =	smul.u32 $0x4200, s31;
	[tilespmem:s18+$0xE70 ss:$0x21] =	vst.msk $0xffff, v0  }
0x3d: {  	v2 =	vld [tilespmem:s17+$0x20];
	[tilespmem:s18+$0x210 ss:$0x21] =	vst.msk $0xffff, v1  }
0x3e: {  	s16 =	sshrl.u32 s16, $0x2;
	v1 =	vld [tilespmem:s17+$0xFFFFFFC0];
	[tilespmem:s18+$0x420 ss:$0x21] =	vst.msk $0xffff, v5;
	s17 =	sadd.s32 $0x80, s17  }
0x3f: {  	s20 =	simm.s32 $0x4;
	s21 =	simm.s32 $0x8;
	s16 =	sor.u32 $0x2000, s16;
	[tilespmem:s18+$0x630 ss:$0x21] =	vst.msk $0xffff, v6;
	v0 =	vld [tilespmem:s17+$0x30]  }
.LBB1_3:
0x40: {  	p1 =	sne.s32 s21, $0x7C;
	v5 =	vld [tilespmem:s17+$0xFFFFFFD0];
	[tilespmem:s18+$0x840 ss:$0x21] =	vst.msk $0xffff, v4  }
0x41: {  	v6 =	vld [tilespmem:s17+$0xFFFFFFE0];
	[tilespmem:s18+$0xA50 ss:$0x21] =	vst.msk $0xffff, v3  }
0x42: {  	s22 =	sshra.s32 s20, $0x2;
	s20 =	smov.u32 s21;
	v7 =	vld [tilespmem:s17+$0xFFFFFFF0];
	[tilespmem:s18+$0xC60 ss:$0x21] =	vst.msk $0xffff, v2  }
.Ltmp3:
0x43: {  	v4 =	vld [tilespmem:s17+$0x0];
	[tilespmem:s18+$0x0 ss:$0x21] =	vst.msk $0xffff, v1;
	s18 =	sadd.s32 s22, s19;
	(pc) =	sbr.rel @p1 .LBB1_3-.Ltmp3, $4  }
0x44: {  	v3 =	vld [tilespmem:s17+$0x10];
	[tilespmem:s18+$0xE70 ss:$0x21] =	vst.msk $0xffff, v0  }
0x45: {  	[tilespmem:s18+$0x210 ss:$0x21] =	vst.msk $0xffff, v5;
	v2 =	vld [tilespmem:s17+$0x20]  }
0x46: {  	v1 =	vld [tilespmem:s17+$0xFFFFFFC0];
	[tilespmem:s18+$0x420 ss:$0x21] =	vst.msk $0xffff, v6;
	s17 =	sadd.s32 $0x80, s17  }
0x47: {  	s21 =	sadd.s32 $0x4, s21;
	v0 =	vld [tilespmem:s17+$0x30];
	[tilespmem:s18+$0x630 ss:$0x21] =	vst.msk $0xffff, v7  }
0x48: {  	s21 =	sshll.u32 s9, $0x7;
	s22 =	sshll.u32 s10, $0x3;
	s20 =	sshra.s32 s20, $0x2  }
0x49: {  	p1 =	sgt.s32 s9, $0xF41C0;
	s30 =	sshra.s32 s9, $0x1F;
	s25 =	sshra.s32 s10, $0x1F  }
0x4a: {  	v5 =	vld [tilespmem:s17+$0xFFFFFFD0];
	s28 =	sshrl.u32 s10, $0x3;
	s23 =	sand.u32 $0xFFFFFC00, s21;
	s22 =	sand.u32 $0xFFFFFC00, s22  }
0x4b: {  	[tilespmem:s18+$0x840 ss:$0x21] =	vst.msk $0xffff, v4;
	v58 =	vld [tilespmem:s17+$0xFFFFFFE0];
	s21 =	sand.u32 $0x380, s21;
	s19 =	sadd.s32 s20, s19;
	s22 =	sadd.s32 s22, s23  }
0x4c: {  	v59 =	vld [tilespmem:s17+$0xFFFFFFF0];
	[tilespmem:s18+$0xA50 ss:$0x21] =	vst.msk $0xffff, v3;
	s29 =	sor.u32 s21, s22;
	s21 =	smov.u32 s9;
	s22 =	sand.u32 s30, s9  }
0x4d: {  	v60 =	vld [tilespmem:s17+$0x0];
	[tilespmem:s18+$0xC60 ss:$0x21] =	vst.msk $0xffff, v2;
	s30 =	sand.u32 $0x7, s10;
	s20 =	sshrl.u32 s29, $0x7;
	s21 =	simm.s32 @!p1 $0xF41C0  }
0x4e: {  	v61 =	vld [tilespmem:s17+$0x10];
	[tilespmem:s18+$0x0 ss:$0x21] =	vst.msk $0xffff, v1;
	p1 =	sgt.s32 s10, $0x60;
	s24 =	ssub.s32 s21, s22;
	s21 =	smov.u32 s10  }
0x4f: {  	v62 =	vld [tilespmem:s17+$0x20];
	[tilespmem:s19+$0xE70 ss:$0x21] =	vst.msk $0xffff, v0;
	s31 =	smulhi.u32 $0x218DEF5, s20;
	s22 =	sand.u32 s25, s10;
	s21 =	simm.s32 @!p1 $0x60  }
0x50: {  	v63 =	vld [tilespmem:s17+$0xFFFFFFC0];
	[tilespmem:s19+$0x210 ss:$0x21] =	vst.msk $0xffff, v5;
	s26 =	sadd.s32 $0xFFF0BE40, s24;
	s17 =	ssub.s32 $0xF4240, s24;
	s21 =	ssub.s32 s21, s22  }
0x51: {  	[tilespmem:s19+$0x420 ss:$0x21] =	vst.msk $0xffff, v58;
	s23 =	sshrl.u32 s31, $0xD;
	p1 =	sgt.s32 s26, $0x7F;
	s27 =	sadd.s32 $0xFFFFFFA0, s21  }
0x52: {  	[tilespmem:s19+$0x630 ss:$0x21] =	vst.msk $0xffff, v59;
	s23 =	smul.u32 $0xF4240, s23;
	s18 =	ssub.s32 $0x80, s21;
	p2 =	sgt.s32 s27, $0x1F  }
.Ltmp4:
0x53: {  	[tilespmem:s19+$0x840 ss:$0x21] =	vst.msk $0xffff, v60;
	s17 =	simm.s32 @p1 $0x0;
	s18 =	simm.s32 @p2 $0x0;
	(pc) =	sbr.rel .LBB1_5-.Ltmp4, $4  }
0x54: {  	s29 =	sand.u32 $0xF, s28;
	[tilespmem:s19+$0xA50 ss:$0x21] =	vst.msk $0xffff, v61;
	s20 =	ssub.s32 s20, s23;
	s17 =	smul.u32 s18, s17  }
0x55: {  	[tilespmem:s19+$0xC60 ss:$0x21] =	vst.msk $0xffff, v62;
	s21 =	sshll.u32 s30, $0x12;
	s20 =	sshll.u32 s20, $0x4;
	s18 =	sadd.s32 s5, s29  }
0x56: {  	[tilespmem:s19+$0x0 ss:$0x21] =	vst.msk $0xffff, v63;
	s31 =	sor.u32 $0x20, s21;
	s18 =	sadd.s32 s20, s18;
	s17 =	sand.u32 $0x3FFFFFFF, s17  }
0x57: {  	[hbm4b:s18+s31] =	stream.strided.scatter [tilespmem:s16], [sflag:$0x2], s17, s8, s31, $0x10;
	[tilespmem:$0x4100] =	vst v63  }
.LBB1_6:
0x58: {  	_ =	sfence.sel $0x180000  }
0x59: {  	s2 =	simm.s32 $0x1;
	[bflag:$0x0] =	sbarrier.arrive $0xFFFF  }
0x5a: {  	s31 =	simm.s32 $0x2;
	[sflag:s2] =	ssyncpa.u1 $0x1  }
0x5b: {  	[sflag:s31] =	ssyncpa.u1 $0x1  }
0x5c: {  	p0 =	sne.s32 s1, $0x0;
	_ =	strace $0x90000047  }
0x5d: {  	s0 =	sadd.s32 @!p0 $0x100000, s0;
	[bflag:$0x2] =	sbarrier.arrive $0xFFFF  }
0x5e: {  	[sflag:s0] =	ssyncadd.tile.s32 @!p0 $0x1;
	_ =	shalt  }
.Lfunc_end1:
_tile_overlayer_lowered:
.L_overlay_start_2:
0x5f: {  	(tag) =	ssettag $0x2  }
0x60: {  	s0 =	rddreg [dreg:$0x0];
	s2 =	stileid.u32  }
0x61: {  	s1 =	rddreg [dreg:$0x1];
	p0 =	sne.s32 s2, $0x0  }
0x62: {  	s3 =	rddreg [dreg:$0x2];
	[bflag:$0x3] =	sbarrier.arrive $0xFFFF;
	s2 =	simm.s32 @!p0 $0x1C01  }
0x63: {  	[timem:s3], [sflag:s2] =	dma.local @!p0 [hbm:s0], s1  }
0x64: {  	s0 =	simm.s32 @!p0 $0x1  }
0x65: {  	_ =	swait.ge @!p0 [sflag:s0], s1  }
0x66: {  	s1 =	ssub.s32 @!p0 $0x0, s1;
	[sflag:s0] =	ssyncset.done @!p0 $0x0  }
0x67: {  	[sflag:s0] =	ssyncadd.s32 @!p0 s1  }
0x68: {  	[bflag:$0x3] =	sbarrier.arrive $0xFFFF  }
0x69: {  	_ =	shalt  }

</sc_bundles>
